<compile_context>
chip_gen: v7x
topology: tpu7x:2x2x1
jax: 0.10.2.dev20260603
libtpu: 0.0.44.dev20260713+nightly
codegen_flags: <defaults>
</compile_context>

<pallas_src>
import functools

import jax
import jax.numpy as jnp
from jax import lax
from jax.experimental import pallas as pl
from jax.experimental.pallas import tpu as pltpu
from jax.experimental.pallas import tpu_sc as plsc

B = 64
F = 16384
C = 16
CARD = 4
OUT_F = F // CARD

NUM_CORES = 2
NUM_SUBCORES = 16
NW = NUM_CORES * NUM_SUBCORES
IN_WORDS = B * F * C
OUT_WORDS = B * OUT_F * C
IN_PER_W = IN_WORDS // NW
OUT_PER_W = OUT_WORDS // NW

CH_IN_W = 32768
CH_OUT_W = CH_IN_W // CARD
NGROUP = CH_OUT_W // 16
NCHUNK = IN_PER_W // CH_IN_W


def _make_sc_kernel():
    mesh = plsc.VectorSubcoreMesh(
        core_axis_name="c", subcore_axis_name="s",
        num_cores=NUM_CORES, num_subcores=NUM_SUBCORES)

    @functools.partial(
        pl.kernel,
        out_type=jax.ShapeDtypeStruct((OUT_WORDS,), jnp.float32),
        mesh=mesh,
        compiler_params=pltpu.CompilerParams(
            use_tc_tiling_on_sc=False, needs_layout_passes=False),
        scratch_types=[
            pltpu.VMEM((CH_IN_W,), jnp.float32),
            pltpu.VMEM((CH_IN_W,), jnp.float32),
            pltpu.VMEM((CH_OUT_W,), jnp.float32),
            pltpu.VMEM((CH_OUT_W,), jnp.float32),
            pltpu.SemaphoreType.DMA,
            pltpu.SemaphoreType.DMA,
            pltpu.SemaphoreType.DMA,
            pltpu.SemaphoreType.DMA,
        ],
    )
    def sc_kernel(x_hbm, out_hbm, in0, in1, out0, out1,
                  sem_in0, sem_in1, sem_out0, sem_out1):
        wid = lax.axis_index("s") * NUM_CORES + lax.axis_index("c")
        in_base = wid * IN_PER_W
        out_base = wid * OUT_PER_W
        in_bufs = (in0, in1)
        out_bufs = (out0, out1)
        sem_ins = (sem_in0, sem_in1)
        sem_outs = (sem_out0, sem_out1)

        def start_in(c):
            b = c & 1
            return pltpu.async_copy(
                x_hbm.at[pl.ds(in_base + c * CH_IN_W, CH_IN_W)],
                in_bufs[b], sem_ins[b])

        def start_out(c):
            b = c & 1
            return pltpu.async_copy(
                out_bufs[b],
                out_hbm.at[pl.ds(out_base + c * CH_OUT_W, CH_OUT_W)],
                sem_outs[b])

        lanes4 = lax.iota(jnp.int32, 16) * 4

        def compute(c):
            b = c & 1
            iv = in_bufs[b]
            ov = out_bufs[b]

            def body(g, _):
                ot = g >> 6
                wi = g & 63
                base = (ot * 4096 + (wi & 1) * 64
                        + ((wi >> 1) & 3) * 1024 + (wi >> 3) * 128)
                i0 = lanes4 + base
                a = plsc.load_gather(iv, [i0])
                b_ = plsc.load_gather(iv, [i0 + 1])
                c_ = plsc.load_gather(iv, [i0 + 2])
                d_ = plsc.load_gather(iv, [i0 + 3])
                ov[pl.ds(g * 16, 16)] = (a + b_) + (c_ + d_)
                return 0

            lax.fori_loop(0, NGROUP, body, 0, unroll=4)

        in_h = [None] * NCHUNK
        out_h = [None] * NCHUNK
        in_h[0] = start_in(0)
        for c in range(NCHUNK):
            if c + 1 < NCHUNK:
                in_h[c + 1] = start_in(c + 1)
            in_h[c].wait()
            if c >= 2:
                out_h[c - 2].wait()
            compute(c)
            out_h[c] = start_out(c)
        out_h[NCHUNK - 2].wait()
        out_h[NCHUNK - 1].wait()

    return sc_kernel


_SC_KERNEL = _make_sc_kernel()


@jax.jit
def kernel(x):
    xf = (x.transpose(0, 2, 1)
          .reshape(B, 2, 8, F // 128, 128)
          .transpose(0, 1, 3, 2, 4)
          .reshape(IN_WORDS))
    of = _SC_KERNEL(xf)
    o5 = of.reshape(B, 2, OUT_F // 128, 8, 128).transpose(0, 1, 3, 2, 4)
    return o5.reshape(B, C, OUT_F).transpose(0, 2, 1)

# --- scband reference (transcript-rebuilt; emitter-appended) ---
"""Pipeline reference for scband-product-28492813041667 (READ-ONLY COPY).

The authoritative reference and input builder live on the scoring server;
editing this copy changes nothing except your own understanding.
"""

import jax, jax.numpy as jnp
import numpy as np

IN_FEATURES = 16384
CARDINALITY = 4


def _build_scopes(in_features, cardinality):
    pad = in_features % cardinality != 0
    out_features = int(np.ceil(in_features / cardinality))
    scopes = [[] for _ in range(cardinality)]
    for i in range(0, in_features, cardinality):
        for j in range(cardinality):
            if i + j < in_features:
                scopes[j].append(i + j)
            else:
                scopes[j].append(in_features)
    return np.array(scopes), pad, out_features


_SCOPES, _PAD, _OUT_FEATURES = _build_scopes(IN_FEATURES, CARDINALITY)


def setup_inputs(seed: int = 0) -> dict:
    key = jax.random.key(seed)
    x = jax.random.normal(key, (64, IN_FEATURES, 16), dtype=jnp.float32)
    return {"x": x}


def reference(x):
    # Faithful translation of Product.forward: optional pad, then
    # strided gathers (one per cardinality slot) accumulated into result.
    if _PAD:
        x = jnp.pad(x, ((0, 0), (0, 1), (0, 0)), mode="constant", constant_values=0.0)
    batch = x.shape[0]
    channels = x.shape[2]
    result = jnp.zeros((batch, _OUT_FEATURES, channels), dtype=x.dtype)
    for j in range(CARDINALITY):
        idx = jnp.asarray(_SCOPES[j, :], dtype=jnp.int32)
        result = result + jnp.take(x, idx, axis=1)
    return result

if __name__ == "__main__":
    import jax
    _d = setup_inputs()
    print(jax.jit(kernel)(*tuple(_d.values())))

</pallas_src>

<mosaic_0001>
#map = affine_map<(d0, d1) -> (0)>
module attributes {stable_mosaic.version = 14 : i64} {
  func.func @sc_kernel(%arg0: i32, %arg1: i32, %arg2: memref<16777216xf32, #tpu.memory_space<hbm>>, %arg3: memref<4194304xf32, #tpu.memory_space<hbm>>, %arg4: memref<32768xf32, #tpu.memory_space<vmem>>, %arg5: memref<32768xf32, #tpu.memory_space<vmem>>, %arg6: memref<8192xf32, #tpu.memory_space<vmem>>, %arg7: memref<8192xf32, #tpu.memory_space<vmem>>, %arg8: memref<!tpu.dma_semaphore, #tpu.memory_space<semaphore_mem>>, %arg9: memref<!tpu.dma_semaphore, #tpu.memory_space<semaphore_mem>>, %arg10: memref<!tpu.dma_semaphore, #tpu.memory_space<semaphore_mem>>, %arg11: memref<!tpu.dma_semaphore, #tpu.memory_space<semaphore_mem>>) attributes {dimension_semantics = [#tpu.dimension_semantics<core_parallel>, #tpu.dimension_semantics<subcore_parallel>], iteration_bounds = array<i64: 2, 16>, scalar_prefetch = 0 : i64, scratch_operands = 8 : i64, tpu.core_type = #tpu.core_type<sc_vector_subcore>, window_params = [{transform_indices = #map}, {transform_indices = #map}]} {
    %mul3A = arith.constant 2 : i32
    %mul3A_0 = arith.muli %arg1, %mul3A : i32
    %add3A = arith.addi %mul3A_0, %arg0 : i32
    %mul3A_1 = arith.constant 524288 : i32
    %mul3A_2 = arith.muli %add3A, %mul3A_1 : i32
    %mul3A_3 = arith.constant 131072 : i32
    %mul3A_4 = arith.muli %add3A, %mul3A_3 : i32
    %iota3A = tpu.iota {dimensions = array<i32: 0>} : vector<16xi32>
    %mul3A_5 = arith.constant 4 : i32
    %mul3A_6 = vector.broadcast %mul3A_5 : i32 to vector<16xi32>
    %mul3A_7 = arith.muli %iota3A, %mul3A_6 : vector<16xi32>
    %add3A_8 = arith.constant 0 : i32
    %add3A_9 = arith.addi %mul3A_2, %add3A_8 : i32
    %dma_start3A = tpu.memref_slice %arg2[%add3A_9] : memref<16777216xf32, #tpu.memory_space<hbm>> -> memref<32768xf32, #tpu.memory_space<hbm>>
    %dma_start3A_10 = tpu.memref_slice %arg2[%add3A_9] : memref<16777216xf32, #tpu.memory_space<hbm>> -> memref<32768xf32, #tpu.memory_space<hbm>>
    tpu.enqueue_dma source(%dma_start3A_10 : memref<32768xf32, #tpu.memory_space<hbm>>) target(%arg4 : memref<32768xf32, #tpu.memory_space<vmem>>) target_semaphore(%arg8 : memref<!tpu.dma_semaphore, #tpu.memory_space<semaphore_mem>>)
    %add3A_11 = arith.constant 32768 : i32
    %add3A_12 = arith.addi %mul3A_2, %add3A_11 : i32
    %dma_start3A_13 = tpu.memref_slice %arg2[%add3A_12] : memref<16777216xf32, #tpu.memory_space<hbm>> -> memref<32768xf32, #tpu.memory_space<hbm>>
    %dma_start3A_14 = tpu.memref_slice %arg2[%add3A_12] : memref<16777216xf32, #tpu.memory_space<hbm>> -> memref<32768xf32, #tpu.memory_space<hbm>>
    tpu.enqueue_dma source(%dma_start3A_14 : memref<32768xf32, #tpu.memory_space<hbm>>) target(%arg5 : memref<32768xf32, #tpu.memory_space<vmem>>) target_semaphore(%arg9 : memref<!tpu.dma_semaphore, #tpu.memory_space<semaphore_mem>>)
    %dma_wait3A = tpu.memref_slice %arg2[%add3A_9] : memref<16777216xf32, #tpu.memory_space<hbm>> -> memref<32768xf32, #tpu.memory_space<hbm>>
    %dma_wait3A_15 = tpu.memref_slice %arg2[%add3A_9] : memref<16777216xf32, #tpu.memory_space<hbm>> -> memref<32768xf32, #tpu.memory_space<hbm>>
    tpu.wait_dma2 semaphore(%arg8 : memref<!tpu.dma_semaphore, #tpu.memory_space<semaphore_mem>>) src(%dma_wait3A_15 : memref<32768xf32, #tpu.memory_space<hbm>>) dst(%arg4 : memref<32768xf32, #tpu.memory_space<vmem>>)
    %scan3A = arith.constant 0 : i32
    %scan3A_16 = arith.constant 0 : i32
    %scan3A_17 = arith.constant 512 : i32
    %scan3A_18 = arith.addi %scan3A_16, %scan3A_17 : i32
    %scan3A_19 = arith.constant 4 : i32
    %scan3A_20 = scf.for %scan3A_309 = %scan3A_16 to %scan3A_18 step %scan3A_19 iter_args(%scan3A_310 = %scan3A) -> (i32)  : i32 {
      %shift_right_arithmetic3A = arith.constant 6 : i32
      %shift_right_arithmetic3A_311 = arith.shrsi %scan3A_309, %shift_right_arithmetic3A : i32
      %and3A = arith.constant 63 : i32
      %and3A_312 = arith.andi %scan3A_309, %and3A : i32
      %mul3A_313 = arith.constant 4096 : i32
      %mul3A_314 = arith.muli %shift_right_arithmetic3A_311, %mul3A_313 : i32
      %and3A_315 = arith.constant 1 : i32
      %and3A_316 = arith.andi %and3A_312, %and3A_315 : i32
      %mul3A_317 = arith.constant 64 : i32
      %mul3A_318 = arith.muli %and3A_316, %mul3A_317 : i32
      %add3A_319 = arith.addi %mul3A_314, %mul3A_318 : i32
      %shift_right_arithmetic3A_320 = arith.constant 1 : i32
      %shift_right_arithmetic3A_321 = arith.shrsi %and3A_312, %shift_right_arithmetic3A_320 : i32
      %and3A_322 = arith.constant 3 : i32
      %and3A_323 = arith.andi %shift_right_arithmetic3A_321, %and3A_322 : i32
      %mul3A_324 = arith.constant 1024 : i32
      %mul3A_325 = arith.muli %and3A_323, %mul3A_324 : i32
      %add3A_326 = arith.addi %add3A_319, %mul3A_325 : i32
      %shift_right_arithmetic3A_327 = arith.constant 3 : i32
      %shift_right_arithmetic3A_328 = arith.shrsi %and3A_312, %shift_right_arithmetic3A_327 : i32
      %mul3A_329 = arith.constant 128 : i32
      %mul3A_330 = arith.muli %shift_right_arithmetic3A_328, %mul3A_329 : i32
      %add3A_331 = arith.addi %add3A_326, %mul3A_330 : i32
      %add3A_332 = vector.broadcast %add3A_331 : i32 to vector<16xi32>
      %add3A_333 = arith.addi %mul3A_7, %add3A_332 : vector<16xi32>
      %gather3A = tpu.vector_load_idx %arg4[%add3A_333] : memref<32768xf32, #tpu.memory_space<vmem>>[vector<16xi32>], vector<16xf32>,
      %add3A_334 = arith.constant 1 : i32
      %add3A_335 = vector.broadcast %add3A_334 : i32 to vector<16xi32>
      %add3A_336 = arith.addi %add3A_333, %add3A_335 : vector<16xi32>
      %gather3A_337 = tpu.vector_load_idx %arg4[%add3A_336] : memref<32768xf32, #tpu.memory_space<vmem>>[vector<16xi32>], vector<16xf32>,
      %add3A_338 = arith.constant 2 : i32
      %add3A_339 = vector.broadcast %add3A_338 : i32 to vector<16xi32>
      %add3A_340 = arith.addi %add3A_333, %add3A_339 : vector<16xi32>
      %gather3A_341 = tpu.vector_load_idx %arg4[%add3A_340] : memref<32768xf32, #tpu.memory_space<vmem>>[vector<16xi32>], vector<16xf32>,
      %add3A_342 = arith.constant 3 : i32
      %add3A_343 = vector.broadcast %add3A_342 : i32 to vector<16xi32>
      %add3A_344 = arith.addi %add3A_333, %add3A_343 : vector<16xi32>
      %gather3A_345 = tpu.vector_load_idx %arg4[%add3A_344] : memref<32768xf32, #tpu.memory_space<vmem>>[vector<16xi32>], vector<16xf32>,
      %add3A_346 = arith.addf %gather3A, %gather3A_337 : vector<16xf32>
      %add3A_347 = arith.addf %gather3A_341, %gather3A_345 : vector<16xf32>
      %add3A_348 = arith.addf %add3A_346, %add3A_347 : vector<16xf32>
      %mul3A_349 = arith.constant 16 : i32
      %mul3A_350 = arith.muli %scan3A_309, %mul3A_349 : i32
      %swap3A = arith.index_cast %mul3A_350 : i32 to index
      %swap3A_351 = tpu.vector_load %arg6[%swap3A] {strides = array<i32>} : memref<8192xf32, #tpu.memory_space<vmem>>, vector<16xf32>,
      tpu.vector_store %arg6[%swap3A], %add3A_348 {strides = array<i32>} : memref<8192xf32, #tpu.memory_space<vmem>>, vector<16xf32>,
      %scan3A_352 = arith.constant 0 : i32
      %scan3A_353 = arith.constant 1 : i32
      %scan3A_354 = arith.addi %scan3A_309, %scan3A_353 : i32
      %shift_right_arithmetic3A_355 = arith.constant 6 : i32
      %shift_right_arithmetic3A_356 = arith.shrsi %scan3A_354, %shift_right_arithmetic3A_355 : i32
      %and3A_357 = arith.constant 63 : i32
      %and3A_358 = arith.andi %scan3A_354, %and3A_357 : i32
      %mul3A_359 = arith.constant 4096 : i32
      %mul3A_360 = arith.muli %shift_right_arithmetic3A_356, %mul3A_359 : i32
      %and3A_361 = arith.constant 1 : i32
      %and3A_362 = arith.andi %and3A_358, %and3A_361 : i32
      %mul3A_363 = arith.constant 64 : i32
      %mul3A_364 = arith.muli %and3A_362, %mul3A_363 : i32
      %add3A_365 = arith.addi %mul3A_360, %mul3A_364 : i32
      %shift_right_arithmetic3A_366 = arith.constant 1 : i32
      %shift_right_arithmetic3A_367 = arith.shrsi %and3A_358, %shift_right_arithmetic3A_366 : i32
      %and3A_368 = arith.constant 3 : i32
      %and3A_369 = arith.andi %shift_right_arithmetic3A_367, %and3A_368 : i32
      %mul3A_370 = arith.constant 1024 : i32
      %mul3A_371 = arith.muli %and3A_369, %mul3A_370 : i32
      %add3A_372 = arith.addi %add3A_365, %mul3A_371 : i32
      %shift_right_arithmetic3A_373 = arith.constant 3 : i32
      %shift_right_arithmetic3A_374 = arith.shrsi %and3A_358, %shift_right_arithmetic3A_373 : i32
      %mul3A_375 = arith.constant 128 : i32
      %mul3A_376 = arith.muli %shift_right_arithmetic3A_374, %mul3A_375 : i32
      %add3A_377 = arith.addi %add3A_372, %mul3A_376 : i32
      %add3A_378 = vector.broadcast %add3A_377 : i32 to vector<16xi32>
      %add3A_379 = arith.addi %mul3A_7, %add3A_378 : vector<16xi32>
      %gather3A_380 = tpu.vector_load_idx %arg4[%add3A_379] : memref<32768xf32, #tpu.memory_space<vmem>>[vector<16xi32>], vector<16xf32>,
      %add3A_381 = arith.constant 1 : i32
      %add3A_382 = vector.broadcast %add3A_381 : i32 to vector<16xi32>
      %add3A_383 = arith.addi %add3A_379, %add3A_382 : vector<16xi32>
      %gather3A_384 = tpu.vector_load_idx %arg4[%add3A_383] : memref<32768xf32, #tpu.memory_space<vmem>>[vector<16xi32>], vector<16xf32>,
      %add3A_385 = arith.constant 2 : i32
      %add3A_386 = vector.broadcast %add3A_385 : i32 to vector<16xi32>
      %add3A_387 = arith.addi %add3A_379, %add3A_386 : vector<16xi32>
      %gather3A_388 = tpu.vector_load_idx %arg4[%add3A_387] : memref<32768xf32, #tpu.memory_space<vmem>>[vector<16xi32>], vector<16xf32>,
      %add3A_389 = arith.constant 3 : i32
      %add3A_390 = vector.broadcast %add3A_389 : i32 to vector<16xi32>
      %add3A_391 = arith.addi %add3A_379, %add3A_390 : vector<16xi32>
      %gather3A_392 = tpu.vector_load_idx %arg4[%add3A_391] : memref<32768xf32, #tpu.memory_space<vmem>>[vector<16xi32>], vector<16xf32>,
      %add3A_393 = arith.addf %gather3A_380, %gather3A_384 : vector<16xf32>
      %add3A_394 = arith.addf %gather3A_388, %gather3A_392 : vector<16xf32>
      %add3A_395 = arith.addf %add3A_393, %add3A_394 : vector<16xf32>
      %mul3A_396 = arith.constant 16 : i32
      %mul3A_397 = arith.muli %scan3A_354, %mul3A_396 : i32
      %swap3A_398 = arith.index_cast %mul3A_397 : i32 to index
      %swap3A_399 = tpu.vector_load %arg6[%swap3A_398] {strides = array<i32>} : memref<8192xf32, #tpu.memory_space<vmem>>, vector<16xf32>,
      tpu.vector_store %arg6[%swap3A_398], %add3A_395 {strides = array<i32>} : memref<8192xf32, #tpu.memory_space<vmem>>, vector<16xf32>,
      %scan3A_400 = arith.constant 0 : i32
      %scan3A_401 = arith.constant 2 : i32
      %scan3A_402 = arith.addi %scan3A_309, %scan3A_401 : i32
      %shift_right_arithmetic3A_403 = arith.constant 6 : i32
      %shift_right_arithmetic3A_404 = arith.shrsi %scan3A_402, %shift_right_arithmetic3A_403 : i32
      %and3A_405 = arith.constant 63 : i32
      %and3A_406 = arith.andi %scan3A_402, %and3A_405 : i32
      %mul3A_407 = arith.constant 4096 : i32
      %mul3A_408 = arith.muli %shift_right_arithmetic3A_404, %mul3A_407 : i32
      %and3A_409 = arith.constant 1 : i32
      %and3A_410 = arith.andi %and3A_406, %and3A_409 : i32
      %mul3A_411 = arith.constant 64 : i32
      %mul3A_412 = arith.muli %and3A_410, %mul3A_411 : i32
      %add3A_413 = arith.addi %mul3A_408, %mul3A_412 : i32
      %shift_right_arithmetic3A_414 = arith.constant 1 : i32
      %shift_right_arithmetic3A_415 = arith.shrsi %and3A_406, %shift_right_arithmetic3A_414 : i32
      %and3A_416 = arith.constant 3 : i32
      %and3A_417 = arith.andi %shift_right_arithmetic3A_415, %and3A_416 : i32
      %mul3A_418 = arith.constant 1024 : i32
      %mul3A_419 = arith.muli %and3A_417, %mul3A_418 : i32
      %add3A_420 = arith.addi %add3A_413, %mul3A_419 : i32
      %shift_right_arithmetic3A_421 = arith.constant 3 : i32
      %shift_right_arithmetic3A_422 = arith.shrsi %and3A_406, %shift_right_arithmetic3A_421 : i32
      %mul3A_423 = arith.constant 128 : i32
      %mul3A_424 = arith.muli %shift_right_arithmetic3A_422, %mul3A_423 : i32
      %add3A_425 = arith.addi %add3A_420, %mul3A_424 : i32
      %add3A_426 = vector.broadcast %add3A_425 : i32 to vector<16xi32>
      %add3A_427 = arith.addi %mul3A_7, %add3A_426 : vector<16xi32>
      %gather3A_428 = tpu.vector_load_idx %arg4[%add3A_427] : memref<32768xf32, #tpu.memory_space<vmem>>[vector<16xi32>], vector<16xf32>,
      %add3A_429 = arith.constant 1 : i32
      %add3A_430 = vector.broadcast %add3A_429 : i32 to vector<16xi32>
      %add3A_431 = arith.addi %add3A_427, %add3A_430 : vector<16xi32>
      %gather3A_432 = tpu.vector_load_idx %arg4[%add3A_431] : memref<32768xf32, #tpu.memory_space<vmem>>[vector<16xi32>], vector<16xf32>,
      %add3A_433 = arith.constant 2 : i32
      %add3A_434 = vector.broadcast %add3A_433 : i32 to vector<16xi32>
      %add3A_435 = arith.addi %add3A_427, %add3A_434 : vector<16xi32>
      %gather3A_436 = tpu.vector_load_idx %arg4[%add3A_435] : memref<32768xf32, #tpu.memory_space<vmem>>[vector<16xi32>], vector<16xf32>,
      %add3A_437 = arith.constant 3 : i32
      %add3A_438 = vector.broadcast %add3A_437 : i32 to vector<16xi32>
      %add3A_439 = arith.addi %add3A_427, %add3A_438 : vector<16xi32>
      %gather3A_440 = tpu.vector_load_idx %arg4[%add3A_439] : memref<32768xf32, #tpu.memory_space<vmem>>[vector<16xi32>], vector<16xf32>,
      %add3A_441 = arith.addf %gather3A_428, %gather3A_432 : vector<16xf32>
      %add3A_442 = arith.addf %gather3A_436, %gather3A_440 : vector<16xf32>
      %add3A_443 = arith.addf %add3A_441, %add3A_442 : vector<16xf32>
      %mul3A_444 = arith.constant 16 : i32
      %mul3A_445 = arith.muli %scan3A_402, %mul3A_444 : i32
      %swap3A_446 = arith.index_cast %mul3A_445 : i32 to index
      %swap3A_447 = tpu.vector_load %arg6[%swap3A_446] {strides = array<i32>} : memref<8192xf32, #tpu.memory_space<vmem>>, vector<16xf32>,
      tpu.vector_store %arg6[%swap3A_446], %add3A_443 {strides = array<i32>} : memref<8192xf32, #tpu.memory_space<vmem>>, vector<16xf32>,
      %scan3A_448 = arith.constant 0 : i32
      %scan3A_449 = arith.constant 3 : i32
      %scan3A_450 = arith.addi %scan3A_309, %scan3A_449 : i32
      %shift_right_arithmetic3A_451 = arith.constant 6 : i32
      %shift_right_arithmetic3A_452 = arith.shrsi %scan3A_450, %shift_right_arithmetic3A_451 : i32
      %and3A_453 = arith.constant 63 : i32
      %and3A_454 = arith.andi %scan3A_450, %and3A_453 : i32
      %mul3A_455 = arith.constant 4096 : i32
      %mul3A_456 = arith.muli %shift_right_arithmetic3A_452, %mul3A_455 : i32
      %and3A_457 = arith.constant 1 : i32
      %and3A_458 = arith.andi %and3A_454, %and3A_457 : i32
      %mul3A_459 = arith.constant 64 : i32
      %mul3A_460 = arith.muli %and3A_458, %mul3A_459 : i32
      %add3A_461 = arith.addi %mul3A_456, %mul3A_460 : i32
      %shift_right_arithmetic3A_462 = arith.constant 1 : i32
      %shift_right_arithmetic3A_463 = arith.shrsi %and3A_454, %shift_right_arithmetic3A_462 : i32
      %and3A_464 = arith.constant 3 : i32
      %and3A_465 = arith.andi %shift_right_arithmetic3A_463, %and3A_464 : i32
      %mul3A_466 = arith.constant 1024 : i32
      %mul3A_467 = arith.muli %and3A_465, %mul3A_466 : i32
      %add3A_468 = arith.addi %add3A_461, %mul3A_467 : i32
      %shift_right_arithmetic3A_469 = arith.constant 3 : i32
      %shift_right_arithmetic3A_470 = arith.shrsi %and3A_454, %shift_right_arithmetic3A_469 : i32
      %mul3A_471 = arith.constant 128 : i32
      %mul3A_472 = arith.muli %shift_right_arithmetic3A_470, %mul3A_471 : i32
      %add3A_473 = arith.addi %add3A_468, %mul3A_472 : i32
      %add3A_474 = vector.broadcast %add3A_473 : i32 to vector<16xi32>
      %add3A_475 = arith.addi %mul3A_7, %add3A_474 : vector<16xi32>
      %gather3A_476 = tpu.vector_load_idx %arg4[%add3A_475] : memref<32768xf32, #tpu.memory_space<vmem>>[vector<16xi32>], vector<16xf32>,
      %add3A_477 = arith.constant 1 : i32
      %add3A_478 = vector.broadcast %add3A_477 : i32 to vector<16xi32>
      %add3A_479 = arith.addi %add3A_475, %add3A_478 : vector<16xi32>
      %gather3A_480 = tpu.vector_load_idx %arg4[%add3A_479] : memref<32768xf32, #tpu.memory_space<vmem>>[vector<16xi32>], vector<16xf32>,
      %add3A_481 = arith.constant 2 : i32
      %add3A_482 = vector.broadcast %add3A_481 : i32 to vector<16xi32>
      %add3A_483 = arith.addi %add3A_475, %add3A_482 : vector<16xi32>
      %gather3A_484 = tpu.vector_load_idx %arg4[%add3A_483] : memref<32768xf32, #tpu.memory_space<vmem>>[vector<16xi32>], vector<16xf32>,
      %add3A_485 = arith.constant 3 : i32
      %add3A_486 = vector.broadcast %add3A_485 : i32 to vector<16xi32>
      %add3A_487 = arith.addi %add3A_475, %add3A_486 : vector<16xi32>
      %gather3A_488 = tpu.vector_load_idx %arg4[%add3A_487] : memref<32768xf32, #tpu.memory_space<vmem>>[vector<16xi32>], vector<16xf32>,
      %add3A_489 = arith.addf %gather3A_476, %gather3A_480 : vector<16xf32>
      %add3A_490 = arith.addf %gather3A_484, %gather3A_488 : vector<16xf32>
      %add3A_491 = arith.addf %add3A_489, %add3A_490 : vector<16xf32>
      %mul3A_492 = arith.constant 16 : i32
      %mul3A_493 = arith.muli %scan3A_450, %mul3A_492 : i32
      %swap3A_494 = arith.index_cast %mul3A_493 : i32 to index
      %swap3A_495 = tpu.vector_load %arg6[%swap3A_494] {strides = array<i32>} : memref<8192xf32, #tpu.memory_space<vmem>>, vector<16xf32>,
      tpu.vector_store %arg6[%swap3A_494], %add3A_491 {strides = array<i32>} : memref<8192xf32, #tpu.memory_space<vmem>>, vector<16xf32>,
      %scan3A_496 = arith.constant 0 : i32
      scf.yield %scan3A_496 : i32
    }
    %scan3A_21 = arith.constant 512 : i32
    %add3A_22 = arith.constant 0 : i32
    %add3A_23 = arith.addi %mul3A_4, %add3A_22 : i32
    %dma_start3A_24 = tpu.memref_slice %arg3[%add3A_23] : memref<4194304xf32, #tpu.memory_space<hbm>> -> memref<8192xf32, #tpu.memory_space<hbm>>
    %dma_start3A_25 = tpu.memref_slice %arg3[%add3A_23] : memref<4194304xf32, #tpu.memory_space<hbm>> -> memref<8192xf32, #tpu.memory_space<hbm>>
    tpu.enqueue_dma source(%arg6 : memref<8192xf32, #tpu.memory_space<vmem>>) target(%dma_start3A_25 : memref<8192xf32, #tpu.memory_space<hbm>>) target_semaphore(%arg10 : memref<!tpu.dma_semaphore, #tpu.memory_space<semaphore_mem>>)
    %add3A_26 = arith.constant 65536 : i32
    %add3A_27 = arith.addi %mul3A_2, %add3A_26 : i32
    %dma_start3A_28 = tpu.memref_slice %arg2[%add3A_27] : memref<16777216xf32, #tpu.memory_space<hbm>> -> memref<32768xf32, #tpu.memory_space<hbm>>
    %dma_start3A_29 = tpu.memref_slice %arg2[%add3A_27] : memref<16777216xf32, #tpu.memory_space<hbm>> -> memref<32768xf32, #tpu.memory_space<hbm>>
    tpu.enqueue_dma source(%dma_start3A_29 : memref<32768xf32, #tpu.memory_space<hbm>>) target(%arg4 : memref<32768xf32, #tpu.memory_space<vmem>>) target_semaphore(%arg8 : memref<!tpu.dma_semaphore, #tpu.memory_space<semaphore_mem>>)
    %dma_wait3A_30 = tpu.memref_slice %arg2[%add3A_12] : memref<16777216xf32, #tpu.memory_space<hbm>> -> memref<32768xf32, #tpu.memory_space<hbm>>
    %dma_wait3A_31 = tpu.memref_slice %arg2[%add3A_12] : memref<16777216xf32, #tpu.memory_space<hbm>> -> memref<32768xf32, #tpu.memory_space<hbm>>
    tpu.wait_dma2 semaphore(%arg9 : memref<!tpu.dma_semaphore, #tpu.memory_space<semaphore_mem>>) src(%dma_wait3A_31 : memref<32768xf32, #tpu.memory_space<hbm>>) dst(%arg5 : memref<32768xf32, #tpu.memory_space<vmem>>)
    %scan3A_32 = arith.constant 0 : i32
    %scan3A_33 = arith.constant 0 : i32
    %scan3A_34 = arith.constant 512 : i32
    %scan3A_35 = arith.addi %scan3A_33, %scan3A_34 : i32
    %scan3A_36 = arith.constant 4 : i32
    %scan3A_37 = scf.for %scan3A_309 = %scan3A_33 to %scan3A_35 step %scan3A_36 iter_args(%scan3A_310 = %scan3A_32) -> (i32)  : i32 {
      %shift_right_arithmetic3A = arith.constant 6 : i32
      %shift_right_arithmetic3A_311 = arith.shrsi %scan3A_309, %shift_right_arithmetic3A : i32
      %and3A = arith.constant 63 : i32
      %and3A_312 = arith.andi %scan3A_309, %and3A : i32
      %mul3A_313 = arith.constant 4096 : i32
      %mul3A_314 = arith.muli %shift_right_arithmetic3A_311, %mul3A_313 : i32
      %and3A_315 = arith.constant 1 : i32
      %and3A_316 = arith.andi %and3A_312, %and3A_315 : i32
      %mul3A_317 = arith.constant 64 : i32
      %mul3A_318 = arith.muli %and3A_316, %mul3A_317 : i32
      %add3A_319 = arith.addi %mul3A_314, %mul3A_318 : i32
      %shift_right_arithmetic3A_320 = arith.constant 1 : i32
      %shift_right_arithmetic3A_321 = arith.shrsi %and3A_312, %shift_right_arithmetic3A_320 : i32
      %and3A_322 = arith.constant 3 : i32
      %and3A_323 = arith.andi %shift_right_arithmetic3A_321, %and3A_322 : i32
      %mul3A_324 = arith.constant 1024 : i32
      %mul3A_325 = arith.muli %and3A_323, %mul3A_324 : i32
      %add3A_326 = arith.addi %add3A_319, %mul3A_325 : i32
      %shift_right_arithmetic3A_327 = arith.constant 3 : i32
      %shift_right_arithmetic3A_328 = arith.shrsi %and3A_312, %shift_right_arithmetic3A_327 : i32
      %mul3A_329 = arith.constant 128 : i32
      %mul3A_330 = arith.muli %shift_right_arithmetic3A_328, %mul3A_329 : i32
      %add3A_331 = arith.addi %add3A_326, %mul3A_330 : i32
      %add3A_332 = vector.broadcast %add3A_331 : i32 to vector<16xi32>
      %add3A_333 = arith.addi %mul3A_7, %add3A_332 : vector<16xi32>
      %gather3A = tpu.vector_load_idx %arg5[%add3A_333] : memref<32768xf32, #tpu.memory_space<vmem>>[vector<16xi32>], vector<16xf32>,
      %add3A_334 = arith.constant 1 : i32
      %add3A_335 = vector.broadcast %add3A_334 : i32 to vector<16xi32>
      %add3A_336 = arith.addi %add3A_333, %add3A_335 : vector<16xi32>
      %gather3A_337 = tpu.vector_load_idx %arg5[%add3A_336] : memref<32768xf32, #tpu.memory_space<vmem>>[vector<16xi32>], vector<16xf32>,
      %add3A_338 = arith.constant 2 : i32
      %add3A_339 = vector.broadcast %add3A_338 : i32 to vector<16xi32>
      %add3A_340 = arith.addi %add3A_333, %add3A_339 : vector<16xi32>
      %gather3A_341 = tpu.vector_load_idx %arg5[%add3A_340] : memref<32768xf32, #tpu.memory_space<vmem>>[vector<16xi32>], vector<16xf32>,
      %add3A_342 = arith.constant 3 : i32
      %add3A_343 = vector.broadcast %add3A_342 : i32 to vector<16xi32>
      %add3A_344 = arith.addi %add3A_333, %add3A_343 : vector<16xi32>
      %gather3A_345 = tpu.vector_load_idx %arg5[%add3A_344] : memref<32768xf32, #tpu.memory_space<vmem>>[vector<16xi32>], vector<16xf32>,
      %add3A_346 = arith.addf %gather3A, %gather3A_337 : vector<16xf32>
      %add3A_347 = arith.addf %gather3A_341, %gather3A_345 : vector<16xf32>
      %add3A_348 = arith.addf %add3A_346, %add3A_347 : vector<16xf32>
      %mul3A_349 = arith.constant 16 : i32
      %mul3A_350 = arith.muli %scan3A_309, %mul3A_349 : i32
      %swap3A = arith.index_cast %mul3A_350 : i32 to index
      %swap3A_351 = tpu.vector_load %arg7[%swap3A] {strides = array<i32>} : memref<8192xf32, #tpu.memory_space<vmem>>, vector<16xf32>,
      tpu.vector_store %arg7[%swap3A], %add3A_348 {strides = array<i32>} : memref<8192xf32, #tpu.memory_space<vmem>>, vector<16xf32>,
      %scan3A_352 = arith.constant 0 : i32
      %scan3A_353 = arith.constant 1 : i32
      %scan3A_354 = arith.addi %scan3A_309, %scan3A_353 : i32
      %shift_right_arithmetic3A_355 = arith.constant 6 : i32
      %shift_right_arithmetic3A_356 = arith.shrsi %scan3A_354, %shift_right_arithmetic3A_355 : i32
      %and3A_357 = arith.constant 63 : i32
      %and3A_358 = arith.andi %scan3A_354, %and3A_357 : i32
      %mul3A_359 = arith.constant 4096 : i32
      %mul3A_360 = arith.muli %shift_right_arithmetic3A_356, %mul3A_359 : i32
      %and3A_361 = arith.constant 1 : i32
      %and3A_362 = arith.andi %and3A_358, %and3A_361 : i32
      %mul3A_363 = arith.constant 64 : i32
      %mul3A_364 = arith.muli %and3A_362, %mul3A_363 : i32
      %add3A_365 = arith.addi %mul3A_360, %mul3A_364 : i32
      %shift_right_arithmetic3A_366 = arith.constant 1 : i32
      %shift_right_arithmetic3A_367 = arith.shrsi %and3A_358, %shift_right_arithmetic3A_366 : i32
      %and3A_368 = arith.constant 3 : i32
      %and3A_369 = arith.andi %shift_right_arithmetic3A_367, %and3A_368 : i32
      %mul3A_370 = arith.constant 1024 : i32
      %mul3A_371 = arith.muli %and3A_369, %mul3A_370 : i32
      %add3A_372 = arith.addi %add3A_365, %mul3A_371 : i32
      %shift_right_arithmetic3A_373 = arith.constant 3 : i32
      %shift_right_arithmetic3A_374 = arith.shrsi %and3A_358, %shift_right_arithmetic3A_373 : i32
      %mul3A_375 = arith.constant 128 : i32
      %mul3A_376 = arith.muli %shift_right_arithmetic3A_374, %mul3A_375 : i32
      %add3A_377 = arith.addi %add3A_372, %mul3A_376 : i32
      %add3A_378 = vector.broadcast %add3A_377 : i32 to vector<16xi32>
      %add3A_379 = arith.addi %mul3A_7, %add3A_378 : vector<16xi32>
      %gather3A_380 = tpu.vector_load_idx %arg5[%add3A_379] : memref<32768xf32, #tpu.memory_space<vmem>>[vector<16xi32>], vector<16xf32>,
      %add3A_381 = arith.constant 1 : i32
      %add3A_382 = vector.broadcast %add3A_381 : i32 to vector<16xi32>
      %add3A_383 = arith.addi %add3A_379, %add3A_382 : vector<16xi32>
      %gather3A_384 = tpu.vector_load_idx %arg5[%add3A_383] : memref<32768xf32, #tpu.memory_space<vmem>>[vector<16xi32>], vector<16xf32>,
      %add3A_385 = arith.constant 2 : i32
      %add3A_386 = vector.broadcast %add3A_385 : i32 to vector<16xi32>
      %add3A_387 = arith.addi %add3A_379, %add3A_386 : vector<16xi32>
      %gather3A_388 = tpu.vector_load_idx %arg5[%add3A_387] : memref<32768xf32, #tpu.memory_space<vmem>>[vector<16xi32>], vector<16xf32>,
      %add3A_389 = arith.constant 3 : i32
      %add3A_390 = vector.broadcast %add3A_389 : i32 to vector<16xi32>
      %add3A_391 = arith.addi %add3A_379, %add3A_390 : vector<16xi32>
      %gather3A_392 = tpu.vector_load_idx %arg5[%add3A_391] : memref<32768xf32, #tpu.memory_space<vmem>>[vector<16xi32>], vector<16xf32>,
      %add3A_393 = arith.addf %gather3A_380, %gather3A_384 : vector<16xf32>
      %add3A_394 = arith.addf %gather3A_388, %gather3A_392 : vector<16xf32>
      %add3A_395 = arith.addf %add3A_393, %add3A_394 : vector<16xf32>
      %mul3A_396 = arith.constant 16 : i32
      %mul3A_397 = arith.muli %scan3A_354, %mul3A_396 : i32
      %swap3A_398 = arith.index_cast %mul3A_397 : i32 to index
      %swap3A_399 = tpu.vector_load %arg7[%swap3A_398] {strides = array<i32>} : memref<8192xf32, #tpu.memory_space<vmem>>, vector<16xf32>,
      tpu.vector_store %arg7[%swap3A_398], %add3A_395 {strides = array<i32>} : memref<8192xf32, #tpu.memory_space<vmem>>, vector<16xf32>,
      %scan3A_400 = arith.constant 0 : i32
      %scan3A_401 = arith.constant 2 : i32
      %scan3A_402 = arith.addi %scan3A_309, %scan3A_401 : i32
      %shift_right_arithmetic3A_403 = arith.constant 6 : i32
      %shift_right_arithmetic3A_404 = arith.shrsi %scan3A_402, %shift_right_arithmetic3A_403 : i32
      %and3A_405 = arith.constant 63 : i32
      %and3A_406 = arith.andi %scan3A_402, %and3A_405 : i32
      %mul3A_407 = arith.constant 4096 : i32
      %mul3A_408 = arith.muli %shift_right_arithmetic3A_404, %mul3A_407 : i32
      %and3A_409 = arith.constant 1 : i32
      %and3A_410 = arith.andi %and3A_406, %and3A_409 : i32
      %mul3A_411 = arith.constant 64 : i32
      %mul3A_412 = arith.muli %and3A_410, %mul3A_411 : i32
      %add3A_413 = arith.addi %mul3A_408, %mul3A_412 : i32
      %shift_right_arithmetic3A_414 = arith.constant 1 : i32
      %shift_right_arithmetic3A_415 = arith.shrsi %and3A_406, %shift_right_arithmetic3A_414 : i32
      %and3A_416 = arith.constant 3 : i32
      %and3A_417 = arith.andi %shift_right_arithmetic3A_415, %and3A_416 : i32
      %mul3A_418 = arith.constant 1024 : i32
      %mul3A_419 = arith.muli %and3A_417, %mul3A_418 : i32
      %add3A_420 = arith.addi %add3A_413, %mul3A_419 : i32
      %shift_right_arithmetic3A_421 = arith.constant 3 : i32
      %shift_right_arithmetic3A_422 = arith.shrsi %and3A_406, %shift_right_arithmetic3A_421 : i32
      %mul3A_423 = arith.constant 128 : i32
      %mul3A_424 = arith.muli %shift_right_arithmetic3A_422, %mul3A_423 : i32
      %add3A_425 = arith.addi %add3A_420, %mul3A_424 : i32
      %add3A_426 = vector.broadcast %add3A_425 : i32 to vector<16xi32>
      %add3A_427 = arith.addi %mul3A_7, %add3A_426 : vector<16xi32>
      %gather3A_428 = tpu.vector_load_idx %arg5[%add3A_427] : memref<32768xf32, #tpu.memory_space<vmem>>[vector<16xi32>], vector<16xf32>,
      %add3A_429 = arith.constant 1 : i32
      %add3A_430 = vector.broadcast %add3A_429 : i32 to vector<16xi32>
      %add3A_431 = arith.addi %add3A_427, %add3A_430 : vector<16xi32>
      %gather3A_432 = tpu.vector_load_idx %arg5[%add3A_431] : memref<32768xf32, #tpu.memory_space<vmem>>[vector<16xi32>], vector<16xf32>,
      %add3A_433 = arith.constant 2 : i32
      %add3A_434 = vector.broadcast %add3A_433 : i32 to vector<16xi32>
      %add3A_435 = arith.addi %add3A_427, %add3A_434 : vector<16xi32>
      %gather3A_436 = tpu.vector_load_idx %arg5[%add3A_435] : memref<32768xf32, #tpu.memory_space<vmem>>[vector<16xi32>], vector<16xf32>,
      %add3A_437 = arith.constant 3 : i32
      %add3A_438 = vector.broadcast %add3A_437 : i32 to vector<16xi32>
      %add3A_439 = arith.addi %add3A_427, %add3A_438 : vector<16xi32>
      %gather3A_440 = tpu.vector_load_idx %arg5[%add3A_439] : memref<32768xf32, #tpu.memory_space<vmem>>[vector<16xi32>], vector<16xf32>,
      %add3A_441 = arith.addf %gather3A_428, %gather3A_432 : vector<16xf32>
      %add3A_442 = arith.addf %gather3A_436, %gather3A_440 : vector<16xf32>
      %add3A_443 = arith.addf %add3A_441, %add3A_442 : vector<16xf32>
      %mul3A_444 = arith.constant 16 : i32
      %mul3A_445 = arith.muli %scan3A_402, %mul3A_444 : i32
      %swap3A_446 = arith.index_cast %mul3A_445 : i32 to index
      %swap3A_447 = tpu.vector_load %arg7[%swap3A_446] {strides = array<i32>} : memref<8192xf32, #tpu.memory_space<vmem>>, vector<16xf32>,
      tpu.vector_store %arg7[%swap3A_446], %add3A_443 {strides = array<i32>} : memref<8192xf32, #tpu.memory_space<vmem>>, vector<16xf32>,
      %scan3A_448 = arith.constant 0 : i32
      %scan3A_449 = arith.constant 3 : i32
      %scan3A_450 = arith.addi %scan3A_309, %scan3A_449 : i32
      %shift_right_arithmetic3A_451 = arith.constant 6 : i32
      %shift_right_arithmetic3A_452 = arith.shrsi %scan3A_450, %shift_right_arithmetic3A_451 : i32
      %and3A_453 = arith.constant 63 : i32
      %and3A_454 = arith.andi %scan3A_450, %and3A_453 : i32
      %mul3A_455 = arith.constant 4096 : i32
      %mul3A_456 = arith.muli %shift_right_arithmetic3A_452, %mul3A_455 : i32
      %and3A_457 = arith.constant 1 : i32
      %and3A_458 = arith.andi %and3A_454, %and3A_457 : i32
      %mul3A_459 = arith.constant 64 : i32
      %mul3A_460 = arith.muli %and3A_458, %mul3A_459 : i32
      %add3A_461 = arith.addi %mul3A_456, %mul3A_460 : i32
      %shift_right_arithmetic3A_462 = arith.constant 1 : i32
      %shift_right_arithmetic3A_463 = arith.shrsi %and3A_454, %shift_right_arithmetic3A_462 : i32
      %and3A_464 = arith.constant 3 : i32
      %and3A_465 = arith.andi %shift_right_arithmetic3A_463, %and3A_464 : i32
      %mul3A_466 = arith.constant 1024 : i32
      %mul3A_467 = arith.muli %and3A_465, %mul3A_466 : i32
      %add3A_468 = arith.addi %add3A_461, %mul3A_467 : i32
      %shift_right_arithmetic3A_469 = arith.constant 3 : i32
      %shift_right_arithmetic3A_470 = arith.shrsi %and3A_454, %shift_right_arithmetic3A_469 : i32
      %mul3A_471 = arith.constant 128 : i32
      %mul3A_472 = arith.muli %shift_right_arithmetic3A_470, %mul3A_471 : i32
      %add3A_473 = arith.addi %add3A_468, %mul3A_472 : i32
      %add3A_474 = vector.broadcast %add3A_473 : i32 to vector<16xi32>
      %add3A_475 = arith.addi %mul3A_7, %add3A_474 : vector<16xi32>
      %gather3A_476 = tpu.vector_load_idx %arg5[%add3A_475] : memref<32768xf32, #tpu.memory_space<vmem>>[vector<16xi32>], vector<16xf32>,
      %add3A_477 = arith.constant 1 : i32
      %add3A_478 = vector.broadcast %add3A_477 : i32 to vector<16xi32>
      %add3A_479 = arith.addi %add3A_475, %add3A_478 : vector<16xi32>
      %gather3A_480 = tpu.vector_load_idx %arg5[%add3A_479] : memref<32768xf32, #tpu.memory_space<vmem>>[vector<16xi32>], vector<16xf32>,
      %add3A_481 = arith.constant 2 : i32
      %add3A_482 = vector.broadcast %add3A_481 : i32 to vector<16xi32>
      %add3A_483 = arith.addi %add3A_475, %add3A_482 : vector<16xi32>
      %gather3A_484 = tpu.vector_load_idx %arg5[%add3A_483] : memref<32768xf32, #tpu.memory_space<vmem>>[vector<16xi32>], vector<16xf32>,
      %add3A_485 = arith.constant 3 : i32
      %add3A_486 = vector.broadcast %add3A_485 : i32 to vector<16xi32>
      %add3A_487 = arith.addi %add3A_475, %add3A_486 : vector<16xi32>
      %gather3A_488 = tpu.vector_load_idx %arg5[%add3A_487] : memref<32768xf32, #tpu.memory_space<vmem>>[vector<16xi32>], vector<16xf32>,
      %add3A_489 = arith.addf %gather3A_476, %gather3A_480 : vector<16xf32>
      %add3A_490 = arith.addf %gather3A_484, %gather3A_488 : vector<16xf32>
      %add3A_491 = arith.addf %add3A_489, %add3A_490 : vector<16xf32>
      %mul3A_492 = arith.constant 16 : i32
      %mul3A_493 = arith.muli %scan3A_450, %mul3A_492 : i32
      %swap3A_494 = arith.index_cast %mul3A_493 : i32 to index
      %swap3A_495 = tpu.vector_load %arg7[%swap3A_494] {strides = array<i32>} : memref<8192xf32, #tpu.memory_space<vmem>>, vector<16xf32>,
      tpu.vector_store %arg7[%swap3A_494], %add3A_491 {strides = array<i32>} : memref<8192xf32, #tpu.memory_space<vmem>>, vector<16xf32>,
      %scan3A_496 = arith.constant 0 : i32
      scf.yield %scan3A_496 : i32
    }
    %scan3A_38 = arith.constant 512 : i32
    %add3A_39 = arith.constant 8192 : i32
    %add3A_40 = arith.addi %mul3A_4, %add3A_39 : i32
    %dma_start3A_41 = tpu.memref_slice %arg3[%add3A_40] : memref<4194304xf32, #tpu.memory_space<hbm>> -> memref<8192xf32, #tpu.memory_space<hbm>>
    %dma_start3A_42 = tpu.memref_slice %arg3[%add3A_40] : memref<4194304xf32, #tpu.memory_space<hbm>> -> memref<8192xf32, #tpu.memory_space<hbm>>
    tpu.enqueue_dma source(%arg7 : memref<8192xf32, #tpu.memory_space<vmem>>) target(%dma_start3A_42 : memref<8192xf32, #tpu.memory_space<hbm>>) target_semaphore(%arg11 : memref<!tpu.dma_semaphore, #tpu.memory_space<semaphore_mem>>)
    %add3A_43 = arith.constant 98304 : i32
    %add3A_44 = arith.addi %mul3A_2, %add3A_43 : i32
    %dma_start3A_45 = tpu.memref_slice %arg2[%add3A_44] : memref<16777216xf32, #tpu.memory_space<hbm>> -> memref<32768xf32, #tpu.memory_space<hbm>>
    %dma_start3A_46 = tpu.memref_slice %arg2[%add3A_44] : memref<16777216xf32, #tpu.memory_space<hbm>> -> memref<32768xf32, #tpu.memory_space<hbm>>
    tpu.enqueue_dma source(%dma_start3A_46 : memref<32768xf32, #tpu.memory_space<hbm>>) target(%arg5 : memref<32768xf32, #tpu.memory_space<vmem>>) target_semaphore(%arg9 : memref<!tpu.dma_semaphore, #tpu.memory_space<semaphore_mem>>)
    %dma_wait3A_47 = tpu.memref_slice %arg2[%add3A_27] : memref<16777216xf32, #tpu.memory_space<hbm>> -> memref<32768xf32, #tpu.memory_space<hbm>>
    %dma_wait3A_48 = tpu.memref_slice %arg2[%add3A_27] : memref<16777216xf32, #tpu.memory_space<hbm>> -> memref<32768xf32, #tpu.memory_space<hbm>>
    tpu.wait_dma2 semaphore(%arg8 : memref<!tpu.dma_semaphore, #tpu.memory_space<semaphore_mem>>) src(%dma_wait3A_48 : memref<32768xf32, #tpu.memory_space<hbm>>) dst(%arg4 : memref<32768xf32, #tpu.memory_space<vmem>>)
    %dma_wait3A_49 = tpu.memref_slice %arg3[%add3A_23] : memref<4194304xf32, #tpu.memory_space<hbm>> -> memref<8192xf32, #tpu.memory_space<hbm>>
    %dma_wait3A_50 = tpu.memref_slice %arg3[%add3A_23] : memref<4194304xf32, #tpu.memory_space<hbm>> -> memref<8192xf32, #tpu.memory_space<hbm>>
    tpu.wait_dma2 semaphore(%arg10 : memref<!tpu.dma_semaphore, #tpu.memory_space<semaphore_mem>>) src(%arg6 : memref<8192xf32, #tpu.memory_space<vmem>>) dst(%dma_wait3A_50 : memref<8192xf32, #tpu.memory_space<hbm>>)
    %scan3A_51 = arith.constant 0 : i32
    %scan3A_52 = arith.constant 0 : i32
    %scan3A_53 = arith.constant 512 : i32
    %scan3A_54 = arith.addi %scan3A_52, %scan3A_53 : i32
    %scan3A_55 = arith.constant 4 : i32
    %scan3A_56 = scf.for %scan3A_309 = %scan3A_52 to %scan3A_54 step %scan3A_55 iter_args(%scan3A_310 = %scan3A_51) -> (i32)  : i32 {
      %shift_right_arithmetic3A = arith.constant 6 : i32
      %shift_right_arithmetic3A_311 = arith.shrsi %scan3A_309, %shift_right_arithmetic3A : i32
      %and3A = arith.constant 63 : i32
      %and3A_312 = arith.andi %scan3A_309, %and3A : i32
      %mul3A_313 = arith.constant 4096 : i32
      %mul3A_314 = arith.muli %shift_right_arithmetic3A_311, %mul3A_313 : i32
      %and3A_315 = arith.constant 1 : i32
      %and3A_316 = arith.andi %and3A_312, %and3A_315 : i32
      %mul3A_317 = arith.constant 64 : i32
      %mul3A_318 = arith.muli %and3A_316, %mul3A_317 : i32
      %add3A_319 = arith.addi %mul3A_314, %mul3A_318 : i32
      %shift_right_arithmetic3A_320 = arith.constant 1 : i32
      %shift_right_arithmetic3A_321 = arith.shrsi %and3A_312, %shift_right_arithmetic3A_320 : i32
      %and3A_322 = arith.constant 3 : i32
      %and3A_323 = arith.andi %shift_right_arithmetic3A_321, %and3A_322 : i32
      %mul3A_324 = arith.constant 1024 : i32
      %mul3A_325 = arith.muli %and3A_323, %mul3A_324 : i32
      %add3A_326 = arith.addi %add3A_319, %mul3A_325 : i32
      %shift_right_arithmetic3A_327 = arith.constant 3 : i32
      %shift_right_arithmetic3A_328 = arith.shrsi %and3A_312, %shift_right_arithmetic3A_327 : i32
      %mul3A_329 = arith.constant 128 : i32
      %mul3A_330 = arith.muli %shift_right_arithmetic3A_328, %mul3A_329 : i32
      %add3A_331 = arith.addi %add3A_326, %mul3A_330 : i32
      %add3A_332 = vector.broadcast %add3A_331 : i32 to vector<16xi32>
      %add3A_333 = arith.addi %mul3A_7, %add3A_332 : vector<16xi32>
      %gather3A = tpu.vector_load_idx %arg4[%add3A_333] : memref<32768xf32, #tpu.memory_space<vmem>>[vector<16xi32>], vector<16xf32>,
      %add3A_334 = arith.constant 1 : i32
      %add3A_335 = vector.broadcast %add3A_334 : i32 to vector<16xi32>
      %add3A_336 = arith.addi %add3A_333, %add3A_335 : vector<16xi32>
      %gather3A_337 = tpu.vector_load_idx %arg4[%add3A_336] : memref<32768xf32, #tpu.memory_space<vmem>>[vector<16xi32>], vector<16xf32>,
      %add3A_338 = arith.constant 2 : i32
      %add3A_339 = vector.broadcast %add3A_338 : i32 to vector<16xi32>
      %add3A_340 = arith.addi %add3A_333, %add3A_339 : vector<16xi32>
      %gather3A_341 = tpu.vector_load_idx %arg4[%add3A_340] : memref<32768xf32, #tpu.memory_space<vmem>>[vector<16xi32>], vector<16xf32>,
      %add3A_342 = arith.constant 3 : i32
      %add3A_343 = vector.broadcast %add3A_342 : i32 to vector<16xi32>
      %add3A_344 = arith.addi %add3A_333, %add3A_343 : vector<16xi32>
      %gather3A_345 = tpu.vector_load_idx %arg4[%add3A_344] : memref<32768xf32, #tpu.memory_space<vmem>>[vector<16xi32>], vector<16xf32>,
      %add3A_346 = arith.addf %gather3A, %gather3A_337 : vector<16xf32>
      %add3A_347 = arith.addf %gather3A_341, %gather3A_345 : vector<16xf32>
      %add3A_348 = arith.addf %add3A_346, %add3A_347 : vector<16xf32>
      %mul3A_349 = arith.constant 16 : i32
      %mul3A_350 = arith.muli %scan3A_309, %mul3A_349 : i32
      %swap3A = arith.index_cast %mul3A_350 : i32 to index
      %swap3A_351 = tpu.vector_load %arg6[%swap3A] {strides = array<i32>} : memref<8192xf32, #tpu.memory_space<vmem>>, vector<16xf32>,
      tpu.vector_store %arg6[%swap3A], %add3A_348 {strides = array<i32>} : memref<8192xf32, #tpu.memory_space<vmem>>, vector<16xf32>,
      %scan3A_352 = arith.constant 0 : i32
      %scan3A_353 = arith.constant 1 : i32
      %scan3A_354 = arith.addi %scan3A_309, %scan3A_353 : i32
      %shift_right_arithmetic3A_355 = arith.constant 6 : i32
      %shift_right_arithmetic3A_356 = arith.shrsi %scan3A_354, %shift_right_arithmetic3A_355 : i32
      %and3A_357 = arith.constant 63 : i32
      %and3A_358 = arith.andi %scan3A_354, %and3A_357 : i32
      %mul3A_359 = arith.constant 4096 : i32
      %mul3A_360 = arith.muli %shift_right_arithmetic3A_356, %mul3A_359 : i32
      %and3A_361 = arith.constant 1 : i32
      %and3A_362 = arith.andi %and3A_358, %and3A_361 : i32
      %mul3A_363 = arith.constant 64 : i32
      %mul3A_364 = arith.muli %and3A_362, %mul3A_363 : i32
      %add3A_365 = arith.addi %mul3A_360, %mul3A_364 : i32
      %shift_right_arithmetic3A_366 = arith.constant 1 : i32
      %shift_right_arithmetic3A_367 = arith.shrsi %and3A_358, %shift_right_arithmetic3A_366 : i32
      %and3A_368 = arith.constant 3 : i32
      %and3A_369 = arith.andi %shift_right_arithmetic3A_367, %and3A_368 : i32
      %mul3A_370 = arith.constant 1024 : i32
      %mul3A_371 = arith.muli %and3A_369, %mul3A_370 : i32
      %add3A_372 = arith.addi %add3A_365, %mul3A_371 : i32
      %shift_right_arithmetic3A_373 = arith.constant 3 : i32
      %shift_right_arithmetic3A_374 = arith.shrsi %and3A_358, %shift_right_arithmetic3A_373 : i32
      %mul3A_375 = arith.constant 128 : i32
      %mul3A_376 = arith.muli %shift_right_arithmetic3A_374, %mul3A_375 : i32
      %add3A_377 = arith.addi %add3A_372, %mul3A_376 : i32
      %add3A_378 = vector.broadcast %add3A_377 : i32 to vector<16xi32>
      %add3A_379 = arith.addi %mul3A_7, %add3A_378 : vector<16xi32>
      %gather3A_380 = tpu.vector_load_idx %arg4[%add3A_379] : memref<32768xf32, #tpu.memory_space<vmem>>[vector<16xi32>], vector<16xf32>,
      %add3A_381 = arith.constant 1 : i32
      %add3A_382 = vector.broadcast %add3A_381 : i32 to vector<16xi32>
      %add3A_383 = arith.addi %add3A_379, %add3A_382 : vector<16xi32>
      %gather3A_384 = tpu.vector_load_idx %arg4[%add3A_383] : memref<32768xf32, #tpu.memory_space<vmem>>[vector<16xi32>], vector<16xf32>,
      %add3A_385 = arith.constant 2 : i32
      %add3A_386 = vector.broadcast %add3A_385 : i32 to vector<16xi32>
      %add3A_387 = arith.addi %add3A_379, %add3A_386 : vector<16xi32>
      %gather3A_388 = tpu.vector_load_idx %arg4[%add3A_387] : memref<32768xf32, #tpu.memory_space<vmem>>[vector<16xi32>], vector<16xf32>,
      %add3A_389 = arith.constant 3 : i32
      %add3A_390 = vector.broadcast %add3A_389 : i32 to vector<16xi32>
      %add3A_391 = arith.addi %add3A_379, %add3A_390 : vector<16xi32>
      %gather3A_392 = tpu.vector_load_idx %arg4[%add3A_391] : memref<32768xf32, #tpu.memory_space<vmem>>[vector<16xi32>], vector<16xf32>,
      %add3A_393 = arith.addf %gather3A_380, %gather3A_384 : vector<16xf32>
      %add3A_394 = arith.addf %gather3A_388, %gather3A_392 : vector<16xf32>
      %add3A_395 = arith.addf %add3A_393, %add3A_394 : vector<16xf32>
      %mul3A_396 = arith.constant 16 : i32
      %mul3A_397 = arith.muli %scan3A_354, %mul3A_396 : i32
      %swap3A_398 = arith.index_cast %mul3A_397 : i32 to index
      %swap3A_399 = tpu.vector_load %arg6[%swap3A_398] {strides = array<i32>} : memref<8192xf32, #tpu.memory_space<vmem>>, vector<16xf32>,
      tpu.vector_store %arg6[%swap3A_398], %add3A_395 {strides = array<i32>} : memref<8192xf32, #tpu.memory_space<vmem>>, vector<16xf32>,
      %scan3A_400 = arith.constant 0 : i32
      %scan3A_401 = arith.constant 2 : i32
      %scan3A_402 = arith.addi %scan3A_309, %scan3A_401 : i32
      %shift_right_arithmetic3A_403 = arith.constant 6 : i32
      %shift_right_arithmetic3A_404 = arith.shrsi %scan3A_402, %shift_right_arithmetic3A_403 : i32
      %and3A_405 = arith.constant 63 : i32
      %and3A_406 = arith.andi %scan3A_402, %and3A_405 : i32
      %mul3A_407 = arith.constant 4096 : i32
      %mul3A_408 = arith.muli %shift_right_arithmetic3A_404, %mul3A_407 : i32
      %and3A_409 = arith.constant 1 : i32
      %and3A_410 = arith.andi %and3A_406, %and3A_409 : i32
      %mul3A_411 = arith.constant 64 : i32
      %mul3A_412 = arith.muli %and3A_410, %mul3A_411 : i32
      %add3A_413 = arith.addi %mul3A_408, %mul3A_412 : i32
      %shift_right_arithmetic3A_414 = arith.constant 1 : i32
      %shift_right_arithmetic3A_415 = arith.shrsi %and3A_406, %shift_right_arithmetic3A_414 : i32
      %and3A_416 = arith.constant 3 : i32
      %and3A_417 = arith.andi %shift_right_arithmetic3A_415, %and3A_416 : i32
      %mul3A_418 = arith.constant 1024 : i32
      %mul3A_419 = arith.muli %and3A_417, %mul3A_418 : i32
      %add3A_420 = arith.addi %add3A_413, %mul3A_419 : i32
      %shift_right_arithmetic3A_421 = arith.constant 3 : i32
      %shift_right_arithmetic3A_422 = arith.shrsi %and3A_406, %shift_right_arithmetic3A_421 : i32
      %mul3A_423 = arith.constant 128 : i32
      %mul3A_424 = arith.muli %shift_right_arithmetic3A_422, %mul3A_423 : i32
      %add3A_425 = arith.addi %add3A_420, %mul3A_424 : i32
      %add3A_426 = vector.broadcast %add3A_425 : i32 to vector<16xi32>
      %add3A_427 = arith.addi %mul3A_7, %add3A_426 : vector<16xi32>
      %gather3A_428 = tpu.vector_load_idx %arg4[%add3A_427] : memref<32768xf32, #tpu.memory_space<vmem>>[vector<16xi32>], vector<16xf32>,
      %add3A_429 = arith.constant 1 : i32
      %add3A_430 = vector.broadcast %add3A_429 : i32 to vector<16xi32>
      %add3A_431 = arith.addi %add3A_427, %add3A_430 : vector<16xi32>
      %gather3A_432 = tpu.vector_load_idx %arg4[%add3A_431] : memref<32768xf32, #tpu.memory_space<vmem>>[vector<16xi32>], vector<16xf32>,
      %add3A_433 = arith.constant 2 : i32
      %add3A_434 = vector.broadcast %add3A_433 : i32 to vector<16xi32>
      %add3A_435 = arith.addi %add3A_427, %add3A_434 : vector<16xi32>
      %gather3A_436 = tpu.vector_load_idx %arg4[%add3A_435] : memref<32768xf32, #tpu.memory_space<vmem>>[vector<16xi32>], vector<16xf32>,
      %add3A_437 = arith.constant 3 : i32
      %add3A_438 = vector.broadcast %add3A_437 : i32 to vector<16xi32>
      %add3A_439 = arith.addi %add3A_427, %add3A_438 : vector<16xi32>
      %gather3A_440 = tpu.vector_load_idx %arg4[%add3A_439] : memref<32768xf32, #tpu.memory_space<vmem>>[vector<16xi32>], vector<16xf32>,
      %add3A_441 = arith.addf %gather3A_428, %gather3A_432 : vector<16xf32>
      %add3A_442 = arith.addf %gather3A_436, %gather3A_440 : vector<16xf32>
      %add3A_443 = arith.addf %add3A_441, %add3A_442 : vector<16xf32>
      %mul3A_444 = arith.constant 16 : i32
      %mul3A_445 = arith.muli %scan3A_402, %mul3A_444 : i32
      %swap3A_446 = arith.index_cast %mul3A_445 : i32 to index
      %swap3A_447 = tpu.vector_load %arg6[%swap3A_446] {strides = array<i32>} : memref<8192xf32, #tpu.memory_space<vmem>>, vector<16xf32>,
      tpu.vector_store %arg6[%swap3A_446], %add3A_443 {strides = array<i32>} : memref<8192xf32, #tpu.memory_space<vmem>>, vector<16xf32>,
      %scan3A_448 = arith.constant 0 : i32
      %scan3A_449 = arith.constant 3 : i32
      %scan3A_450 = arith.addi %scan3A_309, %scan3A_449 : i32
      %shift_right_arithmetic3A_451 = arith.constant 6 : i32
      %shift_right_arithmetic3A_452 = arith.shrsi %scan3A_450, %shift_right_arithmetic3A_451 : i32
      %and3A_453 = arith.constant 63 : i32
      %and3A_454 = arith.andi %scan3A_450, %and3A_453 : i32
      %mul3A_455 = arith.constant 4096 : i32
      %mul3A_456 = arith.muli %shift_right_arithmetic3A_452, %mul3A_455 : i32
      %and3A_457 = arith.constant 1 : i32
      %and3A_458 = arith.andi %and3A_454, %and3A_457 : i32
      %mul3A_459 = arith.constant 64 : i32
      %mul3A_460 = arith.muli %and3A_458, %mul3A_459 : i32
      %add3A_461 = arith.addi %mul3A_456, %mul3A_460 : i32
      %shift_right_arithmetic3A_462 = arith.constant 1 : i32
      %shift_right_arithmetic3A_463 = arith.shrsi %and3A_454, %shift_right_arithmetic3A_462 : i32
      %and3A_464 = arith.constant 3 : i32
      %and3A_465 = arith.andi %shift_right_arithmetic3A_463, %and3A_464 : i32
      %mul3A_466 = arith.constant 1024 : i32
      %mul3A_467 = arith.muli %and3A_465, %mul3A_466 : i32
      %add3A_468 = arith.addi %add3A_461, %mul3A_467 : i32
      %shift_right_arithmetic3A_469 = arith.constant 3 : i32
      %shift_right_arithmetic3A_470 = arith.shrsi %and3A_454, %shift_right_arithmetic3A_469 : i32
      %mul3A_471 = arith.constant 128 : i32
      %mul3A_472 = arith.muli %shift_right_arithmetic3A_470, %mul3A_471 : i32
      %add3A_473 = arith.addi %add3A_468, %mul3A_472 : i32
      %add3A_474 = vector.broadcast %add3A_473 : i32 to vector<16xi32>
      %add3A_475 = arith.addi %mul3A_7, %add3A_474 : vector<16xi32>
      %gather3A_476 = tpu.vector_load_idx %arg4[%add3A_475] : memref<32768xf32, #tpu.memory_space<vmem>>[vector<16xi32>], vector<16xf32>,
      %add3A_477 = arith.constant 1 : i32
      %add3A_478 = vector.broadcast %add3A_477 : i32 to vector<16xi32>
      %add3A_479 = arith.addi %add3A_475, %add3A_478 : vector<16xi32>
      %gather3A_480 = tpu.vector_load_idx %arg4[%add3A_479] : memref<32768xf32, #tpu.memory_space<vmem>>[vector<16xi32>], vector<16xf32>,
      %add3A_481 = arith.constant 2 : i32
      %add3A_482 = vector.broadcast %add3A_481 : i32 to vector<16xi32>
      %add3A_483 = arith.addi %add3A_475, %add3A_482 : vector<16xi32>
      %gather3A_484 = tpu.vector_load_idx %arg4[%add3A_483] : memref<32768xf32, #tpu.memory_space<vmem>>[vector<16xi32>], vector<16xf32>,
      %add3A_485 = arith.constant 3 : i32
      %add3A_486 = vector.broadcast %add3A_485 : i32 to vector<16xi32>
      %add3A_487 = arith.addi %add3A_475, %add3A_486 : vector<16xi32>
      %gather3A_488 = tpu.vector_load_idx %arg4[%add3A_487] : memref<32768xf32, #tpu.memory_space<vmem>>[vector<16xi32>], vector<16xf32>,
      %add3A_489 = arith.addf %gather3A_476, %gather3A_480 : vector<16xf32>
      %add3A_490 = arith.addf %gather3A_484, %gather3A_488 : vector<16xf32>
      %add3A_491 = arith.addf %add3A_489, %add3A_490 : vector<16xf32>
      %mul3A_492 = arith.constant 16 : i32
      %mul3A_493 = arith.muli %scan3A_450, %mul3A_492 : i32
      %swap3A_494 = arith.index_cast %mul3A_493 : i32 to index
      %swap3A_495 = tpu.vector_load %arg6[%swap3A_494] {strides = array<i32>} : memref<8192xf32, #tpu.memory_space<vmem>>, vector<16xf32>,
      tpu.vector_store %arg6[%swap3A_494], %add3A_491 {strides = array<i32>} : memref<8192xf32, #tpu.memory_space<vmem>>, vector<16xf32>,
      %scan3A_496 = arith.constant 0 : i32
      scf.yield %scan3A_496 : i32
    }
    %scan3A_57 = arith.constant 512 : i32
    %add3A_58 = arith.constant 16384 : i32
    %add3A_59 = arith.addi %mul3A_4, %add3A_58 : i32
    %dma_start3A_60 = tpu.memref_slice %arg3[%add3A_59] : memref<4194304xf32, #tpu.memory_space<hbm>> -> memref<8192xf32, #tpu.memory_space<hbm>>
    %dma_start3A_61 = tpu.memref_slice %arg3[%add3A_59] : memref<4194304xf32, #tpu.memory_space<hbm>> -> memref<8192xf32, #tpu.memory_space<hbm>>
    tpu.enqueue_dma source(%arg6 : memref<8192xf32, #tpu.memory_space<vmem>>) target(%dma_start3A_61 : memref<8192xf32, #tpu.memory_space<hbm>>) target_semaphore(%arg10 : memref<!tpu.dma_semaphore, #tpu.memory_space<semaphore_mem>>)
    %add3A_62 = arith.constant 131072 : i32
    %add3A_63 = arith.addi %mul3A_2, %add3A_62 : i32
    %dma_start3A_64 = tpu.memref_slice %arg2[%add3A_63] : memref<16777216xf32, #tpu.memory_space<hbm>> -> memref<32768xf32, #tpu.memory_space<hbm>>
    %dma_start3A_65 = tpu.memref_slice %arg2[%add3A_63] : memref<16777216xf32, #tpu.memory_space<hbm>> -> memref<32768xf32, #tpu.memory_space<hbm>>
    tpu.enqueue_dma source(%dma_start3A_65 : memref<32768xf32, #tpu.memory_space<hbm>>) target(%arg4 : memref<32768xf32, #tpu.memory_space<vmem>>) target_semaphore(%arg8 : memref<!tpu.dma_semaphore, #tpu.memory_space<semaphore_mem>>)
    %dma_wait3A_66 = tpu.memref_slice %arg2[%add3A_44] : memref<16777216xf32, #tpu.memory_space<hbm>> -> memref<32768xf32, #tpu.memory_space<hbm>>
    %dma_wait3A_67 = tpu.memref_slice %arg2[%add3A_44] : memref<16777216xf32, #tpu.memory_space<hbm>> -> memref<32768xf32, #tpu.memory_space<hbm>>
    tpu.wait_dma2 semaphore(%arg9 : memref<!tpu.dma_semaphore, #tpu.memory_space<semaphore_mem>>) src(%dma_wait3A_67 : memref<32768xf32, #tpu.memory_space<hbm>>) dst(%arg5 : memref<32768xf32, #tpu.memory_space<vmem>>)
    %dma_wait3A_68 = tpu.memref_slice %arg3[%add3A_40] : memref<4194304xf32, #tpu.memory_space<hbm>> -> memref<8192xf32, #tpu.memory_space<hbm>>
    %dma_wait3A_69 = tpu.memref_slice %arg3[%add3A_40] : memref<4194304xf32, #tpu.memory_space<hbm>> -> memref<8192xf32, #tpu.memory_space<hbm>>
    tpu.wait_dma2 semaphore(%arg11 : memref<!tpu.dma_semaphore, #tpu.memory_space<semaphore_mem>>) src(%arg7 : memref<8192xf32, #tpu.memory_space<vmem>>) dst(%dma_wait3A_69 : memref<8192xf32, #tpu.memory_space<hbm>>)
    %scan3A_70 = arith.constant 0 : i32
    %scan3A_71 = arith.constant 0 : i32
    %scan3A_72 = arith.constant 512 : i32
    %scan3A_73 = arith.addi %scan3A_71, %scan3A_72 : i32
    %scan3A_74 = arith.constant 4 : i32
    %scan3A_75 = scf.for %scan3A_309 = %scan3A_71 to %scan3A_73 step %scan3A_74 iter_args(%scan3A_310 = %scan3A_70) -> (i32)  : i32 {
      %shift_right_arithmetic3A = arith.constant 6 : i32
      %shift_right_arithmetic3A_311 = arith.shrsi %scan3A_309, %shift_right_arithmetic3A : i32
      %and3A = arith.constant 63 : i32
      %and3A_312 = arith.andi %scan3A_309, %and3A : i32
      %mul3A_313 = arith.constant 4096 : i32
      %mul3A_314 = arith.muli %shift_right_arithmetic3A_311, %mul3A_313 : i32
      %and3A_315 = arith.constant 1 : i32
      %and3A_316 = arith.andi %and3A_312, %and3A_315 : i32
      %mul3A_317 = arith.constant 64 : i32
      %mul3A_318 = arith.muli %and3A_316, %mul3A_317 : i32
      %add3A_319 = arith.addi %mul3A_314, %mul3A_318 : i32
      %shift_right_arithmetic3A_320 = arith.constant 1 : i32
      %shift_right_arithmetic3A_321 = arith.shrsi %and3A_312, %shift_right_arithmetic3A_320 : i32
      %and3A_322 = arith.constant 3 : i32
      %and3A_323 = arith.andi %shift_right_arithmetic3A_321, %and3A_322 : i32
      %mul3A_324 = arith.constant 1024 : i32
      %mul3A_325 = arith.muli %and3A_323, %mul3A_324 : i32
      %add3A_326 = arith.addi %add3A_319, %mul3A_325 : i32
      %shift_right_arithmetic3A_327 = arith.constant 3 : i32
      %shift_right_arithmetic3A_328 = arith.shrsi %and3A_312, %shift_right_arithmetic3A_327 : i32
      %mul3A_329 = arith.constant 128 : i32
      %mul3A_330 = arith.muli %shift_right_arithmetic3A_328, %mul3A_329 : i32
      %add3A_331 = arith.addi %add3A_326, %mul3A_330 : i32
      %add3A_332 = vector.broadcast %add3A_331 : i32 to vector<16xi32>
      %add3A_333 = arith.addi %mul3A_7, %add3A_332 : vector<16xi32>
      %gather3A = tpu.vector_load_idx %arg5[%add3A_333] : memref<32768xf32, #tpu.memory_space<vmem>>[vector<16xi32>], vector<16xf32>,
      %add3A_334 = arith.constant 1 : i32
      %add3A_335 = vector.broadcast %add3A_334 : i32 to vector<16xi32>
      %add3A_336 = arith.addi %add3A_333, %add3A_335 : vector<16xi32>
      %gather3A_337 = tpu.vector_load_idx %arg5[%add3A_336] : memref<32768xf32, #tpu.memory_space<vmem>>[vector<16xi32>], vector<16xf32>,
      %add3A_338 = arith.constant 2 : i32
      %add3A_339 = vector.broadcast %add3A_338 : i32 to vector<16xi32>
      %add3A_340 = arith.addi %add3A_333, %add3A_339 : vector<16xi32>
      %gather3A_341 = tpu.vector_load_idx %arg5[%add3A_340] : memref<32768xf32, #tpu.memory_space<vmem>>[vector<16xi32>], vector<16xf32>,
      %add3A_342 = arith.constant 3 : i32
      %add3A_343 = vector.broadcast %add3A_342 : i32 to vector<16xi32>
      %add3A_344 = arith.addi %add3A_333, %add3A_343 : vector<16xi32>
      %gather3A_345 = tpu.vector_load_idx %arg5[%add3A_344] : memref<32768xf32, #tpu.memory_space<vmem>>[vector<16xi32>], vector<16xf32>,
      %add3A_346 = arith.addf %gather3A, %gather3A_337 : vector<16xf32>
      %add3A_347 = arith.addf %gather3A_341, %gather3A_345 : vector<16xf32>
      %add3A_348 = arith.addf %add3A_346, %add3A_347 : vector<16xf32>
      %mul3A_349 = arith.constant 16 : i32
      %mul3A_350 = arith.muli %scan3A_309, %mul3A_349 : i32
      %swap3A = arith.index_cast %mul3A_350 : i32 to index
      %swap3A_351 = tpu.vector_load %arg7[%swap3A] {strides = array<i32>} : memref<8192xf32, #tpu.memory_space<vmem>>, vector<16xf32>,
      tpu.vector_store %arg7[%swap3A], %add3A_348 {strides = array<i32>} : memref<8192xf32, #tpu.memory_space<vmem>>, vector<16xf32>,
      %scan3A_352 = arith.constant 0 : i32
      %scan3A_353 = arith.constant 1 : i32
      %scan3A_354 = arith.addi %scan3A_309, %scan3A_353 : i32
      %shift_right_arithmetic3A_355 = arith.constant 6 : i32
      %shift_right_arithmetic3A_356 = arith.shrsi %scan3A_354, %shift_right_arithmetic3A_355 : i32
      %and3A_357 = arith.constant 63 : i32
      %and3A_358 = arith.andi %scan3A_354, %and3A_357 : i32
      %mul3A_359 = arith.constant 4096 : i32
      %mul3A_360 = arith.muli %shift_right_arithmetic3A_356, %mul3A_359 : i32
      %and3A_361 = arith.constant 1 : i32
      %and3A_362 = arith.andi %and3A_358, %and3A_361 : i32
      %mul3A_363 = arith.constant 64 : i32
      %mul3A_364 = arith.muli %and3A_362, %mul3A_363 : i32
      %add3A_365 = arith.addi %mul3A_360, %mul3A_364 : i32
      %shift_right_arithmetic3A_366 = arith.constant 1 : i32
      %shift_right_arithmetic3A_367 = arith.shrsi %and3A_358, %shift_right_arithmetic3A_366 : i32
      %and3A_368 = arith.constant 3 : i32
      %and3A_369 = arith.andi %shift_right_arithmetic3A_367, %and3A_368 : i32
      %mul3A_370 = arith.constant 1024 : i32
      %mul3A_371 = arith.muli %and3A_369, %mul3A_370 : i32
      %add3A_372 = arith.addi %add3A_365, %mul3A_371 : i32
      %shift_right_arithmetic3A_373 = arith.constant 3 : i32
      %shift_right_arithmetic3A_374 = arith.shrsi %and3A_358, %shift_right_arithmetic3A_373 : i32
      %mul3A_375 = arith.constant 128 : i32
      %mul3A_376 = arith.muli %shift_right_arithmetic3A_374, %mul3A_375 : i32
      %add3A_377 = arith.addi %add3A_372, %mul3A_376 : i32
      %add3A_378 = vector.broadcast %add3A_377 : i32 to vector<16xi32>
      %add3A_379 = arith.addi %mul3A_7, %add3A_378 : vector<16xi32>
      %gather3A_380 = tpu.vector_load_idx %arg5[%add3A_379] : memref<32768xf32, #tpu.memory_space<vmem>>[vector<16xi32>], vector<16xf32>,
      %add3A_381 = arith.constant 1 : i32
      %add3A_382 = vector.broadcast %add3A_381 : i32 to vector<16xi32>
      %add3A_383 = arith.addi %add3A_379, %add3A_382 : vector<16xi32>
      %gather3A_384 = tpu.vector_load_idx %arg5[%add3A_383] : memref<32768xf32, #tpu.memory_space<vmem>>[vector<16xi32>], vector<16xf32>,
      %add3A_385 = arith.constant 2 : i32
      %add3A_386 = vector.broadcast %add3A_385 : i32 to vector<16xi32>
      %add3A_387 = arith.addi %add3A_379, %add3A_386 : vector<16xi32>
      %gather3A_388 = tpu.vector_load_idx %arg5[%add3A_387] : memref<32768xf32, #tpu.memory_space<vmem>>[vector<16xi32>], vector<16xf32>,
      %add3A_389 = arith.constant 3 : i32
      %add3A_390 = vector.broadcast %add3A_389 : i32 to vector<16xi32>
      %add3A_391 = arith.addi %add3A_379, %add3A_390 : vector<16xi32>
      %gather3A_392 = tpu.vector_load_idx %arg5[%add3A_391] : memref<32768xf32, #tpu.memory_space<vmem>>[vector<16xi32>], vector<16xf32>,
      %add3A_393 = arith.addf %gather3A_380, %gather3A_384 : vector<16xf32>
      %add3A_394 = arith.addf %gather3A_388, %gather3A_392 : vector<16xf32>
      %add3A_395 = arith.addf %add3A_393, %add3A_394 : vector<16xf32>
      %mul3A_396 = arith.constant 16 : i32
      %mul3A_397 = arith.muli %scan3A_354, %mul3A_396 : i32
      %swap3A_398 = arith.index_cast %mul3A_397 : i32 to index
      %swap3A_399 = tpu.vector_load %arg7[%swap3A_398] {strides = array<i32>} : memref<8192xf32, #tpu.memory_space<vmem>>, vector<16xf32>,
      tpu.vector_store %arg7[%swap3A_398], %add3A_395 {strides = array<i32>} : memref<8192xf32, #tpu.memory_space<vmem>>, vector<16xf32>,
      %scan3A_400 = arith.constant 0 : i32
      %scan3A_401 = arith.constant 2 : i32
      %scan3A_402 = arith.addi %scan3A_309, %scan3A_401 : i32
      %shift_right_arithmetic3A_403 = arith.constant 6 : i32
      %shift_right_arithmetic3A_404 = arith.shrsi %scan3A_402, %shift_right_arithmetic3A_403 : i32
      %and3A_405 = arith.constant 63 : i32
      %and3A_406 = arith.andi %scan3A_402, %and3A_405 : i32
      %mul3A_407 = arith.constant 4096 : i32
      %mul3A_408 = arith.muli %shift_right_arithmetic3A_404, %mul3A_407 : i32
      %and3A_409 = arith.constant 1 : i32
      %and3A_410 = arith.andi %and3A_406, %and3A_409 : i32
      %mul3A_411 = arith.constant 64 : i32
      %mul3A_412 = arith.muli %and3A_410, %mul3A_411 : i32
      %add3A_413 = arith.addi %mul3A_408, %mul3A_412 : i32
      %shift_right_arithmetic3A_414 = arith.constant 1 : i32
      %shift_right_arithmetic3A_415 = arith.shrsi %and3A_406, %shift_right_arithmetic3A_414 : i32
      %and3A_416 = arith.constant 3 : i32
      %and3A_417 = arith.andi %shift_right_arithmetic3A_415, %and3A_416 : i32
      %mul3A_418 = arith.constant 1024 : i32
      %mul3A_419 = arith.muli %and3A_417, %mul3A_418 : i32
      %add3A_420 = arith.addi %add3A_413, %mul3A_419 : i32
      %shift_right_arithmetic3A_421 = arith.constant 3 : i32
      %shift_right_arithmetic3A_422 = arith.shrsi %and3A_406, %shift_right_arithmetic3A_421 : i32
      %mul3A_423 = arith.constant 128 : i32
      %mul3A_424 = arith.muli %shift_right_arithmetic3A_422, %mul3A_423 : i32
      %add3A_425 = arith.addi %add3A_420, %mul3A_424 : i32
      %add3A_426 = vector.broadcast %add3A_425 : i32 to vector<16xi32>
      %add3A_427 = arith.addi %mul3A_7, %add3A_426 : vector<16xi32>
      %gather3A_428 = tpu.vector_load_idx %arg5[%add3A_427] : memref<32768xf32, #tpu.memory_space<vmem>>[vector<16xi32>], vector<16xf32>,
      %add3A_429 = arith.constant 1 : i32
      %add3A_430 = vector.broadcast %add3A_429 : i32 to vector<16xi32>
      %add3A_431 = arith.addi %add3A_427, %add3A_430 : vector<16xi32>
      %gather3A_432 = tpu.vector_load_idx %arg5[%add3A_431] : memref<32768xf32, #tpu.memory_space<vmem>>[vector<16xi32>], vector<16xf32>,
      %add3A_433 = arith.constant 2 : i32
      %add3A_434 = vector.broadcast %add3A_433 : i32 to vector<16xi32>
      %add3A_435 = arith.addi %add3A_427, %add3A_434 : vector<16xi32>
      %gather3A_436 = tpu.vector_load_idx %arg5[%add3A_435] : memref<32768xf32, #tpu.memory_space<vmem>>[vector<16xi32>], vector<16xf32>,
      %add3A_437 = arith.constant 3 : i32
      %add3A_438 = vector.broadcast %add3A_437 : i32 to vector<16xi32>
      %add3A_439 = arith.addi %add3A_427, %add3A_438 : vector<16xi32>
      %gather3A_440 = tpu.vector_load_idx %arg5[%add3A_439] : memref<32768xf32, #tpu.memory_space<vmem>>[vector<16xi32>], vector<16xf32>,
      %add3A_441 = arith.addf %gather3A_428, %gather3A_432 : vector<16xf32>
      %add3A_442 = arith.addf %gather3A_436, %gather3A_440 : vector<16xf32>
      %add3A_443 = arith.addf %add3A_441, %add3A_442 : vector<16xf32>
      %mul3A_444 = arith.constant 16 : i32
      %mul3A_445 = arith.muli %scan3A_402, %mul3A_444 : i32
      %swap3A_446 = arith.index_cast %mul3A_445 : i32 to index
      %swap3A_447 = tpu.vector_load %arg7[%swap3A_446] {strides = array<i32>} : memref<8192xf32, #tpu.memory_space<vmem>>, vector<16xf32>,
      tpu.vector_store %arg7[%swap3A_446], %add3A_443 {strides = array<i32>} : memref<8192xf32, #tpu.memory_space<vmem>>, vector<16xf32>,
      %scan3A_448 = arith.constant 0 : i32
      %scan3A_449 = arith.constant 3 : i32
      %scan3A_450 = arith.addi %scan3A_309, %scan3A_449 : i32
      %shift_right_arithmetic3A_451 = arith.constant 6 : i32
      %shift_right_arithmetic3A_452 = arith.shrsi %scan3A_450, %shift_right_arithmetic3A_451 : i32
      %and3A_453 = arith.constant 63 : i32
      %and3A_454 = arith.andi %scan3A_450, %and3A_453 : i32
      %mul3A_455 = arith.constant 4096 : i32
      %mul3A_456 = arith.muli %shift_right_arithmetic3A_452, %mul3A_455 : i32
      %and3A_457 = arith.constant 1 : i32
      %and3A_458 = arith.andi %and3A_454, %and3A_457 : i32
      %mul3A_459 = arith.constant 64 : i32
      %mul3A_460 = arith.muli %and3A_458, %mul3A_459 : i32
      %add3A_461 = arith.addi %mul3A_456, %mul3A_460 : i32
      %shift_right_arithmetic3A_462 = arith.constant 1 : i32
      %shift_right_arithmetic3A_463 = arith.shrsi %and3A_454, %shift_right_arithmetic3A_462 : i32
      %and3A_464 = arith.constant 3 : i32
      %and3A_465 = arith.andi %shift_right_arithmetic3A_463, %and3A_464 : i32
      %mul3A_466 = arith.constant 1024 : i32
      %mul3A_467 = arith.muli %and3A_465, %mul3A_466 : i32
      %add3A_468 = arith.addi %add3A_461, %mul3A_467 : i32
      %shift_right_arithmetic3A_469 = arith.constant 3 : i32
      %shift_right_arithmetic3A_470 = arith.shrsi %and3A_454, %shift_right_arithmetic3A_469 : i32
      %mul3A_471 = arith.constant 128 : i32
      %mul3A_472 = arith.muli %shift_right_arithmetic3A_470, %mul3A_471 : i32
      %add3A_473 = arith.addi %add3A_468, %mul3A_472 : i32
      %add3A_474 = vector.broadcast %add3A_473 : i32 to vector<16xi32>
      %add3A_475 = arith.addi %mul3A_7, %add3A_474 : vector<16xi32>
      %gather3A_476 = tpu.vector_load_idx %arg5[%add3A_475] : memref<32768xf32, #tpu.memory_space<vmem>>[vector<16xi32>], vector<16xf32>,
      %add3A_477 = arith.constant 1 : i32
      %add3A_478 = vector.broadcast %add3A_477 : i32 to vector<16xi32>
      %add3A_479 = arith.addi %add3A_475, %add3A_478 : vector<16xi32>
      %gather3A_480 = tpu.vector_load_idx %arg5[%add3A_479] : memref<32768xf32, #tpu.memory_space<vmem>>[vector<16xi32>], vector<16xf32>,
      %add3A_481 = arith.constant 2 : i32
      %add3A_482 = vector.broadcast %add3A_481 : i32 to vector<16xi32>
      %add3A_483 = arith.addi %add3A_475, %add3A_482 : vector<16xi32>
      %gather3A_484 = tpu.vector_load_idx %arg5[%add3A_483] : memref<32768xf32, #tpu.memory_space<vmem>>[vector<16xi32>], vector<16xf32>,
      %add3A_485 = arith.constant 3 : i32
      %add3A_486 = vector.broadcast %add3A_485 : i32 to vector<16xi32>
      %add3A_487 = arith.addi %add3A_475, %add3A_486 : vector<16xi32>
      %gather3A_488 = tpu.vector_load_idx %arg5[%add3A_487] : memref<32768xf32, #tpu.memory_space<vmem>>[vector<16xi32>], vector<16xf32>,
      %add3A_489 = arith.addf %gather3A_476, %gather3A_480 : vector<16xf32>
      %add3A_490 = arith.addf %gather3A_484, %gather3A_488 : vector<16xf32>
      %add3A_491 = arith.addf %add3A_489, %add3A_490 : vector<16xf32>
      %mul3A_492 = arith.constant 16 : i32
      %mul3A_493 = arith.muli %scan3A_450, %mul3A_492 : i32
      %swap3A_494 = arith.index_cast %mul3A_493 : i32 to index
      %swap3A_495 = tpu.vector_load %arg7[%swap3A_494] {strides = array<i32>} : memref<8192xf32, #tpu.memory_space<vmem>>, vector<16xf32>,
      tpu.vector_store %arg7[%swap3A_494], %add3A_491 {strides = array<i32>} : memref<8192xf32, #tpu.memory_space<vmem>>, vector<16xf32>,
      %scan3A_496 = arith.constant 0 : i32
      scf.yield %scan3A_496 : i32
    }
    %scan3A_76 = arith.constant 512 : i32
    %add3A_77 = arith.constant 24576 : i32
    %add3A_78 = arith.addi %mul3A_4, %add3A_77 : i32
    %dma_start3A_79 = tpu.memref_slice %arg3[%add3A_78] : memref<4194304xf32, #tpu.memory_space<hbm>> -> memref<8192xf32, #tpu.memory_space<hbm>>
    %dma_start3A_80 = tpu.memref_slice %arg3[%add3A_78] : memref<4194304xf32, #tpu.memory_space<hbm>> -> memref<8192xf32, #tpu.memory_space<hbm>>
    tpu.enqueue_dma source(%arg7 : memref<8192xf32, #tpu.memory_space<vmem>>) target(%dma_start3A_80 : memref<8192xf32, #tpu.memory_space<hbm>>) target_semaphore(%arg11 : memref<!tpu.dma_semaphore, #tpu.memory_space<semaphore_mem>>)
    %add3A_81 = arith.constant 163840 : i32
    %add3A_82 = arith.addi %mul3A_2, %add3A_81 : i32
    %dma_start3A_83 = tpu.memref_slice %arg2[%add3A_82] : memref<16777216xf32, #tpu.memory_space<hbm>> -> memref<32768xf32, #tpu.memory_space<hbm>>
    %dma_start3A_84 = tpu.memref_slice %arg2[%add3A_82] : memref<16777216xf32, #tpu.memory_space<hbm>> -> memref<32768xf32, #tpu.memory_space<hbm>>
    tpu.enqueue_dma source(%dma_start3A_84 : memref<32768xf32, #tpu.memory_space<hbm>>) target(%arg5 : memref<32768xf32, #tpu.memory_space<vmem>>) target_semaphore(%arg9 : memref<!tpu.dma_semaphore, #tpu.memory_space<semaphore_mem>>)
    %dma_wait3A_85 = tpu.memref_slice %arg2[%add3A_63] : memref<16777216xf32, #tpu.memory_space<hbm>> -> memref<32768xf32, #tpu.memory_space<hbm>>
    %dma_wait3A_86 = tpu.memref_slice %arg2[%add3A_63] : memref<16777216xf32, #tpu.memory_space<hbm>> -> memref<32768xf32, #tpu.memory_space<hbm>>
    tpu.wait_dma2 semaphore(%arg8 : memref<!tpu.dma_semaphore, #tpu.memory_space<semaphore_mem>>) src(%dma_wait3A_86 : memref<32768xf32, #tpu.memory_space<hbm>>) dst(%arg4 : memref<32768xf32, #tpu.memory_space<vmem>>)
    %dma_wait3A_87 = tpu.memref_slice %arg3[%add3A_59] : memref<4194304xf32, #tpu.memory_space<hbm>> -> memref<8192xf32, #tpu.memory_space<hbm>>
    %dma_wait3A_88 = tpu.memref_slice %arg3[%add3A_59] : memref<4194304xf32, #tpu.memory_space<hbm>> -> memref<8192xf32, #tpu.memory_space<hbm>>
    tpu.wait_dma2 semaphore(%arg10 : memref<!tpu.dma_semaphore, #tpu.memory_space<semaphore_mem>>) src(%arg6 : memref<8192xf32, #tpu.memory_space<vmem>>) dst(%dma_wait3A_88 : memref<8192xf32, #tpu.memory_space<hbm>>)
    %scan3A_89 = arith.constant 0 : i32
    %scan3A_90 = arith.constant 0 : i32
    %scan3A_91 = arith.constant 512 : i32
    %scan3A_92 = arith.addi %scan3A_90, %scan3A_91 : i32
    %scan3A_93 = arith.constant 4 : i32
    %scan3A_94 = scf.for %scan3A_309 = %scan3A_90 to %scan3A_92 step %scan3A_93 iter_args(%scan3A_310 = %scan3A_89) -> (i32)  : i32 {
      %shift_right_arithmetic3A = arith.constant 6 : i32
      %shift_right_arithmetic3A_311 = arith.shrsi %scan3A_309, %shift_right_arithmetic3A : i32
      %and3A = arith.constant 63 : i32
      %and3A_312 = arith.andi %scan3A_309, %and3A : i32
      %mul3A_313 = arith.constant 4096 : i32
      %mul3A_314 = arith.muli %shift_right_arithmetic3A_311, %mul3A_313 : i32
      %and3A_315 = arith.constant 1 : i32
      %and3A_316 = arith.andi %and3A_312, %and3A_315 : i32
      %mul3A_317 = arith.constant 64 : i32
      %mul3A_318 = arith.muli %and3A_316, %mul3A_317 : i32
      %add3A_319 = arith.addi %mul3A_314, %mul3A_318 : i32
      %shift_right_arithmetic3A_320 = arith.constant 1 : i32
      %shift_right_arithmetic3A_321 = arith.shrsi %and3A_312, %shift_right_arithmetic3A_320 : i32
      %and3A_322 = arith.constant 3 : i32
      %and3A_323 = arith.andi %shift_right_arithmetic3A_321, %and3A_322 : i32
      %mul3A_324 = arith.constant 1024 : i32
      %mul3A_325 = arith.muli %and3A_323, %mul3A_324 : i32
      %add3A_326 = arith.addi %add3A_319, %mul3A_325 : i32
      %shift_right_arithmetic3A_327 = arith.constant 3 : i32
      %shift_right_arithmetic3A_328 = arith.shrsi %and3A_312, %shift_right_arithmetic3A_327 : i32
      %mul3A_329 = arith.constant 128 : i32
      %mul3A_330 = arith.muli %shift_right_arithmetic3A_328, %mul3A_329 : i32
      %add3A_331 = arith.addi %add3A_326, %mul3A_330 : i32
      %add3A_332 = vector.broadcast %add3A_331 : i32 to vector<16xi32>
      %add3A_333 = arith.addi %mul3A_7, %add3A_332 : vector<16xi32>
      %gather3A = tpu.vector_load_idx %arg4[%add3A_333] : memref<32768xf32, #tpu.memory_space<vmem>>[vector<16xi32>], vector<16xf32>,
      %add3A_334 = arith.constant 1 : i32
      %add3A_335 = vector.broadcast %add3A_334 : i32 to vector<16xi32>
      %add3A_336 = arith.addi %add3A_333, %add3A_335 : vector<16xi32>
      %gather3A_337 = tpu.vector_load_idx %arg4[%add3A_336] : memref<32768xf32, #tpu.memory_space<vmem>>[vector<16xi32>], vector<16xf32>,
      %add3A_338 = arith.constant 2 : i32
      %add3A_339 = vector.broadcast %add3A_338 : i32 to vector<16xi32>
      %add3A_340 = arith.addi %add3A_333, %add3A_339 : vector<16xi32>
      %gather3A_341 = tpu.vector_load_idx %arg4[%add3A_340] : memref<32768xf32, #tpu.memory_space<vmem>>[vector<16xi32>], vector<16xf32>,
      %add3A_342 = arith.constant 3 : i32
      %add3A_343 = vector.broadcast %add3A_342 : i32 to vector<16xi32>
      %add3A_344 = arith.addi %add3A_333, %add3A_343 : vector<16xi32>
      %gather3A_345 = tpu.vector_load_idx %arg4[%add3A_344] : memref<32768xf32, #tpu.memory_space<vmem>>[vector<16xi32>], vector<16xf32>,
      %add3A_346 = arith.addf %gather3A, %gather3A_337 : vector<16xf32>
      %add3A_347 = arith.addf %gather3A_341, %gather3A_345 : vector<16xf32>
      %add3A_348 = arith.addf %add3A_346, %add3A_347 : vector<16xf32>
      %mul3A_349 = arith.constant 16 : i32
      %mul3A_350 = arith.muli %scan3A_309, %mul3A_349 : i32
      %swap3A = arith.index_cast %mul3A_350 : i32 to index
      %swap3A_351 = tpu.vector_load %arg6[%swap3A] {strides = array<i32>} : memref<8192xf32, #tpu.memory_space<vmem>>, vector<16xf32>,
      tpu.vector_store %arg6[%swap3A], %add3A_348 {strides = array<i32>} : memref<8192xf32, #tpu.memory_space<vmem>>, vector<16xf32>,
      %scan3A_352 = arith.constant 0 : i32
      %scan3A_353 = arith.constant 1 : i32
      %scan3A_354 = arith.addi %scan3A_309, %scan3A_353 : i32
      %shift_right_arithmetic3A_355 = arith.constant 6 : i32
      %shift_right_arithmetic3A_356 = arith.shrsi %scan3A_354, %shift_right_arithmetic3A_355 : i32
      %and3A_357 = arith.constant 63 : i32
      %and3A_358 = arith.andi %scan3A_354, %and3A_357 : i32
      %mul3A_359 = arith.constant 4096 : i32
      %mul3A_360 = arith.muli %shift_right_arithmetic3A_356, %mul3A_359 : i32
      %and3A_361 = arith.constant 1 : i32
      %and3A_362 = arith.andi %and3A_358, %and3A_361 : i32
      %mul3A_363 = arith.constant 64 : i32
      %mul3A_364 = arith.muli %and3A_362, %mul3A_363 : i32
      %add3A_365 = arith.addi %mul3A_360, %mul3A_364 : i32
      %shift_right_arithmetic3A_366 = arith.constant 1 : i32
      %shift_right_arithmetic3A_367 = arith.shrsi %and3A_358, %shift_right_arithmetic3A_366 : i32
      %and3A_368 = arith.constant 3 : i32
      %and3A_369 = arith.andi %shift_right_arithmetic3A_367, %and3A_368 : i32
      %mul3A_370 = arith.constant 1024 : i32
      %mul3A_371 = arith.muli %and3A_369, %mul3A_370 : i32
      %add3A_372 = arith.addi %add3A_365, %mul3A_371 : i32
      %shift_right_arithmetic3A_373 = arith.constant 3 : i32
      %shift_right_arithmetic3A_374 = arith.shrsi %and3A_358, %shift_right_arithmetic3A_373 : i32
      %mul3A_375 = arith.constant 128 : i32
      %mul3A_376 = arith.muli %shift_right_arithmetic3A_374, %mul3A_375 : i32
      %add3A_377 = arith.addi %add3A_372, %mul3A_376 : i32
      %add3A_378 = vector.broadcast %add3A_377 : i32 to vector<16xi32>
      %add3A_379 = arith.addi %mul3A_7, %add3A_378 : vector<16xi32>
      %gather3A_380 = tpu.vector_load_idx %arg4[%add3A_379] : memref<32768xf32, #tpu.memory_space<vmem>>[vector<16xi32>], vector<16xf32>,
      %add3A_381 = arith.constant 1 : i32
      %add3A_382 = vector.broadcast %add3A_381 : i32 to vector<16xi32>
      %add3A_383 = arith.addi %add3A_379, %add3A_382 : vector<16xi32>
      %gather3A_384 = tpu.vector_load_idx %arg4[%add3A_383] : memref<32768xf32, #tpu.memory_space<vmem>>[vector<16xi32>], vector<16xf32>,
      %add3A_385 = arith.constant 2 : i32
      %add3A_386 = vector.broadcast %add3A_385 : i32 to vector<16xi32>
      %add3A_387 = arith.addi %add3A_379, %add3A_386 : vector<16xi32>
      %gather3A_388 = tpu.vector_load_idx %arg4[%add3A_387] : memref<32768xf32, #tpu.memory_space<vmem>>[vector<16xi32>], vector<16xf32>,
      %add3A_389 = arith.constant 3 : i32
      %add3A_390 = vector.broadcast %add3A_389 : i32 to vector<16xi32>
      %add3A_391 = arith.addi %add3A_379, %add3A_390 : vector<16xi32>
      %gather3A_392 = tpu.vector_load_idx %arg4[%add3A_391] : memref<32768xf32, #tpu.memory_space<vmem>>[vector<16xi32>], vector<16xf32>,
      %add3A_393 = arith.addf %gather3A_380, %gather3A_384 : vector<16xf32>
      %add3A_394 = arith.addf %gather3A_388, %gather3A_392 : vector<16xf32>
      %add3A_395 = arith.addf %add3A_393, %add3A_394 : vector<16xf32>
      %mul3A_396 = arith.constant 16 : i32
      %mul3A_397 = arith.muli %scan3A_354, %mul3A_396 : i32
      %swap3A_398 = arith.index_cast %mul3A_397 : i32 to index
      %swap3A_399 = tpu.vector_load %arg6[%swap3A_398] {strides = array<i32>} : memref<8192xf32, #tpu.memory_space<vmem>>, vector<16xf32>,
      tpu.vector_store %arg6[%swap3A_398], %add3A_395 {strides = array<i32>} : memref<8192xf32, #tpu.memory_space<vmem>>, vector<16xf32>,
      %scan3A_400 = arith.constant 0 : i32
      %scan3A_401 = arith.constant 2 : i32
      %scan3A_402 = arith.addi %scan3A_309, %scan3A_401 : i32
      %shift_right_arithmetic3A_403 = arith.constant 6 : i32
      %shift_right_arithmetic3A_404 = arith.shrsi %scan3A_402, %shift_right_arithmetic3A_403 : i32
      %and3A_405 = arith.constant 63 : i32
      %and3A_406 = arith.andi %scan3A_402, %and3A_405 : i32
      %mul3A_407 = arith.constant 4096 : i32
      %mul3A_408 = arith.muli %shift_right_arithmetic3A_404, %mul3A_407 : i32
      %and3A_409 = arith.constant 1 : i32
      %and3A_410 = arith.andi %and3A_406, %and3A_409 : i32
      %mul3A_411 = arith.constant 64 : i32
      %mul3A_412 = arith.muli %and3A_410, %mul3A_411 : i32
      %add3A_413 = arith.addi %mul3A_408, %mul3A_412 : i32
      %shift_right_arithmetic3A_414 = arith.constant 1 : i32
      %shift_right_arithmetic3A_415 = arith.shrsi %and3A_406, %shift_right_arithmetic3A_414 : i32
      %and3A_416 = arith.constant 3 : i32
      %and3A_417 = arith.andi %shift_right_arithmetic3A_415, %and3A_416 : i32
      %mul3A_418 = arith.constant 1024 : i32
      %mul3A_419 = arith.muli %and3A_417, %mul3A_418 : i32
      %add3A_420 = arith.addi %add3A_413, %mul3A_419 : i32
      %shift_right_arithmetic3A_421 = arith.constant 3 : i32
      %shift_right_arithmetic3A_422 = arith.shrsi %and3A_406, %shift_right_arithmetic3A_421 : i32
      %mul3A_423 = arith.constant 128 : i32
      %mul3A_424 = arith.muli %shift_right_arithmetic3A_422, %mul3A_423 : i32
      %add3A_425 = arith.addi %add3A_420, %mul3A_424 : i32
      %add3A_426 = vector.broadcast %add3A_425 : i32 to vector<16xi32>
      %add3A_427 = arith.addi %mul3A_7, %add3A_426 : vector<16xi32>
      %gather3A_428 = tpu.vector_load_idx %arg4[%add3A_427] : memref<32768xf32, #tpu.memory_space<vmem>>[vector<16xi32>], vector<16xf32>,
      %add3A_429 = arith.constant 1 : i32
      %add3A_430 = vector.broadcast %add3A_429 : i32 to vector<16xi32>
      %add3A_431 = arith.addi %add3A_427, %add3A_430 : vector<16xi32>
      %gather3A_432 = tpu.vector_load_idx %arg4[%add3A_431] : memref<32768xf32, #tpu.memory_space<vmem>>[vector<16xi32>], vector<16xf32>,
      %add3A_433 = arith.constant 2 : i32
      %add3A_434 = vector.broadcast %add3A_433 : i32 to vector<16xi32>
      %add3A_435 = arith.addi %add3A_427, %add3A_434 : vector<16xi32>
      %gather3A_436 = tpu.vector_load_idx %arg4[%add3A_435] : memref<32768xf32, #tpu.memory_space<vmem>>[vector<16xi32>], vector<16xf32>,
      %add3A_437 = arith.constant 3 : i32
      %add3A_438 = vector.broadcast %add3A_437 : i32 to vector<16xi32>
      %add3A_439 = arith.addi %add3A_427, %add3A_438 : vector<16xi32>
      %gather3A_440 = tpu.vector_load_idx %arg4[%add3A_439] : memref<32768xf32, #tpu.memory_space<vmem>>[vector<16xi32>], vector<16xf32>,
      %add3A_441 = arith.addf %gather3A_428, %gather3A_432 : vector<16xf32>
      %add3A_442 = arith.addf %gather3A_436, %gather3A_440 : vector<16xf32>
      %add3A_443 = arith.addf %add3A_441, %add3A_442 : vector<16xf32>
      %mul3A_444 = arith.constant 16 : i32
      %mul3A_445 = arith.muli %scan3A_402, %mul3A_444 : i32
      %swap3A_446 = arith.index_cast %mul3A_445 : i32 to index
      %swap3A_447 = tpu.vector_load %arg6[%swap3A_446] {strides = array<i32>} : memref<8192xf32, #tpu.memory_space<vmem>>, vector<16xf32>,
      tpu.vector_store %arg6[%swap3A_446], %add3A_443 {strides = array<i32>} : memref<8192xf32, #tpu.memory_space<vmem>>, vector<16xf32>,
      %scan3A_448 = arith.constant 0 : i32
      %scan3A_449 = arith.constant 3 : i32
      %scan3A_450 = arith.addi %scan3A_309, %scan3A_449 : i32
      %shift_right_arithmetic3A_451 = arith.constant 6 : i32
      %shift_right_arithmetic3A_452 = arith.shrsi %scan3A_450, %shift_right_arithmetic3A_451 : i32
      %and3A_453 = arith.constant 63 : i32
      %and3A_454 = arith.andi %scan3A_450, %and3A_453 : i32
      %mul3A_455 = arith.constant 4096 : i32
      %mul3A_456 = arith.muli %shift_right_arithmetic3A_452, %mul3A_455 : i32
      %and3A_457 = arith.constant 1 : i32
      %and3A_458 = arith.andi %and3A_454, %and3A_457 : i32
      %mul3A_459 = arith.constant 64 : i32
      %mul3A_460 = arith.muli %and3A_458, %mul3A_459 : i32
      %add3A_461 = arith.addi %mul3A_456, %mul3A_460 : i32
      %shift_right_arithmetic3A_462 = arith.constant 1 : i32
      %shift_right_arithmetic3A_463 = arith.shrsi %and3A_454, %shift_right_arithmetic3A_462 : i32
      %and3A_464 = arith.constant 3 : i32
      %and3A_465 = arith.andi %shift_right_arithmetic3A_463, %and3A_464 : i32
      %mul3A_466 = arith.constant 1024 : i32
      %mul3A_467 = arith.muli %and3A_465, %mul3A_466 : i32
      %add3A_468 = arith.addi %add3A_461, %mul3A_467 : i32
      %shift_right_arithmetic3A_469 = arith.constant 3 : i32
      %shift_right_arithmetic3A_470 = arith.shrsi %and3A_454, %shift_right_arithmetic3A_469 : i32
      %mul3A_471 = arith.constant 128 : i32
      %mul3A_472 = arith.muli %shift_right_arithmetic3A_470, %mul3A_471 : i32
      %add3A_473 = arith.addi %add3A_468, %mul3A_472 : i32
      %add3A_474 = vector.broadcast %add3A_473 : i32 to vector<16xi32>
      %add3A_475 = arith.addi %mul3A_7, %add3A_474 : vector<16xi32>
      %gather3A_476 = tpu.vector_load_idx %arg4[%add3A_475] : memref<32768xf32, #tpu.memory_space<vmem>>[vector<16xi32>], vector<16xf32>,
      %add3A_477 = arith.constant 1 : i32
      %add3A_478 = vector.broadcast %add3A_477 : i32 to vector<16xi32>
      %add3A_479 = arith.addi %add3A_475, %add3A_478 : vector<16xi32>
      %gather3A_480 = tpu.vector_load_idx %arg4[%add3A_479] : memref<32768xf32, #tpu.memory_space<vmem>>[vector<16xi32>], vector<16xf32>,
      %add3A_481 = arith.constant 2 : i32
      %add3A_482 = vector.broadcast %add3A_481 : i32 to vector<16xi32>
      %add3A_483 = arith.addi %add3A_475, %add3A_482 : vector<16xi32>
      %gather3A_484 = tpu.vector_load_idx %arg4[%add3A_483] : memref<32768xf32, #tpu.memory_space<vmem>>[vector<16xi32>], vector<16xf32>,
      %add3A_485 = arith.constant 3 : i32
      %add3A_486 = vector.broadcast %add3A_485 : i32 to vector<16xi32>
      %add3A_487 = arith.addi %add3A_475, %add3A_486 : vector<16xi32>
      %gather3A_488 = tpu.vector_load_idx %arg4[%add3A_487] : memref<32768xf32, #tpu.memory_space<vmem>>[vector<16xi32>], vector<16xf32>,
      %add3A_489 = arith.addf %gather3A_476, %gather3A_480 : vector<16xf32>
      %add3A_490 = arith.addf %gather3A_484, %gather3A_488 : vector<16xf32>
      %add3A_491 = arith.addf %add3A_489, %add3A_490 : vector<16xf32>
      %mul3A_492 = arith.constant 16 : i32
      %mul3A_493 = arith.muli %scan3A_450, %mul3A_492 : i32
      %swap3A_494 = arith.index_cast %mul3A_493 : i32 to index
      %swap3A_495 = tpu.vector_load %arg6[%swap3A_494] {strides = array<i32>} : memref<8192xf32, #tpu.memory_space<vmem>>, vector<16xf32>,
      tpu.vector_store %arg6[%swap3A_494], %add3A_491 {strides = array<i32>} : memref<8192xf32, #tpu.memory_space<vmem>>, vector<16xf32>,
      %scan3A_496 = arith.constant 0 : i32
      scf.yield %scan3A_496 : i32
    }
    %scan3A_95 = arith.constant 512 : i32
    %add3A_96 = arith.constant 32768 : i32
    %add3A_97 = arith.addi %mul3A_4, %add3A_96 : i32
    %dma_start3A_98 = tpu.memref_slice %arg3[%add3A_97] : memref<4194304xf32, #tpu.memory_space<hbm>> -> memref<8192xf32, #tpu.memory_space<hbm>>
    %dma_start3A_99 = tpu.memref_slice %arg3[%add3A_97] : memref<4194304xf32, #tpu.memory_space<hbm>> -> memref<8192xf32, #tpu.memory_space<hbm>>
    tpu.enqueue_dma source(%arg6 : memref<8192xf32, #tpu.memory_space<vmem>>) target(%dma_start3A_99 : memref<8192xf32, #tpu.memory_space<hbm>>) target_semaphore(%arg10 : memref<!tpu.dma_semaphore, #tpu.memory_space<semaphore_mem>>)
    %add3A_100 = arith.constant 196608 : i32
    %add3A_101 = arith.addi %mul3A_2, %add3A_100 : i32
    %dma_start3A_102 = tpu.memref_slice %arg2[%add3A_101] : memref<16777216xf32, #tpu.memory_space<hbm>> -> memref<32768xf32, #tpu.memory_space<hbm>>
    %dma_start3A_103 = tpu.memref_slice %arg2[%add3A_101] : memref<16777216xf32, #tpu.memory_space<hbm>> -> memref<32768xf32, #tpu.memory_space<hbm>>
    tpu.enqueue_dma source(%dma_start3A_103 : memref<32768xf32, #tpu.memory_space<hbm>>) target(%arg4 : memref<32768xf32, #tpu.memory_space<vmem>>) target_semaphore(%arg8 : memref<!tpu.dma_semaphore, #tpu.memory_space<semaphore_mem>>)
    %dma_wait3A_104 = tpu.memref_slice %arg2[%add3A_82] : memref<16777216xf32, #tpu.memory_space<hbm>> -> memref<32768xf32, #tpu.memory_space<hbm>>
    %dma_wait3A_105 = tpu.memref_slice %arg2[%add3A_82] : memref<16777216xf32, #tpu.memory_space<hbm>> -> memref<32768xf32, #tpu.memory_space<hbm>>
    tpu.wait_dma2 semaphore(%arg9 : memref<!tpu.dma_semaphore, #tpu.memory_space<semaphore_mem>>) src(%dma_wait3A_105 : memref<32768xf32, #tpu.memory_space<hbm>>) dst(%arg5 : memref<32768xf32, #tpu.memory_space<vmem>>)
    %dma_wait3A_106 = tpu.memref_slice %arg3[%add3A_78] : memref<4194304xf32, #tpu.memory_space<hbm>> -> memref<8192xf32, #tpu.memory_space<hbm>>
    %dma_wait3A_107 = tpu.memref_slice %arg3[%add3A_78] : memref<4194304xf32, #tpu.memory_space<hbm>> -> memref<8192xf32, #tpu.memory_space<hbm>>
    tpu.wait_dma2 semaphore(%arg11 : memref<!tpu.dma_semaphore, #tpu.memory_space<semaphore_mem>>) src(%arg7 : memref<8192xf32, #tpu.memory_space<vmem>>) dst(%dma_wait3A_107 : memref<8192xf32, #tpu.memory_space<hbm>>)
    %scan3A_108 = arith.constant 0 : i32
    %scan3A_109 = arith.constant 0 : i32
    %scan3A_110 = arith.constant 512 : i32
    %scan3A_111 = arith.addi %scan3A_109, %scan3A_110 : i32
    %scan3A_112 = arith.constant 4 : i32
    %scan3A_113 = scf.for %scan3A_309 = %scan3A_109 to %scan3A_111 step %scan3A_112 iter_args(%scan3A_310 = %scan3A_108) -> (i32)  : i32 {
      %shift_right_arithmetic3A = arith.constant 6 : i32
      %shift_right_arithmetic3A_311 = arith.shrsi %scan3A_309, %shift_right_arithmetic3A : i32
      %and3A = arith.constant 63 : i32
      %and3A_312 = arith.andi %scan3A_309, %and3A : i32
      %mul3A_313 = arith.constant 4096 : i32
      %mul3A_314 = arith.muli %shift_right_arithmetic3A_311, %mul3A_313 : i32
      %and3A_315 = arith.constant 1 : i32
      %and3A_316 = arith.andi %and3A_312, %and3A_315 : i32
      %mul3A_317 = arith.constant 64 : i32
      %mul3A_318 = arith.muli %and3A_316, %mul3A_317 : i32
      %add3A_319 = arith.addi %mul3A_314, %mul3A_318 : i32
      %shift_right_arithmetic3A_320 = arith.constant 1 : i32
      %shift_right_arithmetic3A_321 = arith.shrsi %and3A_312, %shift_right_arithmetic3A_320 : i32
      %and3A_322 = arith.constant 3 : i32
      %and3A_323 = arith.andi %shift_right_arithmetic3A_321, %and3A_322 : i32
      %mul3A_324 = arith.constant 1024 : i32
      %mul3A_325 = arith.muli %and3A_323, %mul3A_324 : i32
      %add3A_326 = arith.addi %add3A_319, %mul3A_325 : i32
      %shift_right_arithmetic3A_327 = arith.constant 3 : i32
      %shift_right_arithmetic3A_328 = arith.shrsi %and3A_312, %shift_right_arithmetic3A_327 : i32
      %mul3A_329 = arith.constant 128 : i32
      %mul3A_330 = arith.muli %shift_right_arithmetic3A_328, %mul3A_329 : i32
      %add3A_331 = arith.addi %add3A_326, %mul3A_330 : i32
      %add3A_332 = vector.broadcast %add3A_331 : i32 to vector<16xi32>
      %add3A_333 = arith.addi %mul3A_7, %add3A_332 : vector<16xi32>
      %gather3A = tpu.vector_load_idx %arg5[%add3A_333] : memref<32768xf32, #tpu.memory_space<vmem>>[vector<16xi32>], vector<16xf32>,
      %add3A_334 = arith.constant 1 : i32
      %add3A_335 = vector.broadcast %add3A_334 : i32 to vector<16xi32>
      %add3A_336 = arith.addi %add3A_333, %add3A_335 : vector<16xi32>
      %gather3A_337 = tpu.vector_load_idx %arg5[%add3A_336] : memref<32768xf32, #tpu.memory_space<vmem>>[vector<16xi32>], vector<16xf32>,
      %add3A_338 = arith.constant 2 : i32
      %add3A_339 = vector.broadcast %add3A_338 : i32 to vector<16xi32>
      %add3A_340 = arith.addi %add3A_333, %add3A_339 : vector<16xi32>
      %gather3A_341 = tpu.vector_load_idx %arg5[%add3A_340] : memref<32768xf32, #tpu.memory_space<vmem>>[vector<16xi32>], vector<16xf32>,
      %add3A_342 = arith.constant 3 : i32
      %add3A_343 = vector.broadcast %add3A_342 : i32 to vector<16xi32>
      %add3A_344 = arith.addi %add3A_333, %add3A_343 : vector<16xi32>
      %gather3A_345 = tpu.vector_load_idx %arg5[%add3A_344] : memref<32768xf32, #tpu.memory_space<vmem>>[vector<16xi32>], vector<16xf32>,
      %add3A_346 = arith.addf %gather3A, %gather3A_337 : vector<16xf32>
      %add3A_347 = arith.addf %gather3A_341, %gather3A_345 : vector<16xf32>
      %add3A_348 = arith.addf %add3A_346, %add3A_347 : vector<16xf32>
      %mul3A_349 = arith.constant 16 : i32
      %mul3A_350 = arith.muli %scan3A_309, %mul3A_349 : i32
      %swap3A = arith.index_cast %mul3A_350 : i32 to index
      %swap3A_351 = tpu.vector_load %arg7[%swap3A] {strides = array<i32>} : memref<8192xf32, #tpu.memory_space<vmem>>, vector<16xf32>,
      tpu.vector_store %arg7[%swap3A], %add3A_348 {strides = array<i32>} : memref<8192xf32, #tpu.memory_space<vmem>>, vector<16xf32>,
      %scan3A_352 = arith.constant 0 : i32
      %scan3A_353 = arith.constant 1 : i32
      %scan3A_354 = arith.addi %scan3A_309, %scan3A_353 : i32
      %shift_right_arithmetic3A_355 = arith.constant 6 : i32
      %shift_right_arithmetic3A_356 = arith.shrsi %scan3A_354, %shift_right_arithmetic3A_355 : i32
      %and3A_357 = arith.constant 63 : i32
      %and3A_358 = arith.andi %scan3A_354, %and3A_357 : i32
      %mul3A_359 = arith.constant 4096 : i32
      %mul3A_360 = arith.muli %shift_right_arithmetic3A_356, %mul3A_359 : i32
      %and3A_361 = arith.constant 1 : i32
      %and3A_362 = arith.andi %and3A_358, %and3A_361 : i32
      %mul3A_363 = arith.constant 64 : i32
      %mul3A_364 = arith.muli %and3A_362, %mul3A_363 : i32
      %add3A_365 = arith.addi %mul3A_360, %mul3A_364 : i32
      %shift_right_arithmetic3A_366 = arith.constant 1 : i32
      %shift_right_arithmetic3A_367 = arith.shrsi %and3A_358, %shift_right_arithmetic3A_366 : i32
      %and3A_368 = arith.constant 3 : i32
      %and3A_369 = arith.andi %shift_right_arithmetic3A_367, %and3A_368 : i32
      %mul3A_370 = arith.constant 1024 : i32
      %mul3A_371 = arith.muli %and3A_369, %mul3A_370 : i32
      %add3A_372 = arith.addi %add3A_365, %mul3A_371 : i32
      %shift_right_arithmetic3A_373 = arith.constant 3 : i32
      %shift_right_arithmetic3A_374 = arith.shrsi %and3A_358, %shift_right_arithmetic3A_373 : i32
      %mul3A_375 = arith.constant 128 : i32
      %mul3A_376 = arith.muli %shift_right_arithmetic3A_374, %mul3A_375 : i32
      %add3A_377 = arith.addi %add3A_372, %mul3A_376 : i32
      %add3A_378 = vector.broadcast %add3A_377 : i32 to vector<16xi32>
      %add3A_379 = arith.addi %mul3A_7, %add3A_378 : vector<16xi32>
      %gather3A_380 = tpu.vector_load_idx %arg5[%add3A_379] : memref<32768xf32, #tpu.memory_space<vmem>>[vector<16xi32>], vector<16xf32>,
      %add3A_381 = arith.constant 1 : i32
      %add3A_382 = vector.broadcast %add3A_381 : i32 to vector<16xi32>
      %add3A_383 = arith.addi %add3A_379, %add3A_382 : vector<16xi32>
      %gather3A_384 = tpu.vector_load_idx %arg5[%add3A_383] : memref<32768xf32, #tpu.memory_space<vmem>>[vector<16xi32>], vector<16xf32>,
      %add3A_385 = arith.constant 2 : i32
      %add3A_386 = vector.broadcast %add3A_385 : i32 to vector<16xi32>
      %add3A_387 = arith.addi %add3A_379, %add3A_386 : vector<16xi32>
      %gather3A_388 = tpu.vector_load_idx %arg5[%add3A_387] : memref<32768xf32, #tpu.memory_space<vmem>>[vector<16xi32>], vector<16xf32>,
      %add3A_389 = arith.constant 3 : i32
      %add3A_390 = vector.broadcast %add3A_389 : i32 to vector<16xi32>
      %add3A_391 = arith.addi %add3A_379, %add3A_390 : vector<16xi32>
      %gather3A_392 = tpu.vector_load_idx %arg5[%add3A_391] : memref<32768xf32, #tpu.memory_space<vmem>>[vector<16xi32>], vector<16xf32>,
      %add3A_393 = arith.addf %gather3A_380, %gather3A_384 : vector<16xf32>
      %add3A_394 = arith.addf %gather3A_388, %gather3A_392 : vector<16xf32>
      %add3A_395 = arith.addf %add3A_393, %add3A_394 : vector<16xf32>
      %mul3A_396 = arith.constant 16 : i32
      %mul3A_397 = arith.muli %scan3A_354, %mul3A_396 : i32
      %swap3A_398 = arith.index_cast %mul3A_397 : i32 to index
      %swap3A_399 = tpu.vector_load %arg7[%swap3A_398] {strides = array<i32>} : memref<8192xf32, #tpu.memory_space<vmem>>, vector<16xf32>,
      tpu.vector_store %arg7[%swap3A_398], %add3A_395 {strides = array<i32>} : memref<8192xf32, #tpu.memory_space<vmem>>, vector<16xf32>,
      %scan3A_400 = arith.constant 0 : i32
      %scan3A_401 = arith.constant 2 : i32
      %scan3A_402 = arith.addi %scan3A_309, %scan3A_401 : i32
      %shift_right_arithmetic3A_403 = arith.constant 6 : i32
      %shift_right_arithmetic3A_404 = arith.shrsi %scan3A_402, %shift_right_arithmetic3A_403 : i32
      %and3A_405 = arith.constant 63 : i32
      %and3A_406 = arith.andi %scan3A_402, %and3A_405 : i32
      %mul3A_407 = arith.constant 4096 : i32
      %mul3A_408 = arith.muli %shift_right_arithmetic3A_404, %mul3A_407 : i32
      %and3A_409 = arith.constant 1 : i32
      %and3A_410 = arith.andi %and3A_406, %and3A_409 : i32
      %mul3A_411 = arith.constant 64 : i32
      %mul3A_412 = arith.muli %and3A_410, %mul3A_411 : i32
      %add3A_413 = arith.addi %mul3A_408, %mul3A_412 : i32
      %shift_right_arithmetic3A_414 = arith.constant 1 : i32
      %shift_right_arithmetic3A_415 = arith.shrsi %and3A_406, %shift_right_arithmetic3A_414 : i32
      %and3A_416 = arith.constant 3 : i32
      %and3A_417 = arith.andi %shift_right_arithmetic3A_415, %and3A_416 : i32
      %mul3A_418 = arith.constant 1024 : i32
      %mul3A_419 = arith.muli %and3A_417, %mul3A_418 : i32
      %add3A_420 = arith.addi %add3A_413, %mul3A_419 : i32
      %shift_right_arithmetic3A_421 = arith.constant 3 : i32
      %shift_right_arithmetic3A_422 = arith.shrsi %and3A_406, %shift_right_arithmetic3A_421 : i32
      %mul3A_423 = arith.constant 128 : i32
      %mul3A_424 = arith.muli %shift_right_arithmetic3A_422, %mul3A_423 : i32
      %add3A_425 = arith.addi %add3A_420, %mul3A_424 : i32
      %add3A_426 = vector.broadcast %add3A_425 : i32 to vector<16xi32>
      %add3A_427 = arith.addi %mul3A_7, %add3A_426 : vector<16xi32>
      %gather3A_428 = tpu.vector_load_idx %arg5[%add3A_427] : memref<32768xf32, #tpu.memory_space<vmem>>[vector<16xi32>], vector<16xf32>,
      %add3A_429 = arith.constant 1 : i32
      %add3A_430 = vector.broadcast %add3A_429 : i32 to vector<16xi32>
      %add3A_431 = arith.addi %add3A_427, %add3A_430 : vector<16xi32>
      %gather3A_432 = tpu.vector_load_idx %arg5[%add3A_431] : memref<32768xf32, #tpu.memory_space<vmem>>[vector<16xi32>], vector<16xf32>,
      %add3A_433 = arith.constant 2 : i32
      %add3A_434 = vector.broadcast %add3A_433 : i32 to vector<16xi32>
      %add3A_435 = arith.addi %add3A_427, %add3A_434 : vector<16xi32>
      %gather3A_436 = tpu.vector_load_idx %arg5[%add3A_435] : memref<32768xf32, #tpu.memory_space<vmem>>[vector<16xi32>], vector<16xf32>,
      %add3A_437 = arith.constant 3 : i32
      %add3A_438 = vector.broadcast %add3A_437 : i32 to vector<16xi32>
      %add3A_439 = arith.addi %add3A_427, %add3A_438 : vector<16xi32>
      %gather3A_440 = tpu.vector_load_idx %arg5[%add3A_439] : memref<32768xf32, #tpu.memory_space<vmem>>[vector<16xi32>], vector<16xf32>,
      %add3A_441 = arith.addf %gather3A_428, %gather3A_432 : vector<16xf32>
      %add3A_442 = arith.addf %gather3A_436, %gather3A_440 : vector<16xf32>
      %add3A_443 = arith.addf %add3A_441, %add3A_442 : vector<16xf32>
      %mul3A_444 = arith.constant 16 : i32
      %mul3A_445 = arith.muli %scan3A_402, %mul3A_444 : i32
      %swap3A_446 = arith.index_cast %mul3A_445 : i32 to index
      %swap3A_447 = tpu.vector_load %arg7[%swap3A_446] {strides = array<i32>} : memref<8192xf32, #tpu.memory_space<vmem>>, vector<16xf32>,
      tpu.vector_store %arg7[%swap3A_446], %add3A_443 {strides = array<i32>} : memref<8192xf32, #tpu.memory_space<vmem>>, vector<16xf32>,
      %scan3A_448 = arith.constant 0 : i32
      %scan3A_449 = arith.constant 3 : i32
      %scan3A_450 = arith.addi %scan3A_309, %scan3A_449 : i32
      %shift_right_arithmetic3A_451 = arith.constant 6 : i32
      %shift_right_arithmetic3A_452 = arith.shrsi %scan3A_450, %shift_right_arithmetic3A_451 : i32
      %and3A_453 = arith.constant 63 : i32
      %and3A_454 = arith.andi %scan3A_450, %and3A_453 : i32
      %mul3A_455 = arith.constant 4096 : i32
      %mul3A_456 = arith.muli %shift_right_arithmetic3A_452, %mul3A_455 : i32
      %and3A_457 = arith.constant 1 : i32
      %and3A_458 = arith.andi %and3A_454, %and3A_457 : i32
      %mul3A_459 = arith.constant 64 : i32
      %mul3A_460 = arith.muli %and3A_458, %mul3A_459 : i32
      %add3A_461 = arith.addi %mul3A_456, %mul3A_460 : i32
      %shift_right_arithmetic3A_462 = arith.constant 1 : i32
      %shift_right_arithmetic3A_463 = arith.shrsi %and3A_454, %shift_right_arithmetic3A_462 : i32
      %and3A_464 = arith.constant 3 : i32
      %and3A_465 = arith.andi %shift_right_arithmetic3A_463, %and3A_464 : i32
      %mul3A_466 = arith.constant 1024 : i32
      %mul3A_467 = arith.muli %and3A_465, %mul3A_466 : i32
      %add3A_468 = arith.addi %add3A_461, %mul3A_467 : i32
      %shift_right_arithmetic3A_469 = arith.constant 3 : i32
      %shift_right_arithmetic3A_470 = arith.shrsi %and3A_454, %shift_right_arithmetic3A_469 : i32
      %mul3A_471 = arith.constant 128 : i32
      %mul3A_472 = arith.muli %shift_right_arithmetic3A_470, %mul3A_471 : i32
      %add3A_473 = arith.addi %add3A_468, %mul3A_472 : i32
      %add3A_474 = vector.broadcast %add3A_473 : i32 to vector<16xi32>
      %add3A_475 = arith.addi %mul3A_7, %add3A_474 : vector<16xi32>
      %gather3A_476 = tpu.vector_load_idx %arg5[%add3A_475] : memref<32768xf32, #tpu.memory_space<vmem>>[vector<16xi32>], vector<16xf32>,
      %add3A_477 = arith.constant 1 : i32
      %add3A_478 = vector.broadcast %add3A_477 : i32 to vector<16xi32>
      %add3A_479 = arith.addi %add3A_475, %add3A_478 : vector<16xi32>
      %gather3A_480 = tpu.vector_load_idx %arg5[%add3A_479] : memref<32768xf32, #tpu.memory_space<vmem>>[vector<16xi32>], vector<16xf32>,
      %add3A_481 = arith.constant 2 : i32
      %add3A_482 = vector.broadcast %add3A_481 : i32 to vector<16xi32>
      %add3A_483 = arith.addi %add3A_475, %add3A_482 : vector<16xi32>
      %gather3A_484 = tpu.vector_load_idx %arg5[%add3A_483] : memref<32768xf32, #tpu.memory_space<vmem>>[vector<16xi32>], vector<16xf32>,
      %add3A_485 = arith.constant 3 : i32
      %add3A_486 = vector.broadcast %add3A_485 : i32 to vector<16xi32>
      %add3A_487 = arith.addi %add3A_475, %add3A_486 : vector<16xi32>
      %gather3A_488 = tpu.vector_load_idx %arg5[%add3A_487] : memref<32768xf32, #tpu.memory_space<vmem>>[vector<16xi32>], vector<16xf32>,
      %add3A_489 = arith.addf %gather3A_476, %gather3A_480 : vector<16xf32>
      %add3A_490 = arith.addf %gather3A_484, %gather3A_488 : vector<16xf32>
      %add3A_491 = arith.addf %add3A_489, %add3A_490 : vector<16xf32>
      %mul3A_492 = arith.constant 16 : i32
      %mul3A_493 = arith.muli %scan3A_450, %mul3A_492 : i32
      %swap3A_494 = arith.index_cast %mul3A_493 : i32 to index
      %swap3A_495 = tpu.vector_load %arg7[%swap3A_494] {strides = array<i32>} : memref<8192xf32, #tpu.memory_space<vmem>>, vector<16xf32>,
      tpu.vector_store %arg7[%swap3A_494], %add3A_491 {strides = array<i32>} : memref<8192xf32, #tpu.memory_space<vmem>>, vector<16xf32>,
      %scan3A_496 = arith.constant 0 : i32
      scf.yield %scan3A_496 : i32
    }
    %scan3A_114 = arith.constant 512 : i32
    %add3A_115 = arith.constant 40960 : i32
    %add3A_116 = arith.addi %mul3A_4, %add3A_115 : i32
    %dma_start3A_117 = tpu.memref_slice %arg3[%add3A_116] : memref<4194304xf32, #tpu.memory_space<hbm>> -> memref<8192xf32, #tpu.memory_space<hbm>>
    %dma_start3A_118 = tpu.memref_slice %arg3[%add3A_116] : memref<4194304xf32, #tpu.memory_space<hbm>> -> memref<8192xf32, #tpu.memory_space<hbm>>
    tpu.enqueue_dma source(%arg7 : memref<8192xf32, #tpu.memory_space<vmem>>) target(%dma_start3A_118 : memref<8192xf32, #tpu.memory_space<hbm>>) target_semaphore(%arg11 : memref<!tpu.dma_semaphore, #tpu.memory_space<semaphore_mem>>)
    %add3A_119 = arith.constant 229376 : i32
    %add3A_120 = arith.addi %mul3A_2, %add3A_119 : i32
    %dma_start3A_121 = tpu.memref_slice %arg2[%add3A_120] : memref<16777216xf32, #tpu.memory_space<hbm>> -> memref<32768xf32, #tpu.memory_space<hbm>>
    %dma_start3A_122 = tpu.memref_slice %arg2[%add3A_120] : memref<16777216xf32, #tpu.memory_space<hbm>> -> memref<32768xf32, #tpu.memory_space<hbm>>
    tpu.enqueue_dma source(%dma_start3A_122 : memref<32768xf32, #tpu.memory_space<hbm>>) target(%arg5 : memref<32768xf32, #tpu.memory_space<vmem>>) target_semaphore(%arg9 : memref<!tpu.dma_semaphore, #tpu.memory_space<semaphore_mem>>)
    %dma_wait3A_123 = tpu.memref_slice %arg2[%add3A_101] : memref<16777216xf32, #tpu.memory_space<hbm>> -> memref<32768xf32, #tpu.memory_space<hbm>>
    %dma_wait3A_124 = tpu.memref_slice %arg2[%add3A_101] : memref<16777216xf32, #tpu.memory_space<hbm>> -> memref<32768xf32, #tpu.memory_space<hbm>>
    tpu.wait_dma2 semaphore(%arg8 : memref<!tpu.dma_semaphore, #tpu.memory_space<semaphore_mem>>) src(%dma_wait3A_124 : memref<32768xf32, #tpu.memory_space<hbm>>) dst(%arg4 : memref<32768xf32, #tpu.memory_space<vmem>>)
    %dma_wait3A_125 = tpu.memref_slice %arg3[%add3A_97] : memref<4194304xf32, #tpu.memory_space<hbm>> -> memref<8192xf32, #tpu.memory_space<hbm>>
    %dma_wait3A_126 = tpu.memref_slice %arg3[%add3A_97] : memref<4194304xf32, #tpu.memory_space<hbm>> -> memref<8192xf32, #tpu.memory_space<hbm>>
    tpu.wait_dma2 semaphore(%arg10 : memref<!tpu.dma_semaphore, #tpu.memory_space<semaphore_mem>>) src(%arg6 : memref<8192xf32, #tpu.memory_space<vmem>>) dst(%dma_wait3A_126 : memref<8192xf32, #tpu.memory_space<hbm>>)
    %scan3A_127 = arith.constant 0 : i32
    %scan3A_128 = arith.constant 0 : i32
    %scan3A_129 = arith.constant 512 : i32
    %scan3A_130 = arith.addi %scan3A_128, %scan3A_129 : i32
    %scan3A_131 = arith.constant 4 : i32
    %scan3A_132 = scf.for %scan3A_309 = %scan3A_128 to %scan3A_130 step %scan3A_131 iter_args(%scan3A_310 = %scan3A_127) -> (i32)  : i32 {
      %shift_right_arithmetic3A = arith.constant 6 : i32
      %shift_right_arithmetic3A_311 = arith.shrsi %scan3A_309, %shift_right_arithmetic3A : i32
      %and3A = arith.constant 63 : i32
      %and3A_312 = arith.andi %scan3A_309, %and3A : i32
      %mul3A_313 = arith.constant 4096 : i32
      %mul3A_314 = arith.muli %shift_right_arithmetic3A_311, %mul3A_313 : i32
      %and3A_315 = arith.constant 1 : i32
      %and3A_316 = arith.andi %and3A_312, %and3A_315 : i32
      %mul3A_317 = arith.constant 64 : i32
      %mul3A_318 = arith.muli %and3A_316, %mul3A_317 : i32
      %add3A_319 = arith.addi %mul3A_314, %mul3A_318 : i32
      %shift_right_arithmetic3A_320 = arith.constant 1 : i32
      %shift_right_arithmetic3A_321 = arith.shrsi %and3A_312, %shift_right_arithmetic3A_320 : i32
      %and3A_322 = arith.constant 3 : i32
      %and3A_323 = arith.andi %shift_right_arithmetic3A_321, %and3A_322 : i32
      %mul3A_324 = arith.constant 1024 : i32
      %mul3A_325 = arith.muli %and3A_323, %mul3A_324 : i32
      %add3A_326 = arith.addi %add3A_319, %mul3A_325 : i32
      %shift_right_arithmetic3A_327 = arith.constant 3 : i32
      %shift_right_arithmetic3A_328 = arith.shrsi %and3A_312, %shift_right_arithmetic3A_327 : i32
      %mul3A_329 = arith.constant 128 : i32
      %mul3A_330 = arith.muli %shift_right_arithmetic3A_328, %mul3A_329 : i32
      %add3A_331 = arith.addi %add3A_326, %mul3A_330 : i32
      %add3A_332 = vector.broadcast %add3A_331 : i32 to vector<16xi32>
      %add3A_333 = arith.addi %mul3A_7, %add3A_332 : vector<16xi32>
      %gather3A = tpu.vector_load_idx %arg4[%add3A_333] : memref<32768xf32, #tpu.memory_space<vmem>>[vector<16xi32>], vector<16xf32>,
      %add3A_334 = arith.constant 1 : i32
      %add3A_335 = vector.broadcast %add3A_334 : i32 to vector<16xi32>
      %add3A_336 = arith.addi %add3A_333, %add3A_335 : vector<16xi32>
      %gather3A_337 = tpu.vector_load_idx %arg4[%add3A_336] : memref<32768xf32, #tpu.memory_space<vmem>>[vector<16xi32>], vector<16xf32>,
      %add3A_338 = arith.constant 2 : i32
      %add3A_339 = vector.broadcast %add3A_338 : i32 to vector<16xi32>
      %add3A_340 = arith.addi %add3A_333, %add3A_339 : vector<16xi32>
      %gather3A_341 = tpu.vector_load_idx %arg4[%add3A_340] : memref<32768xf32, #tpu.memory_space<vmem>>[vector<16xi32>], vector<16xf32>,
      %add3A_342 = arith.constant 3 : i32
      %add3A_343 = vector.broadcast %add3A_342 : i32 to vector<16xi32>
      %add3A_344 = arith.addi %add3A_333, %add3A_343 : vector<16xi32>
      %gather3A_345 = tpu.vector_load_idx %arg4[%add3A_344] : memref<32768xf32, #tpu.memory_space<vmem>>[vector<16xi32>], vector<16xf32>,
      %add3A_346 = arith.addf %gather3A, %gather3A_337 : vector<16xf32>
      %add3A_347 = arith.addf %gather3A_341, %gather3A_345 : vector<16xf32>
      %add3A_348 = arith.addf %add3A_346, %add3A_347 : vector<16xf32>
      %mul3A_349 = arith.constant 16 : i32
      %mul3A_350 = arith.muli %scan3A_309, %mul3A_349 : i32
      %swap3A = arith.index_cast %mul3A_350 : i32 to index
      %swap3A_351 = tpu.vector_load %arg6[%swap3A] {strides = array<i32>} : memref<8192xf32, #tpu.memory_space<vmem>>, vector<16xf32>,
      tpu.vector_store %arg6[%swap3A], %add3A_348 {strides = array<i32>} : memref<8192xf32, #tpu.memory_space<vmem>>, vector<16xf32>,
      %scan3A_352 = arith.constant 0 : i32
      %scan3A_353 = arith.constant 1 : i32
      %scan3A_354 = arith.addi %scan3A_309, %scan3A_353 : i32
      %shift_right_arithmetic3A_355 = arith.constant 6 : i32
      %shift_right_arithmetic3A_356 = arith.shrsi %scan3A_354, %shift_right_arithmetic3A_355 : i32
      %and3A_357 = arith.constant 63 : i32
      %and3A_358 = arith.andi %scan3A_354, %and3A_357 : i32
      %mul3A_359 = arith.constant 4096 : i32
      %mul3A_360 = arith.muli %shift_right_arithmetic3A_356, %mul3A_359 : i32
      %and3A_361 = arith.constant 1 : i32
      %and3A_362 = arith.andi %and3A_358, %and3A_361 : i32
      %mul3A_363 = arith.constant 64 : i32
      %mul3A_364 = arith.muli %and3A_362, %mul3A_363 : i32
      %add3A_365 = arith.addi %mul3A_360, %mul3A_364 : i32
      %shift_right_arithmetic3A_366 = arith.constant 1 : i32
      %shift_right_arithmetic3A_367 = arith.shrsi %and3A_358, %shift_right_arithmetic3A_366 : i32
      %and3A_368 = arith.constant 3 : i32
      %and3A_369 = arith.andi %shift_right_arithmetic3A_367, %and3A_368 : i32
      %mul3A_370 = arith.constant 1024 : i32
      %mul3A_371 = arith.muli %and3A_369, %mul3A_370 : i32
      %add3A_372 = arith.addi %add3A_365, %mul3A_371 : i32
      %shift_right_arithmetic3A_373 = arith.constant 3 : i32
      %shift_right_arithmetic3A_374 = arith.shrsi %and3A_358, %shift_right_arithmetic3A_373 : i32
      %mul3A_375 = arith.constant 128 : i32
      %mul3A_376 = arith.muli %shift_right_arithmetic3A_374, %mul3A_375 : i32
      %add3A_377 = arith.addi %add3A_372, %mul3A_376 : i32
      %add3A_378 = vector.broadcast %add3A_377 : i32 to vector<16xi32>
      %add3A_379 = arith.addi %mul3A_7, %add3A_378 : vector<16xi32>
      %gather3A_380 = tpu.vector_load_idx %arg4[%add3A_379] : memref<32768xf32, #tpu.memory_space<vmem>>[vector<16xi32>], vector<16xf32>,
      %add3A_381 = arith.constant 1 : i32
      %add3A_382 = vector.broadcast %add3A_381 : i32 to vector<16xi32>
      %add3A_383 = arith.addi %add3A_379, %add3A_382 : vector<16xi32>
      %gather3A_384 = tpu.vector_load_idx %arg4[%add3A_383] : memref<32768xf32, #tpu.memory_space<vmem>>[vector<16xi32>], vector<16xf32>,
      %add3A_385 = arith.constant 2 : i32
      %add3A_386 = vector.broadcast %add3A_385 : i32 to vector<16xi32>
      %add3A_387 = arith.addi %add3A_379, %add3A_386 : vector<16xi32>
      %gather3A_388 = tpu.vector_load_idx %arg4[%add3A_387] : memref<32768xf32, #tpu.memory_space<vmem>>[vector<16xi32>], vector<16xf32>,
      %add3A_389 = arith.constant 3 : i32
      %add3A_390 = vector.broadcast %add3A_389 : i32 to vector<16xi32>
      %add3A_391 = arith.addi %add3A_379, %add3A_390 : vector<16xi32>
      %gather3A_392 = tpu.vector_load_idx %arg4[%add3A_391] : memref<32768xf32, #tpu.memory_space<vmem>>[vector<16xi32>], vector<16xf32>,
      %add3A_393 = arith.addf %gather3A_380, %gather3A_384 : vector<16xf32>
      %add3A_394 = arith.addf %gather3A_388, %gather3A_392 : vector<16xf32>
      %add3A_395 = arith.addf %add3A_393, %add3A_394 : vector<16xf32>
      %mul3A_396 = arith.constant 16 : i32
      %mul3A_397 = arith.muli %scan3A_354, %mul3A_396 : i32
      %swap3A_398 = arith.index_cast %mul3A_397 : i32 to index
      %swap3A_399 = tpu.vector_load %arg6[%swap3A_398] {strides = array<i32>} : memref<8192xf32, #tpu.memory_space<vmem>>, vector<16xf32>,
      tpu.vector_store %arg6[%swap3A_398], %add3A_395 {strides = array<i32>} : memref<8192xf32, #tpu.memory_space<vmem>>, vector<16xf32>,
      %scan3A_400 = arith.constant 0 : i32
      %scan3A_401 = arith.constant 2 : i32
      %scan3A_402 = arith.addi %scan3A_309, %scan3A_401 : i32
      %shift_right_arithmetic3A_403 = arith.constant 6 : i32
      %shift_right_arithmetic3A_404 = arith.shrsi %scan3A_402, %shift_right_arithmetic3A_403 : i32
      %and3A_405 = arith.constant 63 : i32
      %and3A_406 = arith.andi %scan3A_402, %and3A_405 : i32
      %mul3A_407 = arith.constant 4096 : i32
      %mul3A_408 = arith.muli %shift_right_arithmetic3A_404, %mul3A_407 : i32
      %and3A_409 = arith.constant 1 : i32
      %and3A_410 = arith.andi %and3A_406, %and3A_409 : i32
      %mul3A_411 = arith.constant 64 : i32
      %mul3A_412 = arith.muli %and3A_410, %mul3A_411 : i32
      %add3A_413 = arith.addi %mul3A_408, %mul3A_412 : i32
      %shift_right_arithmetic3A_414 = arith.constant 1 : i32
      %shift_right_arithmetic3A_415 = arith.shrsi %and3A_406, %shift_right_arithmetic3A_414 : i32
      %and3A_416 = arith.constant 3 : i32
      %and3A_417 = arith.andi %shift_right_arithmetic3A_415, %and3A_416 : i32
      %mul3A_418 = arith.constant 1024 : i32
      %mul3A_419 = arith.muli %and3A_417, %mul3A_418 : i32
      %add3A_420 = arith.addi %add3A_413, %mul3A_419 : i32
      %shift_right_arithmetic3A_421 = arith.constant 3 : i32
      %shift_right_arithmetic3A_422 = arith.shrsi %and3A_406, %shift_right_arithmetic3A_421 : i32
      %mul3A_423 = arith.constant 128 : i32
      %mul3A_424 = arith.muli %shift_right_arithmetic3A_422, %mul3A_423 : i32
      %add3A_425 = arith.addi %add3A_420, %mul3A_424 : i32
      %add3A_426 = vector.broadcast %add3A_425 : i32 to vector<16xi32>
      %add3A_427 = arith.addi %mul3A_7, %add3A_426 : vector<16xi32>
      %gather3A_428 = tpu.vector_load_idx %arg4[%add3A_427] : memref<32768xf32, #tpu.memory_space<vmem>>[vector<16xi32>], vector<16xf32>,
      %add3A_429 = arith.constant 1 : i32
      %add3A_430 = vector.broadcast %add3A_429 : i32 to vector<16xi32>
      %add3A_431 = arith.addi %add3A_427, %add3A_430 : vector<16xi32>
      %gather3A_432 = tpu.vector_load_idx %arg4[%add3A_431] : memref<32768xf32, #tpu.memory_space<vmem>>[vector<16xi32>], vector<16xf32>,
      %add3A_433 = arith.constant 2 : i32
      %add3A_434 = vector.broadcast %add3A_433 : i32 to vector<16xi32>
      %add3A_435 = arith.addi %add3A_427, %add3A_434 : vector<16xi32>
      %gather3A_436 = tpu.vector_load_idx %arg4[%add3A_435] : memref<32768xf32, #tpu.memory_space<vmem>>[vector<16xi32>], vector<16xf32>,
      %add3A_437 = arith.constant 3 : i32
      %add3A_438 = vector.broadcast %add3A_437 : i32 to vector<16xi32>
      %add3A_439 = arith.addi %add3A_427, %add3A_438 : vector<16xi32>
      %gather3A_440 = tpu.vector_load_idx %arg4[%add3A_439] : memref<32768xf32, #tpu.memory_space<vmem>>[vector<16xi32>], vector<16xf32>,
      %add3A_441 = arith.addf %gather3A_428, %gather3A_432 : vector<16xf32>
      %add3A_442 = arith.addf %gather3A_436, %gather3A_440 : vector<16xf32>
      %add3A_443 = arith.addf %add3A_441, %add3A_442 : vector<16xf32>
      %mul3A_444 = arith.constant 16 : i32
      %mul3A_445 = arith.muli %scan3A_402, %mul3A_444 : i32
      %swap3A_446 = arith.index_cast %mul3A_445 : i32 to index
      %swap3A_447 = tpu.vector_load %arg6[%swap3A_446] {strides = array<i32>} : memref<8192xf32, #tpu.memory_space<vmem>>, vector<16xf32>,
      tpu.vector_store %arg6[%swap3A_446], %add3A_443 {strides = array<i32>} : memref<8192xf32, #tpu.memory_space<vmem>>, vector<16xf32>,
      %scan3A_448 = arith.constant 0 : i32
      %scan3A_449 = arith.constant 3 : i32
      %scan3A_450 = arith.addi %scan3A_309, %scan3A_449 : i32
      %shift_right_arithmetic3A_451 = arith.constant 6 : i32
      %shift_right_arithmetic3A_452 = arith.shrsi %scan3A_450, %shift_right_arithmetic3A_451 : i32
      %and3A_453 = arith.constant 63 : i32
      %and3A_454 = arith.andi %scan3A_450, %and3A_453 : i32
      %mul3A_455 = arith.constant 4096 : i32
      %mul3A_456 = arith.muli %shift_right_arithmetic3A_452, %mul3A_455 : i32
      %and3A_457 = arith.constant 1 : i32
      %and3A_458 = arith.andi %and3A_454, %and3A_457 : i32
      %mul3A_459 = arith.constant 64 : i32
      %mul3A_460 = arith.muli %and3A_458, %mul3A_459 : i32
      %add3A_461 = arith.addi %mul3A_456, %mul3A_460 : i32
      %shift_right_arithmetic3A_462 = arith.constant 1 : i32
      %shift_right_arithmetic3A_463 = arith.shrsi %and3A_454, %shift_right_arithmetic3A_462 : i32
      %and3A_464 = arith.constant 3 : i32
      %and3A_465 = arith.andi %shift_right_arithmetic3A_463, %and3A_464 : i32
      %mul3A_466 = arith.constant 1024 : i32
      %mul3A_467 = arith.muli %and3A_465, %mul3A_466 : i32
      %add3A_468 = arith.addi %add3A_461, %mul3A_467 : i32
      %shift_right_arithmetic3A_469 = arith.constant 3 : i32
      %shift_right_arithmetic3A_470 = arith.shrsi %and3A_454, %shift_right_arithmetic3A_469 : i32
      %mul3A_471 = arith.constant 128 : i32
      %mul3A_472 = arith.muli %shift_right_arithmetic3A_470, %mul3A_471 : i32
      %add3A_473 = arith.addi %add3A_468, %mul3A_472 : i32
      %add3A_474 = vector.broadcast %add3A_473 : i32 to vector<16xi32>
      %add3A_475 = arith.addi %mul3A_7, %add3A_474 : vector<16xi32>
      %gather3A_476 = tpu.vector_load_idx %arg4[%add3A_475] : memref<32768xf32, #tpu.memory_space<vmem>>[vector<16xi32>], vector<16xf32>,
      %add3A_477 = arith.constant 1 : i32
      %add3A_478 = vector.broadcast %add3A_477 : i32 to vector<16xi32>
      %add3A_479 = arith.addi %add3A_475, %add3A_478 : vector<16xi32>
      %gather3A_480 = tpu.vector_load_idx %arg4[%add3A_479] : memref<32768xf32, #tpu.memory_space<vmem>>[vector<16xi32>], vector<16xf32>,
      %add3A_481 = arith.constant 2 : i32
      %add3A_482 = vector.broadcast %add3A_481 : i32 to vector<16xi32>
      %add3A_483 = arith.addi %add3A_475, %add3A_482 : vector<16xi32>
      %gather3A_484 = tpu.vector_load_idx %arg4[%add3A_483] : memref<32768xf32, #tpu.memory_space<vmem>>[vector<16xi32>], vector<16xf32>,
      %add3A_485 = arith.constant 3 : i32
      %add3A_486 = vector.broadcast %add3A_485 : i32 to vector<16xi32>
      %add3A_487 = arith.addi %add3A_475, %add3A_486 : vector<16xi32>
      %gather3A_488 = tpu.vector_load_idx %arg4[%add3A_487] : memref<32768xf32, #tpu.memory_space<vmem>>[vector<16xi32>], vector<16xf32>,
      %add3A_489 = arith.addf %gather3A_476, %gather3A_480 : vector<16xf32>
      %add3A_490 = arith.addf %gather3A_484, %gather3A_488 : vector<16xf32>
      %add3A_491 = arith.addf %add3A_489, %add3A_490 : vector<16xf32>
      %mul3A_492 = arith.constant 16 : i32
      %mul3A_493 = arith.muli %scan3A_450, %mul3A_492 : i32
      %swap3A_494 = arith.index_cast %mul3A_493 : i32 to index
      %swap3A_495 = tpu.vector_load %arg6[%swap3A_494] {strides = array<i32>} : memref<8192xf32, #tpu.memory_space<vmem>>, vector<16xf32>,
      tpu.vector_store %arg6[%swap3A_494], %add3A_491 {strides = array<i32>} : memref<8192xf32, #tpu.memory_space<vmem>>, vector<16xf32>,
      %scan3A_496 = arith.constant 0 : i32
      scf.yield %scan3A_496 : i32
    }
    %scan3A_133 = arith.constant 512 : i32
    %add3A_134 = arith.constant 49152 : i32
    %add3A_135 = arith.addi %mul3A_4, %add3A_134 : i32
    %dma_start3A_136 = tpu.memref_slice %arg3[%add3A_135] : memref<4194304xf32, #tpu.memory_space<hbm>> -> memref<8192xf32, #tpu.memory_space<hbm>>
    %dma_start3A_137 = tpu.memref_slice %arg3[%add3A_135] : memref<4194304xf32, #tpu.memory_space<hbm>> -> memref<8192xf32, #tpu.memory_space<hbm>>
    tpu.enqueue_dma source(%arg6 : memref<8192xf32, #tpu.memory_space<vmem>>) target(%dma_start3A_137 : memref<8192xf32, #tpu.memory_space<hbm>>) target_semaphore(%arg10 : memref<!tpu.dma_semaphore, #tpu.memory_space<semaphore_mem>>)
    %add3A_138 = arith.constant 262144 : i32
    %add3A_139 = arith.addi %mul3A_2, %add3A_138 : i32
    %dma_start3A_140 = tpu.memref_slice %arg2[%add3A_139] : memref<16777216xf32, #tpu.memory_space<hbm>> -> memref<32768xf32, #tpu.memory_space<hbm>>
    %dma_start3A_141 = tpu.memref_slice %arg2[%add3A_139] : memref<16777216xf32, #tpu.memory_space<hbm>> -> memref<32768xf32, #tpu.memory_space<hbm>>
    tpu.enqueue_dma source(%dma_start3A_141 : memref<32768xf32, #tpu.memory_space<hbm>>) target(%arg4 : memref<32768xf32, #tpu.memory_space<vmem>>) target_semaphore(%arg8 : memref<!tpu.dma_semaphore, #tpu.memory_space<semaphore_mem>>)
    %dma_wait3A_142 = tpu.memref_slice %arg2[%add3A_120] : memref<16777216xf32, #tpu.memory_space<hbm>> -> memref<32768xf32, #tpu.memory_space<hbm>>
    %dma_wait3A_143 = tpu.memref_slice %arg2[%add3A_120] : memref<16777216xf32, #tpu.memory_space<hbm>> -> memref<32768xf32, #tpu.memory_space<hbm>>
    tpu.wait_dma2 semaphore(%arg9 : memref<!tpu.dma_semaphore, #tpu.memory_space<semaphore_mem>>) src(%dma_wait3A_143 : memref<32768xf32, #tpu.memory_space<hbm>>) dst(%arg5 : memref<32768xf32, #tpu.memory_space<vmem>>)
    %dma_wait3A_144 = tpu.memref_slice %arg3[%add3A_116] : memref<4194304xf32, #tpu.memory_space<hbm>> -> memref<8192xf32, #tpu.memory_space<hbm>>
    %dma_wait3A_145 = tpu.memref_slice %arg3[%add3A_116] : memref<4194304xf32, #tpu.memory_space<hbm>> -> memref<8192xf32, #tpu.memory_space<hbm>>
    tpu.wait_dma2 semaphore(%arg11 : memref<!tpu.dma_semaphore, #tpu.memory_space<semaphore_mem>>) src(%arg7 : memref<8192xf32, #tpu.memory_space<vmem>>) dst(%dma_wait3A_145 : memref<8192xf32, #tpu.memory_space<hbm>>)
    %scan3A_146 = arith.constant 0 : i32
    %scan3A_147 = arith.constant 0 : i32
    %scan3A_148 = arith.constant 512 : i32
    %scan3A_149 = arith.addi %scan3A_147, %scan3A_148 : i32
    %scan3A_150 = arith.constant 4 : i32
    %scan3A_151 = scf.for %scan3A_309 = %scan3A_147 to %scan3A_149 step %scan3A_150 iter_args(%scan3A_310 = %scan3A_146) -> (i32)  : i32 {
      %shift_right_arithmetic3A = arith.constant 6 : i32
      %shift_right_arithmetic3A_311 = arith.shrsi %scan3A_309, %shift_right_arithmetic3A : i32
      %and3A = arith.constant 63 : i32
      %and3A_312 = arith.andi %scan3A_309, %and3A : i32
      %mul3A_313 = arith.constant 4096 : i32
      %mul3A_314 = arith.muli %shift_right_arithmetic3A_311, %mul3A_313 : i32
      %and3A_315 = arith.constant 1 : i32
      %and3A_316 = arith.andi %and3A_312, %and3A_315 : i32
      %mul3A_317 = arith.constant 64 : i32
      %mul3A_318 = arith.muli %and3A_316, %mul3A_317 : i32
      %add3A_319 = arith.addi %mul3A_314, %mul3A_318 : i32
      %shift_right_arithmetic3A_320 = arith.constant 1 : i32
      %shift_right_arithmetic3A_321 = arith.shrsi %and3A_312, %shift_right_arithmetic3A_320 : i32
      %and3A_322 = arith.constant 3 : i32
      %and3A_323 = arith.andi %shift_right_arithmetic3A_321, %and3A_322 : i32
      %mul3A_324 = arith.constant 1024 : i32
      %mul3A_325 = arith.muli %and3A_323, %mul3A_324 : i32
      %add3A_326 = arith.addi %add3A_319, %mul3A_325 : i32
      %shift_right_arithmetic3A_327 = arith.constant 3 : i32
      %shift_right_arithmetic3A_328 = arith.shrsi %and3A_312, %shift_right_arithmetic3A_327 : i32
      %mul3A_329 = arith.constant 128 : i32
      %mul3A_330 = arith.muli %shift_right_arithmetic3A_328, %mul3A_329 : i32
      %add3A_331 = arith.addi %add3A_326, %mul3A_330 : i32
      %add3A_332 = vector.broadcast %add3A_331 : i32 to vector<16xi32>
      %add3A_333 = arith.addi %mul3A_7, %add3A_332 : vector<16xi32>
      %gather3A = tpu.vector_load_idx %arg5[%add3A_333] : memref<32768xf32, #tpu.memory_space<vmem>>[vector<16xi32>], vector<16xf32>,
      %add3A_334 = arith.constant 1 : i32
      %add3A_335 = vector.broadcast %add3A_334 : i32 to vector<16xi32>
      %add3A_336 = arith.addi %add3A_333, %add3A_335 : vector<16xi32>
      %gather3A_337 = tpu.vector_load_idx %arg5[%add3A_336] : memref<32768xf32, #tpu.memory_space<vmem>>[vector<16xi32>], vector<16xf32>,
      %add3A_338 = arith.constant 2 : i32
      %add3A_339 = vector.broadcast %add3A_338 : i32 to vector<16xi32>
      %add3A_340 = arith.addi %add3A_333, %add3A_339 : vector<16xi32>
      %gather3A_341 = tpu.vector_load_idx %arg5[%add3A_340] : memref<32768xf32, #tpu.memory_space<vmem>>[vector<16xi32>], vector<16xf32>,
      %add3A_342 = arith.constant 3 : i32
      %add3A_343 = vector.broadcast %add3A_342 : i32 to vector<16xi32>
      %add3A_344 = arith.addi %add3A_333, %add3A_343 : vector<16xi32>
      %gather3A_345 = tpu.vector_load_idx %arg5[%add3A_344] : memref<32768xf32, #tpu.memory_space<vmem>>[vector<16xi32>], vector<16xf32>,
      %add3A_346 = arith.addf %gather3A, %gather3A_337 : vector<16xf32>
      %add3A_347 = arith.addf %gather3A_341, %gather3A_345 : vector<16xf32>
      %add3A_348 = arith.addf %add3A_346, %add3A_347 : vector<16xf32>
      %mul3A_349 = arith.constant 16 : i32
      %mul3A_350 = arith.muli %scan3A_309, %mul3A_349 : i32
      %swap3A = arith.index_cast %mul3A_350 : i32 to index
      %swap3A_351 = tpu.vector_load %arg7[%swap3A] {strides = array<i32>} : memref<8192xf32, #tpu.memory_space<vmem>>, vector<16xf32>,
      tpu.vector_store %arg7[%swap3A], %add3A_348 {strides = array<i32>} : memref<8192xf32, #tpu.memory_space<vmem>>, vector<16xf32>,
      %scan3A_352 = arith.constant 0 : i32
      %scan3A_353 = arith.constant 1 : i32
      %scan3A_354 = arith.addi %scan3A_309, %scan3A_353 : i32
      %shift_right_arithmetic3A_355 = arith.constant 6 : i32
      %shift_right_arithmetic3A_356 = arith.shrsi %scan3A_354, %shift_right_arithmetic3A_355 : i32
      %and3A_357 = arith.constant 63 : i32
      %and3A_358 = arith.andi %scan3A_354, %and3A_357 : i32
      %mul3A_359 = arith.constant 4096 : i32
      %mul3A_360 = arith.muli %shift_right_arithmetic3A_356, %mul3A_359 : i32
      %and3A_361 = arith.constant 1 : i32
      %and3A_362 = arith.andi %and3A_358, %and3A_361 : i32
      %mul3A_363 = arith.constant 64 : i32
      %mul3A_364 = arith.muli %and3A_362, %mul3A_363 : i32
      %add3A_365 = arith.addi %mul3A_360, %mul3A_364 : i32
      %shift_right_arithmetic3A_366 = arith.constant 1 : i32
      %shift_right_arithmetic3A_367 = arith.shrsi %and3A_358, %shift_right_arithmetic3A_366 : i32
      %and3A_368 = arith.constant 3 : i32
      %and3A_369 = arith.andi %shift_right_arithmetic3A_367, %and3A_368 : i32
      %mul3A_370 = arith.constant 1024 : i32
      %mul3A_371 = arith.muli %and3A_369, %mul3A_370 : i32
      %add3A_372 = arith.addi %add3A_365, %mul3A_371 : i32
      %shift_right_arithmetic3A_373 = arith.constant 3 : i32
      %shift_right_arithmetic3A_374 = arith.shrsi %and3A_358, %shift_right_arithmetic3A_373 : i32
      %mul3A_375 = arith.constant 128 : i32
      %mul3A_376 = arith.muli %shift_right_arithmetic3A_374, %mul3A_375 : i32
      %add3A_377 = arith.addi %add3A_372, %mul3A_376 : i32
      %add3A_378 = vector.broadcast %add3A_377 : i32 to vector<16xi32>
      %add3A_379 = arith.addi %mul3A_7, %add3A_378 : vector<16xi32>
      %gather3A_380 = tpu.vector_load_idx %arg5[%add3A_379] : memref<32768xf32, #tpu.memory_space<vmem>>[vector<16xi32>], vector<16xf32>,
      %add3A_381 = arith.constant 1 : i32
      %add3A_382 = vector.broadcast %add3A_381 : i32 to vector<16xi32>
      %add3A_383 = arith.addi %add3A_379, %add3A_382 : vector<16xi32>
      %gather3A_384 = tpu.vector_load_idx %arg5[%add3A_383] : memref<32768xf32, #tpu.memory_space<vmem>>[vector<16xi32>], vector<16xf32>,
      %add3A_385 = arith.constant 2 : i32
      %add3A_386 = vector.broadcast %add3A_385 : i32 to vector<16xi32>
      %add3A_387 = arith.addi %add3A_379, %add3A_386 : vector<16xi32>
      %gather3A_388 = tpu.vector_load_idx %arg5[%add3A_387] : memref<32768xf32, #tpu.memory_space<vmem>>[vector<16xi32>], vector<16xf32>,
      %add3A_389 = arith.constant 3 : i32
      %add3A_390 = vector.broadcast %add3A_389 : i32 to vector<16xi32>
      %add3A_391 = arith.addi %add3A_379, %add3A_390 : vector<16xi32>
      %gather3A_392 = tpu.vector_load_idx %arg5[%add3A_391] : memref<32768xf32, #tpu.memory_space<vmem>>[vector<16xi32>], vector<16xf32>,
      %add3A_393 = arith.addf %gather3A_380, %gather3A_384 : vector<16xf32>
      %add3A_394 = arith.addf %gather3A_388, %gather3A_392 : vector<16xf32>
      %add3A_395 = arith.addf %add3A_393, %add3A_394 : vector<16xf32>
      %mul3A_396 = arith.constant 16 : i32
      %mul3A_397 = arith.muli %scan3A_354, %mul3A_396 : i32
      %swap3A_398 = arith.index_cast %mul3A_397 : i32 to index
      %swap3A_399 = tpu.vector_load %arg7[%swap3A_398] {strides = array<i32>} : memref<8192xf32, #tpu.memory_space<vmem>>, vector<16xf32>,
      tpu.vector_store %arg7[%swap3A_398], %add3A_395 {strides = array<i32>} : memref<8192xf32, #tpu.memory_space<vmem>>, vector<16xf32>,
      %scan3A_400 = arith.constant 0 : i32
      %scan3A_401 = arith.constant 2 : i32
      %scan3A_402 = arith.addi %scan3A_309, %scan3A_401 : i32
      %shift_right_arithmetic3A_403 = arith.constant 6 : i32
      %shift_right_arithmetic3A_404 = arith.shrsi %scan3A_402, %shift_right_arithmetic3A_403 : i32
      %and3A_405 = arith.constant 63 : i32
      %and3A_406 = arith.andi %scan3A_402, %and3A_405 : i32
      %mul3A_407 = arith.constant 4096 : i32
      %mul3A_408 = arith.muli %shift_right_arithmetic3A_404, %mul3A_407 : i32
      %and3A_409 = arith.constant 1 : i32
      %and3A_410 = arith.andi %and3A_406, %and3A_409 : i32
      %mul3A_411 = arith.constant 64 : i32
      %mul3A_412 = arith.muli %and3A_410, %mul3A_411 : i32
      %add3A_413 = arith.addi %mul3A_408, %mul3A_412 : i32
      %shift_right_arithmetic3A_414 = arith.constant 1 : i32
      %shift_right_arithmetic3A_415 = arith.shrsi %and3A_406, %shift_right_arithmetic3A_414 : i32
      %and3A_416 = arith.constant 3 : i32
      %and3A_417 = arith.andi %shift_right_arithmetic3A_415, %and3A_416 : i32
      %mul3A_418 = arith.constant 1024 : i32
      %mul3A_419 = arith.muli %and3A_417, %mul3A_418 : i32
      %add3A_420 = arith.addi %add3A_413, %mul3A_419 : i32
      %shift_right_arithmetic3A_421 = arith.constant 3 : i32
      %shift_right_arithmetic3A_422 = arith.shrsi %and3A_406, %shift_right_arithmetic3A_421 : i32
      %mul3A_423 = arith.constant 128 : i32
      %mul3A_424 = arith.muli %shift_right_arithmetic3A_422, %mul3A_423 : i32
      %add3A_425 = arith.addi %add3A_420, %mul3A_424 : i32
      %add3A_426 = vector.broadcast %add3A_425 : i32 to vector<16xi32>
      %add3A_427 = arith.addi %mul3A_7, %add3A_426 : vector<16xi32>
      %gather3A_428 = tpu.vector_load_idx %arg5[%add3A_427] : memref<32768xf32, #tpu.memory_space<vmem>>[vector<16xi32>], vector<16xf32>,
      %add3A_429 = arith.constant 1 : i32
      %add3A_430 = vector.broadcast %add3A_429 : i32 to vector<16xi32>
      %add3A_431 = arith.addi %add3A_427, %add3A_430 : vector<16xi32>
      %gather3A_432 = tpu.vector_load_idx %arg5[%add3A_431] : memref<32768xf32, #tpu.memory_space<vmem>>[vector<16xi32>], vector<16xf32>,
      %add3A_433 = arith.constant 2 : i32
      %add3A_434 = vector.broadcast %add3A_433 : i32 to vector<16xi32>
      %add3A_435 = arith.addi %add3A_427, %add3A_434 : vector<16xi32>
      %gather3A_436 = tpu.vector_load_idx %arg5[%add3A_435] : memref<32768xf32, #tpu.memory_space<vmem>>[vector<16xi32>], vector<16xf32>,
      %add3A_437 = arith.constant 3 : i32
      %add3A_438 = vector.broadcast %add3A_437 : i32 to vector<16xi32>
      %add3A_439 = arith.addi %add3A_427, %add3A_438 : vector<16xi32>
      %gather3A_440 = tpu.vector_load_idx %arg5[%add3A_439] : memref<32768xf32, #tpu.memory_space<vmem>>[vector<16xi32>], vector<16xf32>,
      %add3A_441 = arith.addf %gather3A_428, %gather3A_432 : vector<16xf32>
      %add3A_442 = arith.addf %gather3A_436, %gather3A_440 : vector<16xf32>
      %add3A_443 = arith.addf %add3A_441, %add3A_442 : vector<16xf32>
      %mul3A_444 = arith.constant 16 : i32
      %mul3A_445 = arith.muli %scan3A_402, %mul3A_444 : i32
      %swap3A_446 = arith.index_cast %mul3A_445 : i32 to index
      %swap3A_447 = tpu.vector_load %arg7[%swap3A_446] {strides = array<i32>} : memref<8192xf32, #tpu.memory_space<vmem>>, vector<16xf32>,
      tpu.vector_store %arg7[%swap3A_446], %add3A_443 {strides = array<i32>} : memref<8192xf32, #tpu.memory_space<vmem>>, vector<16xf32>,
      %scan3A_448 = arith.constant 0 : i32
      %scan3A_449 = arith.constant 3 : i32
      %scan3A_450 = arith.addi %scan3A_309, %scan3A_449 : i32
      %shift_right_arithmetic3A_451 = arith.constant 6 : i32
      %shift_right_arithmetic3A_452 = arith.shrsi %scan3A_450, %shift_right_arithmetic3A_451 : i32
      %and3A_453 = arith.constant 63 : i32
      %and3A_454 = arith.andi %scan3A_450, %and3A_453 : i32
      %mul3A_455 = arith.constant 4096 : i32
      %mul3A_456 = arith.muli %shift_right_arithmetic3A_452, %mul3A_455 : i32
      %and3A_457 = arith.constant 1 : i32
      %and3A_458 = arith.andi %and3A_454, %and3A_457 : i32
      %mul3A_459 = arith.constant 64 : i32
      %mul3A_460 = arith.muli %and3A_458, %mul3A_459 : i32
      %add3A_461 = arith.addi %mul3A_456, %mul3A_460 : i32
      %shift_right_arithmetic3A_462 = arith.constant 1 : i32
      %shift_right_arithmetic3A_463 = arith.shrsi %and3A_454, %shift_right_arithmetic3A_462 : i32
      %and3A_464 = arith.constant 3 : i32
      %and3A_465 = arith.andi %shift_right_arithmetic3A_463, %and3A_464 : i32
      %mul3A_466 = arith.constant 1024 : i32
      %mul3A_467 = arith.muli %and3A_465, %mul3A_466 : i32
      %add3A_468 = arith.addi %add3A_461, %mul3A_467 : i32
      %shift_right_arithmetic3A_469 = arith.constant 3 : i32
      %shift_right_arithmetic3A_470 = arith.shrsi %and3A_454, %shift_right_arithmetic3A_469 : i32
      %mul3A_471 = arith.constant 128 : i32
      %mul3A_472 = arith.muli %shift_right_arithmetic3A_470, %mul3A_471 : i32
      %add3A_473 = arith.addi %add3A_468, %mul3A_472 : i32
      %add3A_474 = vector.broadcast %add3A_473 : i32 to vector<16xi32>
      %add3A_475 = arith.addi %mul3A_7, %add3A_474 : vector<16xi32>
      %gather3A_476 = tpu.vector_load_idx %arg5[%add3A_475] : memref<32768xf32, #tpu.memory_space<vmem>>[vector<16xi32>], vector<16xf32>,
      %add3A_477 = arith.constant 1 : i32
      %add3A_478 = vector.broadcast %add3A_477 : i32 to vector<16xi32>
      %add3A_479 = arith.addi %add3A_475, %add3A_478 : vector<16xi32>
      %gather3A_480 = tpu.vector_load_idx %arg5[%add3A_479] : memref<32768xf32, #tpu.memory_space<vmem>>[vector<16xi32>], vector<16xf32>,
      %add3A_481 = arith.constant 2 : i32
      %add3A_482 = vector.broadcast %add3A_481 : i32 to vector<16xi32>
      %add3A_483 = arith.addi %add3A_475, %add3A_482 : vector<16xi32>
      %gather3A_484 = tpu.vector_load_idx %arg5[%add3A_483] : memref<32768xf32, #tpu.memory_space<vmem>>[vector<16xi32>], vector<16xf32>,
      %add3A_485 = arith.constant 3 : i32
      %add3A_486 = vector.broadcast %add3A_485 : i32 to vector<16xi32>
      %add3A_487 = arith.addi %add3A_475, %add3A_486 : vector<16xi32>
      %gather3A_488 = tpu.vector_load_idx %arg5[%add3A_487] : memref<32768xf32, #tpu.memory_space<vmem>>[vector<16xi32>], vector<16xf32>,
      %add3A_489 = arith.addf %gather3A_476, %gather3A_480 : vector<16xf32>
      %add3A_490 = arith.addf %gather3A_484, %gather3A_488 : vector<16xf32>
      %add3A_491 = arith.addf %add3A_489, %add3A_490 : vector<16xf32>
      %mul3A_492 = arith.constant 16 : i32
      %mul3A_493 = arith.muli %scan3A_450, %mul3A_492 : i32
      %swap3A_494 = arith.index_cast %mul3A_493 : i32 to index
      %swap3A_495 = tpu.vector_load %arg7[%swap3A_494] {strides = array<i32>} : memref<8192xf32, #tpu.memory_space<vmem>>, vector<16xf32>,
      tpu.vector_store %arg7[%swap3A_494], %add3A_491 {strides = array<i32>} : memref<8192xf32, #tpu.memory_space<vmem>>, vector<16xf32>,
      %scan3A_496 = arith.constant 0 : i32
      scf.yield %scan3A_496 : i32
    }
    %scan3A_152 = arith.constant 512 : i32
    %add3A_153 = arith.constant 57344 : i32
    %add3A_154 = arith.addi %mul3A_4, %add3A_153 : i32
    %dma_start3A_155 = tpu.memref_slice %arg3[%add3A_154] : memref<4194304xf32, #tpu.memory_space<hbm>> -> memref<8192xf32, #tpu.memory_space<hbm>>
    %dma_start3A_156 = tpu.memref_slice %arg3[%add3A_154] : memref<4194304xf32, #tpu.memory_space<hbm>> -> memref<8192xf32, #tpu.memory_space<hbm>>
    tpu.enqueue_dma source(%arg7 : memref<8192xf32, #tpu.memory_space<vmem>>) target(%dma_start3A_156 : memref<8192xf32, #tpu.memory_space<hbm>>) target_semaphore(%arg11 : memref<!tpu.dma_semaphore, #tpu.memory_space<semaphore_mem>>)
    %add3A_157 = arith.constant 294912 : i32
    %add3A_158 = arith.addi %mul3A_2, %add3A_157 : i32
    %dma_start3A_159 = tpu.memref_slice %arg2[%add3A_158] : memref<16777216xf32, #tpu.memory_space<hbm>> -> memref<32768xf32, #tpu.memory_space<hbm>>
    %dma_start3A_160 = tpu.memref_slice %arg2[%add3A_158] : memref<16777216xf32, #tpu.memory_space<hbm>> -> memref<32768xf32, #tpu.memory_space<hbm>>
    tpu.enqueue_dma source(%dma_start3A_160 : memref<32768xf32, #tpu.memory_space<hbm>>) target(%arg5 : memref<32768xf32, #tpu.memory_space<vmem>>) target_semaphore(%arg9 : memref<!tpu.dma_semaphore, #tpu.memory_space<semaphore_mem>>)
    %dma_wait3A_161 = tpu.memref_slice %arg2[%add3A_139] : memref<16777216xf32, #tpu.memory_space<hbm>> -> memref<32768xf32, #tpu.memory_space<hbm>>
    %dma_wait3A_162 = tpu.memref_slice %arg2[%add3A_139] : memref<16777216xf32, #tpu.memory_space<hbm>> -> memref<32768xf32, #tpu.memory_space<hbm>>
    tpu.wait_dma2 semaphore(%arg8 : memref<!tpu.dma_semaphore, #tpu.memory_space<semaphore_mem>>) src(%dma_wait3A_162 : memref<32768xf32, #tpu.memory_space<hbm>>) dst(%arg4 : memref<32768xf32, #tpu.memory_space<vmem>>)
    %dma_wait3A_163 = tpu.memref_slice %arg3[%add3A_135] : memref<4194304xf32, #tpu.memory_space<hbm>> -> memref<8192xf32, #tpu.memory_space<hbm>>
    %dma_wait3A_164 = tpu.memref_slice %arg3[%add3A_135] : memref<4194304xf32, #tpu.memory_space<hbm>> -> memref<8192xf32, #tpu.memory_space<hbm>>
    tpu.wait_dma2 semaphore(%arg10 : memref<!tpu.dma_semaphore, #tpu.memory_space<semaphore_mem>>) src(%arg6 : memref<8192xf32, #tpu.memory_space<vmem>>) dst(%dma_wait3A_164 : memref<8192xf32, #tpu.memory_space<hbm>>)
    %scan3A_165 = arith.constant 0 : i32
    %scan3A_166 = arith.constant 0 : i32
    %scan3A_167 = arith.constant 512 : i32
    %scan3A_168 = arith.addi %scan3A_166, %scan3A_167 : i32
    %scan3A_169 = arith.constant 4 : i32
    %scan3A_170 = scf.for %scan3A_309 = %scan3A_166 to %scan3A_168 step %scan3A_169 iter_args(%scan3A_310 = %scan3A_165) -> (i32)  : i32 {
      %shift_right_arithmetic3A = arith.constant 6 : i32
      %shift_right_arithmetic3A_311 = arith.shrsi %scan3A_309, %shift_right_arithmetic3A : i32
      %and3A = arith.constant 63 : i32
      %and3A_312 = arith.andi %scan3A_309, %and3A : i32
      %mul3A_313 = arith.constant 4096 : i32
      %mul3A_314 = arith.muli %shift_right_arithmetic3A_311, %mul3A_313 : i32
      %and3A_315 = arith.constant 1 : i32
      %and3A_316 = arith.andi %and3A_312, %and3A_315 : i32
      %mul3A_317 = arith.constant 64 : i32
      %mul3A_318 = arith.muli %and3A_316, %mul3A_317 : i32
      %add3A_319 = arith.addi %mul3A_314, %mul3A_318 : i32
      %shift_right_arithmetic3A_320 = arith.constant 1 : i32
      %shift_right_arithmetic3A_321 = arith.shrsi %and3A_312, %shift_right_arithmetic3A_320 : i32
      %and3A_322 = arith.constant 3 : i32
      %and3A_323 = arith.andi %shift_right_arithmetic3A_321, %and3A_322 : i32
      %mul3A_324 = arith.constant 1024 : i32
      %mul3A_325 = arith.muli %and3A_323, %mul3A_324 : i32
      %add3A_326 = arith.addi %add3A_319, %mul3A_325 : i32
      %shift_right_arithmetic3A_327 = arith.constant 3 : i32
      %shift_right_arithmetic3A_328 = arith.shrsi %and3A_312, %shift_right_arithmetic3A_327 : i32
      %mul3A_329 = arith.constant 128 : i32
      %mul3A_330 = arith.muli %shift_right_arithmetic3A_328, %mul3A_329 : i32
      %add3A_331 = arith.addi %add3A_326, %mul3A_330 : i32
      %add3A_332 = vector.broadcast %add3A_331 : i32 to vector<16xi32>
      %add3A_333 = arith.addi %mul3A_7, %add3A_332 : vector<16xi32>
      %gather3A = tpu.vector_load_idx %arg4[%add3A_333] : memref<32768xf32, #tpu.memory_space<vmem>>[vector<16xi32>], vector<16xf32>,
      %add3A_334 = arith.constant 1 : i32
      %add3A_335 = vector.broadcast %add3A_334 : i32 to vector<16xi32>
      %add3A_336 = arith.addi %add3A_333, %add3A_335 : vector<16xi32>
      %gather3A_337 = tpu.vector_load_idx %arg4[%add3A_336] : memref<32768xf32, #tpu.memory_space<vmem>>[vector<16xi32>], vector<16xf32>,
      %add3A_338 = arith.constant 2 : i32
      %add3A_339 = vector.broadcast %add3A_338 : i32 to vector<16xi32>
      %add3A_340 = arith.addi %add3A_333, %add3A_339 : vector<16xi32>
      %gather3A_341 = tpu.vector_load_idx %arg4[%add3A_340] : memref<32768xf32, #tpu.memory_space<vmem>>[vector<16xi32>], vector<16xf32>,
      %add3A_342 = arith.constant 3 : i32
      %add3A_343 = vector.broadcast %add3A_342 : i32 to vector<16xi32>
      %add3A_344 = arith.addi %add3A_333, %add3A_343 : vector<16xi32>
      %gather3A_345 = tpu.vector_load_idx %arg4[%add3A_344] : memref<32768xf32, #tpu.memory_space<vmem>>[vector<16xi32>], vector<16xf32>,
      %add3A_346 = arith.addf %gather3A, %gather3A_337 : vector<16xf32>
      %add3A_347 = arith.addf %gather3A_341, %gather3A_345 : vector<16xf32>
      %add3A_348 = arith.addf %add3A_346, %add3A_347 : vector<16xf32>
      %mul3A_349 = arith.constant 16 : i32
      %mul3A_350 = arith.muli %scan3A_309, %mul3A_349 : i32
      %swap3A = arith.index_cast %mul3A_350 : i32 to index
      %swap3A_351 = tpu.vector_load %arg6[%swap3A] {strides = array<i32>} : memref<8192xf32, #tpu.memory_space<vmem>>, vector<16xf32>,
      tpu.vector_store %arg6[%swap3A], %add3A_348 {strides = array<i32>} : memref<8192xf32, #tpu.memory_space<vmem>>, vector<16xf32>,
      %scan3A_352 = arith.constant 0 : i32
      %scan3A_353 = arith.constant 1 : i32
      %scan3A_354 = arith.addi %scan3A_309, %scan3A_353 : i32
      %shift_right_arithmetic3A_355 = arith.constant 6 : i32
      %shift_right_arithmetic3A_356 = arith.shrsi %scan3A_354, %shift_right_arithmetic3A_355 : i32
      %and3A_357 = arith.constant 63 : i32
      %and3A_358 = arith.andi %scan3A_354, %and3A_357 : i32
      %mul3A_359 = arith.constant 4096 : i32
      %mul3A_360 = arith.muli %shift_right_arithmetic3A_356, %mul3A_359 : i32
      %and3A_361 = arith.constant 1 : i32
      %and3A_362 = arith.andi %and3A_358, %and3A_361 : i32
      %mul3A_363 = arith.constant 64 : i32
      %mul3A_364 = arith.muli %and3A_362, %mul3A_363 : i32
      %add3A_365 = arith.addi %mul3A_360, %mul3A_364 : i32
      %shift_right_arithmetic3A_366 = arith.constant 1 : i32
      %shift_right_arithmetic3A_367 = arith.shrsi %and3A_358, %shift_right_arithmetic3A_366 : i32
      %and3A_368 = arith.constant 3 : i32
      %and3A_369 = arith.andi %shift_right_arithmetic3A_367, %and3A_368 : i32
      %mul3A_370 = arith.constant 1024 : i32
      %mul3A_371 = arith.muli %and3A_369, %mul3A_370 : i32
      %add3A_372 = arith.addi %add3A_365, %mul3A_371 : i32
      %shift_right_arithmetic3A_373 = arith.constant 3 : i32
      %shift_right_arithmetic3A_374 = arith.shrsi %and3A_358, %shift_right_arithmetic3A_373 : i32
      %mul3A_375 = arith.constant 128 : i32
      %mul3A_376 = arith.muli %shift_right_arithmetic3A_374, %mul3A_375 : i32
      %add3A_377 = arith.addi %add3A_372, %mul3A_376 : i32
      %add3A_378 = vector.broadcast %add3A_377 : i32 to vector<16xi32>
      %add3A_379 = arith.addi %mul3A_7, %add3A_378 : vector<16xi32>
      %gather3A_380 = tpu.vector_load_idx %arg4[%add3A_379] : memref<32768xf32, #tpu.memory_space<vmem>>[vector<16xi32>], vector<16xf32>,
      %add3A_381 = arith.constant 1 : i32
      %add3A_382 = vector.broadcast %add3A_381 : i32 to vector<16xi32>
      %add3A_383 = arith.addi %add3A_379, %add3A_382 : vector<16xi32>
      %gather3A_384 = tpu.vector_load_idx %arg4[%add3A_383] : memref<32768xf32, #tpu.memory_space<vmem>>[vector<16xi32>], vector<16xf32>,
      %add3A_385 = arith.constant 2 : i32
      %add3A_386 = vector.broadcast %add3A_385 : i32 to vector<16xi32>
      %add3A_387 = arith.addi %add3A_379, %add3A_386 : vector<16xi32>
      %gather3A_388 = tpu.vector_load_idx %arg4[%add3A_387] : memref<32768xf32, #tpu.memory_space<vmem>>[vector<16xi32>], vector<16xf32>,
      %add3A_389 = arith.constant 3 : i32
      %add3A_390 = vector.broadcast %add3A_389 : i32 to vector<16xi32>
      %add3A_391 = arith.addi %add3A_379, %add3A_390 : vector<16xi32>
      %gather3A_392 = tpu.vector_load_idx %arg4[%add3A_391] : memref<32768xf32, #tpu.memory_space<vmem>>[vector<16xi32>], vector<16xf32>,
      %add3A_393 = arith.addf %gather3A_380, %gather3A_384 : vector<16xf32>
      %add3A_394 = arith.addf %gather3A_388, %gather3A_392 : vector<16xf32>
      %add3A_395 = arith.addf %add3A_393, %add3A_394 : vector<16xf32>
      %mul3A_396 = arith.constant 16 : i32
      %mul3A_397 = arith.muli %scan3A_354, %mul3A_396 : i32
      %swap3A_398 = arith.index_cast %mul3A_397 : i32 to index
      %swap3A_399 = tpu.vector_load %arg6[%swap3A_398] {strides = array<i32>} : memref<8192xf32, #tpu.memory_space<vmem>>, vector<16xf32>,
      tpu.vector_store %arg6[%swap3A_398], %add3A_395 {strides = array<i32>} : memref<8192xf32, #tpu.memory_space<vmem>>, vector<16xf32>,
      %scan3A_400 = arith.constant 0 : i32
      %scan3A_401 = arith.constant 2 : i32
      %scan3A_402 = arith.addi %scan3A_309, %scan3A_401 : i32
      %shift_right_arithmetic3A_403 = arith.constant 6 : i32
      %shift_right_arithmetic3A_404 = arith.shrsi %scan3A_402, %shift_right_arithmetic3A_403 : i32
      %and3A_405 = arith.constant 63 : i32
      %and3A_406 = arith.andi %scan3A_402, %and3A_405 : i32
      %mul3A_407 = arith.constant 4096 : i32
      %mul3A_408 = arith.muli %shift_right_arithmetic3A_404, %mul3A_407 : i32
      %and3A_409 = arith.constant 1 : i32
      %and3A_410 = arith.andi %and3A_406, %and3A_409 : i32
      %mul3A_411 = arith.constant 64 : i32
      %mul3A_412 = arith.muli %and3A_410, %mul3A_411 : i32
      %add3A_413 = arith.addi %mul3A_408, %mul3A_412 : i32
      %shift_right_arithmetic3A_414 = arith.constant 1 : i32
      %shift_right_arithmetic3A_415 = arith.shrsi %and3A_406, %shift_right_arithmetic3A_414 : i32
      %and3A_416 = arith.constant 3 : i32
      %and3A_417 = arith.andi %shift_right_arithmetic3A_415, %and3A_416 : i32
      %mul3A_418 = arith.constant 1024 : i32
      %mul3A_419 = arith.muli %and3A_417, %mul3A_418 : i32
      %add3A_420 = arith.addi %add3A_413, %mul3A_419 : i32
      %shift_right_arithmetic3A_421 = arith.constant 3 : i32
      %shift_right_arithmetic3A_422 = arith.shrsi %and3A_406, %shift_right_arithmetic3A_421 : i32
      %mul3A_423 = arith.constant 128 : i32
      %mul3A_424 = arith.muli %shift_right_arithmetic3A_422, %mul3A_423 : i32
      %add3A_425 = arith.addi %add3A_420, %mul3A_424 : i32
      %add3A_426 = vector.broadcast %add3A_425 : i32 to vector<16xi32>
      %add3A_427 = arith.addi %mul3A_7, %add3A_426 : vector<16xi32>
      %gather3A_428 = tpu.vector_load_idx %arg4[%add3A_427] : memref<32768xf32, #tpu.memory_space<vmem>>[vector<16xi32>], vector<16xf32>,
      %add3A_429 = arith.constant 1 : i32
      %add3A_430 = vector.broadcast %add3A_429 : i32 to vector<16xi32>
      %add3A_431 = arith.addi %add3A_427, %add3A_430 : vector<16xi32>
      %gather3A_432 = tpu.vector_load_idx %arg4[%add3A_431] : memref<32768xf32, #tpu.memory_space<vmem>>[vector<16xi32>], vector<16xf32>,
      %add3A_433 = arith.constant 2 : i32
      %add3A_434 = vector.broadcast %add3A_433 : i32 to vector<16xi32>
      %add3A_435 = arith.addi %add3A_427, %add3A_434 : vector<16xi32>
      %gather3A_436 = tpu.vector_load_idx %arg4[%add3A_435] : memref<32768xf32, #tpu.memory_space<vmem>>[vector<16xi32>], vector<16xf32>,
      %add3A_437 = arith.constant 3 : i32
      %add3A_438 = vector.broadcast %add3A_437 : i32 to vector<16xi32>
      %add3A_439 = arith.addi %add3A_427, %add3A_438 : vector<16xi32>
      %gather3A_440 = tpu.vector_load_idx %arg4[%add3A_439] : memref<32768xf32, #tpu.memory_space<vmem>>[vector<16xi32>], vector<16xf32>,
      %add3A_441 = arith.addf %gather3A_428, %gather3A_432 : vector<16xf32>
      %add3A_442 = arith.addf %gather3A_436, %gather3A_440 : vector<16xf32>
      %add3A_443 = arith.addf %add3A_441, %add3A_442 : vector<16xf32>
      %mul3A_444 = arith.constant 16 : i32
      %mul3A_445 = arith.muli %scan3A_402, %mul3A_444 : i32
      %swap3A_446 = arith.index_cast %mul3A_445 : i32 to index
      %swap3A_447 = tpu.vector_load %arg6[%swap3A_446] {strides = array<i32>} : memref<8192xf32, #tpu.memory_space<vmem>>, vector<16xf32>,
      tpu.vector_store %arg6[%swap3A_446], %add3A_443 {strides = array<i32>} : memref<8192xf32, #tpu.memory_space<vmem>>, vector<16xf32>,
      %scan3A_448 = arith.constant 0 : i32
      %scan3A_449 = arith.constant 3 : i32
      %scan3A_450 = arith.addi %scan3A_309, %scan3A_449 : i32
      %shift_right_arithmetic3A_451 = arith.constant 6 : i32
      %shift_right_arithmetic3A_452 = arith.shrsi %scan3A_450, %shift_right_arithmetic3A_451 : i32
      %and3A_453 = arith.constant 63 : i32
      %and3A_454 = arith.andi %scan3A_450, %and3A_453 : i32
      %mul3A_455 = arith.constant 4096 : i32
      %mul3A_456 = arith.muli %shift_right_arithmetic3A_452, %mul3A_455 : i32
      %and3A_457 = arith.constant 1 : i32
      %and3A_458 = arith.andi %and3A_454, %and3A_457 : i32
      %mul3A_459 = arith.constant 64 : i32
      %mul3A_460 = arith.muli %and3A_458, %mul3A_459 : i32
      %add3A_461 = arith.addi %mul3A_456, %mul3A_460 : i32
      %shift_right_arithmetic3A_462 = arith.constant 1 : i32
      %shift_right_arithmetic3A_463 = arith.shrsi %and3A_454, %shift_right_arithmetic3A_462 : i32
      %and3A_464 = arith.constant 3 : i32
      %and3A_465 = arith.andi %shift_right_arithmetic3A_463, %and3A_464 : i32
      %mul3A_466 = arith.constant 1024 : i32
      %mul3A_467 = arith.muli %and3A_465, %mul3A_466 : i32
      %add3A_468 = arith.addi %add3A_461, %mul3A_467 : i32
      %shift_right_arithmetic3A_469 = arith.constant 3 : i32
      %shift_right_arithmetic3A_470 = arith.shrsi %and3A_454, %shift_right_arithmetic3A_469 : i32
      %mul3A_471 = arith.constant 128 : i32
      %mul3A_472 = arith.muli %shift_right_arithmetic3A_470, %mul3A_471 : i32
      %add3A_473 = arith.addi %add3A_468, %mul3A_472 : i32
      %add3A_474 = vector.broadcast %add3A_473 : i32 to vector<16xi32>
      %add3A_475 = arith.addi %mul3A_7, %add3A_474 : vector<16xi32>
      %gather3A_476 = tpu.vector_load_idx %arg4[%add3A_475] : memref<32768xf32, #tpu.memory_space<vmem>>[vector<16xi32>], vector<16xf32>,
      %add3A_477 = arith.constant 1 : i32
      %add3A_478 = vector.broadcast %add3A_477 : i32 to vector<16xi32>
      %add3A_479 = arith.addi %add3A_475, %add3A_478 : vector<16xi32>
      %gather3A_480 = tpu.vector_load_idx %arg4[%add3A_479] : memref<32768xf32, #tpu.memory_space<vmem>>[vector<16xi32>], vector<16xf32>,
      %add3A_481 = arith.constant 2 : i32
      %add3A_482 = vector.broadcast %add3A_481 : i32 to vector<16xi32>
      %add3A_483 = arith.addi %add3A_475, %add3A_482 : vector<16xi32>
      %gather3A_484 = tpu.vector_load_idx %arg4[%add3A_483] : memref<32768xf32, #tpu.memory_space<vmem>>[vector<16xi32>], vector<16xf32>,
      %add3A_485 = arith.constant 3 : i32
      %add3A_486 = vector.broadcast %add3A_485 : i32 to vector<16xi32>
      %add3A_487 = arith.addi %add3A_475, %add3A_486 : vector<16xi32>
      %gather3A_488 = tpu.vector_load_idx %arg4[%add3A_487] : memref<32768xf32, #tpu.memory_space<vmem>>[vector<16xi32>], vector<16xf32>,
      %add3A_489 = arith.addf %gather3A_476, %gather3A_480 : vector<16xf32>
      %add3A_490 = arith.addf %gather3A_484, %gather3A_488 : vector<16xf32>
      %add3A_491 = arith.addf %add3A_489, %add3A_490 : vector<16xf32>
      %mul3A_492 = arith.constant 16 : i32
      %mul3A_493 = arith.muli %scan3A_450, %mul3A_492 : i32
      %swap3A_494 = arith.index_cast %mul3A_493 : i32 to index
      %swap3A_495 = tpu.vector_load %arg6[%swap3A_494] {strides = array<i32>} : memref<8192xf32, #tpu.memory_space<vmem>>, vector<16xf32>,
      tpu.vector_store %arg6[%swap3A_494], %add3A_491 {strides = array<i32>} : memref<8192xf32, #tpu.memory_space<vmem>>, vector<16xf32>,
      %scan3A_496 = arith.constant 0 : i32
      scf.yield %scan3A_496 : i32
    }
    %scan3A_171 = arith.constant 512 : i32
    %add3A_172 = arith.constant 65536 : i32
    %add3A_173 = arith.addi %mul3A_4, %add3A_172 : i32
    %dma_start3A_174 = tpu.memref_slice %arg3[%add3A_173] : memref<4194304xf32, #tpu.memory_space<hbm>> -> memref<8192xf32, #tpu.memory_space<hbm>>
    %dma_start3A_175 = tpu.memref_slice %arg3[%add3A_173] : memref<4194304xf32, #tpu.memory_space<hbm>> -> memref<8192xf32, #tpu.memory_space<hbm>>
    tpu.enqueue_dma source(%arg6 : memref<8192xf32, #tpu.memory_space<vmem>>) target(%dma_start3A_175 : memref<8192xf32, #tpu.memory_space<hbm>>) target_semaphore(%arg10 : memref<!tpu.dma_semaphore, #tpu.memory_space<semaphore_mem>>)
    %add3A_176 = arith.constant 327680 : i32
    %add3A_177 = arith.addi %mul3A_2, %add3A_176 : i32
    %dma_start3A_178 = tpu.memref_slice %arg2[%add3A_177] : memref<16777216xf32, #tpu.memory_space<hbm>> -> memref<32768xf32, #tpu.memory_space<hbm>>
    %dma_start3A_179 = tpu.memref_slice %arg2[%add3A_177] : memref<16777216xf32, #tpu.memory_space<hbm>> -> memref<32768xf32, #tpu.memory_space<hbm>>
    tpu.enqueue_dma source(%dma_start3A_179 : memref<32768xf32, #tpu.memory_space<hbm>>) target(%arg4 : memref<32768xf32, #tpu.memory_space<vmem>>) target_semaphore(%arg8 : memref<!tpu.dma_semaphore, #tpu.memory_space<semaphore_mem>>)
    %dma_wait3A_180 = tpu.memref_slice %arg2[%add3A_158] : memref<16777216xf32, #tpu.memory_space<hbm>> -> memref<32768xf32, #tpu.memory_space<hbm>>
    %dma_wait3A_181 = tpu.memref_slice %arg2[%add3A_158] : memref<16777216xf32, #tpu.memory_space<hbm>> -> memref<32768xf32, #tpu.memory_space<hbm>>
    tpu.wait_dma2 semaphore(%arg9 : memref<!tpu.dma_semaphore, #tpu.memory_space<semaphore_mem>>) src(%dma_wait3A_181 : memref<32768xf32, #tpu.memory_space<hbm>>) dst(%arg5 : memref<32768xf32, #tpu.memory_space<vmem>>)
    %dma_wait3A_182 = tpu.memref_slice %arg3[%add3A_154] : memref<4194304xf32, #tpu.memory_space<hbm>> -> memref<8192xf32, #tpu.memory_space<hbm>>
    %dma_wait3A_183 = tpu.memref_slice %arg3[%add3A_154] : memref<4194304xf32, #tpu.memory_space<hbm>> -> memref<8192xf32, #tpu.memory_space<hbm>>
    tpu.wait_dma2 semaphore(%arg11 : memref<!tpu.dma_semaphore, #tpu.memory_space<semaphore_mem>>) src(%arg7 : memref<8192xf32, #tpu.memory_space<vmem>>) dst(%dma_wait3A_183 : memref<8192xf32, #tpu.memory_space<hbm>>)
    %scan3A_184 = arith.constant 0 : i32
    %scan3A_185 = arith.constant 0 : i32
    %scan3A_186 = arith.constant 512 : i32
    %scan3A_187 = arith.addi %scan3A_185, %scan3A_186 : i32
    %scan3A_188 = arith.constant 4 : i32
    %scan3A_189 = scf.for %scan3A_309 = %scan3A_185 to %scan3A_187 step %scan3A_188 iter_args(%scan3A_310 = %scan3A_184) -> (i32)  : i32 {
      %shift_right_arithmetic3A = arith.constant 6 : i32
      %shift_right_arithmetic3A_311 = arith.shrsi %scan3A_309, %shift_right_arithmetic3A : i32
      %and3A = arith.constant 63 : i32
      %and3A_312 = arith.andi %scan3A_309, %and3A : i32
      %mul3A_313 = arith.constant 4096 : i32
      %mul3A_314 = arith.muli %shift_right_arithmetic3A_311, %mul3A_313 : i32
      %and3A_315 = arith.constant 1 : i32
      %and3A_316 = arith.andi %and3A_312, %and3A_315 : i32
      %mul3A_317 = arith.constant 64 : i32
      %mul3A_318 = arith.muli %and3A_316, %mul3A_317 : i32
      %add3A_319 = arith.addi %mul3A_314, %mul3A_318 : i32
      %shift_right_arithmetic3A_320 = arith.constant 1 : i32
      %shift_right_arithmetic3A_321 = arith.shrsi %and3A_312, %shift_right_arithmetic3A_320 : i32
      %and3A_322 = arith.constant 3 : i32
      %and3A_323 = arith.andi %shift_right_arithmetic3A_321, %and3A_322 : i32
      %mul3A_324 = arith.constant 1024 : i32
      %mul3A_325 = arith.muli %and3A_323, %mul3A_324 : i32
      %add3A_326 = arith.addi %add3A_319, %mul3A_325 : i32
      %shift_right_arithmetic3A_327 = arith.constant 3 : i32
      %shift_right_arithmetic3A_328 = arith.shrsi %and3A_312, %shift_right_arithmetic3A_327 : i32
      %mul3A_329 = arith.constant 128 : i32
      %mul3A_330 = arith.muli %shift_right_arithmetic3A_328, %mul3A_329 : i32
      %add3A_331 = arith.addi %add3A_326, %mul3A_330 : i32
      %add3A_332 = vector.broadcast %add3A_331 : i32 to vector<16xi32>
      %add3A_333 = arith.addi %mul3A_7, %add3A_332 : vector<16xi32>
      %gather3A = tpu.vector_load_idx %arg5[%add3A_333] : memref<32768xf32, #tpu.memory_space<vmem>>[vector<16xi32>], vector<16xf32>,
      %add3A_334 = arith.constant 1 : i32
      %add3A_335 = vector.broadcast %add3A_334 : i32 to vector<16xi32>
      %add3A_336 = arith.addi %add3A_333, %add3A_335 : vector<16xi32>
      %gather3A_337 = tpu.vector_load_idx %arg5[%add3A_336] : memref<32768xf32, #tpu.memory_space<vmem>>[vector<16xi32>], vector<16xf32>,
      %add3A_338 = arith.constant 2 : i32
      %add3A_339 = vector.broadcast %add3A_338 : i32 to vector<16xi32>
      %add3A_340 = arith.addi %add3A_333, %add3A_339 : vector<16xi32>
      %gather3A_341 = tpu.vector_load_idx %arg5[%add3A_340] : memref<32768xf32, #tpu.memory_space<vmem>>[vector<16xi32>], vector<16xf32>,
      %add3A_342 = arith.constant 3 : i32
      %add3A_343 = vector.broadcast %add3A_342 : i32 to vector<16xi32>
      %add3A_344 = arith.addi %add3A_333, %add3A_343 : vector<16xi32>
      %gather3A_345 = tpu.vector_load_idx %arg5[%add3A_344] : memref<32768xf32, #tpu.memory_space<vmem>>[vector<16xi32>], vector<16xf32>,
      %add3A_346 = arith.addf %gather3A, %gather3A_337 : vector<16xf32>
      %add3A_347 = arith.addf %gather3A_341, %gather3A_345 : vector<16xf32>
      %add3A_348 = arith.addf %add3A_346, %add3A_347 : vector<16xf32>
      %mul3A_349 = arith.constant 16 : i32
      %mul3A_350 = arith.muli %scan3A_309, %mul3A_349 : i32
      %swap3A = arith.index_cast %mul3A_350 : i32 to index
      %swap3A_351 = tpu.vector_load %arg7[%swap3A] {strides = array<i32>} : memref<8192xf32, #tpu.memory_space<vmem>>, vector<16xf32>,
      tpu.vector_store %arg7[%swap3A], %add3A_348 {strides = array<i32>} : memref<8192xf32, #tpu.memory_space<vmem>>, vector<16xf32>,
      %scan3A_352 = arith.constant 0 : i32
      %scan3A_353 = arith.constant 1 : i32
      %scan3A_354 = arith.addi %scan3A_309, %scan3A_353 : i32
      %shift_right_arithmetic3A_355 = arith.constant 6 : i32
      %shift_right_arithmetic3A_356 = arith.shrsi %scan3A_354, %shift_right_arithmetic3A_355 : i32
      %and3A_357 = arith.constant 63 : i32
      %and3A_358 = arith.andi %scan3A_354, %and3A_357 : i32
      %mul3A_359 = arith.constant 4096 : i32
      %mul3A_360 = arith.muli %shift_right_arithmetic3A_356, %mul3A_359 : i32
      %and3A_361 = arith.constant 1 : i32
      %and3A_362 = arith.andi %and3A_358, %and3A_361 : i32
      %mul3A_363 = arith.constant 64 : i32
      %mul3A_364 = arith.muli %and3A_362, %mul3A_363 : i32
      %add3A_365 = arith.addi %mul3A_360, %mul3A_364 : i32
      %shift_right_arithmetic3A_366 = arith.constant 1 : i32
      %shift_right_arithmetic3A_367 = arith.shrsi %and3A_358, %shift_right_arithmetic3A_366 : i32
      %and3A_368 = arith.constant 3 : i32
      %and3A_369 = arith.andi %shift_right_arithmetic3A_367, %and3A_368 : i32
      %mul3A_370 = arith.constant 1024 : i32
      %mul3A_371 = arith.muli %and3A_369, %mul3A_370 : i32
      %add3A_372 = arith.addi %add3A_365, %mul3A_371 : i32
      %shift_right_arithmetic3A_373 = arith.constant 3 : i32
      %shift_right_arithmetic3A_374 = arith.shrsi %and3A_358, %shift_right_arithmetic3A_373 : i32
      %mul3A_375 = arith.constant 128 : i32
      %mul3A_376 = arith.muli %shift_right_arithmetic3A_374, %mul3A_375 : i32
      %add3A_377 = arith.addi %add3A_372, %mul3A_376 : i32
      %add3A_378 = vector.broadcast %add3A_377 : i32 to vector<16xi32>
      %add3A_379 = arith.addi %mul3A_7, %add3A_378 : vector<16xi32>
      %gather3A_380 = tpu.vector_load_idx %arg5[%add3A_379] : memref<32768xf32, #tpu.memory_space<vmem>>[vector<16xi32>], vector<16xf32>,
      %add3A_381 = arith.constant 1 : i32
      %add3A_382 = vector.broadcast %add3A_381 : i32 to vector<16xi32>
      %add3A_383 = arith.addi %add3A_379, %add3A_382 : vector<16xi32>
      %gather3A_384 = tpu.vector_load_idx %arg5[%add3A_383] : memref<32768xf32, #tpu.memory_space<vmem>>[vector<16xi32>], vector<16xf32>,
      %add3A_385 = arith.constant 2 : i32
      %add3A_386 = vector.broadcast %add3A_385 : i32 to vector<16xi32>
      %add3A_387 = arith.addi %add3A_379, %add3A_386 : vector<16xi32>
      %gather3A_388 = tpu.vector_load_idx %arg5[%add3A_387] : memref<32768xf32, #tpu.memory_space<vmem>>[vector<16xi32>], vector<16xf32>,
      %add3A_389 = arith.constant 3 : i32
      %add3A_390 = vector.broadcast %add3A_389 : i32 to vector<16xi32>
      %add3A_391 = arith.addi %add3A_379, %add3A_390 : vector<16xi32>
      %gather3A_392 = tpu.vector_load_idx %arg5[%add3A_391] : memref<32768xf32, #tpu.memory_space<vmem>>[vector<16xi32>], vector<16xf32>,
      %add3A_393 = arith.addf %gather3A_380, %gather3A_384 : vector<16xf32>
      %add3A_394 = arith.addf %gather3A_388, %gather3A_392 : vector<16xf32>
      %add3A_395 = arith.addf %add3A_393, %add3A_394 : vector<16xf32>
      %mul3A_396 = arith.constant 16 : i32
      %mul3A_397 = arith.muli %scan3A_354, %mul3A_396 : i32
      %swap3A_398 = arith.index_cast %mul3A_397 : i32 to index
      %swap3A_399 = tpu.vector_load %arg7[%swap3A_398] {strides = array<i32>} : memref<8192xf32, #tpu.memory_space<vmem>>, vector<16xf32>,
      tpu.vector_store %arg7[%swap3A_398], %add3A_395 {strides = array<i32>} : memref<8192xf32, #tpu.memory_space<vmem>>, vector<16xf32>,
      %scan3A_400 = arith.constant 0 : i32
      %scan3A_401 = arith.constant 2 : i32
      %scan3A_402 = arith.addi %scan3A_309, %scan3A_401 : i32
      %shift_right_arithmetic3A_403 = arith.constant 6 : i32
      %shift_right_arithmetic3A_404 = arith.shrsi %scan3A_402, %shift_right_arithmetic3A_403 : i32
      %and3A_405 = arith.constant 63 : i32
      %and3A_406 = arith.andi %scan3A_402, %and3A_405 : i32
      %mul3A_407 = arith.constant 4096 : i32
      %mul3A_408 = arith.muli %shift_right_arithmetic3A_404, %mul3A_407 : i32
      %and3A_409 = arith.constant 1 : i32
      %and3A_410 = arith.andi %and3A_406, %and3A_409 : i32
      %mul3A_411 = arith.constant 64 : i32
      %mul3A_412 = arith.muli %and3A_410, %mul3A_411 : i32
      %add3A_413 = arith.addi %mul3A_408, %mul3A_412 : i32
      %shift_right_arithmetic3A_414 = arith.constant 1 : i32
      %shift_right_arithmetic3A_415 = arith.shrsi %and3A_406, %shift_right_arithmetic3A_414 : i32
      %and3A_416 = arith.constant 3 : i32
      %and3A_417 = arith.andi %shift_right_arithmetic3A_415, %and3A_416 : i32
      %mul3A_418 = arith.constant 1024 : i32
      %mul3A_419 = arith.muli %and3A_417, %mul3A_418 : i32
      %add3A_420 = arith.addi %add3A_413, %mul3A_419 : i32
      %shift_right_arithmetic3A_421 = arith.constant 3 : i32
      %shift_right_arithmetic3A_422 = arith.shrsi %and3A_406, %shift_right_arithmetic3A_421 : i32
      %mul3A_423 = arith.constant 128 : i32
      %mul3A_424 = arith.muli %shift_right_arithmetic3A_422, %mul3A_423 : i32
      %add3A_425 = arith.addi %add3A_420, %mul3A_424 : i32
      %add3A_426 = vector.broadcast %add3A_425 : i32 to vector<16xi32>
      %add3A_427 = arith.addi %mul3A_7, %add3A_426 : vector<16xi32>
      %gather3A_428 = tpu.vector_load_idx %arg5[%add3A_427] : memref<32768xf32, #tpu.memory_space<vmem>>[vector<16xi32>], vector<16xf32>,
      %add3A_429 = arith.constant 1 : i32
      %add3A_430 = vector.broadcast %add3A_429 : i32 to vector<16xi32>
      %add3A_431 = arith.addi %add3A_427, %add3A_430 : vector<16xi32>
      %gather3A_432 = tpu.vector_load_idx %arg5[%add3A_431] : memref<32768xf32, #tpu.memory_space<vmem>>[vector<16xi32>], vector<16xf32>,
      %add3A_433 = arith.constant 2 : i32
      %add3A_434 = vector.broadcast %add3A_433 : i32 to vector<16xi32>
      %add3A_435 = arith.addi %add3A_427, %add3A_434 : vector<16xi32>
      %gather3A_436 = tpu.vector_load_idx %arg5[%add3A_435] : memref<32768xf32, #tpu.memory_space<vmem>>[vector<16xi32>], vector<16xf32>,
      %add3A_437 = arith.constant 3 : i32
      %add3A_438 = vector.broadcast %add3A_437 : i32 to vector<16xi32>
      %add3A_439 = arith.addi %add3A_427, %add3A_438 : vector<16xi32>
      %gather3A_440 = tpu.vector_load_idx %arg5[%add3A_439] : memref<32768xf32, #tpu.memory_space<vmem>>[vector<16xi32>], vector<16xf32>,
      %add3A_441 = arith.addf %gather3A_428, %gather3A_432 : vector<16xf32>
      %add3A_442 = arith.addf %gather3A_436, %gather3A_440 : vector<16xf32>
      %add3A_443 = arith.addf %add3A_441, %add3A_442 : vector<16xf32>
      %mul3A_444 = arith.constant 16 : i32
      %mul3A_445 = arith.muli %scan3A_402, %mul3A_444 : i32
      %swap3A_446 = arith.index_cast %mul3A_445 : i32 to index
      %swap3A_447 = tpu.vector_load %arg7[%swap3A_446] {strides = array<i32>} : memref<8192xf32, #tpu.memory_space<vmem>>, vector<16xf32>,
      tpu.vector_store %arg7[%swap3A_446], %add3A_443 {strides = array<i32>} : memref<8192xf32, #tpu.memory_space<vmem>>, vector<16xf32>,
      %scan3A_448 = arith.constant 0 : i32
      %scan3A_449 = arith.constant 3 : i32
      %scan3A_450 = arith.addi %scan3A_309, %scan3A_449 : i32
      %shift_right_arithmetic3A_451 = arith.constant 6 : i32
      %shift_right_arithmetic3A_452 = arith.shrsi %scan3A_450, %shift_right_arithmetic3A_451 : i32
      %and3A_453 = arith.constant 63 : i32
      %and3A_454 = arith.andi %scan3A_450, %and3A_453 : i32
      %mul3A_455 = arith.constant 4096 : i32
      %mul3A_456 = arith.muli %shift_right_arithmetic3A_452, %mul3A_455 : i32
      %and3A_457 = arith.constant 1 : i32
      %and3A_458 = arith.andi %and3A_454, %and3A_457 : i32
      %mul3A_459 = arith.constant 64 : i32
      %mul3A_460 = arith.muli %and3A_458, %mul3A_459 : i32
      %add3A_461 = arith.addi %mul3A_456, %mul3A_460 : i32
      %shift_right_arithmetic3A_462 = arith.constant 1 : i32
      %shift_right_arithmetic3A_463 = arith.shrsi %and3A_454, %shift_right_arithmetic3A_462 : i32
      %and3A_464 = arith.constant 3 : i32
      %and3A_465 = arith.andi %shift_right_arithmetic3A_463, %and3A_464 : i32
      %mul3A_466 = arith.constant 1024 : i32
      %mul3A_467 = arith.muli %and3A_465, %mul3A_466 : i32
      %add3A_468 = arith.addi %add3A_461, %mul3A_467 : i32
      %shift_right_arithmetic3A_469 = arith.constant 3 : i32
      %shift_right_arithmetic3A_470 = arith.shrsi %and3A_454, %shift_right_arithmetic3A_469 : i32
      %mul3A_471 = arith.constant 128 : i32
      %mul3A_472 = arith.muli %shift_right_arithmetic3A_470, %mul3A_471 : i32
      %add3A_473 = arith.addi %add3A_468, %mul3A_472 : i32
      %add3A_474 = vector.broadcast %add3A_473 : i32 to vector<16xi32>
      %add3A_475 = arith.addi %mul3A_7, %add3A_474 : vector<16xi32>
      %gather3A_476 = tpu.vector_load_idx %arg5[%add3A_475] : memref<32768xf32, #tpu.memory_space<vmem>>[vector<16xi32>], vector<16xf32>,
      %add3A_477 = arith.constant 1 : i32
      %add3A_478 = vector.broadcast %add3A_477 : i32 to vector<16xi32>
      %add3A_479 = arith.addi %add3A_475, %add3A_478 : vector<16xi32>
      %gather3A_480 = tpu.vector_load_idx %arg5[%add3A_479] : memref<32768xf32, #tpu.memory_space<vmem>>[vector<16xi32>], vector<16xf32>,
      %add3A_481 = arith.constant 2 : i32
      %add3A_482 = vector.broadcast %add3A_481 : i32 to vector<16xi32>
      %add3A_483 = arith.addi %add3A_475, %add3A_482 : vector<16xi32>
      %gather3A_484 = tpu.vector_load_idx %arg5[%add3A_483] : memref<32768xf32, #tpu.memory_space<vmem>>[vector<16xi32>], vector<16xf32>,
      %add3A_485 = arith.constant 3 : i32
      %add3A_486 = vector.broadcast %add3A_485 : i32 to vector<16xi32>
      %add3A_487 = arith.addi %add3A_475, %add3A_486 : vector<16xi32>
      %gather3A_488 = tpu.vector_load_idx %arg5[%add3A_487] : memref<32768xf32, #tpu.memory_space<vmem>>[vector<16xi32>], vector<16xf32>,
      %add3A_489 = arith.addf %gather3A_476, %gather3A_480 : vector<16xf32>
      %add3A_490 = arith.addf %gather3A_484, %gather3A_488 : vector<16xf32>
      %add3A_491 = arith.addf %add3A_489, %add3A_490 : vector<16xf32>
      %mul3A_492 = arith.constant 16 : i32
      %mul3A_493 = arith.muli %scan3A_450, %mul3A_492 : i32
      %swap3A_494 = arith.index_cast %mul3A_493 : i32 to index
      %swap3A_495 = tpu.vector_load %arg7[%swap3A_494] {strides = array<i32>} : memref<8192xf32, #tpu.memory_space<vmem>>, vector<16xf32>,
      tpu.vector_store %arg7[%swap3A_494], %add3A_491 {strides = array<i32>} : memref<8192xf32, #tpu.memory_space<vmem>>, vector<16xf32>,
      %scan3A_496 = arith.constant 0 : i32
      scf.yield %scan3A_496 : i32
    }
    %scan3A_190 = arith.constant 512 : i32
    %add3A_191 = arith.constant 73728 : i32
    %add3A_192 = arith.addi %mul3A_4, %add3A_191 : i32
    %dma_start3A_193 = tpu.memref_slice %arg3[%add3A_192] : memref<4194304xf32, #tpu.memory_space<hbm>> -> memref<8192xf32, #tpu.memory_space<hbm>>
    %dma_start3A_194 = tpu.memref_slice %arg3[%add3A_192] : memref<4194304xf32, #tpu.memory_space<hbm>> -> memref<8192xf32, #tpu.memory_space<hbm>>
    tpu.enqueue_dma source(%arg7 : memref<8192xf32, #tpu.memory_space<vmem>>) target(%dma_start3A_194 : memref<8192xf32, #tpu.memory_space<hbm>>) target_semaphore(%arg11 : memref<!tpu.dma_semaphore, #tpu.memory_space<semaphore_mem>>)
    %add3A_195 = arith.constant 360448 : i32
    %add3A_196 = arith.addi %mul3A_2, %add3A_195 : i32
    %dma_start3A_197 = tpu.memref_slice %arg2[%add3A_196] : memref<16777216xf32, #tpu.memory_space<hbm>> -> memref<32768xf32, #tpu.memory_space<hbm>>
    %dma_start3A_198 = tpu.memref_slice %arg2[%add3A_196] : memref<16777216xf32, #tpu.memory_space<hbm>> -> memref<32768xf32, #tpu.memory_space<hbm>>
    tpu.enqueue_dma source(%dma_start3A_198 : memref<32768xf32, #tpu.memory_space<hbm>>) target(%arg5 : memref<32768xf32, #tpu.memory_space<vmem>>) target_semaphore(%arg9 : memref<!tpu.dma_semaphore, #tpu.memory_space<semaphore_mem>>)
    %dma_wait3A_199 = tpu.memref_slice %arg2[%add3A_177] : memref<16777216xf32, #tpu.memory_space<hbm>> -> memref<32768xf32, #tpu.memory_space<hbm>>
    %dma_wait3A_200 = tpu.memref_slice %arg2[%add3A_177] : memref<16777216xf32, #tpu.memory_space<hbm>> -> memref<32768xf32, #tpu.memory_space<hbm>>
    tpu.wait_dma2 semaphore(%arg8 : memref<!tpu.dma_semaphore, #tpu.memory_space<semaphore_mem>>) src(%dma_wait3A_200 : memref<32768xf32, #tpu.memory_space<hbm>>) dst(%arg4 : memref<32768xf32, #tpu.memory_space<vmem>>)
    %dma_wait3A_201 = tpu.memref_slice %arg3[%add3A_173] : memref<4194304xf32, #tpu.memory_space<hbm>> -> memref<8192xf32, #tpu.memory_space<hbm>>
    %dma_wait3A_202 = tpu.memref_slice %arg3[%add3A_173] : memref<4194304xf32, #tpu.memory_space<hbm>> -> memref<8192xf32, #tpu.memory_space<hbm>>
    tpu.wait_dma2 semaphore(%arg10 : memref<!tpu.dma_semaphore, #tpu.memory_space<semaphore_mem>>) src(%arg6 : memref<8192xf32, #tpu.memory_space<vmem>>) dst(%dma_wait3A_202 : memref<8192xf32, #tpu.memory_space<hbm>>)
    %scan3A_203 = arith.constant 0 : i32
    %scan3A_204 = arith.constant 0 : i32
    %scan3A_205 = arith.constant 512 : i32
    %scan3A_206 = arith.addi %scan3A_204, %scan3A_205 : i32
    %scan3A_207 = arith.constant 4 : i32
    %scan3A_208 = scf.for %scan3A_309 = %scan3A_204 to %scan3A_206 step %scan3A_207 iter_args(%scan3A_310 = %scan3A_203) -> (i32)  : i32 {
      %shift_right_arithmetic3A = arith.constant 6 : i32
      %shift_right_arithmetic3A_311 = arith.shrsi %scan3A_309, %shift_right_arithmetic3A : i32
      %and3A = arith.constant 63 : i32
      %and3A_312 = arith.andi %scan3A_309, %and3A : i32
      %mul3A_313 = arith.constant 4096 : i32
      %mul3A_314 = arith.muli %shift_right_arithmetic3A_311, %mul3A_313 : i32
      %and3A_315 = arith.constant 1 : i32
      %and3A_316 = arith.andi %and3A_312, %and3A_315 : i32
      %mul3A_317 = arith.constant 64 : i32
      %mul3A_318 = arith.muli %and3A_316, %mul3A_317 : i32
      %add3A_319 = arith.addi %mul3A_314, %mul3A_318 : i32
      %shift_right_arithmetic3A_320 = arith.constant 1 : i32
      %shift_right_arithmetic3A_321 = arith.shrsi %and3A_312, %shift_right_arithmetic3A_320 : i32
      %and3A_322 = arith.constant 3 : i32
      %and3A_323 = arith.andi %shift_right_arithmetic3A_321, %and3A_322 : i32
      %mul3A_324 = arith.constant 1024 : i32
      %mul3A_325 = arith.muli %and3A_323, %mul3A_324 : i32
      %add3A_326 = arith.addi %add3A_319, %mul3A_325 : i32
      %shift_right_arithmetic3A_327 = arith.constant 3 : i32
      %shift_right_arithmetic3A_328 = arith.shrsi %and3A_312, %shift_right_arithmetic3A_327 : i32
      %mul3A_329 = arith.constant 128 : i32
      %mul3A_330 = arith.muli %shift_right_arithmetic3A_328, %mul3A_329 : i32
      %add3A_331 = arith.addi %add3A_326, %mul3A_330 : i32
      %add3A_332 = vector.broadcast %add3A_331 : i32 to vector<16xi32>
      %add3A_333 = arith.addi %mul3A_7, %add3A_332 : vector<16xi32>
      %gather3A = tpu.vector_load_idx %arg4[%add3A_333] : memref<32768xf32, #tpu.memory_space<vmem>>[vector<16xi32>], vector<16xf32>,
      %add3A_334 = arith.constant 1 : i32
      %add3A_335 = vector.broadcast %add3A_334 : i32 to vector<16xi32>
      %add3A_336 = arith.addi %add3A_333, %add3A_335 : vector<16xi32>
      %gather3A_337 = tpu.vector_load_idx %arg4[%add3A_336] : memref<32768xf32, #tpu.memory_space<vmem>>[vector<16xi32>], vector<16xf32>,
      %add3A_338 = arith.constant 2 : i32
      %add3A_339 = vector.broadcast %add3A_338 : i32 to vector<16xi32>
      %add3A_340 = arith.addi %add3A_333, %add3A_339 : vector<16xi32>
      %gather3A_341 = tpu.vector_load_idx %arg4[%add3A_340] : memref<32768xf32, #tpu.memory_space<vmem>>[vector<16xi32>], vector<16xf32>,
      %add3A_342 = arith.constant 3 : i32
      %add3A_343 = vector.broadcast %add3A_342 : i32 to vector<16xi32>
      %add3A_344 = arith.addi %add3A_333, %add3A_343 : vector<16xi32>
      %gather3A_345 = tpu.vector_load_idx %arg4[%add3A_344] : memref<32768xf32, #tpu.memory_space<vmem>>[vector<16xi32>], vector<16xf32>,
      %add3A_346 = arith.addf %gather3A, %gather3A_337 : vector<16xf32>
      %add3A_347 = arith.addf %gather3A_341, %gather3A_345 : vector<16xf32>
      %add3A_348 = arith.addf %add3A_346, %add3A_347 : vector<16xf32>
      %mul3A_349 = arith.constant 16 : i32
      %mul3A_350 = arith.muli %scan3A_309, %mul3A_349 : i32
      %swap3A = arith.index_cast %mul3A_350 : i32 to index
      %swap3A_351 = tpu.vector_load %arg6[%swap3A] {strides = array<i32>} : memref<8192xf32, #tpu.memory_space<vmem>>, vector<16xf32>,
      tpu.vector_store %arg6[%swap3A], %add3A_348 {strides = array<i32>} : memref<8192xf32, #tpu.memory_space<vmem>>, vector<16xf32>,
      %scan3A_352 = arith.constant 0 : i32
      %scan3A_353 = arith.constant 1 : i32
      %scan3A_354 = arith.addi %scan3A_309, %scan3A_353 : i32
      %shift_right_arithmetic3A_355 = arith.constant 6 : i32
      %shift_right_arithmetic3A_356 = arith.shrsi %scan3A_354, %shift_right_arithmetic3A_355 : i32
      %and3A_357 = arith.constant 63 : i32
      %and3A_358 = arith.andi %scan3A_354, %and3A_357 : i32
      %mul3A_359 = arith.constant 4096 : i32
      %mul3A_360 = arith.muli %shift_right_arithmetic3A_356, %mul3A_359 : i32
      %and3A_361 = arith.constant 1 : i32
      %and3A_362 = arith.andi %and3A_358, %and3A_361 : i32
      %mul3A_363 = arith.constant 64 : i32
      %mul3A_364 = arith.muli %and3A_362, %mul3A_363 : i32
      %add3A_365 = arith.addi %mul3A_360, %mul3A_364 : i32
      %shift_right_arithmetic3A_366 = arith.constant 1 : i32
      %shift_right_arithmetic3A_367 = arith.shrsi %and3A_358, %shift_right_arithmetic3A_366 : i32
      %and3A_368 = arith.constant 3 : i32
      %and3A_369 = arith.andi %shift_right_arithmetic3A_367, %and3A_368 : i32
      %mul3A_370 = arith.constant 1024 : i32
      %mul3A_371 = arith.muli %and3A_369, %mul3A_370 : i32
      %add3A_372 = arith.addi %add3A_365, %mul3A_371 : i32
      %shift_right_arithmetic3A_373 = arith.constant 3 : i32
      %shift_right_arithmetic3A_374 = arith.shrsi %and3A_358, %shift_right_arithmetic3A_373 : i32
      %mul3A_375 = arith.constant 128 : i32
      %mul3A_376 = arith.muli %shift_right_arithmetic3A_374, %mul3A_375 : i32
      %add3A_377 = arith.addi %add3A_372, %mul3A_376 : i32
      %add3A_378 = vector.broadcast %add3A_377 : i32 to vector<16xi32>
      %add3A_379 = arith.addi %mul3A_7, %add3A_378 : vector<16xi32>
      %gather3A_380 = tpu.vector_load_idx %arg4[%add3A_379] : memref<32768xf32, #tpu.memory_space<vmem>>[vector<16xi32>], vector<16xf32>,
      %add3A_381 = arith.constant 1 : i32
      %add3A_382 = vector.broadcast %add3A_381 : i32 to vector<16xi32>
      %add3A_383 = arith.addi %add3A_379, %add3A_382 : vector<16xi32>
      %gather3A_384 = tpu.vector_load_idx %arg4[%add3A_383] : memref<32768xf32, #tpu.memory_space<vmem>>[vector<16xi32>], vector<16xf32>,
      %add3A_385 = arith.constant 2 : i32
      %add3A_386 = vector.broadcast %add3A_385 : i32 to vector<16xi32>
      %add3A_387 = arith.addi %add3A_379, %add3A_386 : vector<16xi32>
      %gather3A_388 = tpu.vector_load_idx %arg4[%add3A_387] : memref<32768xf32, #tpu.memory_space<vmem>>[vector<16xi32>], vector<16xf32>,
      %add3A_389 = arith.constant 3 : i32
      %add3A_390 = vector.broadcast %add3A_389 : i32 to vector<16xi32>
      %add3A_391 = arith.addi %add3A_379, %add3A_390 : vector<16xi32>
      %gather3A_392 = tpu.vector_load_idx %arg4[%add3A_391] : memref<32768xf32, #tpu.memory_space<vmem>>[vector<16xi32>], vector<16xf32>,
      %add3A_393 = arith.addf %gather3A_380, %gather3A_384 : vector<16xf32>
      %add3A_394 = arith.addf %gather3A_388, %gather3A_392 : vector<16xf32>
      %add3A_395 = arith.addf %add3A_393, %add3A_394 : vector<16xf32>
      %mul3A_396 = arith.constant 16 : i32
      %mul3A_397 = arith.muli %scan3A_354, %mul3A_396 : i32
      %swap3A_398 = arith.index_cast %mul3A_397 : i32 to index
      %swap3A_399 = tpu.vector_load %arg6[%swap3A_398] {strides = array<i32>} : memref<8192xf32, #tpu.memory_space<vmem>>, vector<16xf32>,
      tpu.vector_store %arg6[%swap3A_398], %add3A_395 {strides = array<i32>} : memref<8192xf32, #tpu.memory_space<vmem>>, vector<16xf32>,
      %scan3A_400 = arith.constant 0 : i32
      %scan3A_401 = arith.constant 2 : i32
      %scan3A_402 = arith.addi %scan3A_309, %scan3A_401 : i32
      %shift_right_arithmetic3A_403 = arith.constant 6 : i32
      %shift_right_arithmetic3A_404 = arith.shrsi %scan3A_402, %shift_right_arithmetic3A_403 : i32
      %and3A_405 = arith.constant 63 : i32
      %and3A_406 = arith.andi %scan3A_402, %and3A_405 : i32
      %mul3A_407 = arith.constant 4096 : i32
      %mul3A_408 = arith.muli %shift_right_arithmetic3A_404, %mul3A_407 : i32
      %and3A_409 = arith.constant 1 : i32
      %and3A_410 = arith.andi %and3A_406, %and3A_409 : i32
      %mul3A_411 = arith.constant 64 : i32
      %mul3A_412 = arith.muli %and3A_410, %mul3A_411 : i32
      %add3A_413 = arith.addi %mul3A_408, %mul3A_412 : i32
      %shift_right_arithmetic3A_414 = arith.constant 1 : i32
      %shift_right_arithmetic3A_415 = arith.shrsi %and3A_406, %shift_right_arithmetic3A_414 : i32
      %and3A_416 = arith.constant 3 : i32
      %and3A_417 = arith.andi %shift_right_arithmetic3A_415, %and3A_416 : i32
      %mul3A_418 = arith.constant 1024 : i32
      %mul3A_419 = arith.muli %and3A_417, %mul3A_418 : i32
      %add3A_420 = arith.addi %add3A_413, %mul3A_419 : i32
      %shift_right_arithmetic3A_421 = arith.constant 3 : i32
      %shift_right_arithmetic3A_422 = arith.shrsi %and3A_406, %shift_right_arithmetic3A_421 : i32
      %mul3A_423 = arith.constant 128 : i32
      %mul3A_424 = arith.muli %shift_right_arithmetic3A_422, %mul3A_423 : i32
      %add3A_425 = arith.addi %add3A_420, %mul3A_424 : i32
      %add3A_426 = vector.broadcast %add3A_425 : i32 to vector<16xi32>
      %add3A_427 = arith.addi %mul3A_7, %add3A_426 : vector<16xi32>
      %gather3A_428 = tpu.vector_load_idx %arg4[%add3A_427] : memref<32768xf32, #tpu.memory_space<vmem>>[vector<16xi32>], vector<16xf32>,
      %add3A_429 = arith.constant 1 : i32
      %add3A_430 = vector.broadcast %add3A_429 : i32 to vector<16xi32>
      %add3A_431 = arith.addi %add3A_427, %add3A_430 : vector<16xi32>
      %gather3A_432 = tpu.vector_load_idx %arg4[%add3A_431] : memref<32768xf32, #tpu.memory_space<vmem>>[vector<16xi32>], vector<16xf32>,
      %add3A_433 = arith.constant 2 : i32
      %add3A_434 = vector.broadcast %add3A_433 : i32 to vector<16xi32>
      %add3A_435 = arith.addi %add3A_427, %add3A_434 : vector<16xi32>
      %gather3A_436 = tpu.vector_load_idx %arg4[%add3A_435] : memref<32768xf32, #tpu.memory_space<vmem>>[vector<16xi32>], vector<16xf32>,
      %add3A_437 = arith.constant 3 : i32
      %add3A_438 = vector.broadcast %add3A_437 : i32 to vector<16xi32>
      %add3A_439 = arith.addi %add3A_427, %add3A_438 : vector<16xi32>
      %gather3A_440 = tpu.vector_load_idx %arg4[%add3A_439] : memref<32768xf32, #tpu.memory_space<vmem>>[vector<16xi32>], vector<16xf32>,
      %add3A_441 = arith.addf %gather3A_428, %gather3A_432 : vector<16xf32>
      %add3A_442 = arith.addf %gather3A_436, %gather3A_440 : vector<16xf32>
      %add3A_443 = arith.addf %add3A_441, %add3A_442 : vector<16xf32>
      %mul3A_444 = arith.constant 16 : i32
      %mul3A_445 = arith.muli %scan3A_402, %mul3A_444 : i32
      %swap3A_446 = arith.index_cast %mul3A_445 : i32 to index
      %swap3A_447 = tpu.vector_load %arg6[%swap3A_446] {strides = array<i32>} : memref<8192xf32, #tpu.memory_space<vmem>>, vector<16xf32>,
      tpu.vector_store %arg6[%swap3A_446], %add3A_443 {strides = array<i32>} : memref<8192xf32, #tpu.memory_space<vmem>>, vector<16xf32>,
      %scan3A_448 = arith.constant 0 : i32
      %scan3A_449 = arith.constant 3 : i32
      %scan3A_450 = arith.addi %scan3A_309, %scan3A_449 : i32
      %shift_right_arithmetic3A_451 = arith.constant 6 : i32
      %shift_right_arithmetic3A_452 = arith.shrsi %scan3A_450, %shift_right_arithmetic3A_451 : i32
      %and3A_453 = arith.constant 63 : i32
      %and3A_454 = arith.andi %scan3A_450, %and3A_453 : i32
      %mul3A_455 = arith.constant 4096 : i32
      %mul3A_456 = arith.muli %shift_right_arithmetic3A_452, %mul3A_455 : i32
      %and3A_457 = arith.constant 1 : i32
      %and3A_458 = arith.andi %and3A_454, %and3A_457 : i32
      %mul3A_459 = arith.constant 64 : i32
      %mul3A_460 = arith.muli %and3A_458, %mul3A_459 : i32
      %add3A_461 = arith.addi %mul3A_456, %mul3A_460 : i32
      %shift_right_arithmetic3A_462 = arith.constant 1 : i32
      %shift_right_arithmetic3A_463 = arith.shrsi %and3A_454, %shift_right_arithmetic3A_462 : i32
      %and3A_464 = arith.constant 3 : i32
      %and3A_465 = arith.andi %shift_right_arithmetic3A_463, %and3A_464 : i32
      %mul3A_466 = arith.constant 1024 : i32
      %mul3A_467 = arith.muli %and3A_465, %mul3A_466 : i32
      %add3A_468 = arith.addi %add3A_461, %mul3A_467 : i32
      %shift_right_arithmetic3A_469 = arith.constant 3 : i32
      %shift_right_arithmetic3A_470 = arith.shrsi %and3A_454, %shift_right_arithmetic3A_469 : i32
      %mul3A_471 = arith.constant 128 : i32
      %mul3A_472 = arith.muli %shift_right_arithmetic3A_470, %mul3A_471 : i32
      %add3A_473 = arith.addi %add3A_468, %mul3A_472 : i32
      %add3A_474 = vector.broadcast %add3A_473 : i32 to vector<16xi32>
      %add3A_475 = arith.addi %mul3A_7, %add3A_474 : vector<16xi32>
      %gather3A_476 = tpu.vector_load_idx %arg4[%add3A_475] : memref<32768xf32, #tpu.memory_space<vmem>>[vector<16xi32>], vector<16xf32>,
      %add3A_477 = arith.constant 1 : i32
      %add3A_478 = vector.broadcast %add3A_477 : i32 to vector<16xi32>
      %add3A_479 = arith.addi %add3A_475, %add3A_478 : vector<16xi32>
      %gather3A_480 = tpu.vector_load_idx %arg4[%add3A_479] : memref<32768xf32, #tpu.memory_space<vmem>>[vector<16xi32>], vector<16xf32>,
      %add3A_481 = arith.constant 2 : i32
      %add3A_482 = vector.broadcast %add3A_481 : i32 to vector<16xi32>
      %add3A_483 = arith.addi %add3A_475, %add3A_482 : vector<16xi32>
      %gather3A_484 = tpu.vector_load_idx %arg4[%add3A_483] : memref<32768xf32, #tpu.memory_space<vmem>>[vector<16xi32>], vector<16xf32>,
      %add3A_485 = arith.constant 3 : i32
      %add3A_486 = vector.broadcast %add3A_485 : i32 to vector<16xi32>
      %add3A_487 = arith.addi %add3A_475, %add3A_486 : vector<16xi32>
      %gather3A_488 = tpu.vector_load_idx %arg4[%add3A_487] : memref<32768xf32, #tpu.memory_space<vmem>>[vector<16xi32>], vector<16xf32>,
      %add3A_489 = arith.addf %gather3A_476, %gather3A_480 : vector<16xf32>
      %add3A_490 = arith.addf %gather3A_484, %gather3A_488 : vector<16xf32>
      %add3A_491 = arith.addf %add3A_489, %add3A_490 : vector<16xf32>
      %mul3A_492 = arith.constant 16 : i32
      %mul3A_493 = arith.muli %scan3A_450, %mul3A_492 : i32
      %swap3A_494 = arith.index_cast %mul3A_493 : i32 to index
      %swap3A_495 = tpu.vector_load %arg6[%swap3A_494] {strides = array<i32>} : memref<8192xf32, #tpu.memory_space<vmem>>, vector<16xf32>,
      tpu.vector_store %arg6[%swap3A_494], %add3A_491 {strides = array<i32>} : memref<8192xf32, #tpu.memory_space<vmem>>, vector<16xf32>,
      %scan3A_496 = arith.constant 0 : i32
      scf.yield %scan3A_496 : i32
    }
    %scan3A_209 = arith.constant 512 : i32
    %add3A_210 = arith.constant 81920 : i32
    %add3A_211 = arith.addi %mul3A_4, %add3A_210 : i32
    %dma_start3A_212 = tpu.memref_slice %arg3[%add3A_211] : memref<4194304xf32, #tpu.memory_space<hbm>> -> memref<8192xf32, #tpu.memory_space<hbm>>
    %dma_start3A_213 = tpu.memref_slice %arg3[%add3A_211] : memref<4194304xf32, #tpu.memory_space<hbm>> -> memref<8192xf32, #tpu.memory_space<hbm>>
    tpu.enqueue_dma source(%arg6 : memref<8192xf32, #tpu.memory_space<vmem>>) target(%dma_start3A_213 : memref<8192xf32, #tpu.memory_space<hbm>>) target_semaphore(%arg10 : memref<!tpu.dma_semaphore, #tpu.memory_space<semaphore_mem>>)
    %add3A_214 = arith.constant 393216 : i32
    %add3A_215 = arith.addi %mul3A_2, %add3A_214 : i32
    %dma_start3A_216 = tpu.memref_slice %arg2[%add3A_215] : memref<16777216xf32, #tpu.memory_space<hbm>> -> memref<32768xf32, #tpu.memory_space<hbm>>
    %dma_start3A_217 = tpu.memref_slice %arg2[%add3A_215] : memref<16777216xf32, #tpu.memory_space<hbm>> -> memref<32768xf32, #tpu.memory_space<hbm>>
    tpu.enqueue_dma source(%dma_start3A_217 : memref<32768xf32, #tpu.memory_space<hbm>>) target(%arg4 : memref<32768xf32, #tpu.memory_space<vmem>>) target_semaphore(%arg8 : memref<!tpu.dma_semaphore, #tpu.memory_space<semaphore_mem>>)
    %dma_wait3A_218 = tpu.memref_slice %arg2[%add3A_196] : memref<16777216xf32, #tpu.memory_space<hbm>> -> memref<32768xf32, #tpu.memory_space<hbm>>
    %dma_wait3A_219 = tpu.memref_slice %arg2[%add3A_196] : memref<16777216xf32, #tpu.memory_space<hbm>> -> memref<32768xf32, #tpu.memory_space<hbm>>
    tpu.wait_dma2 semaphore(%arg9 : memref<!tpu.dma_semaphore, #tpu.memory_space<semaphore_mem>>) src(%dma_wait3A_219 : memref<32768xf32, #tpu.memory_space<hbm>>) dst(%arg5 : memref<32768xf32, #tpu.memory_space<vmem>>)
    %dma_wait3A_220 = tpu.memref_slice %arg3[%add3A_192] : memref<4194304xf32, #tpu.memory_space<hbm>> -> memref<8192xf32, #tpu.memory_space<hbm>>
    %dma_wait3A_221 = tpu.memref_slice %arg3[%add3A_192] : memref<4194304xf32, #tpu.memory_space<hbm>> -> memref<8192xf32, #tpu.memory_space<hbm>>
    tpu.wait_dma2 semaphore(%arg11 : memref<!tpu.dma_semaphore, #tpu.memory_space<semaphore_mem>>) src(%arg7 : memref<8192xf32, #tpu.memory_space<vmem>>) dst(%dma_wait3A_221 : memref<8192xf32, #tpu.memory_space<hbm>>)
    %scan3A_222 = arith.constant 0 : i32
    %scan3A_223 = arith.constant 0 : i32
    %scan3A_224 = arith.constant 512 : i32
    %scan3A_225 = arith.addi %scan3A_223, %scan3A_224 : i32
    %scan3A_226 = arith.constant 4 : i32
    %scan3A_227 = scf.for %scan3A_309 = %scan3A_223 to %scan3A_225 step %scan3A_226 iter_args(%scan3A_310 = %scan3A_222) -> (i32)  : i32 {
      %shift_right_arithmetic3A = arith.constant 6 : i32
      %shift_right_arithmetic3A_311 = arith.shrsi %scan3A_309, %shift_right_arithmetic3A : i32
      %and3A = arith.constant 63 : i32
      %and3A_312 = arith.andi %scan3A_309, %and3A : i32
      %mul3A_313 = arith.constant 4096 : i32
      %mul3A_314 = arith.muli %shift_right_arithmetic3A_311, %mul3A_313 : i32
      %and3A_315 = arith.constant 1 : i32
      %and3A_316 = arith.andi %and3A_312, %and3A_315 : i32
      %mul3A_317 = arith.constant 64 : i32
      %mul3A_318 = arith.muli %and3A_316, %mul3A_317 : i32
      %add3A_319 = arith.addi %mul3A_314, %mul3A_318 : i32
      %shift_right_arithmetic3A_320 = arith.constant 1 : i32
      %shift_right_arithmetic3A_321 = arith.shrsi %and3A_312, %shift_right_arithmetic3A_320 : i32
      %and3A_322 = arith.constant 3 : i32
      %and3A_323 = arith.andi %shift_right_arithmetic3A_321, %and3A_322 : i32
      %mul3A_324 = arith.constant 1024 : i32
      %mul3A_325 = arith.muli %and3A_323, %mul3A_324 : i32
      %add3A_326 = arith.addi %add3A_319, %mul3A_325 : i32
      %shift_right_arithmetic3A_327 = arith.constant 3 : i32
      %shift_right_arithmetic3A_328 = arith.shrsi %and3A_312, %shift_right_arithmetic3A_327 : i32
      %mul3A_329 = arith.constant 128 : i32
      %mul3A_330 = arith.muli %shift_right_arithmetic3A_328, %mul3A_329 : i32
      %add3A_331 = arith.addi %add3A_326, %mul3A_330 : i32
      %add3A_332 = vector.broadcast %add3A_331 : i32 to vector<16xi32>
      %add3A_333 = arith.addi %mul3A_7, %add3A_332 : vector<16xi32>
      %gather3A = tpu.vector_load_idx %arg5[%add3A_333] : memref<32768xf32, #tpu.memory_space<vmem>>[vector<16xi32>], vector<16xf32>,
      %add3A_334 = arith.constant 1 : i32
      %add3A_335 = vector.broadcast %add3A_334 : i32 to vector<16xi32>
      %add3A_336 = arith.addi %add3A_333, %add3A_335 : vector<16xi32>
      %gather3A_337 = tpu.vector_load_idx %arg5[%add3A_336] : memref<32768xf32, #tpu.memory_space<vmem>>[vector<16xi32>], vector<16xf32>,
      %add3A_338 = arith.constant 2 : i32
      %add3A_339 = vector.broadcast %add3A_338 : i32 to vector<16xi32>
      %add3A_340 = arith.addi %add3A_333, %add3A_339 : vector<16xi32>
      %gather3A_341 = tpu.vector_load_idx %arg5[%add3A_340] : memref<32768xf32, #tpu.memory_space<vmem>>[vector<16xi32>], vector<16xf32>,
      %add3A_342 = arith.constant 3 : i32
      %add3A_343 = vector.broadcast %add3A_342 : i32 to vector<16xi32>
      %add3A_344 = arith.addi %add3A_333, %add3A_343 : vector<16xi32>
      %gather3A_345 = tpu.vector_load_idx %arg5[%add3A_344] : memref<32768xf32, #tpu.memory_space<vmem>>[vector<16xi32>], vector<16xf32>,
      %add3A_346 = arith.addf %gather3A, %gather3A_337 : vector<16xf32>
      %add3A_347 = arith.addf %gather3A_341, %gather3A_345 : vector<16xf32>
      %add3A_348 = arith.addf %add3A_346, %add3A_347 : vector<16xf32>
      %mul3A_349 = arith.constant 16 : i32
      %mul3A_350 = arith.muli %scan3A_309, %mul3A_349 : i32
      %swap3A = arith.index_cast %mul3A_350 : i32 to index
      %swap3A_351 = tpu.vector_load %arg7[%swap3A] {strides = array<i32>} : memref<8192xf32, #tpu.memory_space<vmem>>, vector<16xf32>,
      tpu.vector_store %arg7[%swap3A], %add3A_348 {strides = array<i32>} : memref<8192xf32, #tpu.memory_space<vmem>>, vector<16xf32>,
      %scan3A_352 = arith.constant 0 : i32
      %scan3A_353 = arith.constant 1 : i32
      %scan3A_354 = arith.addi %scan3A_309, %scan3A_353 : i32
      %shift_right_arithmetic3A_355 = arith.constant 6 : i32
      %shift_right_arithmetic3A_356 = arith.shrsi %scan3A_354, %shift_right_arithmetic3A_355 : i32
      %and3A_357 = arith.constant 63 : i32
      %and3A_358 = arith.andi %scan3A_354, %and3A_357 : i32
      %mul3A_359 = arith.constant 4096 : i32
      %mul3A_360 = arith.muli %shift_right_arithmetic3A_356, %mul3A_359 : i32
      %and3A_361 = arith.constant 1 : i32
      %and3A_362 = arith.andi %and3A_358, %and3A_361 : i32
      %mul3A_363 = arith.constant 64 : i32
      %mul3A_364 = arith.muli %and3A_362, %mul3A_363 : i32
      %add3A_365 = arith.addi %mul3A_360, %mul3A_364 : i32
      %shift_right_arithmetic3A_366 = arith.constant 1 : i32
      %shift_right_arithmetic3A_367 = arith.shrsi %and3A_358, %shift_right_arithmetic3A_366 : i32
      %and3A_368 = arith.constant 3 : i32
      %and3A_369 = arith.andi %shift_right_arithmetic3A_367, %and3A_368 : i32
      %mul3A_370 = arith.constant 1024 : i32
      %mul3A_371 = arith.muli %and3A_369, %mul3A_370 : i32
      %add3A_372 = arith.addi %add3A_365, %mul3A_371 : i32
      %shift_right_arithmetic3A_373 = arith.constant 3 : i32
      %shift_right_arithmetic3A_374 = arith.shrsi %and3A_358, %shift_right_arithmetic3A_373 : i32
      %mul3A_375 = arith.constant 128 : i32
      %mul3A_376 = arith.muli %shift_right_arithmetic3A_374, %mul3A_375 : i32
      %add3A_377 = arith.addi %add3A_372, %mul3A_376 : i32
      %add3A_378 = vector.broadcast %add3A_377 : i32 to vector<16xi32>
      %add3A_379 = arith.addi %mul3A_7, %add3A_378 : vector<16xi32>
      %gather3A_380 = tpu.vector_load_idx %arg5[%add3A_379] : memref<32768xf32, #tpu.memory_space<vmem>>[vector<16xi32>], vector<16xf32>,
      %add3A_381 = arith.constant 1 : i32
      %add3A_382 = vector.broadcast %add3A_381 : i32 to vector<16xi32>
      %add3A_383 = arith.addi %add3A_379, %add3A_382 : vector<16xi32>
      %gather3A_384 = tpu.vector_load_idx %arg5[%add3A_383] : memref<32768xf32, #tpu.memory_space<vmem>>[vector<16xi32>], vector<16xf32>,
      %add3A_385 = arith.constant 2 : i32
      %add3A_386 = vector.broadcast %add3A_385 : i32 to vector<16xi32>
      %add3A_387 = arith.addi %add3A_379, %add3A_386 : vector<16xi32>
      %gather3A_388 = tpu.vector_load_idx %arg5[%add3A_387] : memref<32768xf32, #tpu.memory_space<vmem>>[vector<16xi32>], vector<16xf32>,
      %add3A_389 = arith.constant 3 : i32
      %add3A_390 = vector.broadcast %add3A_389 : i32 to vector<16xi32>
      %add3A_391 = arith.addi %add3A_379, %add3A_390 : vector<16xi32>
      %gather3A_392 = tpu.vector_load_idx %arg5[%add3A_391] : memref<32768xf32, #tpu.memory_space<vmem>>[vector<16xi32>], vector<16xf32>,
      %add3A_393 = arith.addf %gather3A_380, %gather3A_384 : vector<16xf32>
      %add3A_394 = arith.addf %gather3A_388, %gather3A_392 : vector<16xf32>
      %add3A_395 = arith.addf %add3A_393, %add3A_394 : vector<16xf32>
      %mul3A_396 = arith.constant 16 : i32
      %mul3A_397 = arith.muli %scan3A_354, %mul3A_396 : i32
      %swap3A_398 = arith.index_cast %mul3A_397 : i32 to index
      %swap3A_399 = tpu.vector_load %arg7[%swap3A_398] {strides = array<i32>} : memref<8192xf32, #tpu.memory_space<vmem>>, vector<16xf32>,
      tpu.vector_store %arg7[%swap3A_398], %add3A_395 {strides = array<i32>} : memref<8192xf32, #tpu.memory_space<vmem>>, vector<16xf32>,
      %scan3A_400 = arith.constant 0 : i32
      %scan3A_401 = arith.constant 2 : i32
      %scan3A_402 = arith.addi %scan3A_309, %scan3A_401 : i32
      %shift_right_arithmetic3A_403 = arith.constant 6 : i32
      %shift_right_arithmetic3A_404 = arith.shrsi %scan3A_402, %shift_right_arithmetic3A_403 : i32
      %and3A_405 = arith.constant 63 : i32
      %and3A_406 = arith.andi %scan3A_402, %and3A_405 : i32
      %mul3A_407 = arith.constant 4096 : i32
      %mul3A_408 = arith.muli %shift_right_arithmetic3A_404, %mul3A_407 : i32
      %and3A_409 = arith.constant 1 : i32
      %and3A_410 = arith.andi %and3A_406, %and3A_409 : i32
      %mul3A_411 = arith.constant 64 : i32
      %mul3A_412 = arith.muli %and3A_410, %mul3A_411 : i32
      %add3A_413 = arith.addi %mul3A_408, %mul3A_412 : i32
      %shift_right_arithmetic3A_414 = arith.constant 1 : i32
      %shift_right_arithmetic3A_415 = arith.shrsi %and3A_406, %shift_right_arithmetic3A_414 : i32
      %and3A_416 = arith.constant 3 : i32
      %and3A_417 = arith.andi %shift_right_arithmetic3A_415, %and3A_416 : i32
      %mul3A_418 = arith.constant 1024 : i32
      %mul3A_419 = arith.muli %and3A_417, %mul3A_418 : i32
      %add3A_420 = arith.addi %add3A_413, %mul3A_419 : i32
      %shift_right_arithmetic3A_421 = arith.constant 3 : i32
      %shift_right_arithmetic3A_422 = arith.shrsi %and3A_406, %shift_right_arithmetic3A_421 : i32
      %mul3A_423 = arith.constant 128 : i32
      %mul3A_424 = arith.muli %shift_right_arithmetic3A_422, %mul3A_423 : i32
      %add3A_425 = arith.addi %add3A_420, %mul3A_424 : i32
      %add3A_426 = vector.broadcast %add3A_425 : i32 to vector<16xi32>
      %add3A_427 = arith.addi %mul3A_7, %add3A_426 : vector<16xi32>
      %gather3A_428 = tpu.vector_load_idx %arg5[%add3A_427] : memref<32768xf32, #tpu.memory_space<vmem>>[vector<16xi32>], vector<16xf32>,
      %add3A_429 = arith.constant 1 : i32
      %add3A_430 = vector.broadcast %add3A_429 : i32 to vector<16xi32>
      %add3A_431 = arith.addi %add3A_427, %add3A_430 : vector<16xi32>
      %gather3A_432 = tpu.vector_load_idx %arg5[%add3A_431] : memref<32768xf32, #tpu.memory_space<vmem>>[vector<16xi32>], vector<16xf32>,
      %add3A_433 = arith.constant 2 : i32
      %add3A_434 = vector.broadcast %add3A_433 : i32 to vector<16xi32>
      %add3A_435 = arith.addi %add3A_427, %add3A_434 : vector<16xi32>
      %gather3A_436 = tpu.vector_load_idx %arg5[%add3A_435] : memref<32768xf32, #tpu.memory_space<vmem>>[vector<16xi32>], vector<16xf32>,
      %add3A_437 = arith.constant 3 : i32
      %add3A_438 = vector.broadcast %add3A_437 : i32 to vector<16xi32>
      %add3A_439 = arith.addi %add3A_427, %add3A_438 : vector<16xi32>
      %gather3A_440 = tpu.vector_load_idx %arg5[%add3A_439] : memref<32768xf32, #tpu.memory_space<vmem>>[vector<16xi32>], vector<16xf32>,
      %add3A_441 = arith.addf %gather3A_428, %gather3A_432 : vector<16xf32>
      %add3A_442 = arith.addf %gather3A_436, %gather3A_440 : vector<16xf32>
      %add3A_443 = arith.addf %add3A_441, %add3A_442 : vector<16xf32>
      %mul3A_444 = arith.constant 16 : i32
      %mul3A_445 = arith.muli %scan3A_402, %mul3A_444 : i32
      %swap3A_446 = arith.index_cast %mul3A_445 : i32 to index
      %swap3A_447 = tpu.vector_load %arg7[%swap3A_446] {strides = array<i32>} : memref<8192xf32, #tpu.memory_space<vmem>>, vector<16xf32>,
      tpu.vector_store %arg7[%swap3A_446], %add3A_443 {strides = array<i32>} : memref<8192xf32, #tpu.memory_space<vmem>>, vector<16xf32>,
      %scan3A_448 = arith.constant 0 : i32
      %scan3A_449 = arith.constant 3 : i32
      %scan3A_450 = arith.addi %scan3A_309, %scan3A_449 : i32
      %shift_right_arithmetic3A_451 = arith.constant 6 : i32
      %shift_right_arithmetic3A_452 = arith.shrsi %scan3A_450, %shift_right_arithmetic3A_451 : i32
      %and3A_453 = arith.constant 63 : i32
      %and3A_454 = arith.andi %scan3A_450, %and3A_453 : i32
      %mul3A_455 = arith.constant 4096 : i32
      %mul3A_456 = arith.muli %shift_right_arithmetic3A_452, %mul3A_455 : i32
      %and3A_457 = arith.constant 1 : i32
      %and3A_458 = arith.andi %and3A_454, %and3A_457 : i32
      %mul3A_459 = arith.constant 64 : i32
      %mul3A_460 = arith.muli %and3A_458, %mul3A_459 : i32
      %add3A_461 = arith.addi %mul3A_456, %mul3A_460 : i32
      %shift_right_arithmetic3A_462 = arith.constant 1 : i32
      %shift_right_arithmetic3A_463 = arith.shrsi %and3A_454, %shift_right_arithmetic3A_462 : i32
      %and3A_464 = arith.constant 3 : i32
      %and3A_465 = arith.andi %shift_right_arithmetic3A_463, %and3A_464 : i32
      %mul3A_466 = arith.constant 1024 : i32
      %mul3A_467 = arith.muli %and3A_465, %mul3A_466 : i32
      %add3A_468 = arith.addi %add3A_461, %mul3A_467 : i32
      %shift_right_arithmetic3A_469 = arith.constant 3 : i32
      %shift_right_arithmetic3A_470 = arith.shrsi %and3A_454, %shift_right_arithmetic3A_469 : i32
      %mul3A_471 = arith.constant 128 : i32
      %mul3A_472 = arith.muli %shift_right_arithmetic3A_470, %mul3A_471 : i32
      %add3A_473 = arith.addi %add3A_468, %mul3A_472 : i32
      %add3A_474 = vector.broadcast %add3A_473 : i32 to vector<16xi32>
      %add3A_475 = arith.addi %mul3A_7, %add3A_474 : vector<16xi32>
      %gather3A_476 = tpu.vector_load_idx %arg5[%add3A_475] : memref<32768xf32, #tpu.memory_space<vmem>>[vector<16xi32>], vector<16xf32>,
      %add3A_477 = arith.constant 1 : i32
      %add3A_478 = vector.broadcast %add3A_477 : i32 to vector<16xi32>
      %add3A_479 = arith.addi %add3A_475, %add3A_478 : vector<16xi32>
      %gather3A_480 = tpu.vector_load_idx %arg5[%add3A_479] : memref<32768xf32, #tpu.memory_space<vmem>>[vector<16xi32>], vector<16xf32>,
      %add3A_481 = arith.constant 2 : i32
      %add3A_482 = vector.broadcast %add3A_481 : i32 to vector<16xi32>
      %add3A_483 = arith.addi %add3A_475, %add3A_482 : vector<16xi32>
      %gather3A_484 = tpu.vector_load_idx %arg5[%add3A_483] : memref<32768xf32, #tpu.memory_space<vmem>>[vector<16xi32>], vector<16xf32>,
      %add3A_485 = arith.constant 3 : i32
      %add3A_486 = vector.broadcast %add3A_485 : i32 to vector<16xi32>
      %add3A_487 = arith.addi %add3A_475, %add3A_486 : vector<16xi32>
      %gather3A_488 = tpu.vector_load_idx %arg5[%add3A_487] : memref<32768xf32, #tpu.memory_space<vmem>>[vector<16xi32>], vector<16xf32>,
      %add3A_489 = arith.addf %gather3A_476, %gather3A_480 : vector<16xf32>
      %add3A_490 = arith.addf %gather3A_484, %gather3A_488 : vector<16xf32>
      %add3A_491 = arith.addf %add3A_489, %add3A_490 : vector<16xf32>
      %mul3A_492 = arith.constant 16 : i32
      %mul3A_493 = arith.muli %scan3A_450, %mul3A_492 : i32
      %swap3A_494 = arith.index_cast %mul3A_493 : i32 to index
      %swap3A_495 = tpu.vector_load %arg7[%swap3A_494] {strides = array<i32>} : memref<8192xf32, #tpu.memory_space<vmem>>, vector<16xf32>,
      tpu.vector_store %arg7[%swap3A_494], %add3A_491 {strides = array<i32>} : memref<8192xf32, #tpu.memory_space<vmem>>, vector<16xf32>,
      %scan3A_496 = arith.constant 0 : i32
      scf.yield %scan3A_496 : i32
    }
    %scan3A_228 = arith.constant 512 : i32
    %add3A_229 = arith.constant 90112 : i32
    %add3A_230 = arith.addi %mul3A_4, %add3A_229 : i32
    %dma_start3A_231 = tpu.memref_slice %arg3[%add3A_230] : memref<4194304xf32, #tpu.memory_space<hbm>> -> memref<8192xf32, #tpu.memory_space<hbm>>
    %dma_start3A_232 = tpu.memref_slice %arg3[%add3A_230] : memref<4194304xf32, #tpu.memory_space<hbm>> -> memref<8192xf32, #tpu.memory_space<hbm>>
    tpu.enqueue_dma source(%arg7 : memref<8192xf32, #tpu.memory_space<vmem>>) target(%dma_start3A_232 : memref<8192xf32, #tpu.memory_space<hbm>>) target_semaphore(%arg11 : memref<!tpu.dma_semaphore, #tpu.memory_space<semaphore_mem>>)
    %add3A_233 = arith.constant 425984 : i32
    %add3A_234 = arith.addi %mul3A_2, %add3A_233 : i32
    %dma_start3A_235 = tpu.memref_slice %arg2[%add3A_234] : memref<16777216xf32, #tpu.memory_space<hbm>> -> memref<32768xf32, #tpu.memory_space<hbm>>
    %dma_start3A_236 = tpu.memref_slice %arg2[%add3A_234] : memref<16777216xf32, #tpu.memory_space<hbm>> -> memref<32768xf32, #tpu.memory_space<hbm>>
    tpu.enqueue_dma source(%dma_start3A_236 : memref<32768xf32, #tpu.memory_space<hbm>>) target(%arg5 : memref<32768xf32, #tpu.memory_space<vmem>>) target_semaphore(%arg9 : memref<!tpu.dma_semaphore, #tpu.memory_space<semaphore_mem>>)
    %dma_wait3A_237 = tpu.memref_slice %arg2[%add3A_215] : memref<16777216xf32, #tpu.memory_space<hbm>> -> memref<32768xf32, #tpu.memory_space<hbm>>
    %dma_wait3A_238 = tpu.memref_slice %arg2[%add3A_215] : memref<16777216xf32, #tpu.memory_space<hbm>> -> memref<32768xf32, #tpu.memory_space<hbm>>
    tpu.wait_dma2 semaphore(%arg8 : memref<!tpu.dma_semaphore, #tpu.memory_space<semaphore_mem>>) src(%dma_wait3A_238 : memref<32768xf32, #tpu.memory_space<hbm>>) dst(%arg4 : memref<32768xf32, #tpu.memory_space<vmem>>)
    %dma_wait3A_239 = tpu.memref_slice %arg3[%add3A_211] : memref<4194304xf32, #tpu.memory_space<hbm>> -> memref<8192xf32, #tpu.memory_space<hbm>>
    %dma_wait3A_240 = tpu.memref_slice %arg3[%add3A_211] : memref<4194304xf32, #tpu.memory_space<hbm>> -> memref<8192xf32, #tpu.memory_space<hbm>>
    tpu.wait_dma2 semaphore(%arg10 : memref<!tpu.dma_semaphore, #tpu.memory_space<semaphore_mem>>) src(%arg6 : memref<8192xf32, #tpu.memory_space<vmem>>) dst(%dma_wait3A_240 : memref<8192xf32, #tpu.memory_space<hbm>>)
    %scan3A_241 = arith.constant 0 : i32
    %scan3A_242 = arith.constant 0 : i32
    %scan3A_243 = arith.constant 512 : i32
    %scan3A_244 = arith.addi %scan3A_242, %scan3A_243 : i32
    %scan3A_245 = arith.constant 4 : i32
    %scan3A_246 = scf.for %scan3A_309 = %scan3A_242 to %scan3A_244 step %scan3A_245 iter_args(%scan3A_310 = %scan3A_241) -> (i32)  : i32 {
      %shift_right_arithmetic3A = arith.constant 6 : i32
      %shift_right_arithmetic3A_311 = arith.shrsi %scan3A_309, %shift_right_arithmetic3A : i32
      %and3A = arith.constant 63 : i32
      %and3A_312 = arith.andi %scan3A_309, %and3A : i32
      %mul3A_313 = arith.constant 4096 : i32
      %mul3A_314 = arith.muli %shift_right_arithmetic3A_311, %mul3A_313 : i32
      %and3A_315 = arith.constant 1 : i32
      %and3A_316 = arith.andi %and3A_312, %and3A_315 : i32
      %mul3A_317 = arith.constant 64 : i32
      %mul3A_318 = arith.muli %and3A_316, %mul3A_317 : i32
      %add3A_319 = arith.addi %mul3A_314, %mul3A_318 : i32
      %shift_right_arithmetic3A_320 = arith.constant 1 : i32
      %shift_right_arithmetic3A_321 = arith.shrsi %and3A_312, %shift_right_arithmetic3A_320 : i32
      %and3A_322 = arith.constant 3 : i32
      %and3A_323 = arith.andi %shift_right_arithmetic3A_321, %and3A_322 : i32
      %mul3A_324 = arith.constant 1024 : i32
      %mul3A_325 = arith.muli %and3A_323, %mul3A_324 : i32
      %add3A_326 = arith.addi %add3A_319, %mul3A_325 : i32
      %shift_right_arithmetic3A_327 = arith.constant 3 : i32
      %shift_right_arithmetic3A_328 = arith.shrsi %and3A_312, %shift_right_arithmetic3A_327 : i32
      %mul3A_329 = arith.constant 128 : i32
      %mul3A_330 = arith.muli %shift_right_arithmetic3A_328, %mul3A_329 : i32
      %add3A_331 = arith.addi %add3A_326, %mul3A_330 : i32
      %add3A_332 = vector.broadcast %add3A_331 : i32 to vector<16xi32>
      %add3A_333 = arith.addi %mul3A_7, %add3A_332 : vector<16xi32>
      %gather3A = tpu.vector_load_idx %arg4[%add3A_333] : memref<32768xf32, #tpu.memory_space<vmem>>[vector<16xi32>], vector<16xf32>,
      %add3A_334 = arith.constant 1 : i32
      %add3A_335 = vector.broadcast %add3A_334 : i32 to vector<16xi32>
      %add3A_336 = arith.addi %add3A_333, %add3A_335 : vector<16xi32>
      %gather3A_337 = tpu.vector_load_idx %arg4[%add3A_336] : memref<32768xf32, #tpu.memory_space<vmem>>[vector<16xi32>], vector<16xf32>,
      %add3A_338 = arith.constant 2 : i32
      %add3A_339 = vector.broadcast %add3A_338 : i32 to vector<16xi32>
      %add3A_340 = arith.addi %add3A_333, %add3A_339 : vector<16xi32>
      %gather3A_341 = tpu.vector_load_idx %arg4[%add3A_340] : memref<32768xf32, #tpu.memory_space<vmem>>[vector<16xi32>], vector<16xf32>,
      %add3A_342 = arith.constant 3 : i32
      %add3A_343 = vector.broadcast %add3A_342 : i32 to vector<16xi32>
      %add3A_344 = arith.addi %add3A_333, %add3A_343 : vector<16xi32>
      %gather3A_345 = tpu.vector_load_idx %arg4[%add3A_344] : memref<32768xf32, #tpu.memory_space<vmem>>[vector<16xi32>], vector<16xf32>,
      %add3A_346 = arith.addf %gather3A, %gather3A_337 : vector<16xf32>
      %add3A_347 = arith.addf %gather3A_341, %gather3A_345 : vector<16xf32>
      %add3A_348 = arith.addf %add3A_346, %add3A_347 : vector<16xf32>
      %mul3A_349 = arith.constant 16 : i32
      %mul3A_350 = arith.muli %scan3A_309, %mul3A_349 : i32
      %swap3A = arith.index_cast %mul3A_350 : i32 to index
      %swap3A_351 = tpu.vector_load %arg6[%swap3A] {strides = array<i32>} : memref<8192xf32, #tpu.memory_space<vmem>>, vector<16xf32>,
      tpu.vector_store %arg6[%swap3A], %add3A_348 {strides = array<i32>} : memref<8192xf32, #tpu.memory_space<vmem>>, vector<16xf32>,
      %scan3A_352 = arith.constant 0 : i32
      %scan3A_353 = arith.constant 1 : i32
      %scan3A_354 = arith.addi %scan3A_309, %scan3A_353 : i32
      %shift_right_arithmetic3A_355 = arith.constant 6 : i32
      %shift_right_arithmetic3A_356 = arith.shrsi %scan3A_354, %shift_right_arithmetic3A_355 : i32
      %and3A_357 = arith.constant 63 : i32
      %and3A_358 = arith.andi %scan3A_354, %and3A_357 : i32
      %mul3A_359 = arith.constant 4096 : i32
      %mul3A_360 = arith.muli %shift_right_arithmetic3A_356, %mul3A_359 : i32
      %and3A_361 = arith.constant 1 : i32
      %and3A_362 = arith.andi %and3A_358, %and3A_361 : i32
      %mul3A_363 = arith.constant 64 : i32
      %mul3A_364 = arith.muli %and3A_362, %mul3A_363 : i32
      %add3A_365 = arith.addi %mul3A_360, %mul3A_364 : i32
      %shift_right_arithmetic3A_366 = arith.constant 1 : i32
      %shift_right_arithmetic3A_367 = arith.shrsi %and3A_358, %shift_right_arithmetic3A_366 : i32
      %and3A_368 = arith.constant 3 : i32
      %and3A_369 = arith.andi %shift_right_arithmetic3A_367, %and3A_368 : i32
      %mul3A_370 = arith.constant 1024 : i32
      %mul3A_371 = arith.muli %and3A_369, %mul3A_370 : i32
      %add3A_372 = arith.addi %add3A_365, %mul3A_371 : i32
      %shift_right_arithmetic3A_373 = arith.constant 3 : i32
      %shift_right_arithmetic3A_374 = arith.shrsi %and3A_358, %shift_right_arithmetic3A_373 : i32
      %mul3A_375 = arith.constant 128 : i32
      %mul3A_376 = arith.muli %shift_right_arithmetic3A_374, %mul3A_375 : i32
      %add3A_377 = arith.addi %add3A_372, %mul3A_376 : i32
      %add3A_378 = vector.broadcast %add3A_377 : i32 to vector<16xi32>
      %add3A_379 = arith.addi %mul3A_7, %add3A_378 : vector<16xi32>
      %gather3A_380 = tpu.vector_load_idx %arg4[%add3A_379] : memref<32768xf32, #tpu.memory_space<vmem>>[vector<16xi32>], vector<16xf32>,
      %add3A_381 = arith.constant 1 : i32
      %add3A_382 = vector.broadcast %add3A_381 : i32 to vector<16xi32>
      %add3A_383 = arith.addi %add3A_379, %add3A_382 : vector<16xi32>
      %gather3A_384 = tpu.vector_load_idx %arg4[%add3A_383] : memref<32768xf32, #tpu.memory_space<vmem>>[vector<16xi32>], vector<16xf32>,
      %add3A_385 = arith.constant 2 : i32
      %add3A_386 = vector.broadcast %add3A_385 : i32 to vector<16xi32>
      %add3A_387 = arith.addi %add3A_379, %add3A_386 : vector<16xi32>
      %gather3A_388 = tpu.vector_load_idx %arg4[%add3A_387] : memref<32768xf32, #tpu.memory_space<vmem>>[vector<16xi32>], vector<16xf32>,
      %add3A_389 = arith.constant 3 : i32
      %add3A_390 = vector.broadcast %add3A_389 : i32 to vector<16xi32>
      %add3A_391 = arith.addi %add3A_379, %add3A_390 : vector<16xi32>
      %gather3A_392 = tpu.vector_load_idx %arg4[%add3A_391] : memref<32768xf32, #tpu.memory_space<vmem>>[vector<16xi32>], vector<16xf32>,
      %add3A_393 = arith.addf %gather3A_380, %gather3A_384 : vector<16xf32>
      %add3A_394 = arith.addf %gather3A_388, %gather3A_392 : vector<16xf32>
      %add3A_395 = arith.addf %add3A_393, %add3A_394 : vector<16xf32>
      %mul3A_396 = arith.constant 16 : i32
      %mul3A_397 = arith.muli %scan3A_354, %mul3A_396 : i32
      %swap3A_398 = arith.index_cast %mul3A_397 : i32 to index
      %swap3A_399 = tpu.vector_load %arg6[%swap3A_398] {strides = array<i32>} : memref<8192xf32, #tpu.memory_space<vmem>>, vector<16xf32>,
      tpu.vector_store %arg6[%swap3A_398], %add3A_395 {strides = array<i32>} : memref<8192xf32, #tpu.memory_space<vmem>>, vector<16xf32>,
      %scan3A_400 = arith.constant 0 : i32
      %scan3A_401 = arith.constant 2 : i32
      %scan3A_402 = arith.addi %scan3A_309, %scan3A_401 : i32
      %shift_right_arithmetic3A_403 = arith.constant 6 : i32
      %shift_right_arithmetic3A_404 = arith.shrsi %scan3A_402, %shift_right_arithmetic3A_403 : i32
      %and3A_405 = arith.constant 63 : i32
      %and3A_406 = arith.andi %scan3A_402, %and3A_405 : i32
      %mul3A_407 = arith.constant 4096 : i32
      %mul3A_408 = arith.muli %shift_right_arithmetic3A_404, %mul3A_407 : i32
      %and3A_409 = arith.constant 1 : i32
      %and3A_410 = arith.andi %and3A_406, %and3A_409 : i32
      %mul3A_411 = arith.constant 64 : i32
      %mul3A_412 = arith.muli %and3A_410, %mul3A_411 : i32
      %add3A_413 = arith.addi %mul3A_408, %mul3A_412 : i32
      %shift_right_arithmetic3A_414 = arith.constant 1 : i32
      %shift_right_arithmetic3A_415 = arith.shrsi %and3A_406, %shift_right_arithmetic3A_414 : i32
      %and3A_416 = arith.constant 3 : i32
      %and3A_417 = arith.andi %shift_right_arithmetic3A_415, %and3A_416 : i32
      %mul3A_418 = arith.constant 1024 : i32
      %mul3A_419 = arith.muli %and3A_417, %mul3A_418 : i32
      %add3A_420 = arith.addi %add3A_413, %mul3A_419 : i32
      %shift_right_arithmetic3A_421 = arith.constant 3 : i32
      %shift_right_arithmetic3A_422 = arith.shrsi %and3A_406, %shift_right_arithmetic3A_421 : i32
      %mul3A_423 = arith.constant 128 : i32
      %mul3A_424 = arith.muli %shift_right_arithmetic3A_422, %mul3A_423 : i32
      %add3A_425 = arith.addi %add3A_420, %mul3A_424 : i32
      %add3A_426 = vector.broadcast %add3A_425 : i32 to vector<16xi32>
      %add3A_427 = arith.addi %mul3A_7, %add3A_426 : vector<16xi32>
      %gather3A_428 = tpu.vector_load_idx %arg4[%add3A_427] : memref<32768xf32, #tpu.memory_space<vmem>>[vector<16xi32>], vector<16xf32>,
      %add3A_429 = arith.constant 1 : i32
      %add3A_430 = vector.broadcast %add3A_429 : i32 to vector<16xi32>
      %add3A_431 = arith.addi %add3A_427, %add3A_430 : vector<16xi32>
      %gather3A_432 = tpu.vector_load_idx %arg4[%add3A_431] : memref<32768xf32, #tpu.memory_space<vmem>>[vector<16xi32>], vector<16xf32>,
      %add3A_433 = arith.constant 2 : i32
      %add3A_434 = vector.broadcast %add3A_433 : i32 to vector<16xi32>
      %add3A_435 = arith.addi %add3A_427, %add3A_434 : vector<16xi32>
      %gather3A_436 = tpu.vector_load_idx %arg4[%add3A_435] : memref<32768xf32, #tpu.memory_space<vmem>>[vector<16xi32>], vector<16xf32>,
      %add3A_437 = arith.constant 3 : i32
      %add3A_438 = vector.broadcast %add3A_437 : i32 to vector<16xi32>
      %add3A_439 = arith.addi %add3A_427, %add3A_438 : vector<16xi32>
      %gather3A_440 = tpu.vector_load_idx %arg4[%add3A_439] : memref<32768xf32, #tpu.memory_space<vmem>>[vector<16xi32>], vector<16xf32>,
      %add3A_441 = arith.addf %gather3A_428, %gather3A_432 : vector<16xf32>
      %add3A_442 = arith.addf %gather3A_436, %gather3A_440 : vector<16xf32>
      %add3A_443 = arith.addf %add3A_441, %add3A_442 : vector<16xf32>
      %mul3A_444 = arith.constant 16 : i32
      %mul3A_445 = arith.muli %scan3A_402, %mul3A_444 : i32
      %swap3A_446 = arith.index_cast %mul3A_445 : i32 to index
      %swap3A_447 = tpu.vector_load %arg6[%swap3A_446] {strides = array<i32>} : memref<8192xf32, #tpu.memory_space<vmem>>, vector<16xf32>,
      tpu.vector_store %arg6[%swap3A_446], %add3A_443 {strides = array<i32>} : memref<8192xf32, #tpu.memory_space<vmem>>, vector<16xf32>,
      %scan3A_448 = arith.constant 0 : i32
      %scan3A_449 = arith.constant 3 : i32
      %scan3A_450 = arith.addi %scan3A_309, %scan3A_449 : i32
      %shift_right_arithmetic3A_451 = arith.constant 6 : i32
      %shift_right_arithmetic3A_452 = arith.shrsi %scan3A_450, %shift_right_arithmetic3A_451 : i32
      %and3A_453 = arith.constant 63 : i32
      %and3A_454 = arith.andi %scan3A_450, %and3A_453 : i32
      %mul3A_455 = arith.constant 4096 : i32
      %mul3A_456 = arith.muli %shift_right_arithmetic3A_452, %mul3A_455 : i32
      %and3A_457 = arith.constant 1 : i32
      %and3A_458 = arith.andi %and3A_454, %and3A_457 : i32
      %mul3A_459 = arith.constant 64 : i32
      %mul3A_460 = arith.muli %and3A_458, %mul3A_459 : i32
      %add3A_461 = arith.addi %mul3A_456, %mul3A_460 : i32
      %shift_right_arithmetic3A_462 = arith.constant 1 : i32
      %shift_right_arithmetic3A_463 = arith.shrsi %and3A_454, %shift_right_arithmetic3A_462 : i32
      %and3A_464 = arith.constant 3 : i32
      %and3A_465 = arith.andi %shift_right_arithmetic3A_463, %and3A_464 : i32
      %mul3A_466 = arith.constant 1024 : i32
      %mul3A_467 = arith.muli %and3A_465, %mul3A_466 : i32
      %add3A_468 = arith.addi %add3A_461, %mul3A_467 : i32
      %shift_right_arithmetic3A_469 = arith.constant 3 : i32
      %shift_right_arithmetic3A_470 = arith.shrsi %and3A_454, %shift_right_arithmetic3A_469 : i32
      %mul3A_471 = arith.constant 128 : i32
      %mul3A_472 = arith.muli %shift_right_arithmetic3A_470, %mul3A_471 : i32
      %add3A_473 = arith.addi %add3A_468, %mul3A_472 : i32
      %add3A_474 = vector.broadcast %add3A_473 : i32 to vector<16xi32>
      %add3A_475 = arith.addi %mul3A_7, %add3A_474 : vector<16xi32>
      %gather3A_476 = tpu.vector_load_idx %arg4[%add3A_475] : memref<32768xf32, #tpu.memory_space<vmem>>[vector<16xi32>], vector<16xf32>,
      %add3A_477 = arith.constant 1 : i32
      %add3A_478 = vector.broadcast %add3A_477 : i32 to vector<16xi32>
      %add3A_479 = arith.addi %add3A_475, %add3A_478 : vector<16xi32>
      %gather3A_480 = tpu.vector_load_idx %arg4[%add3A_479] : memref<32768xf32, #tpu.memory_space<vmem>>[vector<16xi32>], vector<16xf32>,
      %add3A_481 = arith.constant 2 : i32
      %add3A_482 = vector.broadcast %add3A_481 : i32 to vector<16xi32>
      %add3A_483 = arith.addi %add3A_475, %add3A_482 : vector<16xi32>
      %gather3A_484 = tpu.vector_load_idx %arg4[%add3A_483] : memref<32768xf32, #tpu.memory_space<vmem>>[vector<16xi32>], vector<16xf32>,
      %add3A_485 = arith.constant 3 : i32
      %add3A_486 = vector.broadcast %add3A_485 : i32 to vector<16xi32>
      %add3A_487 = arith.addi %add3A_475, %add3A_486 : vector<16xi32>
      %gather3A_488 = tpu.vector_load_idx %arg4[%add3A_487] : memref<32768xf32, #tpu.memory_space<vmem>>[vector<16xi32>], vector<16xf32>,
      %add3A_489 = arith.addf %gather3A_476, %gather3A_480 : vector<16xf32>
      %add3A_490 = arith.addf %gather3A_484, %gather3A_488 : vector<16xf32>
      %add3A_491 = arith.addf %add3A_489, %add3A_490 : vector<16xf32>
      %mul3A_492 = arith.constant 16 : i32
      %mul3A_493 = arith.muli %scan3A_450, %mul3A_492 : i32
      %swap3A_494 = arith.index_cast %mul3A_493 : i32 to index
      %swap3A_495 = tpu.vector_load %arg6[%swap3A_494] {strides = array<i32>} : memref<8192xf32, #tpu.memory_space<vmem>>, vector<16xf32>,
      tpu.vector_store %arg6[%swap3A_494], %add3A_491 {strides = array<i32>} : memref<8192xf32, #tpu.memory_space<vmem>>, vector<16xf32>,
      %scan3A_496 = arith.constant 0 : i32
      scf.yield %scan3A_496 : i32
    }
    %scan3A_247 = arith.constant 512 : i32
    %add3A_248 = arith.constant 98304 : i32
    %add3A_249 = arith.addi %mul3A_4, %add3A_248 : i32
    %dma_start3A_250 = tpu.memref_slice %arg3[%add3A_249] : memref<4194304xf32, #tpu.memory_space<hbm>> -> memref<8192xf32, #tpu.memory_space<hbm>>
    %dma_start3A_251 = tpu.memref_slice %arg3[%add3A_249] : memref<4194304xf32, #tpu.memory_space<hbm>> -> memref<8192xf32, #tpu.memory_space<hbm>>
    tpu.enqueue_dma source(%arg6 : memref<8192xf32, #tpu.memory_space<vmem>>) target(%dma_start3A_251 : memref<8192xf32, #tpu.memory_space<hbm>>) target_semaphore(%arg10 : memref<!tpu.dma_semaphore, #tpu.memory_space<semaphore_mem>>)
    %add3A_252 = arith.constant 458752 : i32
    %add3A_253 = arith.addi %mul3A_2, %add3A_252 : i32
    %dma_start3A_254 = tpu.memref_slice %arg2[%add3A_253] : memref<16777216xf32, #tpu.memory_space<hbm>> -> memref<32768xf32, #tpu.memory_space<hbm>>
    %dma_start3A_255 = tpu.memref_slice %arg2[%add3A_253] : memref<16777216xf32, #tpu.memory_space<hbm>> -> memref<32768xf32, #tpu.memory_space<hbm>>
    tpu.enqueue_dma source(%dma_start3A_255 : memref<32768xf32, #tpu.memory_space<hbm>>) target(%arg4 : memref<32768xf32, #tpu.memory_space<vmem>>) target_semaphore(%arg8 : memref<!tpu.dma_semaphore, #tpu.memory_space<semaphore_mem>>)
    %dma_wait3A_256 = tpu.memref_slice %arg2[%add3A_234] : memref<16777216xf32, #tpu.memory_space<hbm>> -> memref<32768xf32, #tpu.memory_space<hbm>>
    %dma_wait3A_257 = tpu.memref_slice %arg2[%add3A_234] : memref<16777216xf32, #tpu.memory_space<hbm>> -> memref<32768xf32, #tpu.memory_space<hbm>>
    tpu.wait_dma2 semaphore(%arg9 : memref<!tpu.dma_semaphore, #tpu.memory_space<semaphore_mem>>) src(%dma_wait3A_257 : memref<32768xf32, #tpu.memory_space<hbm>>) dst(%arg5 : memref<32768xf32, #tpu.memory_space<vmem>>)
    %dma_wait3A_258 = tpu.memref_slice %arg3[%add3A_230] : memref<4194304xf32, #tpu.memory_space<hbm>> -> memref<8192xf32, #tpu.memory_space<hbm>>
    %dma_wait3A_259 = tpu.memref_slice %arg3[%add3A_230] : memref<4194304xf32, #tpu.memory_space<hbm>> -> memref<8192xf32, #tpu.memory_space<hbm>>
    tpu.wait_dma2 semaphore(%arg11 : memref<!tpu.dma_semaphore, #tpu.memory_space<semaphore_mem>>) src(%arg7 : memref<8192xf32, #tpu.memory_space<vmem>>) dst(%dma_wait3A_259 : memref<8192xf32, #tpu.memory_space<hbm>>)
    %scan3A_260 = arith.constant 0 : i32
    %scan3A_261 = arith.constant 0 : i32
    %scan3A_262 = arith.constant 512 : i32
    %scan3A_263 = arith.addi %scan3A_261, %scan3A_262 : i32
    %scan3A_264 = arith.constant 4 : i32
    %scan3A_265 = scf.for %scan3A_309 = %scan3A_261 to %scan3A_263 step %scan3A_264 iter_args(%scan3A_310 = %scan3A_260) -> (i32)  : i32 {
      %shift_right_arithmetic3A = arith.constant 6 : i32
      %shift_right_arithmetic3A_311 = arith.shrsi %scan3A_309, %shift_right_arithmetic3A : i32
      %and3A = arith.constant 63 : i32
      %and3A_312 = arith.andi %scan3A_309, %and3A : i32
      %mul3A_313 = arith.constant 4096 : i32
      %mul3A_314 = arith.muli %shift_right_arithmetic3A_311, %mul3A_313 : i32
      %and3A_315 = arith.constant 1 : i32
      %and3A_316 = arith.andi %and3A_312, %and3A_315 : i32
      %mul3A_317 = arith.constant 64 : i32
      %mul3A_318 = arith.muli %and3A_316, %mul3A_317 : i32
      %add3A_319 = arith.addi %mul3A_314, %mul3A_318 : i32
      %shift_right_arithmetic3A_320 = arith.constant 1 : i32
      %shift_right_arithmetic3A_321 = arith.shrsi %and3A_312, %shift_right_arithmetic3A_320 : i32
      %and3A_322 = arith.constant 3 : i32
      %and3A_323 = arith.andi %shift_right_arithmetic3A_321, %and3A_322 : i32
      %mul3A_324 = arith.constant 1024 : i32
      %mul3A_325 = arith.muli %and3A_323, %mul3A_324 : i32
      %add3A_326 = arith.addi %add3A_319, %mul3A_325 : i32
      %shift_right_arithmetic3A_327 = arith.constant 3 : i32
      %shift_right_arithmetic3A_328 = arith.shrsi %and3A_312, %shift_right_arithmetic3A_327 : i32
      %mul3A_329 = arith.constant 128 : i32
      %mul3A_330 = arith.muli %shift_right_arithmetic3A_328, %mul3A_329 : i32
      %add3A_331 = arith.addi %add3A_326, %mul3A_330 : i32
      %add3A_332 = vector.broadcast %add3A_331 : i32 to vector<16xi32>
      %add3A_333 = arith.addi %mul3A_7, %add3A_332 : vector<16xi32>
      %gather3A = tpu.vector_load_idx %arg5[%add3A_333] : memref<32768xf32, #tpu.memory_space<vmem>>[vector<16xi32>], vector<16xf32>,
      %add3A_334 = arith.constant 1 : i32
      %add3A_335 = vector.broadcast %add3A_334 : i32 to vector<16xi32>
      %add3A_336 = arith.addi %add3A_333, %add3A_335 : vector<16xi32>
      %gather3A_337 = tpu.vector_load_idx %arg5[%add3A_336] : memref<32768xf32, #tpu.memory_space<vmem>>[vector<16xi32>], vector<16xf32>,
      %add3A_338 = arith.constant 2 : i32
      %add3A_339 = vector.broadcast %add3A_338 : i32 to vector<16xi32>
      %add3A_340 = arith.addi %add3A_333, %add3A_339 : vector<16xi32>
      %gather3A_341 = tpu.vector_load_idx %arg5[%add3A_340] : memref<32768xf32, #tpu.memory_space<vmem>>[vector<16xi32>], vector<16xf32>,
      %add3A_342 = arith.constant 3 : i32
      %add3A_343 = vector.broadcast %add3A_342 : i32 to vector<16xi32>
      %add3A_344 = arith.addi %add3A_333, %add3A_343 : vector<16xi32>
      %gather3A_345 = tpu.vector_load_idx %arg5[%add3A_344] : memref<32768xf32, #tpu.memory_space<vmem>>[vector<16xi32>], vector<16xf32>,
      %add3A_346 = arith.addf %gather3A, %gather3A_337 : vector<16xf32>
      %add3A_347 = arith.addf %gather3A_341, %gather3A_345 : vector<16xf32>
      %add3A_348 = arith.addf %add3A_346, %add3A_347 : vector<16xf32>
      %mul3A_349 = arith.constant 16 : i32
      %mul3A_350 = arith.muli %scan3A_309, %mul3A_349 : i32
      %swap3A = arith.index_cast %mul3A_350 : i32 to index
      %swap3A_351 = tpu.vector_load %arg7[%swap3A] {strides = array<i32>} : memref<8192xf32, #tpu.memory_space<vmem>>, vector<16xf32>,
      tpu.vector_store %arg7[%swap3A], %add3A_348 {strides = array<i32>} : memref<8192xf32, #tpu.memory_space<vmem>>, vector<16xf32>,
      %scan3A_352 = arith.constant 0 : i32
      %scan3A_353 = arith.constant 1 : i32
      %scan3A_354 = arith.addi %scan3A_309, %scan3A_353 : i32
      %shift_right_arithmetic3A_355 = arith.constant 6 : i32
      %shift_right_arithmetic3A_356 = arith.shrsi %scan3A_354, %shift_right_arithmetic3A_355 : i32
      %and3A_357 = arith.constant 63 : i32
      %and3A_358 = arith.andi %scan3A_354, %and3A_357 : i32
      %mul3A_359 = arith.constant 4096 : i32
      %mul3A_360 = arith.muli %shift_right_arithmetic3A_356, %mul3A_359 : i32
      %and3A_361 = arith.constant 1 : i32
      %and3A_362 = arith.andi %and3A_358, %and3A_361 : i32
      %mul3A_363 = arith.constant 64 : i32
      %mul3A_364 = arith.muli %and3A_362, %mul3A_363 : i32
      %add3A_365 = arith.addi %mul3A_360, %mul3A_364 : i32
      %shift_right_arithmetic3A_366 = arith.constant 1 : i32
      %shift_right_arithmetic3A_367 = arith.shrsi %and3A_358, %shift_right_arithmetic3A_366 : i32
      %and3A_368 = arith.constant 3 : i32
      %and3A_369 = arith.andi %shift_right_arithmetic3A_367, %and3A_368 : i32
      %mul3A_370 = arith.constant 1024 : i32
      %mul3A_371 = arith.muli %and3A_369, %mul3A_370 : i32
      %add3A_372 = arith.addi %add3A_365, %mul3A_371 : i32
      %shift_right_arithmetic3A_373 = arith.constant 3 : i32
      %shift_right_arithmetic3A_374 = arith.shrsi %and3A_358, %shift_right_arithmetic3A_373 : i32
      %mul3A_375 = arith.constant 128 : i32
      %mul3A_376 = arith.muli %shift_right_arithmetic3A_374, %mul3A_375 : i32
      %add3A_377 = arith.addi %add3A_372, %mul3A_376 : i32
      %add3A_378 = vector.broadcast %add3A_377 : i32 to vector<16xi32>
      %add3A_379 = arith.addi %mul3A_7, %add3A_378 : vector<16xi32>
      %gather3A_380 = tpu.vector_load_idx %arg5[%add3A_379] : memref<32768xf32, #tpu.memory_space<vmem>>[vector<16xi32>], vector<16xf32>,
      %add3A_381 = arith.constant 1 : i32
      %add3A_382 = vector.broadcast %add3A_381 : i32 to vector<16xi32>
      %add3A_383 = arith.addi %add3A_379, %add3A_382 : vector<16xi32>
      %gather3A_384 = tpu.vector_load_idx %arg5[%add3A_383] : memref<32768xf32, #tpu.memory_space<vmem>>[vector<16xi32>], vector<16xf32>,
      %add3A_385 = arith.constant 2 : i32
      %add3A_386 = vector.broadcast %add3A_385 : i32 to vector<16xi32>
      %add3A_387 = arith.addi %add3A_379, %add3A_386 : vector<16xi32>
      %gather3A_388 = tpu.vector_load_idx %arg5[%add3A_387] : memref<32768xf32, #tpu.memory_space<vmem>>[vector<16xi32>], vector<16xf32>,
      %add3A_389 = arith.constant 3 : i32
      %add3A_390 = vector.broadcast %add3A_389 : i32 to vector<16xi32>
      %add3A_391 = arith.addi %add3A_379, %add3A_390 : vector<16xi32>
      %gather3A_392 = tpu.vector_load_idx %arg5[%add3A_391] : memref<32768xf32, #tpu.memory_space<vmem>>[vector<16xi32>], vector<16xf32>,
      %add3A_393 = arith.addf %gather3A_380, %gather3A_384 : vector<16xf32>
      %add3A_394 = arith.addf %gather3A_388, %gather3A_392 : vector<16xf32>
      %add3A_395 = arith.addf %add3A_393, %add3A_394 : vector<16xf32>
      %mul3A_396 = arith.constant 16 : i32
      %mul3A_397 = arith.muli %scan3A_354, %mul3A_396 : i32
      %swap3A_398 = arith.index_cast %mul3A_397 : i32 to index
      %swap3A_399 = tpu.vector_load %arg7[%swap3A_398] {strides = array<i32>} : memref<8192xf32, #tpu.memory_space<vmem>>, vector<16xf32>,
      tpu.vector_store %arg7[%swap3A_398], %add3A_395 {strides = array<i32>} : memref<8192xf32, #tpu.memory_space<vmem>>, vector<16xf32>,
      %scan3A_400 = arith.constant 0 : i32
      %scan3A_401 = arith.constant 2 : i32
      %scan3A_402 = arith.addi %scan3A_309, %scan3A_401 : i32
      %shift_right_arithmetic3A_403 = arith.constant 6 : i32
      %shift_right_arithmetic3A_404 = arith.shrsi %scan3A_402, %shift_right_arithmetic3A_403 : i32
      %and3A_405 = arith.constant 63 : i32
      %and3A_406 = arith.andi %scan3A_402, %and3A_405 : i32
      %mul3A_407 = arith.constant 4096 : i32
      %mul3A_408 = arith.muli %shift_right_arithmetic3A_404, %mul3A_407 : i32
      %and3A_409 = arith.constant 1 : i32
      %and3A_410 = arith.andi %and3A_406, %and3A_409 : i32
      %mul3A_411 = arith.constant 64 : i32
      %mul3A_412 = arith.muli %and3A_410, %mul3A_411 : i32
      %add3A_413 = arith.addi %mul3A_408, %mul3A_412 : i32
      %shift_right_arithmetic3A_414 = arith.constant 1 : i32
      %shift_right_arithmetic3A_415 = arith.shrsi %and3A_406, %shift_right_arithmetic3A_414 : i32
      %and3A_416 = arith.constant 3 : i32
      %and3A_417 = arith.andi %shift_right_arithmetic3A_415, %and3A_416 : i32
      %mul3A_418 = arith.constant 1024 : i32
      %mul3A_419 = arith.muli %and3A_417, %mul3A_418 : i32
      %add3A_420 = arith.addi %add3A_413, %mul3A_419 : i32
      %shift_right_arithmetic3A_421 = arith.constant 3 : i32
      %shift_right_arithmetic3A_422 = arith.shrsi %and3A_406, %shift_right_arithmetic3A_421 : i32
      %mul3A_423 = arith.constant 128 : i32
      %mul3A_424 = arith.muli %shift_right_arithmetic3A_422, %mul3A_423 : i32
      %add3A_425 = arith.addi %add3A_420, %mul3A_424 : i32
      %add3A_426 = vector.broadcast %add3A_425 : i32 to vector<16xi32>
      %add3A_427 = arith.addi %mul3A_7, %add3A_426 : vector<16xi32>
      %gather3A_428 = tpu.vector_load_idx %arg5[%add3A_427] : memref<32768xf32, #tpu.memory_space<vmem>>[vector<16xi32>], vector<16xf32>,
      %add3A_429 = arith.constant 1 : i32
      %add3A_430 = vector.broadcast %add3A_429 : i32 to vector<16xi32>
      %add3A_431 = arith.addi %add3A_427, %add3A_430 : vector<16xi32>
      %gather3A_432 = tpu.vector_load_idx %arg5[%add3A_431] : memref<32768xf32, #tpu.memory_space<vmem>>[vector<16xi32>], vector<16xf32>,
      %add3A_433 = arith.constant 2 : i32
      %add3A_434 = vector.broadcast %add3A_433 : i32 to vector<16xi32>
      %add3A_435 = arith.addi %add3A_427, %add3A_434 : vector<16xi32>
      %gather3A_436 = tpu.vector_load_idx %arg5[%add3A_435] : memref<32768xf32, #tpu.memory_space<vmem>>[vector<16xi32>], vector<16xf32>,
      %add3A_437 = arith.constant 3 : i32
      %add3A_438 = vector.broadcast %add3A_437 : i32 to vector<16xi32>
      %add3A_439 = arith.addi %add3A_427, %add3A_438 : vector<16xi32>
      %gather3A_440 = tpu.vector_load_idx %arg5[%add3A_439] : memref<32768xf32, #tpu.memory_space<vmem>>[vector<16xi32>], vector<16xf32>,
      %add3A_441 = arith.addf %gather3A_428, %gather3A_432 : vector<16xf32>
      %add3A_442 = arith.addf %gather3A_436, %gather3A_440 : vector<16xf32>
      %add3A_443 = arith.addf %add3A_441, %add3A_442 : vector<16xf32>
      %mul3A_444 = arith.constant 16 : i32
      %mul3A_445 = arith.muli %scan3A_402, %mul3A_444 : i32
      %swap3A_446 = arith.index_cast %mul3A_445 : i32 to index
      %swap3A_447 = tpu.vector_load %arg7[%swap3A_446] {strides = array<i32>} : memref<8192xf32, #tpu.memory_space<vmem>>, vector<16xf32>,
      tpu.vector_store %arg7[%swap3A_446], %add3A_443 {strides = array<i32>} : memref<8192xf32, #tpu.memory_space<vmem>>, vector<16xf32>,
      %scan3A_448 = arith.constant 0 : i32
      %scan3A_449 = arith.constant 3 : i32
      %scan3A_450 = arith.addi %scan3A_309, %scan3A_449 : i32
      %shift_right_arithmetic3A_451 = arith.constant 6 : i32
      %shift_right_arithmetic3A_452 = arith.shrsi %scan3A_450, %shift_right_arithmetic3A_451 : i32
      %and3A_453 = arith.constant 63 : i32
      %and3A_454 = arith.andi %scan3A_450, %and3A_453 : i32
      %mul3A_455 = arith.constant 4096 : i32
      %mul3A_456 = arith.muli %shift_right_arithmetic3A_452, %mul3A_455 : i32
      %and3A_457 = arith.constant 1 : i32
      %and3A_458 = arith.andi %and3A_454, %and3A_457 : i32
      %mul3A_459 = arith.constant 64 : i32
      %mul3A_460 = arith.muli %and3A_458, %mul3A_459 : i32
      %add3A_461 = arith.addi %mul3A_456, %mul3A_460 : i32
      %shift_right_arithmetic3A_462 = arith.constant 1 : i32
      %shift_right_arithmetic3A_463 = arith.shrsi %and3A_454, %shift_right_arithmetic3A_462 : i32
      %and3A_464 = arith.constant 3 : i32
      %and3A_465 = arith.andi %shift_right_arithmetic3A_463, %and3A_464 : i32
      %mul3A_466 = arith.constant 1024 : i32
      %mul3A_467 = arith.muli %and3A_465, %mul3A_466 : i32
      %add3A_468 = arith.addi %add3A_461, %mul3A_467 : i32
      %shift_right_arithmetic3A_469 = arith.constant 3 : i32
      %shift_right_arithmetic3A_470 = arith.shrsi %and3A_454, %shift_right_arithmetic3A_469 : i32
      %mul3A_471 = arith.constant 128 : i32
      %mul3A_472 = arith.muli %shift_right_arithmetic3A_470, %mul3A_471 : i32
      %add3A_473 = arith.addi %add3A_468, %mul3A_472 : i32
      %add3A_474 = vector.broadcast %add3A_473 : i32 to vector<16xi32>
      %add3A_475 = arith.addi %mul3A_7, %add3A_474 : vector<16xi32>
      %gather3A_476 = tpu.vector_load_idx %arg5[%add3A_475] : memref<32768xf32, #tpu.memory_space<vmem>>[vector<16xi32>], vector<16xf32>,
      %add3A_477 = arith.constant 1 : i32
      %add3A_478 = vector.broadcast %add3A_477 : i32 to vector<16xi32>
      %add3A_479 = arith.addi %add3A_475, %add3A_478 : vector<16xi32>
      %gather3A_480 = tpu.vector_load_idx %arg5[%add3A_479] : memref<32768xf32, #tpu.memory_space<vmem>>[vector<16xi32>], vector<16xf32>,
      %add3A_481 = arith.constant 2 : i32
      %add3A_482 = vector.broadcast %add3A_481 : i32 to vector<16xi32>
      %add3A_483 = arith.addi %add3A_475, %add3A_482 : vector<16xi32>
      %gather3A_484 = tpu.vector_load_idx %arg5[%add3A_483] : memref<32768xf32, #tpu.memory_space<vmem>>[vector<16xi32>], vector<16xf32>,
      %add3A_485 = arith.constant 3 : i32
      %add3A_486 = vector.broadcast %add3A_485 : i32 to vector<16xi32>
      %add3A_487 = arith.addi %add3A_475, %add3A_486 : vector<16xi32>
      %gather3A_488 = tpu.vector_load_idx %arg5[%add3A_487] : memref<32768xf32, #tpu.memory_space<vmem>>[vector<16xi32>], vector<16xf32>,
      %add3A_489 = arith.addf %gather3A_476, %gather3A_480 : vector<16xf32>
      %add3A_490 = arith.addf %gather3A_484, %gather3A_488 : vector<16xf32>
      %add3A_491 = arith.addf %add3A_489, %add3A_490 : vector<16xf32>
      %mul3A_492 = arith.constant 16 : i32
      %mul3A_493 = arith.muli %scan3A_450, %mul3A_492 : i32
      %swap3A_494 = arith.index_cast %mul3A_493 : i32 to index
      %swap3A_495 = tpu.vector_load %arg7[%swap3A_494] {strides = array<i32>} : memref<8192xf32, #tpu.memory_space<vmem>>, vector<16xf32>,
      tpu.vector_store %arg7[%swap3A_494], %add3A_491 {strides = array<i32>} : memref<8192xf32, #tpu.memory_space<vmem>>, vector<16xf32>,
      %scan3A_496 = arith.constant 0 : i32
      scf.yield %scan3A_496 : i32
    }
    %scan3A_266 = arith.constant 512 : i32
    %add3A_267 = arith.constant 106496 : i32
    %add3A_268 = arith.addi %mul3A_4, %add3A_267 : i32
    %dma_start3A_269 = tpu.memref_slice %arg3[%add3A_268] : memref<4194304xf32, #tpu.memory_space<hbm>> -> memref<8192xf32, #tpu.memory_space<hbm>>
    %dma_start3A_270 = tpu.memref_slice %arg3[%add3A_268] : memref<4194304xf32, #tpu.memory_space<hbm>> -> memref<8192xf32, #tpu.memory_space<hbm>>
    tpu.enqueue_dma source(%arg7 : memref<8192xf32, #tpu.memory_space<vmem>>) target(%dma_start3A_270 : memref<8192xf32, #tpu.memory_space<hbm>>) target_semaphore(%arg11 : memref<!tpu.dma_semaphore, #tpu.memory_space<semaphore_mem>>)
    %add3A_271 = arith.constant 491520 : i32
    %add3A_272 = arith.addi %mul3A_2, %add3A_271 : i32
    %dma_start3A_273 = tpu.memref_slice %arg2[%add3A_272] : memref<16777216xf32, #tpu.memory_space<hbm>> -> memref<32768xf32, #tpu.memory_space<hbm>>
    %dma_start3A_274 = tpu.memref_slice %arg2[%add3A_272] : memref<16777216xf32, #tpu.memory_space<hbm>> -> memref<32768xf32, #tpu.memory_space<hbm>>
    tpu.enqueue_dma source(%dma_start3A_274 : memref<32768xf32, #tpu.memory_space<hbm>>) target(%arg5 : memref<32768xf32, #tpu.memory_space<vmem>>) target_semaphore(%arg9 : memref<!tpu.dma_semaphore, #tpu.memory_space<semaphore_mem>>)
    %dma_wait3A_275 = tpu.memref_slice %arg2[%add3A_253] : memref<16777216xf32, #tpu.memory_space<hbm>> -> memref<32768xf32, #tpu.memory_space<hbm>>
    %dma_wait3A_276 = tpu.memref_slice %arg2[%add3A_253] : memref<16777216xf32, #tpu.memory_space<hbm>> -> memref<32768xf32, #tpu.memory_space<hbm>>
    tpu.wait_dma2 semaphore(%arg8 : memref<!tpu.dma_semaphore, #tpu.memory_space<semaphore_mem>>) src(%dma_wait3A_276 : memref<32768xf32, #tpu.memory_space<hbm>>) dst(%arg4 : memref<32768xf32, #tpu.memory_space<vmem>>)
    %dma_wait3A_277 = tpu.memref_slice %arg3[%add3A_249] : memref<4194304xf32, #tpu.memory_space<hbm>> -> memref<8192xf32, #tpu.memory_space<hbm>>
    %dma_wait3A_278 = tpu.memref_slice %arg3[%add3A_249] : memref<4194304xf32, #tpu.memory_space<hbm>> -> memref<8192xf32, #tpu.memory_space<hbm>>
    tpu.wait_dma2 semaphore(%arg10 : memref<!tpu.dma_semaphore, #tpu.memory_space<semaphore_mem>>) src(%arg6 : memref<8192xf32, #tpu.memory_space<vmem>>) dst(%dma_wait3A_278 : memref<8192xf32, #tpu.memory_space<hbm>>)
    %scan3A_279 = arith.constant 0 : i32
    %scan3A_280 = arith.constant 0 : i32
    %scan3A_281 = arith.constant 512 : i32
    %scan3A_282 = arith.addi %scan3A_280, %scan3A_281 : i32
    %scan3A_283 = arith.constant 4 : i32
    %scan3A_284 = scf.for %scan3A_309 = %scan3A_280 to %scan3A_282 step %scan3A_283 iter_args(%scan3A_310 = %scan3A_279) -> (i32)  : i32 {
      %shift_right_arithmetic3A = arith.constant 6 : i32
      %shift_right_arithmetic3A_311 = arith.shrsi %scan3A_309, %shift_right_arithmetic3A : i32
      %and3A = arith.constant 63 : i32
      %and3A_312 = arith.andi %scan3A_309, %and3A : i32
      %mul3A_313 = arith.constant 4096 : i32
      %mul3A_314 = arith.muli %shift_right_arithmetic3A_311, %mul3A_313 : i32
      %and3A_315 = arith.constant 1 : i32
      %and3A_316 = arith.andi %and3A_312, %and3A_315 : i32
      %mul3A_317 = arith.constant 64 : i32
      %mul3A_318 = arith.muli %and3A_316, %mul3A_317 : i32
      %add3A_319 = arith.addi %mul3A_314, %mul3A_318 : i32
      %shift_right_arithmetic3A_320 = arith.constant 1 : i32
      %shift_right_arithmetic3A_321 = arith.shrsi %and3A_312, %shift_right_arithmetic3A_320 : i32
      %and3A_322 = arith.constant 3 : i32
      %and3A_323 = arith.andi %shift_right_arithmetic3A_321, %and3A_322 : i32
      %mul3A_324 = arith.constant 1024 : i32
      %mul3A_325 = arith.muli %and3A_323, %mul3A_324 : i32
      %add3A_326 = arith.addi %add3A_319, %mul3A_325 : i32
      %shift_right_arithmetic3A_327 = arith.constant 3 : i32
      %shift_right_arithmetic3A_328 = arith.shrsi %and3A_312, %shift_right_arithmetic3A_327 : i32
      %mul3A_329 = arith.constant 128 : i32
      %mul3A_330 = arith.muli %shift_right_arithmetic3A_328, %mul3A_329 : i32
      %add3A_331 = arith.addi %add3A_326, %mul3A_330 : i32
      %add3A_332 = vector.broadcast %add3A_331 : i32 to vector<16xi32>
      %add3A_333 = arith.addi %mul3A_7, %add3A_332 : vector<16xi32>
      %gather3A = tpu.vector_load_idx %arg4[%add3A_333] : memref<32768xf32, #tpu.memory_space<vmem>>[vector<16xi32>], vector<16xf32>,
      %add3A_334 = arith.constant 1 : i32
      %add3A_335 = vector.broadcast %add3A_334 : i32 to vector<16xi32>
      %add3A_336 = arith.addi %add3A_333, %add3A_335 : vector<16xi32>
      %gather3A_337 = tpu.vector_load_idx %arg4[%add3A_336] : memref<32768xf32, #tpu.memory_space<vmem>>[vector<16xi32>], vector<16xf32>,
      %add3A_338 = arith.constant 2 : i32
      %add3A_339 = vector.broadcast %add3A_338 : i32 to vector<16xi32>
      %add3A_340 = arith.addi %add3A_333, %add3A_339 : vector<16xi32>
      %gather3A_341 = tpu.vector_load_idx %arg4[%add3A_340] : memref<32768xf32, #tpu.memory_space<vmem>>[vector<16xi32>], vector<16xf32>,
      %add3A_342 = arith.constant 3 : i32
      %add3A_343 = vector.broadcast %add3A_342 : i32 to vector<16xi32>
      %add3A_344 = arith.addi %add3A_333, %add3A_343 : vector<16xi32>
      %gather3A_345 = tpu.vector_load_idx %arg4[%add3A_344] : memref<32768xf32, #tpu.memory_space<vmem>>[vector<16xi32>], vector<16xf32>,
      %add3A_346 = arith.addf %gather3A, %gather3A_337 : vector<16xf32>
      %add3A_347 = arith.addf %gather3A_341, %gather3A_345 : vector<16xf32>
      %add3A_348 = arith.addf %add3A_346, %add3A_347 : vector<16xf32>
      %mul3A_349 = arith.constant 16 : i32
      %mul3A_350 = arith.muli %scan3A_309, %mul3A_349 : i32
      %swap3A = arith.index_cast %mul3A_350 : i32 to index
      %swap3A_351 = tpu.vector_load %arg6[%swap3A] {strides = array<i32>} : memref<8192xf32, #tpu.memory_space<vmem>>, vector<16xf32>,
      tpu.vector_store %arg6[%swap3A], %add3A_348 {strides = array<i32>} : memref<8192xf32, #tpu.memory_space<vmem>>, vector<16xf32>,
      %scan3A_352 = arith.constant 0 : i32
      %scan3A_353 = arith.constant 1 : i32
      %scan3A_354 = arith.addi %scan3A_309, %scan3A_353 : i32
      %shift_right_arithmetic3A_355 = arith.constant 6 : i32
      %shift_right_arithmetic3A_356 = arith.shrsi %scan3A_354, %shift_right_arithmetic3A_355 : i32
      %and3A_357 = arith.constant 63 : i32
      %and3A_358 = arith.andi %scan3A_354, %and3A_357 : i32
      %mul3A_359 = arith.constant 4096 : i32
      %mul3A_360 = arith.muli %shift_right_arithmetic3A_356, %mul3A_359 : i32
      %and3A_361 = arith.constant 1 : i32
      %and3A_362 = arith.andi %and3A_358, %and3A_361 : i32
      %mul3A_363 = arith.constant 64 : i32
      %mul3A_364 = arith.muli %and3A_362, %mul3A_363 : i32
      %add3A_365 = arith.addi %mul3A_360, %mul3A_364 : i32
      %shift_right_arithmetic3A_366 = arith.constant 1 : i32
      %shift_right_arithmetic3A_367 = arith.shrsi %and3A_358, %shift_right_arithmetic3A_366 : i32
      %and3A_368 = arith.constant 3 : i32
      %and3A_369 = arith.andi %shift_right_arithmetic3A_367, %and3A_368 : i32
      %mul3A_370 = arith.constant 1024 : i32
      %mul3A_371 = arith.muli %and3A_369, %mul3A_370 : i32
      %add3A_372 = arith.addi %add3A_365, %mul3A_371 : i32
      %shift_right_arithmetic3A_373 = arith.constant 3 : i32
      %shift_right_arithmetic3A_374 = arith.shrsi %and3A_358, %shift_right_arithmetic3A_373 : i32
      %mul3A_375 = arith.constant 128 : i32
      %mul3A_376 = arith.muli %shift_right_arithmetic3A_374, %mul3A_375 : i32
      %add3A_377 = arith.addi %add3A_372, %mul3A_376 : i32
      %add3A_378 = vector.broadcast %add3A_377 : i32 to vector<16xi32>
      %add3A_379 = arith.addi %mul3A_7, %add3A_378 : vector<16xi32>
      %gather3A_380 = tpu.vector_load_idx %arg4[%add3A_379] : memref<32768xf32, #tpu.memory_space<vmem>>[vector<16xi32>], vector<16xf32>,
      %add3A_381 = arith.constant 1 : i32
      %add3A_382 = vector.broadcast %add3A_381 : i32 to vector<16xi32>
      %add3A_383 = arith.addi %add3A_379, %add3A_382 : vector<16xi32>
      %gather3A_384 = tpu.vector_load_idx %arg4[%add3A_383] : memref<32768xf32, #tpu.memory_space<vmem>>[vector<16xi32>], vector<16xf32>,
      %add3A_385 = arith.constant 2 : i32
      %add3A_386 = vector.broadcast %add3A_385 : i32 to vector<16xi32>
      %add3A_387 = arith.addi %add3A_379, %add3A_386 : vector<16xi32>
      %gather3A_388 = tpu.vector_load_idx %arg4[%add3A_387] : memref<32768xf32, #tpu.memory_space<vmem>>[vector<16xi32>], vector<16xf32>,
      %add3A_389 = arith.constant 3 : i32
      %add3A_390 = vector.broadcast %add3A_389 : i32 to vector<16xi32>
      %add3A_391 = arith.addi %add3A_379, %add3A_390 : vector<16xi32>
      %gather3A_392 = tpu.vector_load_idx %arg4[%add3A_391] : memref<32768xf32, #tpu.memory_space<vmem>>[vector<16xi32>], vector<16xf32>,
      %add3A_393 = arith.addf %gather3A_380, %gather3A_384 : vector<16xf32>
      %add3A_394 = arith.addf %gather3A_388, %gather3A_392 : vector<16xf32>
      %add3A_395 = arith.addf %add3A_393, %add3A_394 : vector<16xf32>
      %mul3A_396 = arith.constant 16 : i32
      %mul3A_397 = arith.muli %scan3A_354, %mul3A_396 : i32
      %swap3A_398 = arith.index_cast %mul3A_397 : i32 to index
      %swap3A_399 = tpu.vector_load %arg6[%swap3A_398] {strides = array<i32>} : memref<8192xf32, #tpu.memory_space<vmem>>, vector<16xf32>,
      tpu.vector_store %arg6[%swap3A_398], %add3A_395 {strides = array<i32>} : memref<8192xf32, #tpu.memory_space<vmem>>, vector<16xf32>,
      %scan3A_400 = arith.constant 0 : i32
      %scan3A_401 = arith.constant 2 : i32
      %scan3A_402 = arith.addi %scan3A_309, %scan3A_401 : i32
      %shift_right_arithmetic3A_403 = arith.constant 6 : i32
      %shift_right_arithmetic3A_404 = arith.shrsi %scan3A_402, %shift_right_arithmetic3A_403 : i32
      %and3A_405 = arith.constant 63 : i32
      %and3A_406 = arith.andi %scan3A_402, %and3A_405 : i32
      %mul3A_407 = arith.constant 4096 : i32
      %mul3A_408 = arith.muli %shift_right_arithmetic3A_404, %mul3A_407 : i32
      %and3A_409 = arith.constant 1 : i32
      %and3A_410 = arith.andi %and3A_406, %and3A_409 : i32
      %mul3A_411 = arith.constant 64 : i32
      %mul3A_412 = arith.muli %and3A_410, %mul3A_411 : i32
      %add3A_413 = arith.addi %mul3A_408, %mul3A_412 : i32
      %shift_right_arithmetic3A_414 = arith.constant 1 : i32
      %shift_right_arithmetic3A_415 = arith.shrsi %and3A_406, %shift_right_arithmetic3A_414 : i32
      %and3A_416 = arith.constant 3 : i32
      %and3A_417 = arith.andi %shift_right_arithmetic3A_415, %and3A_416 : i32
      %mul3A_418 = arith.constant 1024 : i32
      %mul3A_419 = arith.muli %and3A_417, %mul3A_418 : i32
      %add3A_420 = arith.addi %add3A_413, %mul3A_419 : i32
      %shift_right_arithmetic3A_421 = arith.constant 3 : i32
      %shift_right_arithmetic3A_422 = arith.shrsi %and3A_406, %shift_right_arithmetic3A_421 : i32
      %mul3A_423 = arith.constant 128 : i32
      %mul3A_424 = arith.muli %shift_right_arithmetic3A_422, %mul3A_423 : i32
      %add3A_425 = arith.addi %add3A_420, %mul3A_424 : i32
      %add3A_426 = vector.broadcast %add3A_425 : i32 to vector<16xi32>
      %add3A_427 = arith.addi %mul3A_7, %add3A_426 : vector<16xi32>
      %gather3A_428 = tpu.vector_load_idx %arg4[%add3A_427] : memref<32768xf32, #tpu.memory_space<vmem>>[vector<16xi32>], vector<16xf32>,
      %add3A_429 = arith.constant 1 : i32
      %add3A_430 = vector.broadcast %add3A_429 : i32 to vector<16xi32>
      %add3A_431 = arith.addi %add3A_427, %add3A_430 : vector<16xi32>
      %gather3A_432 = tpu.vector_load_idx %arg4[%add3A_431] : memref<32768xf32, #tpu.memory_space<vmem>>[vector<16xi32>], vector<16xf32>,
      %add3A_433 = arith.constant 2 : i32
      %add3A_434 = vector.broadcast %add3A_433 : i32 to vector<16xi32>
      %add3A_435 = arith.addi %add3A_427, %add3A_434 : vector<16xi32>
      %gather3A_436 = tpu.vector_load_idx %arg4[%add3A_435] : memref<32768xf32, #tpu.memory_space<vmem>>[vector<16xi32>], vector<16xf32>,
      %add3A_437 = arith.constant 3 : i32
      %add3A_438 = vector.broadcast %add3A_437 : i32 to vector<16xi32>
      %add3A_439 = arith.addi %add3A_427, %add3A_438 : vector<16xi32>
      %gather3A_440 = tpu.vector_load_idx %arg4[%add3A_439] : memref<32768xf32, #tpu.memory_space<vmem>>[vector<16xi32>], vector<16xf32>,
      %add3A_441 = arith.addf %gather3A_428, %gather3A_432 : vector<16xf32>
      %add3A_442 = arith.addf %gather3A_436, %gather3A_440 : vector<16xf32>
      %add3A_443 = arith.addf %add3A_441, %add3A_442 : vector<16xf32>
      %mul3A_444 = arith.constant 16 : i32
      %mul3A_445 = arith.muli %scan3A_402, %mul3A_444 : i32
      %swap3A_446 = arith.index_cast %mul3A_445 : i32 to index
      %swap3A_447 = tpu.vector_load %arg6[%swap3A_446] {strides = array<i32>} : memref<8192xf32, #tpu.memory_space<vmem>>, vector<16xf32>,
      tpu.vector_store %arg6[%swap3A_446], %add3A_443 {strides = array<i32>} : memref<8192xf32, #tpu.memory_space<vmem>>, vector<16xf32>,
      %scan3A_448 = arith.constant 0 : i32
      %scan3A_449 = arith.constant 3 : i32
      %scan3A_450 = arith.addi %scan3A_309, %scan3A_449 : i32
      %shift_right_arithmetic3A_451 = arith.constant 6 : i32
      %shift_right_arithmetic3A_452 = arith.shrsi %scan3A_450, %shift_right_arithmetic3A_451 : i32
      %and3A_453 = arith.constant 63 : i32
      %and3A_454 = arith.andi %scan3A_450, %and3A_453 : i32
      %mul3A_455 = arith.constant 4096 : i32
      %mul3A_456 = arith.muli %shift_right_arithmetic3A_452, %mul3A_455 : i32
      %and3A_457 = arith.constant 1 : i32
      %and3A_458 = arith.andi %and3A_454, %and3A_457 : i32
      %mul3A_459 = arith.constant 64 : i32
      %mul3A_460 = arith.muli %and3A_458, %mul3A_459 : i32
      %add3A_461 = arith.addi %mul3A_456, %mul3A_460 : i32
      %shift_right_arithmetic3A_462 = arith.constant 1 : i32
      %shift_right_arithmetic3A_463 = arith.shrsi %and3A_454, %shift_right_arithmetic3A_462 : i32
      %and3A_464 = arith.constant 3 : i32
      %and3A_465 = arith.andi %shift_right_arithmetic3A_463, %and3A_464 : i32
      %mul3A_466 = arith.constant 1024 : i32
      %mul3A_467 = arith.muli %and3A_465, %mul3A_466 : i32
      %add3A_468 = arith.addi %add3A_461, %mul3A_467 : i32
      %shift_right_arithmetic3A_469 = arith.constant 3 : i32
      %shift_right_arithmetic3A_470 = arith.shrsi %and3A_454, %shift_right_arithmetic3A_469 : i32
      %mul3A_471 = arith.constant 128 : i32
      %mul3A_472 = arith.muli %shift_right_arithmetic3A_470, %mul3A_471 : i32
      %add3A_473 = arith.addi %add3A_468, %mul3A_472 : i32
      %add3A_474 = vector.broadcast %add3A_473 : i32 to vector<16xi32>
      %add3A_475 = arith.addi %mul3A_7, %add3A_474 : vector<16xi32>
      %gather3A_476 = tpu.vector_load_idx %arg4[%add3A_475] : memref<32768xf32, #tpu.memory_space<vmem>>[vector<16xi32>], vector<16xf32>,
      %add3A_477 = arith.constant 1 : i32
      %add3A_478 = vector.broadcast %add3A_477 : i32 to vector<16xi32>
      %add3A_479 = arith.addi %add3A_475, %add3A_478 : vector<16xi32>
      %gather3A_480 = tpu.vector_load_idx %arg4[%add3A_479] : memref<32768xf32, #tpu.memory_space<vmem>>[vector<16xi32>], vector<16xf32>,
      %add3A_481 = arith.constant 2 : i32
      %add3A_482 = vector.broadcast %add3A_481 : i32 to vector<16xi32>
      %add3A_483 = arith.addi %add3A_475, %add3A_482 : vector<16xi32>
      %gather3A_484 = tpu.vector_load_idx %arg4[%add3A_483] : memref<32768xf32, #tpu.memory_space<vmem>>[vector<16xi32>], vector<16xf32>,
      %add3A_485 = arith.constant 3 : i32
      %add3A_486 = vector.broadcast %add3A_485 : i32 to vector<16xi32>
      %add3A_487 = arith.addi %add3A_475, %add3A_486 : vector<16xi32>
      %gather3A_488 = tpu.vector_load_idx %arg4[%add3A_487] : memref<32768xf32, #tpu.memory_space<vmem>>[vector<16xi32>], vector<16xf32>,
      %add3A_489 = arith.addf %gather3A_476, %gather3A_480 : vector<16xf32>
      %add3A_490 = arith.addf %gather3A_484, %gather3A_488 : vector<16xf32>
      %add3A_491 = arith.addf %add3A_489, %add3A_490 : vector<16xf32>
      %mul3A_492 = arith.constant 16 : i32
      %mul3A_493 = arith.muli %scan3A_450, %mul3A_492 : i32
      %swap3A_494 = arith.index_cast %mul3A_493 : i32 to index
      %swap3A_495 = tpu.vector_load %arg6[%swap3A_494] {strides = array<i32>} : memref<8192xf32, #tpu.memory_space<vmem>>, vector<16xf32>,
      tpu.vector_store %arg6[%swap3A_494], %add3A_491 {strides = array<i32>} : memref<8192xf32, #tpu.memory_space<vmem>>, vector<16xf32>,
      %scan3A_496 = arith.constant 0 : i32
      scf.yield %scan3A_496 : i32
    }
    %scan3A_285 = arith.constant 512 : i32
    %add3A_286 = arith.constant 114688 : i32
    %add3A_287 = arith.addi %mul3A_4, %add3A_286 : i32
    %dma_start3A_288 = tpu.memref_slice %arg3[%add3A_287] : memref<4194304xf32, #tpu.memory_space<hbm>> -> memref<8192xf32, #tpu.memory_space<hbm>>
    %dma_start3A_289 = tpu.memref_slice %arg3[%add3A_287] : memref<4194304xf32, #tpu.memory_space<hbm>> -> memref<8192xf32, #tpu.memory_space<hbm>>
    tpu.enqueue_dma source(%arg6 : memref<8192xf32, #tpu.memory_space<vmem>>) target(%dma_start3A_289 : memref<8192xf32, #tpu.memory_space<hbm>>) target_semaphore(%arg10 : memref<!tpu.dma_semaphore, #tpu.memory_space<semaphore_mem>>)
    %dma_wait3A_290 = tpu.memref_slice %arg2[%add3A_272] : memref<16777216xf32, #tpu.memory_space<hbm>> -> memref<32768xf32, #tpu.memory_space<hbm>>
    %dma_wait3A_291 = tpu.memref_slice %arg2[%add3A_272] : memref<16777216xf32, #tpu.memory_space<hbm>> -> memref<32768xf32, #tpu.memory_space<hbm>>
    tpu.wait_dma2 semaphore(%arg9 : memref<!tpu.dma_semaphore, #tpu.memory_space<semaphore_mem>>) src(%dma_wait3A_291 : memref<32768xf32, #tpu.memory_space<hbm>>) dst(%arg5 : memref<32768xf32, #tpu.memory_space<vmem>>)
    %dma_wait3A_292 = tpu.memref_slice %arg3[%add3A_268] : memref<4194304xf32, #tpu.memory_space<hbm>> -> memref<8192xf32, #tpu.memory_space<hbm>>
    %dma_wait3A_293 = tpu.memref_slice %arg3[%add3A_268] : memref<4194304xf32, #tpu.memory_space<hbm>> -> memref<8192xf32, #tpu.memory_space<hbm>>
    tpu.wait_dma2 semaphore(%arg11 : memref<!tpu.dma_semaphore, #tpu.memory_space<semaphore_mem>>) src(%arg7 : memref<8192xf32, #tpu.memory_space<vmem>>) dst(%dma_wait3A_293 : memref<8192xf32, #tpu.memory_space<hbm>>)
    %scan3A_294 = arith.constant 0 : i32
    %scan3A_295 = arith.constant 0 : i32
    %scan3A_296 = arith.constant 512 : i32
    %scan3A_297 = arith.addi %scan3A_295, %scan3A_296 : i32
    %scan3A_298 = arith.constant 4 : i32
    %scan3A_299 = scf.for %scan3A_309 = %scan3A_295 to %scan3A_297 step %scan3A_298 iter_args(%scan3A_310 = %scan3A_294) -> (i32)  : i32 {
      %shift_right_arithmetic3A = arith.constant 6 : i32
      %shift_right_arithmetic3A_311 = arith.shrsi %scan3A_309, %shift_right_arithmetic3A : i32
      %and3A = arith.constant 63 : i32
      %and3A_312 = arith.andi %scan3A_309, %and3A : i32
      %mul3A_313 = arith.constant 4096 : i32
      %mul3A_314 = arith.muli %shift_right_arithmetic3A_311, %mul3A_313 : i32
      %and3A_315 = arith.constant 1 : i32
      %and3A_316 = arith.andi %and3A_312, %and3A_315 : i32
      %mul3A_317 = arith.constant 64 : i32
      %mul3A_318 = arith.muli %and3A_316, %mul3A_317 : i32
      %add3A_319 = arith.addi %mul3A_314, %mul3A_318 : i32
      %shift_right_arithmetic3A_320 = arith.constant 1 : i32
      %shift_right_arithmetic3A_321 = arith.shrsi %and3A_312, %shift_right_arithmetic3A_320 : i32
      %and3A_322 = arith.constant 3 : i32
      %and3A_323 = arith.andi %shift_right_arithmetic3A_321, %and3A_322 : i32
      %mul3A_324 = arith.constant 1024 : i32
      %mul3A_325 = arith.muli %and3A_323, %mul3A_324 : i32
      %add3A_326 = arith.addi %add3A_319, %mul3A_325 : i32
      %shift_right_arithmetic3A_327 = arith.constant 3 : i32
      %shift_right_arithmetic3A_328 = arith.shrsi %and3A_312, %shift_right_arithmetic3A_327 : i32
      %mul3A_329 = arith.constant 128 : i32
      %mul3A_330 = arith.muli %shift_right_arithmetic3A_328, %mul3A_329 : i32
      %add3A_331 = arith.addi %add3A_326, %mul3A_330 : i32
      %add3A_332 = vector.broadcast %add3A_331 : i32 to vector<16xi32>
      %add3A_333 = arith.addi %mul3A_7, %add3A_332 : vector<16xi32>
      %gather3A = tpu.vector_load_idx %arg5[%add3A_333] : memref<32768xf32, #tpu.memory_space<vmem>>[vector<16xi32>], vector<16xf32>,
      %add3A_334 = arith.constant 1 : i32
      %add3A_335 = vector.broadcast %add3A_334 : i32 to vector<16xi32>
      %add3A_336 = arith.addi %add3A_333, %add3A_335 : vector<16xi32>
      %gather3A_337 = tpu.vector_load_idx %arg5[%add3A_336] : memref<32768xf32, #tpu.memory_space<vmem>>[vector<16xi32>], vector<16xf32>,
      %add3A_338 = arith.constant 2 : i32
      %add3A_339 = vector.broadcast %add3A_338 : i32 to vector<16xi32>
      %add3A_340 = arith.addi %add3A_333, %add3A_339 : vector<16xi32>
      %gather3A_341 = tpu.vector_load_idx %arg5[%add3A_340] : memref<32768xf32, #tpu.memory_space<vmem>>[vector<16xi32>], vector<16xf32>,
      %add3A_342 = arith.constant 3 : i32
      %add3A_343 = vector.broadcast %add3A_342 : i32 to vector<16xi32>
      %add3A_344 = arith.addi %add3A_333, %add3A_343 : vector<16xi32>
      %gather3A_345 = tpu.vector_load_idx %arg5[%add3A_344] : memref<32768xf32, #tpu.memory_space<vmem>>[vector<16xi32>], vector<16xf32>,
      %add3A_346 = arith.addf %gather3A, %gather3A_337 : vector<16xf32>
      %add3A_347 = arith.addf %gather3A_341, %gather3A_345 : vector<16xf32>
      %add3A_348 = arith.addf %add3A_346, %add3A_347 : vector<16xf32>
      %mul3A_349 = arith.constant 16 : i32
      %mul3A_350 = arith.muli %scan3A_309, %mul3A_349 : i32
      %swap3A = arith.index_cast %mul3A_350 : i32 to index
      %swap3A_351 = tpu.vector_load %arg7[%swap3A] {strides = array<i32>} : memref<8192xf32, #tpu.memory_space<vmem>>, vector<16xf32>,
      tpu.vector_store %arg7[%swap3A], %add3A_348 {strides = array<i32>} : memref<8192xf32, #tpu.memory_space<vmem>>, vector<16xf32>,
      %scan3A_352 = arith.constant 0 : i32
      %scan3A_353 = arith.constant 1 : i32
      %scan3A_354 = arith.addi %scan3A_309, %scan3A_353 : i32
      %shift_right_arithmetic3A_355 = arith.constant 6 : i32
      %shift_right_arithmetic3A_356 = arith.shrsi %scan3A_354, %shift_right_arithmetic3A_355 : i32
      %and3A_357 = arith.constant 63 : i32
      %and3A_358 = arith.andi %scan3A_354, %and3A_357 : i32
      %mul3A_359 = arith.constant 4096 : i32
      %mul3A_360 = arith.muli %shift_right_arithmetic3A_356, %mul3A_359 : i32
      %and3A_361 = arith.constant 1 : i32
      %and3A_362 = arith.andi %and3A_358, %and3A_361 : i32
      %mul3A_363 = arith.constant 64 : i32
      %mul3A_364 = arith.muli %and3A_362, %mul3A_363 : i32
      %add3A_365 = arith.addi %mul3A_360, %mul3A_364 : i32
      %shift_right_arithmetic3A_366 = arith.constant 1 : i32
      %shift_right_arithmetic3A_367 = arith.shrsi %and3A_358, %shift_right_arithmetic3A_366 : i32
      %and3A_368 = arith.constant 3 : i32
      %and3A_369 = arith.andi %shift_right_arithmetic3A_367, %and3A_368 : i32
      %mul3A_370 = arith.constant 1024 : i32
      %mul3A_371 = arith.muli %and3A_369, %mul3A_370 : i32
      %add3A_372 = arith.addi %add3A_365, %mul3A_371 : i32
      %shift_right_arithmetic3A_373 = arith.constant 3 : i32
      %shift_right_arithmetic3A_374 = arith.shrsi %and3A_358, %shift_right_arithmetic3A_373 : i32
      %mul3A_375 = arith.constant 128 : i32
      %mul3A_376 = arith.muli %shift_right_arithmetic3A_374, %mul3A_375 : i32
      %add3A_377 = arith.addi %add3A_372, %mul3A_376 : i32
      %add3A_378 = vector.broadcast %add3A_377 : i32 to vector<16xi32>
      %add3A_379 = arith.addi %mul3A_7, %add3A_378 : vector<16xi32>
      %gather3A_380 = tpu.vector_load_idx %arg5[%add3A_379] : memref<32768xf32, #tpu.memory_space<vmem>>[vector<16xi32>], vector<16xf32>,
      %add3A_381 = arith.constant 1 : i32
      %add3A_382 = vector.broadcast %add3A_381 : i32 to vector<16xi32>
      %add3A_383 = arith.addi %add3A_379, %add3A_382 : vector<16xi32>
      %gather3A_384 = tpu.vector_load_idx %arg5[%add3A_383] : memref<32768xf32, #tpu.memory_space<vmem>>[vector<16xi32>], vector<16xf32>,
      %add3A_385 = arith.constant 2 : i32
      %add3A_386 = vector.broadcast %add3A_385 : i32 to vector<16xi32>
      %add3A_387 = arith.addi %add3A_379, %add3A_386 : vector<16xi32>
      %gather3A_388 = tpu.vector_load_idx %arg5[%add3A_387] : memref<32768xf32, #tpu.memory_space<vmem>>[vector<16xi32>], vector<16xf32>,
      %add3A_389 = arith.constant 3 : i32
      %add3A_390 = vector.broadcast %add3A_389 : i32 to vector<16xi32>
      %add3A_391 = arith.addi %add3A_379, %add3A_390 : vector<16xi32>
      %gather3A_392 = tpu.vector_load_idx %arg5[%add3A_391] : memref<32768xf32, #tpu.memory_space<vmem>>[vector<16xi32>], vector<16xf32>,
      %add3A_393 = arith.addf %gather3A_380, %gather3A_384 : vector<16xf32>
      %add3A_394 = arith.addf %gather3A_388, %gather3A_392 : vector<16xf32>
      %add3A_395 = arith.addf %add3A_393, %add3A_394 : vector<16xf32>
      %mul3A_396 = arith.constant 16 : i32
      %mul3A_397 = arith.muli %scan3A_354, %mul3A_396 : i32
      %swap3A_398 = arith.index_cast %mul3A_397 : i32 to index
      %swap3A_399 = tpu.vector_load %arg7[%swap3A_398] {strides = array<i32>} : memref<8192xf32, #tpu.memory_space<vmem>>, vector<16xf32>,
      tpu.vector_store %arg7[%swap3A_398], %add3A_395 {strides = array<i32>} : memref<8192xf32, #tpu.memory_space<vmem>>, vector<16xf32>,
      %scan3A_400 = arith.constant 0 : i32
      %scan3A_401 = arith.constant 2 : i32
      %scan3A_402 = arith.addi %scan3A_309, %scan3A_401 : i32
      %shift_right_arithmetic3A_403 = arith.constant 6 : i32
      %shift_right_arithmetic3A_404 = arith.shrsi %scan3A_402, %shift_right_arithmetic3A_403 : i32
      %and3A_405 = arith.constant 63 : i32
      %and3A_406 = arith.andi %scan3A_402, %and3A_405 : i32
      %mul3A_407 = arith.constant 4096 : i32
      %mul3A_408 = arith.muli %shift_right_arithmetic3A_404, %mul3A_407 : i32
      %and3A_409 = arith.constant 1 : i32
      %and3A_410 = arith.andi %and3A_406, %and3A_409 : i32
      %mul3A_411 = arith.constant 64 : i32
      %mul3A_412 = arith.muli %and3A_410, %mul3A_411 : i32
      %add3A_413 = arith.addi %mul3A_408, %mul3A_412 : i32
      %shift_right_arithmetic3A_414 = arith.constant 1 : i32
      %shift_right_arithmetic3A_415 = arith.shrsi %and3A_406, %shift_right_arithmetic3A_414 : i32
      %and3A_416 = arith.constant 3 : i32
      %and3A_417 = arith.andi %shift_right_arithmetic3A_415, %and3A_416 : i32
      %mul3A_418 = arith.constant 1024 : i32
      %mul3A_419 = arith.muli %and3A_417, %mul3A_418 : i32
      %add3A_420 = arith.addi %add3A_413, %mul3A_419 : i32
      %shift_right_arithmetic3A_421 = arith.constant 3 : i32
      %shift_right_arithmetic3A_422 = arith.shrsi %and3A_406, %shift_right_arithmetic3A_421 : i32
      %mul3A_423 = arith.constant 128 : i32
      %mul3A_424 = arith.muli %shift_right_arithmetic3A_422, %mul3A_423 : i32
      %add3A_425 = arith.addi %add3A_420, %mul3A_424 : i32
      %add3A_426 = vector.broadcast %add3A_425 : i32 to vector<16xi32>
      %add3A_427 = arith.addi %mul3A_7, %add3A_426 : vector<16xi32>
      %gather3A_428 = tpu.vector_load_idx %arg5[%add3A_427] : memref<32768xf32, #tpu.memory_space<vmem>>[vector<16xi32>], vector<16xf32>,
      %add3A_429 = arith.constant 1 : i32
      %add3A_430 = vector.broadcast %add3A_429 : i32 to vector<16xi32>
      %add3A_431 = arith.addi %add3A_427, %add3A_430 : vector<16xi32>
      %gather3A_432 = tpu.vector_load_idx %arg5[%add3A_431] : memref<32768xf32, #tpu.memory_space<vmem>>[vector<16xi32>], vector<16xf32>,
      %add3A_433 = arith.constant 2 : i32
      %add3A_434 = vector.broadcast %add3A_433 : i32 to vector<16xi32>
      %add3A_435 = arith.addi %add3A_427, %add3A_434 : vector<16xi32>
      %gather3A_436 = tpu.vector_load_idx %arg5[%add3A_435] : memref<32768xf32, #tpu.memory_space<vmem>>[vector<16xi32>], vector<16xf32>,
      %add3A_437 = arith.constant 3 : i32
      %add3A_438 = vector.broadcast %add3A_437 : i32 to vector<16xi32>
      %add3A_439 = arith.addi %add3A_427, %add3A_438 : vector<16xi32>
      %gather3A_440 = tpu.vector_load_idx %arg5[%add3A_439] : memref<32768xf32, #tpu.memory_space<vmem>>[vector<16xi32>], vector<16xf32>,
      %add3A_441 = arith.addf %gather3A_428, %gather3A_432 : vector<16xf32>
      %add3A_442 = arith.addf %gather3A_436, %gather3A_440 : vector<16xf32>
      %add3A_443 = arith.addf %add3A_441, %add3A_442 : vector<16xf32>
      %mul3A_444 = arith.constant 16 : i32
      %mul3A_445 = arith.muli %scan3A_402, %mul3A_444 : i32
      %swap3A_446 = arith.index_cast %mul3A_445 : i32 to index
      %swap3A_447 = tpu.vector_load %arg7[%swap3A_446] {strides = array<i32>} : memref<8192xf32, #tpu.memory_space<vmem>>, vector<16xf32>,
      tpu.vector_store %arg7[%swap3A_446], %add3A_443 {strides = array<i32>} : memref<8192xf32, #tpu.memory_space<vmem>>, vector<16xf32>,
      %scan3A_448 = arith.constant 0 : i32
      %scan3A_449 = arith.constant 3 : i32
      %scan3A_450 = arith.addi %scan3A_309, %scan3A_449 : i32
      %shift_right_arithmetic3A_451 = arith.constant 6 : i32
      %shift_right_arithmetic3A_452 = arith.shrsi %scan3A_450, %shift_right_arithmetic3A_451 : i32
      %and3A_453 = arith.constant 63 : i32
      %and3A_454 = arith.andi %scan3A_450, %and3A_453 : i32
      %mul3A_455 = arith.constant 4096 : i32
      %mul3A_456 = arith.muli %shift_right_arithmetic3A_452, %mul3A_455 : i32
      %and3A_457 = arith.constant 1 : i32
      %and3A_458 = arith.andi %and3A_454, %and3A_457 : i32
      %mul3A_459 = arith.constant 64 : i32
      %mul3A_460 = arith.muli %and3A_458, %mul3A_459 : i32
      %add3A_461 = arith.addi %mul3A_456, %mul3A_460 : i32
      %shift_right_arithmetic3A_462 = arith.constant 1 : i32
      %shift_right_arithmetic3A_463 = arith.shrsi %and3A_454, %shift_right_arithmetic3A_462 : i32
      %and3A_464 = arith.constant 3 : i32
      %and3A_465 = arith.andi %shift_right_arithmetic3A_463, %and3A_464 : i32
      %mul3A_466 = arith.constant 1024 : i32
      %mul3A_467 = arith.muli %and3A_465, %mul3A_466 : i32
      %add3A_468 = arith.addi %add3A_461, %mul3A_467 : i32
      %shift_right_arithmetic3A_469 = arith.constant 3 : i32
      %shift_right_arithmetic3A_470 = arith.shrsi %and3A_454, %shift_right_arithmetic3A_469 : i32
      %mul3A_471 = arith.constant 128 : i32
      %mul3A_472 = arith.muli %shift_right_arithmetic3A_470, %mul3A_471 : i32
      %add3A_473 = arith.addi %add3A_468, %mul3A_472 : i32
      %add3A_474 = vector.broadcast %add3A_473 : i32 to vector<16xi32>
      %add3A_475 = arith.addi %mul3A_7, %add3A_474 : vector<16xi32>
      %gather3A_476 = tpu.vector_load_idx %arg5[%add3A_475] : memref<32768xf32, #tpu.memory_space<vmem>>[vector<16xi32>], vector<16xf32>,
      %add3A_477 = arith.constant 1 : i32
      %add3A_478 = vector.broadcast %add3A_477 : i32 to vector<16xi32>
      %add3A_479 = arith.addi %add3A_475, %add3A_478 : vector<16xi32>
      %gather3A_480 = tpu.vector_load_idx %arg5[%add3A_479] : memref<32768xf32, #tpu.memory_space<vmem>>[vector<16xi32>], vector<16xf32>,
      %add3A_481 = arith.constant 2 : i32
      %add3A_482 = vector.broadcast %add3A_481 : i32 to vector<16xi32>
      %add3A_483 = arith.addi %add3A_475, %add3A_482 : vector<16xi32>
      %gather3A_484 = tpu.vector_load_idx %arg5[%add3A_483] : memref<32768xf32, #tpu.memory_space<vmem>>[vector<16xi32>], vector<16xf32>,
      %add3A_485 = arith.constant 3 : i32
      %add3A_486 = vector.broadcast %add3A_485 : i32 to vector<16xi32>
      %add3A_487 = arith.addi %add3A_475, %add3A_486 : vector<16xi32>
      %gather3A_488 = tpu.vector_load_idx %arg5[%add3A_487] : memref<32768xf32, #tpu.memory_space<vmem>>[vector<16xi32>], vector<16xf32>,
      %add3A_489 = arith.addf %gather3A_476, %gather3A_480 : vector<16xf32>
      %add3A_490 = arith.addf %gather3A_484, %gather3A_488 : vector<16xf32>
      %add3A_491 = arith.addf %add3A_489, %add3A_490 : vector<16xf32>
      %mul3A_492 = arith.constant 16 : i32
      %mul3A_493 = arith.muli %scan3A_450, %mul3A_492 : i32
      %swap3A_494 = arith.index_cast %mul3A_493 : i32 to index
      %swap3A_495 = tpu.vector_load %arg7[%swap3A_494] {strides = array<i32>} : memref<8192xf32, #tpu.memory_space<vmem>>, vector<16xf32>,
      tpu.vector_store %arg7[%swap3A_494], %add3A_491 {strides = array<i32>} : memref<8192xf32, #tpu.memory_space<vmem>>, vector<16xf32>,
      %scan3A_496 = arith.constant 0 : i32
      scf.yield %scan3A_496 : i32
    }
    %scan3A_300 = arith.constant 512 : i32
    %add3A_301 = arith.constant 122880 : i32
    %add3A_302 = arith.addi %mul3A_4, %add3A_301 : i32
    %dma_start3A_303 = tpu.memref_slice %arg3[%add3A_302] : memref<4194304xf32, #tpu.memory_space<hbm>> -> memref<8192xf32, #tpu.memory_space<hbm>>
    %dma_start3A_304 = tpu.memref_slice %arg3[%add3A_302] : memref<4194304xf32, #tpu.memory_space<hbm>> -> memref<8192xf32, #tpu.memory_space<hbm>>
    tpu.enqueue_dma source(%arg7 : memref<8192xf32, #tpu.memory_space<vmem>>) target(%dma_start3A_304 : memref<8192xf32, #tpu.memory_space<hbm>>) target_semaphore(%arg11 : memref<!tpu.dma_semaphore, #tpu.memory_space<semaphore_mem>>)
    %dma_wait3A_305 = tpu.memref_slice %arg3[%add3A_287] : memref<4194304xf32, #tpu.memory_space<hbm>> -> memref<8192xf32, #tpu.memory_space<hbm>>
    %dma_wait3A_306 = tpu.memref_slice %arg3[%add3A_287] : memref<4194304xf32, #tpu.memory_space<hbm>> -> memref<8192xf32, #tpu.memory_space<hbm>>
    tpu.wait_dma2 semaphore(%arg10 : memref<!tpu.dma_semaphore, #tpu.memory_space<semaphore_mem>>) src(%arg6 : memref<8192xf32, #tpu.memory_space<vmem>>) dst(%dma_wait3A_306 : memref<8192xf32, #tpu.memory_space<hbm>>)
    %dma_wait3A_307 = tpu.memref_slice %arg3[%add3A_302] : memref<4194304xf32, #tpu.memory_space<hbm>> -> memref<8192xf32, #tpu.memory_space<hbm>>
    %dma_wait3A_308 = tpu.memref_slice %arg3[%add3A_302] : memref<4194304xf32, #tpu.memory_space<hbm>> -> memref<8192xf32, #tpu.memory_space<hbm>>
    tpu.wait_dma2 semaphore(%arg11 : memref<!tpu.dma_semaphore, #tpu.memory_space<semaphore_mem>>) src(%arg7 : memref<8192xf32, #tpu.memory_space<vmem>>) dst(%dma_wait3A_308 : memref<8192xf32, #tpu.memory_space<hbm>>)
    return
  }
}

</mosaic_0001>

<sc_bundles>
// kernel: kernel.3.cloned.1.call-start
scs
__scs_entry_jumppad:
0x0: {  	(pc) =	sbr.rel $0x88, $3  }
0x1: {  	(tag) =	ssettag $0x0;
	lr =	simm.s32 $0x1  }
0x2: {  	[smem:$0x3FA0] =	sst lr;
	_ =	strace $0xD0000000  }
0x3: {  	_ = 	snop  }
0x4: {  	_ = 	snop  }
0x5: {  	_ = 	snop  }
0x6: {  	_ = 	snop  }
0x7: {  	_ = 	snop  }
__scs_overlays_trampoline_lowered:
0x8: {  	[smem:$0x3FAF] =	sst s0  }
0x9: {  	[smem:$0x3FB0] =	sst s1  }
0xa: {  	[smem:$0x3FB1] =	sst s2  }
0xb: {  	[smem:$0x3FB2] =	sst s3  }
0xc: {  	[smem:$0x3FB3] =	sst s4  }
0xd: {  	[smem:$0x3FB4] =	sst s5  }
0xe: {  	[smem:$0x3FB5] =	sst s6  }
0xf: {  	[smem:$0x3FB6] =	sst s7  }
0x10: {  	[smem:$0x3FB7] =	sst s8  }
0x11: {  	[smem:$0x3FB8] =	sst s9;
	s0 =	simm.s32 @!p0 $0x0  }
0x12: {  	s1 =	sld [smem:$0x3F9E];
	s0 =	simm.s32 @p0 $0x1  }
0x13: {  	[smem:$0x3FB9] =	sst s0;
	s0 =	simm.s32 @!p1 $0x0  }
0x14: {  	s2 =	sld [smem:$0x3F9D];
	s0 =	simm.s32 @p1 $0x1  }
0x15: {  	[smem:$0x3FBA] =	sst s0;
	s0 =	simm.s32 @!p2 $0x0  }
0x16: {  	s3 =	sld [smem:$0x3FDB];
	s0 =	simm.s32 @p2 $0x1  }
0x17: {  	s4 =	simm.s32 $0x1BF5;
	[smem:$0x3FBC] =	sst s0  }
0x18: {  	s0 =	sld [smem:$0x3F9F];
	_ =	swait.ge [sflag:s4], $0x0  }
0x19: {  	s7 =	sld [smem:$0x3FA0]  }
0x1a: {  	s8 =	sadd.s32 $0xFFFFE003, lr  }
0x1b: {  	s9 =	sadd.s32 $0xFFFFFEF7, lr;
	s5 =	simm.s32 $0xFFFFFFFF;
	p2 =	slt.u32 s8, $0xFFFFF086  }
0x1c: {  	p1 =	slt.u32 s9, $0xF7A;
	s5 =	simm.s32 @!p2 $0x0  }
0x1d: {  	s5 =	simm.s32 @p1 $0x1;
	p0 =	seq.s32 s7, s2  }
0x1e: {  	s7 =	smul.u32 @!p0 $0xF7A, s2;
	p2 =	seq.s32 @!p0 s5, $0x0  }
0x1f: {  	s9 =	smul.u32 $0xF7A, s1;
	s8 =	simm.s32 @!p0 $0x1BF5;
	p2 =	por !p2, p0  }
0x20: {  	[sflag:s8] =	ssyncset.s32 @!p0 $0xFFFFF086;
	s6 =	sadd.s32 @!p0 s3, s7;
	s7 =	simm.s32 @!p0 $0x108  }
0x21: {  	s3 =	sadd.s32 s3, s9;
	s6 =	sadd.s32 @!p0 $0x88, s6;
	s7 =	simm.s32 @p2 $0x1082  }
0x22: {  	[simem:s7], [sflag:s8] =	dma.local @!p0 [hbm:s6], $0xF7A  }
0x23: {  	s9 =	sor.u32 $0xD0000000, s2;
	s6 =	simm.s32 $0x108;
	_ =	swait.ge @!p0 [sflag:s8], $0x0  }
0x24: {  	s3 =	sadd.s32 $0x88, s3;
	s6 =	simm.s32 @!p1 $0x1082;
	[sflag:s4] =	ssyncset.s32 $0xFFFFF086  }
0x25: {  	[simem:s6], [sflag:s4] =	dma.local [hbm:s3], $0xF7A  }
0x26: {  	[smem:$0x3FA0] =	sst s1;
	(tag) =	ssettag s2;
	_ =	strace s9  }
0x27: {  	s1 =	sld [smem:$0x3FB0]  }
0x28: {  	s2 =	sld [smem:$0x3FB1]  }
0x29: {  	s4 =	sld [smem:$0x3FB3]  }
0x2a: {  	p0 =	seq.s32 s5, $0x0;
	s5 =	sld [smem:$0x3FB4]  }
0x2b: {  	s6 =	sld [smem:$0x3FB5]  }
0x2c: {  	s7 =	sld [smem:$0x3FB6]  }
0x2d: {  	s3 =	simm.s32 $0x108;
	s8 =	sld [smem:$0x3FB7]  }
0x2e: {  	s3 =	simm.s32 @!p0 $0x1082;
	s9 =	sld [smem:$0x3FB8]  }
0x2f: {  	lr =	sadd.s32 s0, s3;
	s0 =	sld [smem:$0x3FAF]  }
0x30: {  	s3 =	sld [smem:$0x3FB2]  }
0x31: {  	[smem:$0x3FBB] =	sst s10  }
0x32: {  	s10 =	sld [smem:$0x3FB9];
	_ =	sdelay $0x3  }
0x33: {  	p0 =	seq.s32 s10, $0x1;
	s10 =	sld [smem:$0x3FBB];
	_ =	sdelay $0x3  }
0x34: {  	[smem:$0x3FBB] =	sst s10  }
0x35: {  	s10 =	sld [smem:$0x3FBA];
	_ =	sdelay $0x3  }
0x36: {  	p1 =	seq.s32 s10, $0x1;
	s10 =	sld [smem:$0x3FBB];
	_ =	sdelay $0x3  }
0x37: {  	[smem:$0x3FBB] =	sst s10  }
0x38: {  	s10 =	sld [smem:$0x3FBC]  }
0x39: {  	_ = 	snop;
	(pc) =	sbr.ind lr, $3  }
0x3a: {  	_ = 	snop  }
0x3b: {  	_ = 	snop  }
0x3c: {  	p2 =	seq.s32 s10, $0x1;
	s10 =	sld [smem:$0x3FBB]  }
0x3d: {  	_ =	shalt  }
0x3e: {  	_ =	shalt  }
0x3f: {  	_ =	shalt  }
0x40: {  	_ =	shalt  }
0x41: {  	_ =	shalt  }
0x42: {  	_ =	shalt  }
0x43: {  	_ =	shalt  }
0x44: {  	_ =	shalt  }
0x45: {  	_ =	shalt  }
0x46: {  	_ =	shalt  }
0x47: {  	_ =	shalt  }
0x48: {  	_ =	shalt  }
0x49: {  	_ =	shalt  }
0x4a: {  	_ =	shalt  }
0x4b: {  	_ =	shalt  }
0x4c: {  	_ =	shalt  }
0x4d: {  	_ =	shalt  }
0x4e: {  	_ =	shalt  }
0x4f: {  	_ =	shalt  }
0x50: {  	_ =	shalt  }
0x51: {  	_ =	shalt  }
0x52: {  	_ =	shalt  }
0x53: {  	_ =	shalt  }
0x54: {  	_ =	shalt  }
0x55: {  	_ =	shalt  }
0x56: {  	_ =	shalt  }
0x57: {  	_ =	shalt  }
0x58: {  	_ =	shalt  }
0x59: {  	_ =	shalt  }
0x5a: {  	_ =	shalt  }
0x5b: {  	_ =	shalt  }
0x5c: {  	_ =	shalt  }
0x5d: {  	_ =	shalt  }
0x5e: {  	_ =	shalt  }
0x5f: {  	_ =	shalt  }
0x60: {  	_ =	shalt  }
0x61: {  	_ =	shalt  }
0x62: {  	_ =	shalt  }
0x63: {  	_ =	shalt  }
0x64: {  	_ =	shalt  }
0x65: {  	_ =	shalt  }
0x66: {  	_ =	shalt  }
0x67: {  	_ =	shalt  }
0x68: {  	_ =	shalt  }
0x69: {  	_ =	shalt  }
0x6a: {  	_ =	shalt  }
0x6b: {  	_ =	shalt  }
0x6c: {  	_ =	shalt  }
0x6d: {  	_ =	shalt  }
0x6e: {  	_ =	shalt  }
0x6f: {  	_ =	shalt  }
0x70: {  	_ =	shalt  }
0x71: {  	_ =	shalt  }
0x72: {  	_ =	shalt  }
0x73: {  	_ =	shalt  }
0x74: {  	_ =	shalt  }
0x75: {  	_ =	shalt  }
0x76: {  	_ =	shalt  }
0x77: {  	_ =	shalt  }
0x78: {  	_ =	shalt  }
0x79: {  	_ =	shalt  }
0x7a: {  	_ =	shalt  }
0x7b: {  	_ =	shalt  }
0x7c: {  	_ =	shalt  }
0x7d: {  	_ =	shalt  }
0x7e: {  	_ =	shalt  }
0x7f: {  	_ =	shalt  }
0x80: {  	_ =	shalt  }
0x81: {  	_ =	shalt  }
0x82: {  	_ =	shalt  }
0x83: {  	_ =	shalt  }
0x84: {  	_ =	shalt  }
0x85: {  	_ =	shalt  }
0x86: {  	_ =	shalt  }
0x87: {  	_ =	shalt  }
.Lfunc_end0:
.L_simem_size_0:
called_computation_lowered:
.L_overlay_start_0:
0x88: {  	s2 =	sld [smem:$0x3FD9]  }
0x89: {  	s3 =	sld [smem:$0x3FFE];
	_ =	sdelay $0x1  }
0x8a: {  	s1 =	srdreg.scid  }
0x8b: {  	s0 =	sand.u32 $0x1, s1  }
0x8c: {  	s18 =	sshll.u32 s0, $0xA;
	s2 =	sadd.s32 s3, s2  }
0x8d: {  	s2 =	sadd.s32 s2, s18  }
0x8e: {  	[smem:$0x3FC7] =	sst s2  }
0x8f: {  	_ = 	snop  }
0x90: {  	s2 =	sld [smem:$0x3FC9]  }
0x91: {  	s19 =	sld [smem:$0x3FD0];
	(tm) =	ssettm $0x1  }
0x92: {  	s4 =	sld [smem:$0x3FFB];
	_ =	sdelay $0x3  }
0x93: {  	_ =	strace s4  }
0x94: {  	s4 =	sld [smem:$0x3FFC];
	_ =	sdelay $0x3  }
0x95: {  	_ =	strace s4  }
0x96: {  	s4 =	sld [smem:$0x3FFD];
	_ =	sdelay $0x3  }
0x97: {  	_ =	strace s4  }
0x98: {  	_ =	strace $0x8FFFFFFF  }
0x99: {  	s20 =	sld [smem:$0x3FDB];
	_ =	sdelay $0x1  }
0x9a: {  	s5 =	simm.s32 $_scs_section_size  }
0x9b: {  	s6 =	simm.s32 $_size__tile_overlayer_lowered;
	s7 =	simm.s32 $_tile_overlayer_lowered  }
0x9c: {  	s23 =	simm.s32 $0x1BFF;
	s22 =	sshll.u32 s7, $0x1;
	s4 =	sadd.s32 s5, s20  }
0x9d: {  	s8 =	simm.s32 $0x0;
	s21 =	sshll.u32 s6, $0x1;
	s6 =	sadd.s32 s22, s4  }
0x9e: {  	[timem:s8], [sflag:s23] =	dma.local [hbm:s6], s21  }
0x9f: {  	_ =	swait.ge [sflag:s23], s21  }
0xa0: {  	s5 =	ssub.s32 $0x0, s21;
	[sflag:s23] =	ssyncset.done $0x0  }
0xa1: {  	[sflag:s23] =	ssyncadd.s32 s5;
	_ =	sdelay $0x1  }
0xa2: {  	s24 =	simm.s32 $0x1B8B  }
0xa3: {  	_ =	swait.ge [sflag:s24], $0x1  }
0xa4: {  	[sflag:s24] =	ssyncset.done $0x0  }
0xa5: {  	s25 =	simm.s32 $0x1B8E;
	[sflag:s24] =	ssyncadd.s32 $0xFFFFFFFF  }
0xa6: {  	s26 =	simm.s32 $execute0_lowered;
	[smem:$0x3FD2] =	sst s25  }
0xa7: {  	s5 =	sshll.u32 s26, $0x1;
	_ =	strace $0x80000046;
	[dreg:$0x1] =	wrdreg $0xFFFFFFFF  }
0xa8: {  	s28 =	simm.s32 $_size_execute0_lowered;
	s4 =	sadd.s32 s4, s5;
	[dreg:$0x0] =	wrdreg $0x0  }
0xa9: {  	s5 =	sshll.u32 s28, $0x1;
	[dreg:$0x2] =	wrdreg s4  }
0xaa: {  	[dreg:$0x3] =	wrdreg s5  }
0xab: {  	[dreg:$0x4] =	wrdreg $0xC0  }
0xac: {  	_ =	task [dreg:s8], $0x5FFFF  }
0xad: {  	[dreg:$0x1] =	wrdreg $0xFFFFFFFF  }
0xae: {  	[dreg:$0x0] =	wrdreg $0x60  }
0xaf: {  	[dreg:$0x2] =	wrdreg s2  }
0xb0: {  	[dreg:$0x3] =	wrdreg s19  }
0xb1: {  	[dreg:$0x4] =	wrdreg $0x9  }
0xb2: {  	_ =	task.clear_ibuf [dreg:s8], $0x5FFFF;
	_ =	strace $0x90000046  }
0xb3: {  	s29 =	simm.s32 $0x9;
	_ =	strace $0x80000048  }
0xb4: {  	_ =	swait.ge [sflag:s29], $0x1  }
0xb5: {  	[sflag:s29] =	ssyncadd.s32 $0xFFFFFFFF  }
0xb6: {  	_ =	strace $0x90000048  }
0xb7: {  	_ =	sfence  }
0xb8: {  	s30 =	sld [smem:$0x0];
	_ =	sdelay $0x2  }
0xb9: {  	s31 =	sshll.u32 s1, $0xD;
	s1 =	sshrl.u32 s1, $0x2  }
0xba: {  	s3 =	sand.u32 $0x4000, s31;
	s1 =	sadd.s32 s1, s30  }
0xbb: {  	s0 =	sor.u32 s3, s0;
	s1 =	sshll.u32 s1, $0x11  }
0xbc: {  	s0 =	sor.u32 s1, s0  }
0xbd: {  	s0 =	sadd.s32 $0x8F2B, s0  }
0xbe: {  	[sflag:s0] =	ssyncadd.remote.s32 $0x1  }
0xbf: {  	_ =	sfence.sel $0xFFFF  }
0xc0: {  	[dreg:$0x0] =	wrdreg $0xFFFFFFFF;
	(pc) =	sbr.abs _section_cstart, $3  }
0xc1: {  	[dreg:$0x1] =	wrdreg $0xFFFFFFFF  }
0xc2: {  	_ =	task.clear_ibuf [dreg:s8], $0x2FFFF;
	_ =	strace $0x9FFFFFFF  }
0xc3: {  	(tm) =	ssettm $0x7FFFFFFF  }
tec
execute0_lowered:
.L_overlay_start_1:
0x0: {  	(tag) =	ssettag $0x1  }
0x1: {  	s3 =	srdreg.scid;
	s4 =	stileid.u32  }
0x2: {  	s3 =	sand.u32 $0x1, s3;
	s4 =	sshll.u32 s4, $0x1  }
0x3: {  	s5 =	ssub.s32 $0x2, s3;
	s3 =	sor.u32 s3, s4  }
0x4: {  	s0 =	rddreg [dreg:$0x0];
	s2 =	simm.s32 $0x0;
	s6 =	sshll.u32 s3, $0x10  }
0x5: {  	[smem:$0x7FF] =	sst s2;
	s7 =	sshll.u32 s3, $0xE;
	s3 =	sadd.s32 s0, s6  }
0x6: {  	s1 =	rddreg [dreg:$0x1];
	_ =	strace $0x80000047;
	s0 =	sadd.s32 $0x1000, s3  }
0x7: {  	s4 =	sadd.s32 s1, s7;
	s7 =	sadd.s32 $0x2000, s3;
	[dreg:$0x3] =	wrdreg s0  }
0x8: {  	s8 =	sadd.s32 $0x400, s4;
	[dreg:$0x4] =	wrdreg s7  }
0x9: {  	s9 =	sadd.s32 $0x3000, s3;
	[dreg:$0x5] =	wrdreg s8  }
0xa: {  	s10 =	sadd.s32 $0x800, s4;
	[dreg:$0x6] =	wrdreg s9  }
0xb: {  	s11 =	sadd.s32 $0x4000, s3;
	[dreg:$0x7] =	wrdreg s10  }
0xc: {  	s12 =	sadd.s32 $0xC00, s4;
	[dreg:$0x8] =	wrdreg s11  }
0xd: {  	s13 =	sadd.s32 $0x5000, s3;
	[dreg:$0x9] =	wrdreg s12  }
0xe: {  	s14 =	sadd.s32 $0x1000, s4;
	[dreg:$0xa] =	wrdreg s13  }
0xf: {  	s15 =	sadd.s32 $0x6000, s3;
	[dreg:$0xb] =	wrdreg s14  }
0x10: {  	s16 =	sadd.s32 $0x1400, s4;
	[dreg:$0xc] =	wrdreg s15  }
0x11: {  	s17 =	sadd.s32 $0x7000, s3;
	[dreg:$0xd] =	wrdreg s16  }
0x12: {  	s26 =	sshrl.u32 s5, $0x1;
	s18 =	sadd.s32 $0x1800, s4;
	[dreg:$0xe] =	wrdreg s17  }
0x13: {  	s5 =	ssub.s32 s5, s26;
	s19 =	sadd.s32 $0x8000, s3;
	[dreg:$0xf] =	wrdreg s18  }
0x14: {  	s20 =	sadd.s32 $0x1C00, s4;
	s21 =	sadd.s32 $0x9000, s3;
	[dreg:$0x10] =	wrdreg s19  }
0x15: {  	s22 =	sadd.s32 $0x2000, s4;
	s23 =	sadd.s32 $0xA000, s3;
	[dreg:$0x11] =	wrdreg s20  }
0x16: {  	s24 =	sadd.s32 $0x2400, s4;
	s25 =	sadd.s32 $0xB000, s3;
	[dreg:$0x12] =	wrdreg s21  }
0x17: {  	s26 =	smax.u32 s5, $0x1;
	s28 =	sadd.s32 $0xC000, s3;
	[dreg:$0x13] =	wrdreg s22  }
0x18: {  	s29 =	sadd.s32 $0x2C00, s4;
	s30 =	sadd.s32 $0xD000, s3;
	[dreg:$0x14] =	wrdreg s23  }
0x19: {  	s31 =	sadd.s32 $0x3000, s4;
	s1 =	sadd.s32 $0x3400, s4;
	[dreg:$0x15] =	wrdreg s24  }
0x1a: {  	v0 =	vlaneseq.u32;
	s5 =	sadd.s32 $0xF000, s3;
	s6 =	sadd.s32 $0x3800, s4;
	[dreg:$0x16] =	wrdreg s25  }
0x1b: {  	v1 =	vand.u32 $0x1, v0;
	v0 =	vmul.u32 $0x4, v0;
	[dreg:$0x17] =	wrdreg s26;
	s26 =	sadd.s32 $0x2800, s4;
	s0 =	sadd.s32 $0xE000, s3  }
0x1c: {  	v5 =	vmul.u32 $0x4, v1;
	s7 =	sadd.s32 $0x3C00, s4;
	s8 =	simm.s32 $0x8000;
	s9 =	simm.s32 $0x1  }
0x1d: {  	v2 =	vor.u32 $0x1, v0;
	v3 =	vor.u32 $0x2, v0;
	s10 =	simm.s32 $0x10000;
	s11 =	simm.s32 $0x2;
	s12 =	simm.s32 $0x12000  }
0x1e: {  	v4 =	vor.u32 $0x3, v0;
	v1 =	vor.u32 $0xFFFFFBB8, v5;
	v5 =	vor.u32 $0xFFFFFFB8, v5;
	s13 =	simm.s32 $0x3;
	s14 =	simm.s32 $0x4;
	s15 =	simm.s32 $0x0  }
.LBB2_1:
0x1f: {  	[tilespmem:s2], [sflag:$0x1] =	stream.linear.gather [hbm4b:s3+s2], $0x8000, $0x38;
	[tilespmem:$0x14000] =	vst v63  }
0x20: {  	s16 =	simm.s32 $0x0  }
0x21: {  	s18 =	sand.u32 $0x7000, s2;
	s16 =	sand.u32 $0x800, s16  }
0x22: {  	s19 =	sand.u32 $0x380, s2;
	s16 =	sor.u32 s16, s18  }
0x23: {  	s16 =	sor.u32 s19, s16  }
0x24: {  	s17 =	rddreg [dreg:$0x3];
	v6 =	vor.u32 s16, v2  }
0x25: {  	[tilespmem:s8], [sflag:$0x2] =	stream.linear.gather [hbm4b:s17+s2], $0x8000, $0x38;
	v8 =	vor.u32 s16, v3;
	[tilespmem:$0x14000] =	vst v63  }
0x26: {  	_ =	swait.ge [sflag:s9], $0x8000;
	v7 =	vor.u32 s16, v0;
	v9 =	vor.u32 s16, v4  }
0x27: {  	[sflag:s9] =	ssyncset.done $0x0;
	v7 =	vand.u32 v1, v7  }
0x28: {  	[sflag:s9] =	ssyncadd.s32 $0xFFFF8000  }
0x29: {  	v6 =	vld.idx.msk [tilespmem:v6+s2+$0x0], $0xffff  }
0x2a: {  	v8 =	vld.idx.msk [tilespmem:v8+s2+$0x0], $0xffff  }
0x2b: {  	v9 =	vld.idx.msk [tilespmem:v9+s2+$0x0], $0xffff  }
0x2c: {  	v7 =	vld.idx.msk [tilespmem:v7+s2+$0x0], $0xffff;
	_ =	sdelay $0x3  }
0x2d: {  	s24 =	sor.u32 $0x40, s16  }
0x2e: {  	v6 =	vadd.f32 v6, v7;
	v7 =	vadd.f32 v9, v8;
	v8 =	vor.u32 s24, v3  }
0x2f: {  	v9 =	vor.u32 s24, v2  }
0x30: {  	v10 =	vor.u32 s24, v4;
	v6 =	vadd.f32 v7, v6  }
0x31: {  	s16 =	simm.s32 $0x0;
	v7 =	vor.u32 s24, v0  }
0x32: {  	[tilespmem:s16+$0x10000] =	vst v6  }
0x33: {  	v6 =	vld.idx.msk [tilespmem:v8+s2+$0x0], $0xffff  }
0x34: {  	v8 =	vld.idx.msk [tilespmem:v9+s2+$0x0], $0xffff  }
0x35: {  	v9 =	vld.idx.msk [tilespmem:v10+s2+$0x0], $0xffff  }
0x36: {  	s25 =	simm.s32 $0x400;
	v7 =	vld.idx.msk [tilespmem:v7+s2+$0x0], $0xffff  }
0x37: {  	s17 =	sand.u32 $0xC00, s25  }
0x38: {  	s17 =	sor.u32 s17, s18  }
0x39: {  	s17 =	sor.u32 s19, s17  }
0x3a: {  	v10 =	vor.u32 s17, v0  }
0x3b: {  	v6 =	vadd.f32 v9, v6;
	v7 =	vadd.f32 v8, v7;
	v8 =	vand.u32 v5, v10  }
0x3c: {  	v9 =	vor.u32 s17, v3  }
0x3d: {  	v10 =	vor.u32 s17, v4;
	v6 =	vadd.f32 v6, v7  }
0x3e: {  	v7 =	vor.u32 s17, v2  }
0x3f: {  	[tilespmem:s16+$0x10010] =	vst v6  }
0x40: {  	v6 =	vld.idx.msk [tilespmem:v8+s2+$0x0], $0xffff  }
0x41: {  	v8 =	vld.idx.msk [tilespmem:v9+s2+$0x0], $0xffff  }
0x42: {  	v9 =	vld.idx.msk [tilespmem:v10+s2+$0x0], $0xffff  }
0x43: {  	s17 =	simm.s32 $0x600;
	v7 =	vld.idx.msk [tilespmem:v7+s2+$0x0], $0xffff  }
0x44: {  	s20 =	sand.u32 $0xC00, s17  }
0x45: {  	s18 =	sor.u32 s20, s18  }
0x46: {  	s18 =	sor.u32 s19, s18  }
0x47: {  	s19 =	sor.u32 $0x40, s18  }
0x48: {  	v6 =	vadd.f32 v7, v6;
	v7 =	vadd.f32 v9, v8;
	v8 =	vor.u32 s19, v0;
	_ =	sdelay $0x1  }
0x49: {  	v6 =	vadd.f32 v7, v6  }
0x4a: {  	v10 =	vor.u32 s19, v4  }
0x4b: {  	v9 =	vor.u32 s19, v2;
	[tilespmem:s16+$0x10020] =	vst v6  }
0x4c: {  	v7 =	vld.idx.msk [tilespmem:v8+s2+$0x0], $0xffff;
	v8 =	vor.u32 s19, v3;
	_ =	sdelay $0x2  }
0x4d: {  	s20 =	simm.s32 $0x0;
	s18 =	simm.s32 $0x0;
	v6 =	vld.idx.msk [tilespmem:v10+s2+$0x0], $0xffff;
	s19 =	simm.s32 $0x40  }
.LBB2_2:
0x4e: {  	s18 =	sadd.s32 $0x4, s18;
	v9 =	vld.idx.msk [tilespmem:v9+s2+$0x0], $0xffff;
	s20 =	sadd.s32 $0x100, s20;
	s17 =	sadd.s32 $0x800, s17  }
0x4f: {  	p0 =	slt.u32 s18, $0x1FC;
	v8 =	vld.idx.msk [tilespmem:v8+s2+$0x0], $0xffff;
	_ =	sdelay $0x1  }
0x50: {  	s21 =	sadd.s32 $0xFFFFFA00, s17;
	s22 =	sadd.s32 $0xFFFFFE00, s17;
	s23 =	sand.u32 $0xC00, s17  }
0x51: {  	s24 =	sand.u32 $0x7000, s20;
	s21 =	sand.u32 $0x800, s21;
	s22 =	sand.u32 $0xC00, s22  }
0x52: {  	s25 =	sand.u32 $0x380, s19;
	s21 =	sor.u32 s21, s24;
	s22 =	sor.u32 s22, s24  }
0x53: {  	s23 =	sor.u32 s23, s24;
	s21 =	sor.u32 s25, s21;
	s22 =	sor.u32 s25, s22;
	v7 =	vadd.f32 v9, v7  }
0x54: {  	s23 =	sor.u32 s25, s23;
	v9 =	vor.u32 s21, v0;
	v10 =	vor.u32 s21, v2;
	s24 =	sor.u32 $0x40, s21;
	v6 =	vadd.f32 v6, v8  }
0x55: {  	v11 =	vor.u32 s21, v4;
	v8 =	vand.u32 v1, v9;
	v9 =	vor.u32 s21, v3;
	s21 =	sor.u32 $0x40, s23  }
0x56: {  	v12 =	vor.u32 s22, v0;
	v6 =	vadd.f32 v6, v7;
	_ =	sdelay $0x1  }
0x57: {  	[tilespmem:s16+$0x10030] =	vst v6  }
0x58: {  	v6 =	vld.idx.msk [tilespmem:v10+s2+$0x0], $0xffff  }
0x59: {  	v7 =	vld.idx.msk [tilespmem:v9+s2+$0x0], $0xffff  }
0x5a: {  	v8 =	vld.idx.msk [tilespmem:v8+s2+$0x0], $0xffff  }
0x5b: {  	v9 =	vld.idx.msk [tilespmem:v11+s2+$0x0], $0xffff;
	_ =	sdelay $0x4  }
0x5c: {  	v6 =	vadd.f32 v6, v8  }
0x5d: {  	v8 =	vor.u32 s24, v3;
	v7 =	vadd.f32 v9, v7  }
0x5e: {  	v9 =	vor.u32 s24, v2  }
0x5f: {  	v6 =	vadd.f32 v7, v6;
	v7 =	vor.u32 s24, v0  }
0x60: {  	s16 =	sshra.s32 s20, $0x2;
	v10 =	vor.u32 s24, v4  }
0x61: {  	[tilespmem:s16+$0x10000] =	vst v6  }
0x62: {  	v6 =	vld.idx.msk [tilespmem:v8+s2+$0x0], $0xffff  }
0x63: {  	v8 =	vld.idx.msk [tilespmem:v9+s2+$0x0], $0xffff  }
0x64: {  	v7 =	vld.idx.msk [tilespmem:v7+s2+$0x0], $0xffff  }
0x65: {  	v9 =	vld.idx.msk [tilespmem:v10+s2+$0x0], $0xffff;
	_ =	sdelay $0x4  }
0x66: {  	v7 =	vadd.f32 v8, v7  }
0x67: {  	v8 =	vand.u32 v5, v12;
	v6 =	vadd.f32 v9, v6  }
0x68: {  	v9 =	vor.u32 s22, v3  }
0x69: {  	v6 =	vadd.f32 v6, v7;
	v7 =	vor.u32 s22, v2  }
0x6a: {  	v10 =	vor.u32 s22, v4  }
0x6b: {  	[tilespmem:s16+$0x10010] =	vst v6  }
0x6c: {  	v6 =	vld.idx.msk [tilespmem:v8+s2+$0x0], $0xffff  }
0x6d: {  	v8 =	vld.idx.msk [tilespmem:v9+s2+$0x0], $0xffff  }
0x6e: {  	v7 =	vld.idx.msk [tilespmem:v7+s2+$0x0], $0xffff  }
0x6f: {  	v9 =	vld.idx.msk [tilespmem:v10+s2+$0x0], $0xffff;
	_ =	sdelay $0x4  }
0x70: {  	v6 =	vadd.f32 v7, v6  }
0x71: {  	v10 =	vor.u32 s21, v0;
	v7 =	vadd.f32 v9, v8  }
0x72: {  	v11 =	vor.u32 s21, v4  }
.Ltmp0:
0x73: {  	v9 =	vor.u32 s21, v2;
	v8 =	vor.u32 s21, v3;
	v6 =	vadd.f32 v7, v6;
	(pc) =	sbr.rel @p0 .LBB2_2-.Ltmp0, $4  }
0x74: {  	_ = 	snop  }
0x75: {  	[tilespmem:s16+$0x10020] =	vst v6  }
0x76: {  	v7 =	vld.idx.msk [tilespmem:v10+s2+$0x0], $0xffff  }
0x77: {  	s19 =	sadd.s32 $0x40, s19;
	v6 =	vld.idx.msk [tilespmem:v11+s2+$0x0], $0xffff  }
0x78: {  	_ =	sdelay $0x3  }
0x79: {  	v9 =	vld.idx.msk [tilespmem:v9+s2+$0x0], $0xffff  }
0x7a: {  	v8 =	vld.idx.msk [tilespmem:v8+s2+$0x0], $0xffff;
	_ =	sdelay $0x4  }
0x7b: {  	v7 =	vadd.f32 v9, v7;
	v6 =	vadd.f32 v6, v8;
	_ =	sdelay $0x1  }
0x7c: {  	v6 =	vadd.f32 v6, v7;
	_ =	sdelay $0x1  }
0x7d: {  	s17 =	simm.s32 $0x0;
	[tilespmem:s16+$0x10030] =	vst v6;
	s16 =	simm.s32 $0x0  }
0x7e: {  	[hbm4b:s4+s16] =	stream.linear.scatter [tilespmem:s10], [sflag:$0x3], $0x2000, $0x38;
	[tilespmem:$0x14000] =	vst v63  }
0x7f: {  	s17 =	sand.u32 $0x800, s17;
	s19 =	sand.u32 $0x7000, s16  }
0x80: {  	s20 =	sand.u32 $0x380, s16;
	s17 =	sor.u32 s17, s19  }
0x81: {  	s17 =	sor.u32 s20, s17  }
0x82: {  	s18 =	rddreg [dreg:$0x4];
	v6 =	vor.u32 s17, v2  }
0x83: {  	[tilespmem:s16], [sflag:$0x1] =	stream.linear.gather [hbm4b:s18+s16], $0x8000, $0x38;
	v8 =	vor.u32 s17, v3;
	[tilespmem:$0x14000] =	vst v63  }
0x84: {  	v7 =	vor.u32 s17, v0;
	_ =	swait.ge [sflag:s11], $0x8000;
	v9 =	vor.u32 s17, v4  }
0x85: {  	v7 =	vand.u32 v1, v7;
	[sflag:s11] =	ssyncset.done $0x0  }
0x86: {  	[sflag:s11] =	ssyncadd.s32 $0xFFFF8000  }
0x87: {  	v6 =	vld.idx.msk [tilespmem:v6+s8+$0x0], $0xffff  }
0x88: {  	v8 =	vld.idx.msk [tilespmem:v8+s8+$0x0], $0xffff  }
0x89: {  	v9 =	vld.idx.msk [tilespmem:v9+s8+$0x0], $0xffff  }
0x8a: {  	v7 =	vld.idx.msk [tilespmem:v7+s8+$0x0], $0xffff;
	_ =	sdelay $0x3  }
0x8b: {  	s24 =	sor.u32 $0x40, s17  }
0x8c: {  	v6 =	vadd.f32 v6, v7;
	v7 =	vadd.f32 v9, v8;
	v8 =	vor.u32 s24, v3  }
0x8d: {  	v9 =	vor.u32 s24, v2  }
0x8e: {  	v10 =	vor.u32 s24, v4;
	v6 =	vadd.f32 v7, v6  }
0x8f: {  	s17 =	simm.s32 $0x0;
	v7 =	vor.u32 s24, v0  }
0x90: {  	[tilespmem:s17+$0x12000] =	vst v6  }
0x91: {  	v6 =	vld.idx.msk [tilespmem:v8+s8+$0x0], $0xffff  }
0x92: {  	v8 =	vld.idx.msk [tilespmem:v9+s8+$0x0], $0xffff  }
0x93: {  	v9 =	vld.idx.msk [tilespmem:v10+s8+$0x0], $0xffff  }
0x94: {  	s25 =	simm.s32 $0x400;
	v7 =	vld.idx.msk [tilespmem:v7+s8+$0x0], $0xffff  }
0x95: {  	s18 =	sand.u32 $0xC00, s25  }
0x96: {  	s18 =	sor.u32 s18, s19  }
0x97: {  	s18 =	sor.u32 s20, s18  }
0x98: {  	v10 =	vor.u32 s18, v0  }
0x99: {  	v6 =	vadd.f32 v9, v6;
	v7 =	vadd.f32 v8, v7;
	v8 =	vand.u32 v5, v10  }
0x9a: {  	v9 =	vor.u32 s18, v3  }
0x9b: {  	v10 =	vor.u32 s18, v4;
	v6 =	vadd.f32 v6, v7  }
0x9c: {  	v7 =	vor.u32 s18, v2  }
0x9d: {  	[tilespmem:s17+$0x12010] =	vst v6  }
0x9e: {  	v6 =	vld.idx.msk [tilespmem:v8+s8+$0x0], $0xffff  }
0x9f: {  	v8 =	vld.idx.msk [tilespmem:v9+s8+$0x0], $0xffff  }
0xa0: {  	v9 =	vld.idx.msk [tilespmem:v10+s8+$0x0], $0xffff  }
0xa1: {  	s18 =	simm.s32 $0x600;
	v7 =	vld.idx.msk [tilespmem:v7+s8+$0x0], $0xffff  }
0xa2: {  	s21 =	sand.u32 $0xC00, s18  }
0xa3: {  	s19 =	sor.u32 s21, s19  }
0xa4: {  	s19 =	sor.u32 s20, s19  }
0xa5: {  	s20 =	sor.u32 $0x40, s19  }
0xa6: {  	v6 =	vadd.f32 v7, v6;
	v7 =	vadd.f32 v9, v8;
	v8 =	vor.u32 s20, v0;
	_ =	sdelay $0x1  }
0xa7: {  	v6 =	vadd.f32 v7, v6  }
0xa8: {  	v10 =	vor.u32 s20, v4  }
0xa9: {  	v9 =	vor.u32 s20, v2;
	[tilespmem:s17+$0x12020] =	vst v6  }
0xaa: {  	v7 =	vld.idx.msk [tilespmem:v8+s8+$0x0], $0xffff;
	v8 =	vor.u32 s20, v3;
	_ =	sdelay $0x2  }
0xab: {  	s19 =	simm.s32 $0x0;
	v6 =	vld.idx.msk [tilespmem:v10+s8+$0x0], $0xffff;
	s20 =	simm.s32 $0x40  }
.LBB2_4:
0xac: {  	s19 =	sadd.s32 $0x4, s19;
	v9 =	vld.idx.msk [tilespmem:v9+s8+$0x0], $0xffff;
	s16 =	sadd.s32 $0x100, s16;
	s18 =	sadd.s32 $0x800, s18  }
0xad: {  	p0 =	slt.u32 s19, $0x1FC;
	v8 =	vld.idx.msk [tilespmem:v8+s8+$0x0], $0xffff;
	_ =	sdelay $0x1  }
0xae: {  	s21 =	sadd.s32 $0xFFFFFA00, s18;
	s22 =	sadd.s32 $0xFFFFFE00, s18;
	s23 =	sand.u32 $0xC00, s18  }
0xaf: {  	s24 =	sand.u32 $0x7000, s16;
	s21 =	sand.u32 $0x800, s21;
	s22 =	sand.u32 $0xC00, s22  }
0xb0: {  	s25 =	sand.u32 $0x380, s20;
	s21 =	sor.u32 s21, s24;
	s22 =	sor.u32 s22, s24  }
0xb1: {  	s23 =	sor.u32 s23, s24;
	s21 =	sor.u32 s25, s21;
	s22 =	sor.u32 s25, s22;
	v7 =	vadd.f32 v9, v7  }
0xb2: {  	s23 =	sor.u32 s25, s23;
	v9 =	vor.u32 s21, v0;
	v10 =	vor.u32 s21, v2;
	s24 =	sor.u32 $0x40, s21;
	v6 =	vadd.f32 v6, v8  }
0xb3: {  	v11 =	vor.u32 s21, v4;
	v8 =	vand.u32 v1, v9;
	v9 =	vor.u32 s21, v3;
	s21 =	sor.u32 $0x40, s23  }
0xb4: {  	v12 =	vor.u32 s22, v0;
	v6 =	vadd.f32 v6, v7;
	_ =	sdelay $0x1  }
0xb5: {  	[tilespmem:s17+$0x12030] =	vst v6  }
0xb6: {  	v6 =	vld.idx.msk [tilespmem:v10+s8+$0x0], $0xffff  }
0xb7: {  	v7 =	vld.idx.msk [tilespmem:v9+s8+$0x0], $0xffff  }
0xb8: {  	v8 =	vld.idx.msk [tilespmem:v8+s8+$0x0], $0xffff  }
0xb9: {  	v9 =	vld.idx.msk [tilespmem:v11+s8+$0x0], $0xffff;
	_ =	sdelay $0x4  }
0xba: {  	v6 =	vadd.f32 v6, v8  }
0xbb: {  	v8 =	vor.u32 s24, v3;
	v7 =	vadd.f32 v9, v7  }
0xbc: {  	v9 =	vor.u32 s24, v2  }
0xbd: {  	v6 =	vadd.f32 v7, v6;
	v7 =	vor.u32 s24, v0  }
0xbe: {  	s17 =	sshra.s32 s16, $0x2;
	v10 =	vor.u32 s24, v4  }
0xbf: {  	[tilespmem:s17+$0x12000] =	vst v6  }
0xc0: {  	v6 =	vld.idx.msk [tilespmem:v8+s8+$0x0], $0xffff  }
0xc1: {  	v8 =	vld.idx.msk [tilespmem:v9+s8+$0x0], $0xffff  }
0xc2: {  	v7 =	vld.idx.msk [tilespmem:v7+s8+$0x0], $0xffff  }
0xc3: {  	v9 =	vld.idx.msk [tilespmem:v10+s8+$0x0], $0xffff;
	_ =	sdelay $0x4  }
0xc4: {  	v7 =	vadd.f32 v8, v7  }
0xc5: {  	v8 =	vand.u32 v5, v12;
	v6 =	vadd.f32 v9, v6  }
0xc6: {  	v9 =	vor.u32 s22, v3  }
0xc7: {  	v6 =	vadd.f32 v6, v7;
	v7 =	vor.u32 s22, v2  }
0xc8: {  	v10 =	vor.u32 s22, v4  }
0xc9: {  	[tilespmem:s17+$0x12010] =	vst v6  }
0xca: {  	v6 =	vld.idx.msk [tilespmem:v8+s8+$0x0], $0xffff  }
0xcb: {  	v8 =	vld.idx.msk [tilespmem:v9+s8+$0x0], $0xffff  }
0xcc: {  	v7 =	vld.idx.msk [tilespmem:v7+s8+$0x0], $0xffff  }
0xcd: {  	v9 =	vld.idx.msk [tilespmem:v10+s8+$0x0], $0xffff;
	_ =	sdelay $0x4  }
0xce: {  	v6 =	vadd.f32 v7, v6  }
0xcf: {  	v10 =	vor.u32 s21, v0;
	v7 =	vadd.f32 v9, v8  }
0xd0: {  	v11 =	vor.u32 s21, v4  }
.Ltmp1:
0xd1: {  	v9 =	vor.u32 s21, v2;
	v8 =	vor.u32 s21, v3;
	v6 =	vadd.f32 v7, v6;
	(pc) =	sbr.rel @p0 .LBB2_4-.Ltmp1, $4  }
0xd2: {  	_ = 	snop  }
0xd3: {  	[tilespmem:s17+$0x12020] =	vst v6  }
0xd4: {  	v7 =	vld.idx.msk [tilespmem:v10+s8+$0x0], $0xffff  }
0xd5: {  	s20 =	sadd.s32 $0x40, s20;
	v6 =	vld.idx.msk [tilespmem:v11+s8+$0x0], $0xffff  }
0xd6: {  	_ =	sdelay $0x3  }
0xd7: {  	v9 =	vld.idx.msk [tilespmem:v9+s8+$0x0], $0xffff  }
0xd8: {  	v8 =	vld.idx.msk [tilespmem:v8+s8+$0x0], $0xffff;
	_ =	sdelay $0x4  }
0xd9: {  	v7 =	vadd.f32 v9, v7;
	v6 =	vadd.f32 v6, v8;
	_ =	sdelay $0x1  }
0xda: {  	v6 =	vadd.f32 v6, v7  }
0xdb: {  	s16 =	simm.s32 $0x0;
	s24 =	simm.s32 $0x0  }
0xdc: {  	s22 =	rddreg [dreg:$0x5];
	s19 =	sand.u32 $0x7000, s16;
	[tilespmem:s17+$0x12030] =	vst v6;
	s17 =	sand.u32 $0x800, s24  }
0xdd: {  	[hbm4b:s22+s16] =	stream.linear.scatter [tilespmem:s12], [sflag:$0x4], $0x2000, $0x38;
	[tilespmem:$0x14000] =	vst v63  }
0xde: {  	s23 =	rddreg [dreg:$0x6];
	s20 =	sand.u32 $0x380, s16;
	s17 =	sor.u32 s17, s19  }
0xdf: {  	[tilespmem:s8], [sflag:$0x2] =	stream.linear.gather [hbm4b:s23+s16], $0x8000, $0x38;
	[tilespmem:$0x14000] =	vst v63  }
0xe0: {  	s17 =	sor.u32 s20, s17;
	_ =	swait.ge [sflag:s9], $0x8000  }
0xe1: {  	v6 =	vor.u32 s17, v2;
	[sflag:s9] =	ssyncset.done $0x0  }
0xe2: {  	v7 =	vor.u32 s17, v0;
	v8 =	vor.u32 s17, v3;
	[sflag:s9] =	ssyncadd.s32 $0xFFFF8000  }
0xe3: {  	v7 =	vand.u32 v1, v7;
	_ =	swait.ge [sflag:s13], $0x2000  }
0xe4: {  	v9 =	vor.u32 s17, v4;
	[sflag:s13] =	ssyncset.done $0x0  }
0xe5: {  	[sflag:s13] =	ssyncadd.s32 $0xFFFFE000  }
0xe6: {  	v6 =	vld.idx.msk [tilespmem:v6+s2+$0x0], $0xffff  }
0xe7: {  	v8 =	vld.idx.msk [tilespmem:v8+s2+$0x0], $0xffff  }
0xe8: {  	v7 =	vld.idx.msk [tilespmem:v7+s2+$0x0], $0xffff  }
0xe9: {  	v9 =	vld.idx.msk [tilespmem:v9+s2+$0x0], $0xffff;
	_ =	sdelay $0x3  }
0xea: {  	s18 =	sor.u32 $0x40, s17  }
0xeb: {  	v6 =	vadd.f32 v6, v7;
	v7 =	vadd.f32 v9, v8;
	v8 =	vor.u32 s18, v3  }
0xec: {  	v9 =	vor.u32 s18, v2  }
0xed: {  	v10 =	vor.u32 s18, v4;
	v6 =	vadd.f32 v7, v6  }
0xee: {  	s17 =	simm.s32 $0x0;
	v7 =	vor.u32 s18, v0  }
0xef: {  	[tilespmem:s17+$0x10000] =	vst v6  }
0xf0: {  	v6 =	vld.idx.msk [tilespmem:v8+s2+$0x0], $0xffff  }
0xf1: {  	v8 =	vld.idx.msk [tilespmem:v9+s2+$0x0], $0xffff  }
0xf2: {  	v9 =	vld.idx.msk [tilespmem:v10+s2+$0x0], $0xffff  }
0xf3: {  	s25 =	simm.s32 $0x400;
	v7 =	vld.idx.msk [tilespmem:v7+s2+$0x0], $0xffff  }
0xf4: {  	s18 =	sand.u32 $0xC00, s25  }
0xf5: {  	s18 =	sor.u32 s18, s19  }
0xf6: {  	s18 =	sor.u32 s20, s18  }
0xf7: {  	v10 =	vor.u32 s18, v0  }
0xf8: {  	v6 =	vadd.f32 v9, v6;
	v7 =	vadd.f32 v8, v7;
	v8 =	vand.u32 v5, v10  }
0xf9: {  	v9 =	vor.u32 s18, v3  }
0xfa: {  	v10 =	vor.u32 s18, v4;
	v6 =	vadd.f32 v6, v7  }
0xfb: {  	v7 =	vor.u32 s18, v2  }
0xfc: {  	[tilespmem:s17+$0x10010] =	vst v6  }
0xfd: {  	v6 =	vld.idx.msk [tilespmem:v8+s2+$0x0], $0xffff  }
0xfe: {  	v8 =	vld.idx.msk [tilespmem:v9+s2+$0x0], $0xffff  }
0xff: {  	v9 =	vld.idx.msk [tilespmem:v10+s2+$0x0], $0xffff  }
0x100: {  	s18 =	simm.s32 $0x600;
	v7 =	vld.idx.msk [tilespmem:v7+s2+$0x0], $0xffff  }
0x101: {  	s21 =	sand.u32 $0xC00, s18  }
0x102: {  	s19 =	sor.u32 s21, s19  }
0x103: {  	s19 =	sor.u32 s20, s19  }
0x104: {  	s20 =	sor.u32 $0x40, s19  }
0x105: {  	v6 =	vadd.f32 v7, v6;
	v7 =	vadd.f32 v9, v8;
	v8 =	vor.u32 s20, v0;
	_ =	sdelay $0x1  }
0x106: {  	v6 =	vadd.f32 v7, v6  }
0x107: {  	v10 =	vor.u32 s20, v4  }
0x108: {  	v9 =	vor.u32 s20, v2;
	[tilespmem:s17+$0x10020] =	vst v6  }
0x109: {  	v7 =	vld.idx.msk [tilespmem:v8+s2+$0x0], $0xffff;
	v8 =	vor.u32 s20, v3;
	_ =	sdelay $0x2  }
0x10a: {  	s19 =	simm.s32 $0x0;
	v6 =	vld.idx.msk [tilespmem:v10+s2+$0x0], $0xffff;
	s20 =	simm.s32 $0x40  }
.LBB2_6:
0x10b: {  	s19 =	sadd.s32 $0x4, s19;
	v9 =	vld.idx.msk [tilespmem:v9+s2+$0x0], $0xffff;
	s16 =	sadd.s32 $0x100, s16;
	s18 =	sadd.s32 $0x800, s18  }
0x10c: {  	p0 =	slt.u32 s19, $0x1FC;
	v8 =	vld.idx.msk [tilespmem:v8+s2+$0x0], $0xffff;
	_ =	sdelay $0x1  }
0x10d: {  	s21 =	sadd.s32 $0xFFFFFA00, s18;
	s22 =	sadd.s32 $0xFFFFFE00, s18;
	s23 =	sand.u32 $0xC00, s18  }
0x10e: {  	s24 =	sand.u32 $0x7000, s16;
	s21 =	sand.u32 $0x800, s21;
	s22 =	sand.u32 $0xC00, s22  }
0x10f: {  	s25 =	sand.u32 $0x380, s20;
	s21 =	sor.u32 s21, s24;
	s22 =	sor.u32 s22, s24  }
0x110: {  	s23 =	sor.u32 s23, s24;
	s21 =	sor.u32 s25, s21;
	s22 =	sor.u32 s25, s22;
	v7 =	vadd.f32 v9, v7  }
0x111: {  	s23 =	sor.u32 s25, s23;
	v9 =	vor.u32 s21, v0;
	v10 =	vor.u32 s21, v2;
	s24 =	sor.u32 $0x40, s21;
	v6 =	vadd.f32 v6, v8  }
0x112: {  	v11 =	vor.u32 s21, v4;
	v8 =	vand.u32 v1, v9;
	v9 =	vor.u32 s21, v3;
	s21 =	sor.u32 $0x40, s23  }
0x113: {  	v12 =	vor.u32 s22, v0;
	v6 =	vadd.f32 v6, v7;
	_ =	sdelay $0x1  }
0x114: {  	[tilespmem:s17+$0x10030] =	vst v6  }
0x115: {  	v6 =	vld.idx.msk [tilespmem:v10+s2+$0x0], $0xffff  }
0x116: {  	v7 =	vld.idx.msk [tilespmem:v9+s2+$0x0], $0xffff  }
0x117: {  	v8 =	vld.idx.msk [tilespmem:v8+s2+$0x0], $0xffff  }
0x118: {  	v9 =	vld.idx.msk [tilespmem:v11+s2+$0x0], $0xffff;
	_ =	sdelay $0x4  }
0x119: {  	v6 =	vadd.f32 v6, v8  }
0x11a: {  	v8 =	vor.u32 s24, v3;
	v7 =	vadd.f32 v9, v7  }
0x11b: {  	v9 =	vor.u32 s24, v2  }
0x11c: {  	v6 =	vadd.f32 v7, v6;
	v7 =	vor.u32 s24, v0  }
0x11d: {  	s17 =	sshra.s32 s16, $0x2;
	v10 =	vor.u32 s24, v4  }
0x11e: {  	[tilespmem:s17+$0x10000] =	vst v6  }
0x11f: {  	v6 =	vld.idx.msk [tilespmem:v8+s2+$0x0], $0xffff  }
0x120: {  	v8 =	vld.idx.msk [tilespmem:v9+s2+$0x0], $0xffff  }
0x121: {  	v7 =	vld.idx.msk [tilespmem:v7+s2+$0x0], $0xffff  }
0x122: {  	v9 =	vld.idx.msk [tilespmem:v10+s2+$0x0], $0xffff;
	_ =	sdelay $0x4  }
0x123: {  	v7 =	vadd.f32 v8, v7  }
0x124: {  	v8 =	vand.u32 v5, v12;
	v6 =	vadd.f32 v9, v6  }
0x125: {  	v9 =	vor.u32 s22, v3  }
0x126: {  	v6 =	vadd.f32 v6, v7;
	v7 =	vor.u32 s22, v2  }
0x127: {  	v10 =	vor.u32 s22, v4  }
0x128: {  	[tilespmem:s17+$0x10010] =	vst v6  }
0x129: {  	v6 =	vld.idx.msk [tilespmem:v8+s2+$0x0], $0xffff  }
0x12a: {  	v8 =	vld.idx.msk [tilespmem:v9+s2+$0x0], $0xffff  }
0x12b: {  	v7 =	vld.idx.msk [tilespmem:v7+s2+$0x0], $0xffff  }
0x12c: {  	v9 =	vld.idx.msk [tilespmem:v10+s2+$0x0], $0xffff;
	_ =	sdelay $0x4  }
0x12d: {  	v6 =	vadd.f32 v7, v6  }
0x12e: {  	v10 =	vor.u32 s21, v0;
	v7 =	vadd.f32 v9, v8  }
0x12f: {  	v11 =	vor.u32 s21, v4  }
.Ltmp2:
0x130: {  	v9 =	vor.u32 s21, v2;
	v8 =	vor.u32 s21, v3;
	v6 =	vadd.f32 v7, v6;
	(pc) =	sbr.rel @p0 .LBB2_6-.Ltmp2, $4  }
0x131: {  	_ = 	snop  }
0x132: {  	[tilespmem:s17+$0x10020] =	vst v6  }
0x133: {  	v7 =	vld.idx.msk [tilespmem:v10+s2+$0x0], $0xffff  }
0x134: {  	s20 =	sadd.s32 $0x40, s20;
	v6 =	vld.idx.msk [tilespmem:v11+s2+$0x0], $0xffff  }
0x135: {  	_ =	sdelay $0x3  }
0x136: {  	v9 =	vld.idx.msk [tilespmem:v9+s2+$0x0], $0xffff  }
0x137: {  	v8 =	vld.idx.msk [tilespmem:v8+s2+$0x0], $0xffff;
	_ =	sdelay $0x4  }
0x138: {  	v7 =	vadd.f32 v9, v7;
	v6 =	vadd.f32 v6, v8;
	_ =	sdelay $0x1  }
0x139: {  	v6 =	vadd.f32 v6, v7  }
0x13a: {  	s16 =	simm.s32 $0x0;
	s24 =	simm.s32 $0x0  }
0x13b: {  	s22 =	rddreg [dreg:$0x7];
	s19 =	sand.u32 $0x7000, s16;
	[tilespmem:s17+$0x10030] =	vst v6;
	s17 =	sand.u32 $0x800, s24  }
0x13c: {  	[hbm4b:s22+s16] =	stream.linear.scatter [tilespmem:s10], [sflag:$0x3], $0x2000, $0x38;
	[tilespmem:$0x14000] =	vst v63  }
0x13d: {  	s23 =	rddreg [dreg:$0x8];
	s20 =	sand.u32 $0x380, s16;
	s17 =	sor.u32 s17, s19  }
0x13e: {  	[tilespmem:s16], [sflag:$0x1] =	stream.linear.gather [hbm4b:s23+s16], $0x8000, $0x38;
	[tilespmem:$0x14000] =	vst v63  }
0x13f: {  	s17 =	sor.u32 s20, s17;
	_ =	swait.ge [sflag:s11], $0x8000  }
0x140: {  	v6 =	vor.u32 s17, v2;
	[sflag:s11] =	ssyncset.done $0x0  }
0x141: {  	v7 =	vor.u32 s17, v0;
	v8 =	vor.u32 s17, v3;
	[sflag:s11] =	ssyncadd.s32 $0xFFFF8000  }
0x142: {  	v7 =	vand.u32 v1, v7;
	_ =	swait.ge [sflag:s14], $0x2000  }
0x143: {  	v9 =	vor.u32 s17, v4;
	[sflag:s14] =	ssyncset.done $0x0  }
0x144: {  	[sflag:s14] =	ssyncadd.s32 $0xFFFFE000  }
0x145: {  	v6 =	vld.idx.msk [tilespmem:v6+s8+$0x0], $0xffff  }
0x146: {  	v8 =	vld.idx.msk [tilespmem:v8+s8+$0x0], $0xffff  }
0x147: {  	v7 =	vld.idx.msk [tilespmem:v7+s8+$0x0], $0xffff  }
0x148: {  	v9 =	vld.idx.msk [tilespmem:v9+s8+$0x0], $0xffff;
	_ =	sdelay $0x3  }
0x149: {  	s18 =	sor.u32 $0x40, s17  }
0x14a: {  	v6 =	vadd.f32 v6, v7;
	v7 =	vadd.f32 v9, v8;
	v8 =	vor.u32 s18, v3  }
0x14b: {  	v9 =	vor.u32 s18, v2  }
0x14c: {  	v10 =	vor.u32 s18, v4;
	v6 =	vadd.f32 v7, v6  }
0x14d: {  	s17 =	simm.s32 $0x0;
	v7 =	vor.u32 s18, v0  }
0x14e: {  	[tilespmem:s17+$0x12000] =	vst v6  }
0x14f: {  	v6 =	vld.idx.msk [tilespmem:v8+s8+$0x0], $0xffff  }
0x150: {  	v8 =	vld.idx.msk [tilespmem:v9+s8+$0x0], $0xffff  }
0x151: {  	v9 =	vld.idx.msk [tilespmem:v10+s8+$0x0], $0xffff  }
0x152: {  	s25 =	simm.s32 $0x400;
	v7 =	vld.idx.msk [tilespmem:v7+s8+$0x0], $0xffff  }
0x153: {  	s18 =	sand.u32 $0xC00, s25  }
0x154: {  	s18 =	sor.u32 s18, s19  }
0x155: {  	s18 =	sor.u32 s20, s18  }
0x156: {  	v10 =	vor.u32 s18, v0  }
0x157: {  	v6 =	vadd.f32 v9, v6;
	v7 =	vadd.f32 v8, v7;
	v8 =	vand.u32 v5, v10  }
0x158: {  	v9 =	vor.u32 s18, v3  }
0x159: {  	v10 =	vor.u32 s18, v4;
	v6 =	vadd.f32 v6, v7  }
0x15a: {  	v7 =	vor.u32 s18, v2  }
0x15b: {  	[tilespmem:s17+$0x12010] =	vst v6  }
0x15c: {  	v6 =	vld.idx.msk [tilespmem:v8+s8+$0x0], $0xffff  }
0x15d: {  	v8 =	vld.idx.msk [tilespmem:v9+s8+$0x0], $0xffff  }
0x15e: {  	v9 =	vld.idx.msk [tilespmem:v10+s8+$0x0], $0xffff  }
0x15f: {  	s18 =	simm.s32 $0x600;
	v7 =	vld.idx.msk [tilespmem:v7+s8+$0x0], $0xffff  }
0x160: {  	s21 =	sand.u32 $0xC00, s18  }
0x161: {  	s19 =	sor.u32 s21, s19  }
0x162: {  	s19 =	sor.u32 s20, s19  }
0x163: {  	s20 =	sor.u32 $0x40, s19  }
0x164: {  	v6 =	vadd.f32 v7, v6;
	v7 =	vadd.f32 v9, v8;
	v8 =	vor.u32 s20, v0;
	_ =	sdelay $0x1  }
0x165: {  	v6 =	vadd.f32 v7, v6  }
0x166: {  	v10 =	vor.u32 s20, v4  }
0x167: {  	v9 =	vor.u32 s20, v2;
	[tilespmem:s17+$0x12020] =	vst v6  }
0x168: {  	v7 =	vld.idx.msk [tilespmem:v8+s8+$0x0], $0xffff;
	v8 =	vor.u32 s20, v3;
	_ =	sdelay $0x2  }
0x169: {  	s19 =	simm.s32 $0x0;
	v6 =	vld.idx.msk [tilespmem:v10+s8+$0x0], $0xffff;
	s20 =	simm.s32 $0x40  }
.LBB2_8:
0x16a: {  	s19 =	sadd.s32 $0x4, s19;
	v9 =	vld.idx.msk [tilespmem:v9+s8+$0x0], $0xffff;
	s16 =	sadd.s32 $0x100, s16;
	s18 =	sadd.s32 $0x800, s18  }
0x16b: {  	p0 =	slt.u32 s19, $0x1FC;
	v8 =	vld.idx.msk [tilespmem:v8+s8+$0x0], $0xffff;
	_ =	sdelay $0x1  }
0x16c: {  	s21 =	sadd.s32 $0xFFFFFA00, s18;
	s22 =	sadd.s32 $0xFFFFFE00, s18;
	s23 =	sand.u32 $0xC00, s18  }
0x16d: {  	s24 =	sand.u32 $0x7000, s16;
	s21 =	sand.u32 $0x800, s21;
	s22 =	sand.u32 $0xC00, s22  }
0x16e: {  	s25 =	sand.u32 $0x380, s20;
	s21 =	sor.u32 s21, s24;
	s22 =	sor.u32 s22, s24  }
0x16f: {  	s23 =	sor.u32 s23, s24;
	s21 =	sor.u32 s25, s21;
	s22 =	sor.u32 s25, s22;
	v7 =	vadd.f32 v9, v7  }
0x170: {  	s23 =	sor.u32 s25, s23;
	v9 =	vor.u32 s21, v0;
	v10 =	vor.u32 s21, v2;
	s24 =	sor.u32 $0x40, s21;
	v6 =	vadd.f32 v6, v8  }
0x171: {  	v11 =	vor.u32 s21, v4;
	v8 =	vand.u32 v1, v9;
	v9 =	vor.u32 s21, v3;
	s21 =	sor.u32 $0x40, s23  }
0x172: {  	v12 =	vor.u32 s22, v0;
	v6 =	vadd.f32 v6, v7;
	_ =	sdelay $0x1  }
0x173: {  	[tilespmem:s17+$0x12030] =	vst v6  }
0x174: {  	v6 =	vld.idx.msk [tilespmem:v10+s8+$0x0], $0xffff  }
0x175: {  	v7 =	vld.idx.msk [tilespmem:v9+s8+$0x0], $0xffff  }
0x176: {  	v8 =	vld.idx.msk [tilespmem:v8+s8+$0x0], $0xffff  }
0x177: {  	v9 =	vld.idx.msk [tilespmem:v11+s8+$0x0], $0xffff;
	_ =	sdelay $0x4  }
0x178: {  	v6 =	vadd.f32 v6, v8  }
0x179: {  	v8 =	vor.u32 s24, v3;
	v7 =	vadd.f32 v9, v7  }
0x17a: {  	v9 =	vor.u32 s24, v2  }
0x17b: {  	v6 =	vadd.f32 v7, v6;
	v7 =	vor.u32 s24, v0  }
0x17c: {  	s17 =	sshra.s32 s16, $0x2;
	v10 =	vor.u32 s24, v4  }
0x17d: {  	[tilespmem:s17+$0x12000] =	vst v6  }
0x17e: {  	v6 =	vld.idx.msk [tilespmem:v8+s8+$0x0], $0xffff  }
0x17f: {  	v8 =	vld.idx.msk [tilespmem:v9+s8+$0x0], $0xffff  }
0x180: {  	v7 =	vld.idx.msk [tilespmem:v7+s8+$0x0], $0xffff  }
0x181: {  	v9 =	vld.idx.msk [tilespmem:v10+s8+$0x0], $0xffff;
	_ =	sdelay $0x4  }
0x182: {  	v7 =	vadd.f32 v8, v7  }
0x183: {  	v8 =	vand.u32 v5, v12;
	v6 =	vadd.f32 v9, v6  }
0x184: {  	v9 =	vor.u32 s22, v3  }
0x185: {  	v6 =	vadd.f32 v6, v7;
	v7 =	vor.u32 s22, v2  }
0x186: {  	v10 =	vor.u32 s22, v4  }
0x187: {  	[tilespmem:s17+$0x12010] =	vst v6  }
0x188: {  	v6 =	vld.idx.msk [tilespmem:v8+s8+$0x0], $0xffff  }
0x189: {  	v8 =	vld.idx.msk [tilespmem:v9+s8+$0x0], $0xffff  }
0x18a: {  	v7 =	vld.idx.msk [tilespmem:v7+s8+$0x0], $0xffff  }
0x18b: {  	v9 =	vld.idx.msk [tilespmem:v10+s8+$0x0], $0xffff;
	_ =	sdelay $0x4  }
0x18c: {  	v6 =	vadd.f32 v7, v6  }
0x18d: {  	v10 =	vor.u32 s21, v0;
	v7 =	vadd.f32 v9, v8  }
0x18e: {  	v11 =	vor.u32 s21, v4  }
.Ltmp3:
0x18f: {  	v9 =	vor.u32 s21, v2;
	v8 =	vor.u32 s21, v3;
	v6 =	vadd.f32 v7, v6;
	(pc) =	sbr.rel @p0 .LBB2_8-.Ltmp3, $4  }
0x190: {  	_ = 	snop  }
0x191: {  	[tilespmem:s17+$0x12020] =	vst v6  }
0x192: {  	v7 =	vld.idx.msk [tilespmem:v10+s8+$0x0], $0xffff  }
0x193: {  	s20 =	sadd.s32 $0x40, s20;
	v6 =	vld.idx.msk [tilespmem:v11+s8+$0x0], $0xffff  }
0x194: {  	_ =	sdelay $0x3  }
0x195: {  	v9 =	vld.idx.msk [tilespmem:v9+s8+$0x0], $0xffff  }
0x196: {  	v8 =	vld.idx.msk [tilespmem:v8+s8+$0x0], $0xffff;
	_ =	sdelay $0x4  }
0x197: {  	v7 =	vadd.f32 v9, v7;
	v6 =	vadd.f32 v6, v8;
	_ =	sdelay $0x1  }
0x198: {  	v6 =	vadd.f32 v6, v7  }
0x199: {  	s16 =	simm.s32 $0x0;
	s24 =	simm.s32 $0x0  }
0x19a: {  	s22 =	rddreg [dreg:$0x9];
	s19 =	sand.u32 $0x7000, s16;
	[tilespmem:s17+$0x12030] =	vst v6;
	s17 =	sand.u32 $0x800, s24  }
0x19b: {  	[hbm4b:s22+s16] =	stream.linear.scatter [tilespmem:s12], [sflag:$0x4], $0x2000, $0x38;
	[tilespmem:$0x14000] =	vst v63  }
0x19c: {  	s23 =	rddreg [dreg:$0xa];
	s20 =	sand.u32 $0x380, s16;
	s17 =	sor.u32 s17, s19  }
0x19d: {  	[tilespmem:s8], [sflag:$0x2] =	stream.linear.gather [hbm4b:s23+s16], $0x8000, $0x38;
	[tilespmem:$0x14000] =	vst v63  }
0x19e: {  	s17 =	sor.u32 s20, s17;
	_ =	swait.ge [sflag:s9], $0x8000  }
0x19f: {  	v6 =	vor.u32 s17, v2;
	[sflag:s9] =	ssyncset.done $0x0  }
0x1a0: {  	v7 =	vor.u32 s17, v0;
	v8 =	vor.u32 s17, v3;
	[sflag:s9] =	ssyncadd.s32 $0xFFFF8000  }
0x1a1: {  	v7 =	vand.u32 v1, v7;
	_ =	swait.ge [sflag:s13], $0x2000  }
0x1a2: {  	v9 =	vor.u32 s17, v4;
	[sflag:s13] =	ssyncset.done $0x0  }
0x1a3: {  	[sflag:s13] =	ssyncadd.s32 $0xFFFFE000  }
0x1a4: {  	v6 =	vld.idx.msk [tilespmem:v6+s2+$0x0], $0xffff  }
0x1a5: {  	v8 =	vld.idx.msk [tilespmem:v8+s2+$0x0], $0xffff  }
0x1a6: {  	v7 =	vld.idx.msk [tilespmem:v7+s2+$0x0], $0xffff  }
0x1a7: {  	v9 =	vld.idx.msk [tilespmem:v9+s2+$0x0], $0xffff;
	_ =	sdelay $0x3  }
0x1a8: {  	s18 =	sor.u32 $0x40, s17  }
0x1a9: {  	v6 =	vadd.f32 v6, v7;
	v7 =	vadd.f32 v9, v8;
	v8 =	vor.u32 s18, v3  }
0x1aa: {  	v9 =	vor.u32 s18, v2  }
0x1ab: {  	v10 =	vor.u32 s18, v4;
	v6 =	vadd.f32 v7, v6  }
0x1ac: {  	s17 =	simm.s32 $0x0;
	v7 =	vor.u32 s18, v0  }
0x1ad: {  	[tilespmem:s17+$0x10000] =	vst v6  }
0x1ae: {  	v6 =	vld.idx.msk [tilespmem:v8+s2+$0x0], $0xffff  }
0x1af: {  	v8 =	vld.idx.msk [tilespmem:v9+s2+$0x0], $0xffff  }
0x1b0: {  	v9 =	vld.idx.msk [tilespmem:v10+s2+$0x0], $0xffff  }
0x1b1: {  	s25 =	simm.s32 $0x400;
	v7 =	vld.idx.msk [tilespmem:v7+s2+$0x0], $0xffff  }
0x1b2: {  	s18 =	sand.u32 $0xC00, s25  }
0x1b3: {  	s18 =	sor.u32 s18, s19  }
0x1b4: {  	s18 =	sor.u32 s20, s18  }
0x1b5: {  	v10 =	vor.u32 s18, v0  }
0x1b6: {  	v6 =	vadd.f32 v9, v6;
	v7 =	vadd.f32 v8, v7;
	v8 =	vand.u32 v5, v10  }
0x1b7: {  	v9 =	vor.u32 s18, v3  }
0x1b8: {  	v10 =	vor.u32 s18, v4;
	v6 =	vadd.f32 v6, v7  }
0x1b9: {  	v7 =	vor.u32 s18, v2  }
0x1ba: {  	[tilespmem:s17+$0x10010] =	vst v6  }
0x1bb: {  	v6 =	vld.idx.msk [tilespmem:v8+s2+$0x0], $0xffff  }
0x1bc: {  	v8 =	vld.idx.msk [tilespmem:v9+s2+$0x0], $0xffff  }
0x1bd: {  	v9 =	vld.idx.msk [tilespmem:v10+s2+$0x0], $0xffff  }
0x1be: {  	s18 =	simm.s32 $0x600;
	v7 =	vld.idx.msk [tilespmem:v7+s2+$0x0], $0xffff  }
0x1bf: {  	s21 =	sand.u32 $0xC00, s18  }
0x1c0: {  	s19 =	sor.u32 s21, s19  }
0x1c1: {  	s19 =	sor.u32 s20, s19  }
0x1c2: {  	s20 =	sor.u32 $0x40, s19  }
0x1c3: {  	v6 =	vadd.f32 v7, v6;
	v7 =	vadd.f32 v9, v8;
	v8 =	vor.u32 s20, v0;
	_ =	sdelay $0x1  }
0x1c4: {  	v6 =	vadd.f32 v7, v6  }
0x1c5: {  	v10 =	vor.u32 s20, v4  }
0x1c6: {  	v9 =	vor.u32 s20, v2;
	[tilespmem:s17+$0x10020] =	vst v6  }
0x1c7: {  	v7 =	vld.idx.msk [tilespmem:v8+s2+$0x0], $0xffff;
	v8 =	vor.u32 s20, v3;
	_ =	sdelay $0x2  }
0x1c8: {  	s19 =	simm.s32 $0x0;
	v6 =	vld.idx.msk [tilespmem:v10+s2+$0x0], $0xffff;
	s20 =	simm.s32 $0x40  }
.LBB2_10:
0x1c9: {  	s19 =	sadd.s32 $0x4, s19;
	v9 =	vld.idx.msk [tilespmem:v9+s2+$0x0], $0xffff;
	s16 =	sadd.s32 $0x100, s16;
	s18 =	sadd.s32 $0x800, s18  }
0x1ca: {  	p0 =	slt.u32 s19, $0x1FC;
	v8 =	vld.idx.msk [tilespmem:v8+s2+$0x0], $0xffff;
	_ =	sdelay $0x1  }
0x1cb: {  	s21 =	sadd.s32 $0xFFFFFA00, s18;
	s22 =	sadd.s32 $0xFFFFFE00, s18;
	s23 =	sand.u32 $0xC00, s18  }
0x1cc: {  	s24 =	sand.u32 $0x7000, s16;
	s21 =	sand.u32 $0x800, s21;
	s22 =	sand.u32 $0xC00, s22  }
0x1cd: {  	s25 =	sand.u32 $0x380, s20;
	s21 =	sor.u32 s21, s24;
	s22 =	sor.u32 s22, s24  }
0x1ce: {  	s23 =	sor.u32 s23, s24;
	s21 =	sor.u32 s25, s21;
	s22 =	sor.u32 s25, s22;
	v7 =	vadd.f32 v9, v7  }
0x1cf: {  	s23 =	sor.u32 s25, s23;
	v9 =	vor.u32 s21, v0;
	v10 =	vor.u32 s21, v2;
	s24 =	sor.u32 $0x40, s21;
	v6 =	vadd.f32 v6, v8  }
0x1d0: {  	v11 =	vor.u32 s21, v4;
	v8 =	vand.u32 v1, v9;
	v9 =	vor.u32 s21, v3;
	s21 =	sor.u32 $0x40, s23  }
0x1d1: {  	v12 =	vor.u32 s22, v0;
	v6 =	vadd.f32 v6, v7;
	_ =	sdelay $0x1  }
0x1d2: {  	[tilespmem:s17+$0x10030] =	vst v6  }
0x1d3: {  	v6 =	vld.idx.msk [tilespmem:v10+s2+$0x0], $0xffff  }
0x1d4: {  	v7 =	vld.idx.msk [tilespmem:v9+s2+$0x0], $0xffff  }
0x1d5: {  	v8 =	vld.idx.msk [tilespmem:v8+s2+$0x0], $0xffff  }
0x1d6: {  	v9 =	vld.idx.msk [tilespmem:v11+s2+$0x0], $0xffff;
	_ =	sdelay $0x4  }
0x1d7: {  	v6 =	vadd.f32 v6, v8  }
0x1d8: {  	v8 =	vor.u32 s24, v3;
	v7 =	vadd.f32 v9, v7  }
0x1d9: {  	v9 =	vor.u32 s24, v2  }
0x1da: {  	v6 =	vadd.f32 v7, v6;
	v7 =	vor.u32 s24, v0  }
0x1db: {  	s17 =	sshra.s32 s16, $0x2;
	v10 =	vor.u32 s24, v4  }
0x1dc: {  	[tilespmem:s17+$0x10000] =	vst v6  }
0x1dd: {  	v6 =	vld.idx.msk [tilespmem:v8+s2+$0x0], $0xffff  }
0x1de: {  	v8 =	vld.idx.msk [tilespmem:v9+s2+$0x0], $0xffff  }
0x1df: {  	v7 =	vld.idx.msk [tilespmem:v7+s2+$0x0], $0xffff  }
0x1e0: {  	v9 =	vld.idx.msk [tilespmem:v10+s2+$0x0], $0xffff;
	_ =	sdelay $0x4  }
0x1e1: {  	v7 =	vadd.f32 v8, v7  }
0x1e2: {  	v8 =	vand.u32 v5, v12;
	v6 =	vadd.f32 v9, v6  }
0x1e3: {  	v9 =	vor.u32 s22, v3  }
0x1e4: {  	v6 =	vadd.f32 v6, v7;
	v7 =	vor.u32 s22, v2  }
0x1e5: {  	v10 =	vor.u32 s22, v4  }
0x1e6: {  	[tilespmem:s17+$0x10010] =	vst v6  }
0x1e7: {  	v6 =	vld.idx.msk [tilespmem:v8+s2+$0x0], $0xffff  }
0x1e8: {  	v8 =	vld.idx.msk [tilespmem:v9+s2+$0x0], $0xffff  }
0x1e9: {  	v7 =	vld.idx.msk [tilespmem:v7+s2+$0x0], $0xffff  }
0x1ea: {  	v9 =	vld.idx.msk [tilespmem:v10+s2+$0x0], $0xffff;
	_ =	sdelay $0x4  }
0x1eb: {  	v6 =	vadd.f32 v7, v6  }
0x1ec: {  	v10 =	vor.u32 s21, v0;
	v7 =	vadd.f32 v9, v8  }
0x1ed: {  	v11 =	vor.u32 s21, v4  }
.Ltmp4:
0x1ee: {  	v9 =	vor.u32 s21, v2;
	v8 =	vor.u32 s21, v3;
	v6 =	vadd.f32 v7, v6;
	(pc) =	sbr.rel @p0 .LBB2_10-.Ltmp4, $4  }
0x1ef: {  	_ = 	snop  }
0x1f0: {  	[tilespmem:s17+$0x10020] =	vst v6  }
0x1f1: {  	v7 =	vld.idx.msk [tilespmem:v10+s2+$0x0], $0xffff  }
0x1f2: {  	s20 =	sadd.s32 $0x40, s20;
	v6 =	vld.idx.msk [tilespmem:v11+s2+$0x0], $0xffff  }
0x1f3: {  	_ =	sdelay $0x3  }
0x1f4: {  	v9 =	vld.idx.msk [tilespmem:v9+s2+$0x0], $0xffff  }
0x1f5: {  	v8 =	vld.idx.msk [tilespmem:v8+s2+$0x0], $0xffff;
	_ =	sdelay $0x4  }
0x1f6: {  	v7 =	vadd.f32 v9, v7;
	v6 =	vadd.f32 v6, v8;
	_ =	sdelay $0x1  }
0x1f7: {  	v6 =	vadd.f32 v6, v7  }
0x1f8: {  	s16 =	simm.s32 $0x0;
	s24 =	simm.s32 $0x0  }
0x1f9: {  	s22 =	rddreg [dreg:$0xb];
	s19 =	sand.u32 $0x7000, s16;
	[tilespmem:s17+$0x10030] =	vst v6;
	s17 =	sand.u32 $0x800, s24  }
0x1fa: {  	[hbm4b:s22+s16] =	stream.linear.scatter [tilespmem:s10], [sflag:$0x3], $0x2000, $0x38;
	[tilespmem:$0x14000] =	vst v63  }
0x1fb: {  	s23 =	rddreg [dreg:$0xc];
	s20 =	sand.u32 $0x380, s16;
	s17 =	sor.u32 s17, s19  }
0x1fc: {  	[tilespmem:s16], [sflag:$0x1] =	stream.linear.gather [hbm4b:s23+s16], $0x8000, $0x38;
	[tilespmem:$0x14000] =	vst v63  }
0x1fd: {  	s17 =	sor.u32 s20, s17;
	_ =	swait.ge [sflag:s11], $0x8000  }
0x1fe: {  	v6 =	vor.u32 s17, v2;
	[sflag:s11] =	ssyncset.done $0x0  }
0x1ff: {  	v7 =	vor.u32 s17, v0;
	v8 =	vor.u32 s17, v3;
	[sflag:s11] =	ssyncadd.s32 $0xFFFF8000  }
0x200: {  	v7 =	vand.u32 v1, v7;
	_ =	swait.ge [sflag:s14], $0x2000  }
0x201: {  	v9 =	vor.u32 s17, v4;
	[sflag:s14] =	ssyncset.done $0x0  }
0x202: {  	[sflag:s14] =	ssyncadd.s32 $0xFFFFE000  }
0x203: {  	v6 =	vld.idx.msk [tilespmem:v6+s8+$0x0], $0xffff  }
0x204: {  	v8 =	vld.idx.msk [tilespmem:v8+s8+$0x0], $0xffff  }
0x205: {  	v7 =	vld.idx.msk [tilespmem:v7+s8+$0x0], $0xffff  }
0x206: {  	v9 =	vld.idx.msk [tilespmem:v9+s8+$0x0], $0xffff;
	_ =	sdelay $0x3  }
0x207: {  	s18 =	sor.u32 $0x40, s17  }
0x208: {  	v6 =	vadd.f32 v6, v7;
	v7 =	vadd.f32 v9, v8;
	v8 =	vor.u32 s18, v3  }
0x209: {  	v9 =	vor.u32 s18, v2  }
0x20a: {  	v10 =	vor.u32 s18, v4;
	v6 =	vadd.f32 v7, v6  }
0x20b: {  	s17 =	simm.s32 $0x0;
	v7 =	vor.u32 s18, v0  }
0x20c: {  	[tilespmem:s17+$0x12000] =	vst v6  }
0x20d: {  	v6 =	vld.idx.msk [tilespmem:v8+s8+$0x0], $0xffff  }
0x20e: {  	v8 =	vld.idx.msk [tilespmem:v9+s8+$0x0], $0xffff  }
0x20f: {  	v9 =	vld.idx.msk [tilespmem:v10+s8+$0x0], $0xffff  }
0x210: {  	s25 =	simm.s32 $0x400;
	v7 =	vld.idx.msk [tilespmem:v7+s8+$0x0], $0xffff  }
0x211: {  	s18 =	sand.u32 $0xC00, s25  }
0x212: {  	s18 =	sor.u32 s18, s19  }
0x213: {  	s18 =	sor.u32 s20, s18  }
0x214: {  	v10 =	vor.u32 s18, v0  }
0x215: {  	v6 =	vadd.f32 v9, v6;
	v7 =	vadd.f32 v8, v7;
	v8 =	vand.u32 v5, v10  }
0x216: {  	v9 =	vor.u32 s18, v3  }
0x217: {  	v10 =	vor.u32 s18, v4;
	v6 =	vadd.f32 v6, v7  }
0x218: {  	v7 =	vor.u32 s18, v2  }
0x219: {  	[tilespmem:s17+$0x12010] =	vst v6  }
0x21a: {  	v6 =	vld.idx.msk [tilespmem:v8+s8+$0x0], $0xffff  }
0x21b: {  	v8 =	vld.idx.msk [tilespmem:v9+s8+$0x0], $0xffff  }
0x21c: {  	v9 =	vld.idx.msk [tilespmem:v10+s8+$0x0], $0xffff  }
0x21d: {  	s18 =	simm.s32 $0x600;
	v7 =	vld.idx.msk [tilespmem:v7+s8+$0x0], $0xffff  }
0x21e: {  	s21 =	sand.u32 $0xC00, s18  }
0x21f: {  	s19 =	sor.u32 s21, s19  }
0x220: {  	s19 =	sor.u32 s20, s19  }
0x221: {  	s20 =	sor.u32 $0x40, s19  }
0x222: {  	v6 =	vadd.f32 v7, v6;
	v7 =	vadd.f32 v9, v8;
	v8 =	vor.u32 s20, v0;
	_ =	sdelay $0x1  }
0x223: {  	v6 =	vadd.f32 v7, v6  }
0x224: {  	v10 =	vor.u32 s20, v4  }
0x225: {  	v9 =	vor.u32 s20, v2;
	[tilespmem:s17+$0x12020] =	vst v6  }
0x226: {  	v7 =	vld.idx.msk [tilespmem:v8+s8+$0x0], $0xffff;
	v8 =	vor.u32 s20, v3;
	_ =	sdelay $0x2  }
0x227: {  	s19 =	simm.s32 $0x0;
	v6 =	vld.idx.msk [tilespmem:v10+s8+$0x0], $0xffff;
	s20 =	simm.s32 $0x40  }
.LBB2_12:
0x228: {  	s19 =	sadd.s32 $0x4, s19;
	v9 =	vld.idx.msk [tilespmem:v9+s8+$0x0], $0xffff;
	s16 =	sadd.s32 $0x100, s16;
	s18 =	sadd.s32 $0x800, s18  }
0x229: {  	p0 =	slt.u32 s19, $0x1FC;
	v8 =	vld.idx.msk [tilespmem:v8+s8+$0x0], $0xffff;
	_ =	sdelay $0x1  }
0x22a: {  	s21 =	sadd.s32 $0xFFFFFA00, s18;
	s22 =	sadd.s32 $0xFFFFFE00, s18;
	s23 =	sand.u32 $0xC00, s18  }
0x22b: {  	s24 =	sand.u32 $0x7000, s16;
	s21 =	sand.u32 $0x800, s21;
	s22 =	sand.u32 $0xC00, s22  }
0x22c: {  	s25 =	sand.u32 $0x380, s20;
	s21 =	sor.u32 s21, s24;
	s22 =	sor.u32 s22, s24  }
0x22d: {  	s23 =	sor.u32 s23, s24;
	s21 =	sor.u32 s25, s21;
	s22 =	sor.u32 s25, s22;
	v7 =	vadd.f32 v9, v7  }
0x22e: {  	s23 =	sor.u32 s25, s23;
	v9 =	vor.u32 s21, v0;
	v10 =	vor.u32 s21, v2;
	s24 =	sor.u32 $0x40, s21;
	v6 =	vadd.f32 v6, v8  }
0x22f: {  	v11 =	vor.u32 s21, v4;
	v8 =	vand.u32 v1, v9;
	v9 =	vor.u32 s21, v3;
	s21 =	sor.u32 $0x40, s23  }
0x230: {  	v12 =	vor.u32 s22, v0;
	v6 =	vadd.f32 v6, v7;
	_ =	sdelay $0x1  }
0x231: {  	[tilespmem:s17+$0x12030] =	vst v6  }
0x232: {  	v6 =	vld.idx.msk [tilespmem:v10+s8+$0x0], $0xffff  }
0x233: {  	v7 =	vld.idx.msk [tilespmem:v9+s8+$0x0], $0xffff  }
0x234: {  	v8 =	vld.idx.msk [tilespmem:v8+s8+$0x0], $0xffff  }
0x235: {  	v9 =	vld.idx.msk [tilespmem:v11+s8+$0x0], $0xffff;
	_ =	sdelay $0x4  }
0x236: {  	v6 =	vadd.f32 v6, v8  }
0x237: {  	v8 =	vor.u32 s24, v3;
	v7 =	vadd.f32 v9, v7  }
0x238: {  	v9 =	vor.u32 s24, v2  }
0x239: {  	v6 =	vadd.f32 v7, v6;
	v7 =	vor.u32 s24, v0  }
0x23a: {  	s17 =	sshra.s32 s16, $0x2;
	v10 =	vor.u32 s24, v4  }
0x23b: {  	[tilespmem:s17+$0x12000] =	vst v6  }
0x23c: {  	v6 =	vld.idx.msk [tilespmem:v8+s8+$0x0], $0xffff  }
0x23d: {  	v8 =	vld.idx.msk [tilespmem:v9+s8+$0x0], $0xffff  }
0x23e: {  	v7 =	vld.idx.msk [tilespmem:v7+s8+$0x0], $0xffff  }
0x23f: {  	v9 =	vld.idx.msk [tilespmem:v10+s8+$0x0], $0xffff;
	_ =	sdelay $0x4  }
0x240: {  	v7 =	vadd.f32 v8, v7  }
0x241: {  	v8 =	vand.u32 v5, v12;
	v6 =	vadd.f32 v9, v6  }
0x242: {  	v9 =	vor.u32 s22, v3  }
0x243: {  	v6 =	vadd.f32 v6, v7;
	v7 =	vor.u32 s22, v2  }
0x244: {  	v10 =	vor.u32 s22, v4  }
0x245: {  	[tilespmem:s17+$0x12010] =	vst v6  }
0x246: {  	v6 =	vld.idx.msk [tilespmem:v8+s8+$0x0], $0xffff  }
0x247: {  	v8 =	vld.idx.msk [tilespmem:v9+s8+$0x0], $0xffff  }
0x248: {  	v7 =	vld.idx.msk [tilespmem:v7+s8+$0x0], $0xffff  }
0x249: {  	v9 =	vld.idx.msk [tilespmem:v10+s8+$0x0], $0xffff;
	_ =	sdelay $0x4  }
0x24a: {  	v6 =	vadd.f32 v7, v6  }
0x24b: {  	v10 =	vor.u32 s21, v0;
	v7 =	vadd.f32 v9, v8  }
0x24c: {  	v11 =	vor.u32 s21, v4  }
.Ltmp5:
0x24d: {  	v9 =	vor.u32 s21, v2;
	v8 =	vor.u32 s21, v3;
	v6 =	vadd.f32 v7, v6;
	(pc) =	sbr.rel @p0 .LBB2_12-.Ltmp5, $4  }
0x24e: {  	_ = 	snop  }
0x24f: {  	[tilespmem:s17+$0x12020] =	vst v6  }
0x250: {  	v7 =	vld.idx.msk [tilespmem:v10+s8+$0x0], $0xffff  }
0x251: {  	s20 =	sadd.s32 $0x40, s20;
	v6 =	vld.idx.msk [tilespmem:v11+s8+$0x0], $0xffff  }
0x252: {  	_ =	sdelay $0x3  }
0x253: {  	v9 =	vld.idx.msk [tilespmem:v9+s8+$0x0], $0xffff  }
0x254: {  	v8 =	vld.idx.msk [tilespmem:v8+s8+$0x0], $0xffff;
	_ =	sdelay $0x4  }
0x255: {  	v7 =	vadd.f32 v9, v7;
	v6 =	vadd.f32 v6, v8;
	_ =	sdelay $0x1  }
0x256: {  	v6 =	vadd.f32 v6, v7  }
0x257: {  	s16 =	simm.s32 $0x0;
	s24 =	simm.s32 $0x0  }
0x258: {  	s22 =	rddreg [dreg:$0xd];
	s19 =	sand.u32 $0x7000, s16;
	[tilespmem:s17+$0x12030] =	vst v6;
	s17 =	sand.u32 $0x800, s24  }
0x259: {  	[hbm4b:s22+s16] =	stream.linear.scatter [tilespmem:s12], [sflag:$0x4], $0x2000, $0x38;
	[tilespmem:$0x14000] =	vst v63  }
0x25a: {  	s23 =	rddreg [dreg:$0xe];
	s20 =	sand.u32 $0x380, s16;
	s17 =	sor.u32 s17, s19  }
0x25b: {  	[tilespmem:s8], [sflag:$0x2] =	stream.linear.gather [hbm4b:s23+s16], $0x8000, $0x38;
	[tilespmem:$0x14000] =	vst v63  }
0x25c: {  	s17 =	sor.u32 s20, s17;
	_ =	swait.ge [sflag:s9], $0x8000  }
0x25d: {  	v6 =	vor.u32 s17, v2;
	[sflag:s9] =	ssyncset.done $0x0  }
0x25e: {  	v7 =	vor.u32 s17, v0;
	v8 =	vor.u32 s17, v3;
	[sflag:s9] =	ssyncadd.s32 $0xFFFF8000  }
0x25f: {  	v7 =	vand.u32 v1, v7;
	_ =	swait.ge [sflag:s13], $0x2000  }
0x260: {  	v9 =	vor.u32 s17, v4;
	[sflag:s13] =	ssyncset.done $0x0  }
0x261: {  	[sflag:s13] =	ssyncadd.s32 $0xFFFFE000  }
0x262: {  	v6 =	vld.idx.msk [tilespmem:v6+s2+$0x0], $0xffff  }
0x263: {  	v8 =	vld.idx.msk [tilespmem:v8+s2+$0x0], $0xffff  }
0x264: {  	v7 =	vld.idx.msk [tilespmem:v7+s2+$0x0], $0xffff  }
0x265: {  	v9 =	vld.idx.msk [tilespmem:v9+s2+$0x0], $0xffff;
	_ =	sdelay $0x3  }
0x266: {  	s18 =	sor.u32 $0x40, s17  }
0x267: {  	v6 =	vadd.f32 v6, v7;
	v7 =	vadd.f32 v9, v8;
	v8 =	vor.u32 s18, v3  }
0x268: {  	v9 =	vor.u32 s18, v2  }
0x269: {  	v10 =	vor.u32 s18, v4;
	v6 =	vadd.f32 v7, v6  }
0x26a: {  	s17 =	simm.s32 $0x0;
	v7 =	vor.u32 s18, v0  }
0x26b: {  	[tilespmem:s17+$0x10000] =	vst v6  }
0x26c: {  	v6 =	vld.idx.msk [tilespmem:v8+s2+$0x0], $0xffff  }
0x26d: {  	v8 =	vld.idx.msk [tilespmem:v9+s2+$0x0], $0xffff  }
0x26e: {  	v9 =	vld.idx.msk [tilespmem:v10+s2+$0x0], $0xffff  }
0x26f: {  	s25 =	simm.s32 $0x400;
	v7 =	vld.idx.msk [tilespmem:v7+s2+$0x0], $0xffff  }
0x270: {  	s18 =	sand.u32 $0xC00, s25  }
0x271: {  	s18 =	sor.u32 s18, s19  }
0x272: {  	s18 =	sor.u32 s20, s18  }
0x273: {  	v10 =	vor.u32 s18, v0  }
0x274: {  	v6 =	vadd.f32 v9, v6;
	v7 =	vadd.f32 v8, v7;
	v8 =	vand.u32 v5, v10  }
0x275: {  	v9 =	vor.u32 s18, v3  }
0x276: {  	v10 =	vor.u32 s18, v4;
	v6 =	vadd.f32 v6, v7  }
0x277: {  	v7 =	vor.u32 s18, v2  }
0x278: {  	[tilespmem:s17+$0x10010] =	vst v6  }
0x279: {  	v6 =	vld.idx.msk [tilespmem:v8+s2+$0x0], $0xffff  }
0x27a: {  	v8 =	vld.idx.msk [tilespmem:v9+s2+$0x0], $0xffff  }
0x27b: {  	v9 =	vld.idx.msk [tilespmem:v10+s2+$0x0], $0xffff  }
0x27c: {  	s18 =	simm.s32 $0x600;
	v7 =	vld.idx.msk [tilespmem:v7+s2+$0x0], $0xffff  }
0x27d: {  	s21 =	sand.u32 $0xC00, s18  }
0x27e: {  	s19 =	sor.u32 s21, s19  }
0x27f: {  	s19 =	sor.u32 s20, s19  }
0x280: {  	s20 =	sor.u32 $0x40, s19  }
0x281: {  	v6 =	vadd.f32 v7, v6;
	v7 =	vadd.f32 v9, v8;
	v8 =	vor.u32 s20, v0;
	_ =	sdelay $0x1  }
0x282: {  	v6 =	vadd.f32 v7, v6  }
0x283: {  	v10 =	vor.u32 s20, v4  }
0x284: {  	v9 =	vor.u32 s20, v2;
	[tilespmem:s17+$0x10020] =	vst v6  }
0x285: {  	v7 =	vld.idx.msk [tilespmem:v8+s2+$0x0], $0xffff;
	v8 =	vor.u32 s20, v3;
	_ =	sdelay $0x2  }
0x286: {  	s19 =	simm.s32 $0x0;
	v6 =	vld.idx.msk [tilespmem:v10+s2+$0x0], $0xffff;
	s20 =	simm.s32 $0x40  }
.LBB2_14:
0x287: {  	s19 =	sadd.s32 $0x4, s19;
	v9 =	vld.idx.msk [tilespmem:v9+s2+$0x0], $0xffff;
	s16 =	sadd.s32 $0x100, s16;
	s18 =	sadd.s32 $0x800, s18  }
0x288: {  	p0 =	slt.u32 s19, $0x1FC;
	v8 =	vld.idx.msk [tilespmem:v8+s2+$0x0], $0xffff;
	_ =	sdelay $0x1  }
0x289: {  	s21 =	sadd.s32 $0xFFFFFA00, s18;
	s22 =	sadd.s32 $0xFFFFFE00, s18;
	s23 =	sand.u32 $0xC00, s18  }
0x28a: {  	s24 =	sand.u32 $0x7000, s16;
	s21 =	sand.u32 $0x800, s21;
	s22 =	sand.u32 $0xC00, s22  }
0x28b: {  	s25 =	sand.u32 $0x380, s20;
	s21 =	sor.u32 s21, s24;
	s22 =	sor.u32 s22, s24  }
0x28c: {  	s23 =	sor.u32 s23, s24;
	s21 =	sor.u32 s25, s21;
	s22 =	sor.u32 s25, s22;
	v7 =	vadd.f32 v9, v7  }
0x28d: {  	s23 =	sor.u32 s25, s23;
	v9 =	vor.u32 s21, v0;
	v10 =	vor.u32 s21, v2;
	s24 =	sor.u32 $0x40, s21;
	v6 =	vadd.f32 v6, v8  }
0x28e: {  	v11 =	vor.u32 s21, v4;
	v8 =	vand.u32 v1, v9;
	v9 =	vor.u32 s21, v3;
	s21 =	sor.u32 $0x40, s23  }
0x28f: {  	v12 =	vor.u32 s22, v0;
	v6 =	vadd.f32 v6, v7;
	_ =	sdelay $0x1  }
0x290: {  	[tilespmem:s17+$0x10030] =	vst v6  }
0x291: {  	v6 =	vld.idx.msk [tilespmem:v10+s2+$0x0], $0xffff  }
0x292: {  	v7 =	vld.idx.msk [tilespmem:v9+s2+$0x0], $0xffff  }
0x293: {  	v8 =	vld.idx.msk [tilespmem:v8+s2+$0x0], $0xffff  }
0x294: {  	v9 =	vld.idx.msk [tilespmem:v11+s2+$0x0], $0xffff;
	_ =	sdelay $0x4  }
0x295: {  	v6 =	vadd.f32 v6, v8  }
0x296: {  	v8 =	vor.u32 s24, v3;
	v7 =	vadd.f32 v9, v7  }
0x297: {  	v9 =	vor.u32 s24, v2  }
0x298: {  	v6 =	vadd.f32 v7, v6;
	v7 =	vor.u32 s24, v0  }
0x299: {  	s17 =	sshra.s32 s16, $0x2;
	v10 =	vor.u32 s24, v4  }
0x29a: {  	[tilespmem:s17+$0x10000] =	vst v6  }
0x29b: {  	v6 =	vld.idx.msk [tilespmem:v8+s2+$0x0], $0xffff  }
0x29c: {  	v8 =	vld.idx.msk [tilespmem:v9+s2+$0x0], $0xffff  }
0x29d: {  	v7 =	vld.idx.msk [tilespmem:v7+s2+$0x0], $0xffff  }
0x29e: {  	v9 =	vld.idx.msk [tilespmem:v10+s2+$0x0], $0xffff;
	_ =	sdelay $0x4  }
0x29f: {  	v7 =	vadd.f32 v8, v7  }
0x2a0: {  	v8 =	vand.u32 v5, v12;
	v6 =	vadd.f32 v9, v6  }
0x2a1: {  	v9 =	vor.u32 s22, v3  }
0x2a2: {  	v6 =	vadd.f32 v6, v7;
	v7 =	vor.u32 s22, v2  }
0x2a3: {  	v10 =	vor.u32 s22, v4  }
0x2a4: {  	[tilespmem:s17+$0x10010] =	vst v6  }
0x2a5: {  	v6 =	vld.idx.msk [tilespmem:v8+s2+$0x0], $0xffff  }
0x2a6: {  	v8 =	vld.idx.msk [tilespmem:v9+s2+$0x0], $0xffff  }
0x2a7: {  	v7 =	vld.idx.msk [tilespmem:v7+s2+$0x0], $0xffff  }
0x2a8: {  	v9 =	vld.idx.msk [tilespmem:v10+s2+$0x0], $0xffff;
	_ =	sdelay $0x4  }
0x2a9: {  	v6 =	vadd.f32 v7, v6  }
0x2aa: {  	v10 =	vor.u32 s21, v0;
	v7 =	vadd.f32 v9, v8  }
0x2ab: {  	v11 =	vor.u32 s21, v4  }
.Ltmp6:
0x2ac: {  	v9 =	vor.u32 s21, v2;
	v8 =	vor.u32 s21, v3;
	v6 =	vadd.f32 v7, v6;
	(pc) =	sbr.rel @p0 .LBB2_14-.Ltmp6, $4  }
0x2ad: {  	_ = 	snop  }
0x2ae: {  	[tilespmem:s17+$0x10020] =	vst v6  }
0x2af: {  	v7 =	vld.idx.msk [tilespmem:v10+s2+$0x0], $0xffff  }
0x2b0: {  	s20 =	sadd.s32 $0x40, s20;
	v6 =	vld.idx.msk [tilespmem:v11+s2+$0x0], $0xffff  }
0x2b1: {  	_ =	sdelay $0x3  }
0x2b2: {  	v9 =	vld.idx.msk [tilespmem:v9+s2+$0x0], $0xffff  }
0x2b3: {  	v8 =	vld.idx.msk [tilespmem:v8+s2+$0x0], $0xffff;
	_ =	sdelay $0x4  }
0x2b4: {  	v7 =	vadd.f32 v9, v7;
	v6 =	vadd.f32 v6, v8;
	_ =	sdelay $0x1  }
0x2b5: {  	v6 =	vadd.f32 v6, v7  }
0x2b6: {  	s16 =	simm.s32 $0x0;
	s24 =	simm.s32 $0x0  }
0x2b7: {  	s22 =	rddreg [dreg:$0xf];
	s19 =	sand.u32 $0x7000, s16;
	[tilespmem:s17+$0x10030] =	vst v6;
	s17 =	sand.u32 $0x800, s24  }
0x2b8: {  	[hbm4b:s22+s16] =	stream.linear.scatter [tilespmem:s10], [sflag:$0x3], $0x2000, $0x38;
	[tilespmem:$0x14000] =	vst v63  }
0x2b9: {  	s23 =	rddreg [dreg:$0x10];
	s20 =	sand.u32 $0x380, s16;
	s17 =	sor.u32 s17, s19  }
0x2ba: {  	[tilespmem:s16], [sflag:$0x1] =	stream.linear.gather [hbm4b:s23+s16], $0x8000, $0x38;
	[tilespmem:$0x14000] =	vst v63  }
0x2bb: {  	s17 =	sor.u32 s20, s17;
	_ =	swait.ge [sflag:s11], $0x8000  }
0x2bc: {  	v6 =	vor.u32 s17, v2;
	[sflag:s11] =	ssyncset.done $0x0  }
0x2bd: {  	v7 =	vor.u32 s17, v0;
	v8 =	vor.u32 s17, v3;
	[sflag:s11] =	ssyncadd.s32 $0xFFFF8000  }
0x2be: {  	v7 =	vand.u32 v1, v7;
	_ =	swait.ge [sflag:s14], $0x2000  }
0x2bf: {  	v9 =	vor.u32 s17, v4;
	[sflag:s14] =	ssyncset.done $0x0  }
0x2c0: {  	[sflag:s14] =	ssyncadd.s32 $0xFFFFE000  }
0x2c1: {  	v6 =	vld.idx.msk [tilespmem:v6+s8+$0x0], $0xffff  }
0x2c2: {  	v8 =	vld.idx.msk [tilespmem:v8+s8+$0x0], $0xffff  }
0x2c3: {  	v7 =	vld.idx.msk [tilespmem:v7+s8+$0x0], $0xffff  }
0x2c4: {  	v9 =	vld.idx.msk [tilespmem:v9+s8+$0x0], $0xffff;
	_ =	sdelay $0x3  }
0x2c5: {  	s18 =	sor.u32 $0x40, s17  }
0x2c6: {  	v6 =	vadd.f32 v6, v7;
	v7 =	vadd.f32 v9, v8;
	v8 =	vor.u32 s18, v3  }
0x2c7: {  	v9 =	vor.u32 s18, v2  }
0x2c8: {  	v10 =	vor.u32 s18, v4;
	v6 =	vadd.f32 v7, v6  }
0x2c9: {  	s17 =	simm.s32 $0x0;
	v7 =	vor.u32 s18, v0  }
0x2ca: {  	[tilespmem:s17+$0x12000] =	vst v6  }
0x2cb: {  	v6 =	vld.idx.msk [tilespmem:v8+s8+$0x0], $0xffff  }
0x2cc: {  	v8 =	vld.idx.msk [tilespmem:v9+s8+$0x0], $0xffff  }
0x2cd: {  	v9 =	vld.idx.msk [tilespmem:v10+s8+$0x0], $0xffff  }
0x2ce: {  	s25 =	simm.s32 $0x400;
	v7 =	vld.idx.msk [tilespmem:v7+s8+$0x0], $0xffff  }
0x2cf: {  	s18 =	sand.u32 $0xC00, s25  }
0x2d0: {  	s18 =	sor.u32 s18, s19  }
0x2d1: {  	s18 =	sor.u32 s20, s18  }
0x2d2: {  	v10 =	vor.u32 s18, v0  }
0x2d3: {  	v6 =	vadd.f32 v9, v6;
	v7 =	vadd.f32 v8, v7;
	v8 =	vand.u32 v5, v10  }
0x2d4: {  	v9 =	vor.u32 s18, v3  }
0x2d5: {  	v10 =	vor.u32 s18, v4;
	v6 =	vadd.f32 v6, v7  }
0x2d6: {  	v7 =	vor.u32 s18, v2  }
0x2d7: {  	[tilespmem:s17+$0x12010] =	vst v6  }
0x2d8: {  	v6 =	vld.idx.msk [tilespmem:v8+s8+$0x0], $0xffff  }
0x2d9: {  	v8 =	vld.idx.msk [tilespmem:v9+s8+$0x0], $0xffff  }
0x2da: {  	v9 =	vld.idx.msk [tilespmem:v10+s8+$0x0], $0xffff  }
0x2db: {  	s18 =	simm.s32 $0x600;
	v7 =	vld.idx.msk [tilespmem:v7+s8+$0x0], $0xffff  }
0x2dc: {  	s21 =	sand.u32 $0xC00, s18  }
0x2dd: {  	s19 =	sor.u32 s21, s19  }
0x2de: {  	s19 =	sor.u32 s20, s19  }
0x2df: {  	s20 =	sor.u32 $0x40, s19  }
0x2e0: {  	v6 =	vadd.f32 v7, v6;
	v7 =	vadd.f32 v9, v8;
	v8 =	vor.u32 s20, v0;
	_ =	sdelay $0x1  }
0x2e1: {  	v6 =	vadd.f32 v7, v6  }
0x2e2: {  	v10 =	vor.u32 s20, v4  }
0x2e3: {  	v9 =	vor.u32 s20, v2;
	[tilespmem:s17+$0x12020] =	vst v6  }
0x2e4: {  	v7 =	vld.idx.msk [tilespmem:v8+s8+$0x0], $0xffff;
	v8 =	vor.u32 s20, v3;
	_ =	sdelay $0x2  }
0x2e5: {  	s19 =	simm.s32 $0x0;
	v6 =	vld.idx.msk [tilespmem:v10+s8+$0x0], $0xffff;
	s20 =	simm.s32 $0x40  }
.LBB2_16:
0x2e6: {  	s19 =	sadd.s32 $0x4, s19;
	v9 =	vld.idx.msk [tilespmem:v9+s8+$0x0], $0xffff;
	s16 =	sadd.s32 $0x100, s16;
	s18 =	sadd.s32 $0x800, s18  }
0x2e7: {  	p0 =	slt.u32 s19, $0x1FC;
	v8 =	vld.idx.msk [tilespmem:v8+s8+$0x0], $0xffff;
	_ =	sdelay $0x1  }
0x2e8: {  	s21 =	sadd.s32 $0xFFFFFA00, s18;
	s22 =	sadd.s32 $0xFFFFFE00, s18;
	s23 =	sand.u32 $0xC00, s18  }
0x2e9: {  	s24 =	sand.u32 $0x7000, s16;
	s21 =	sand.u32 $0x800, s21;
	s22 =	sand.u32 $0xC00, s22  }
0x2ea: {  	s25 =	sand.u32 $0x380, s20;
	s21 =	sor.u32 s21, s24;
	s22 =	sor.u32 s22, s24  }
0x2eb: {  	s23 =	sor.u32 s23, s24;
	s21 =	sor.u32 s25, s21;
	s22 =	sor.u32 s25, s22;
	v7 =	vadd.f32 v9, v7  }
0x2ec: {  	s23 =	sor.u32 s25, s23;
	v9 =	vor.u32 s21, v0;
	v10 =	vor.u32 s21, v2;
	s24 =	sor.u32 $0x40, s21;
	v6 =	vadd.f32 v6, v8  }
0x2ed: {  	v11 =	vor.u32 s21, v4;
	v8 =	vand.u32 v1, v9;
	v9 =	vor.u32 s21, v3;
	s21 =	sor.u32 $0x40, s23  }
0x2ee: {  	v12 =	vor.u32 s22, v0;
	v6 =	vadd.f32 v6, v7;
	_ =	sdelay $0x1  }
0x2ef: {  	[tilespmem:s17+$0x12030] =	vst v6  }
0x2f0: {  	v6 =	vld.idx.msk [tilespmem:v10+s8+$0x0], $0xffff  }
0x2f1: {  	v7 =	vld.idx.msk [tilespmem:v9+s8+$0x0], $0xffff  }
0x2f2: {  	v8 =	vld.idx.msk [tilespmem:v8+s8+$0x0], $0xffff  }
0x2f3: {  	v9 =	vld.idx.msk [tilespmem:v11+s8+$0x0], $0xffff;
	_ =	sdelay $0x4  }
0x2f4: {  	v6 =	vadd.f32 v6, v8  }
0x2f5: {  	v8 =	vor.u32 s24, v3;
	v7 =	vadd.f32 v9, v7  }
0x2f6: {  	v9 =	vor.u32 s24, v2  }
0x2f7: {  	v6 =	vadd.f32 v7, v6;
	v7 =	vor.u32 s24, v0  }
0x2f8: {  	s17 =	sshra.s32 s16, $0x2;
	v10 =	vor.u32 s24, v4  }
0x2f9: {  	[tilespmem:s17+$0x12000] =	vst v6  }
0x2fa: {  	v6 =	vld.idx.msk [tilespmem:v8+s8+$0x0], $0xffff  }
0x2fb: {  	v8 =	vld.idx.msk [tilespmem:v9+s8+$0x0], $0xffff  }
0x2fc: {  	v7 =	vld.idx.msk [tilespmem:v7+s8+$0x0], $0xffff  }
0x2fd: {  	v9 =	vld.idx.msk [tilespmem:v10+s8+$0x0], $0xffff;
	_ =	sdelay $0x4  }
0x2fe: {  	v7 =	vadd.f32 v8, v7  }
0x2ff: {  	v8 =	vand.u32 v5, v12;
	v6 =	vadd.f32 v9, v6  }
0x300: {  	v9 =	vor.u32 s22, v3  }
0x301: {  	v6 =	vadd.f32 v6, v7;
	v7 =	vor.u32 s22, v2  }
0x302: {  	v10 =	vor.u32 s22, v4  }
0x303: {  	[tilespmem:s17+$0x12010] =	vst v6  }
0x304: {  	v6 =	vld.idx.msk [tilespmem:v8+s8+$0x0], $0xffff  }
0x305: {  	v8 =	vld.idx.msk [tilespmem:v9+s8+$0x0], $0xffff  }
0x306: {  	v7 =	vld.idx.msk [tilespmem:v7+s8+$0x0], $0xffff  }
0x307: {  	v9 =	vld.idx.msk [tilespmem:v10+s8+$0x0], $0xffff;
	_ =	sdelay $0x4  }
0x308: {  	v6 =	vadd.f32 v7, v6  }
0x309: {  	v10 =	vor.u32 s21, v0;
	v7 =	vadd.f32 v9, v8  }
0x30a: {  	v11 =	vor.u32 s21, v4  }
.Ltmp7:
0x30b: {  	v9 =	vor.u32 s21, v2;
	v8 =	vor.u32 s21, v3;
	v6 =	vadd.f32 v7, v6;
	(pc) =	sbr.rel @p0 .LBB2_16-.Ltmp7, $4  }
0x30c: {  	_ = 	snop  }
0x30d: {  	[tilespmem:s17+$0x12020] =	vst v6  }
0x30e: {  	v7 =	vld.idx.msk [tilespmem:v10+s8+$0x0], $0xffff  }
0x30f: {  	s20 =	sadd.s32 $0x40, s20;
	v6 =	vld.idx.msk [tilespmem:v11+s8+$0x0], $0xffff  }
0x310: {  	_ =	sdelay $0x3  }
0x311: {  	v9 =	vld.idx.msk [tilespmem:v9+s8+$0x0], $0xffff  }
0x312: {  	v8 =	vld.idx.msk [tilespmem:v8+s8+$0x0], $0xffff;
	_ =	sdelay $0x4  }
0x313: {  	v7 =	vadd.f32 v9, v7;
	v6 =	vadd.f32 v6, v8;
	_ =	sdelay $0x1  }
0x314: {  	v6 =	vadd.f32 v6, v7  }
0x315: {  	s16 =	simm.s32 $0x0;
	s24 =	simm.s32 $0x0  }
0x316: {  	s22 =	rddreg [dreg:$0x11];
	s19 =	sand.u32 $0x7000, s16;
	[tilespmem:s17+$0x12030] =	vst v6;
	s17 =	sand.u32 $0x800, s24  }
0x317: {  	[hbm4b:s22+s16] =	stream.linear.scatter [tilespmem:s12], [sflag:$0x4], $0x2000, $0x38;
	[tilespmem:$0x14000] =	vst v63  }
0x318: {  	s23 =	rddreg [dreg:$0x12];
	s20 =	sand.u32 $0x380, s16;
	s17 =	sor.u32 s17, s19  }
0x319: {  	[tilespmem:s8], [sflag:$0x2] =	stream.linear.gather [hbm4b:s23+s16], $0x8000, $0x38;
	[tilespmem:$0x14000] =	vst v63  }
0x31a: {  	s17 =	sor.u32 s20, s17;
	_ =	swait.ge [sflag:s9], $0x8000  }
0x31b: {  	v6 =	vor.u32 s17, v2;
	[sflag:s9] =	ssyncset.done $0x0  }
0x31c: {  	v7 =	vor.u32 s17, v0;
	v8 =	vor.u32 s17, v3;
	[sflag:s9] =	ssyncadd.s32 $0xFFFF8000  }
0x31d: {  	v7 =	vand.u32 v1, v7;
	_ =	swait.ge [sflag:s13], $0x2000  }
0x31e: {  	v9 =	vor.u32 s17, v4;
	[sflag:s13] =	ssyncset.done $0x0  }
0x31f: {  	[sflag:s13] =	ssyncadd.s32 $0xFFFFE000  }
0x320: {  	v6 =	vld.idx.msk [tilespmem:v6+s2+$0x0], $0xffff  }
0x321: {  	v8 =	vld.idx.msk [tilespmem:v8+s2+$0x0], $0xffff  }
0x322: {  	v7 =	vld.idx.msk [tilespmem:v7+s2+$0x0], $0xffff  }
0x323: {  	v9 =	vld.idx.msk [tilespmem:v9+s2+$0x0], $0xffff;
	_ =	sdelay $0x3  }
0x324: {  	s18 =	sor.u32 $0x40, s17  }
0x325: {  	v6 =	vadd.f32 v6, v7;
	v7 =	vadd.f32 v9, v8;
	v8 =	vor.u32 s18, v3  }
0x326: {  	v9 =	vor.u32 s18, v2  }
0x327: {  	v10 =	vor.u32 s18, v4;
	v6 =	vadd.f32 v7, v6  }
0x328: {  	s17 =	simm.s32 $0x0;
	v7 =	vor.u32 s18, v0  }
0x329: {  	[tilespmem:s17+$0x10000] =	vst v6  }
0x32a: {  	v6 =	vld.idx.msk [tilespmem:v8+s2+$0x0], $0xffff  }
0x32b: {  	v8 =	vld.idx.msk [tilespmem:v9+s2+$0x0], $0xffff  }
0x32c: {  	v9 =	vld.idx.msk [tilespmem:v10+s2+$0x0], $0xffff  }
0x32d: {  	s25 =	simm.s32 $0x400;
	v7 =	vld.idx.msk [tilespmem:v7+s2+$0x0], $0xffff  }
0x32e: {  	s18 =	sand.u32 $0xC00, s25  }
0x32f: {  	s18 =	sor.u32 s18, s19  }
0x330: {  	s18 =	sor.u32 s20, s18  }
0x331: {  	v10 =	vor.u32 s18, v0  }
0x332: {  	v6 =	vadd.f32 v9, v6;
	v7 =	vadd.f32 v8, v7;
	v8 =	vand.u32 v5, v10  }
0x333: {  	v9 =	vor.u32 s18, v3  }
0x334: {  	v10 =	vor.u32 s18, v4;
	v6 =	vadd.f32 v6, v7  }
0x335: {  	v7 =	vor.u32 s18, v2  }
0x336: {  	[tilespmem:s17+$0x10010] =	vst v6  }
0x337: {  	v6 =	vld.idx.msk [tilespmem:v8+s2+$0x0], $0xffff  }
0x338: {  	v8 =	vld.idx.msk [tilespmem:v9+s2+$0x0], $0xffff  }
0x339: {  	v9 =	vld.idx.msk [tilespmem:v10+s2+$0x0], $0xffff  }
0x33a: {  	s18 =	simm.s32 $0x600;
	v7 =	vld.idx.msk [tilespmem:v7+s2+$0x0], $0xffff  }
0x33b: {  	s21 =	sand.u32 $0xC00, s18  }
0x33c: {  	s19 =	sor.u32 s21, s19  }
0x33d: {  	s19 =	sor.u32 s20, s19  }
0x33e: {  	s20 =	sor.u32 $0x40, s19  }
0x33f: {  	v6 =	vadd.f32 v7, v6;
	v7 =	vadd.f32 v9, v8;
	v8 =	vor.u32 s20, v0;
	_ =	sdelay $0x1  }
0x340: {  	v6 =	vadd.f32 v7, v6  }
0x341: {  	v10 =	vor.u32 s20, v4  }
0x342: {  	v9 =	vor.u32 s20, v2;
	[tilespmem:s17+$0x10020] =	vst v6  }
0x343: {  	v7 =	vld.idx.msk [tilespmem:v8+s2+$0x0], $0xffff;
	v8 =	vor.u32 s20, v3;
	_ =	sdelay $0x2  }
0x344: {  	s19 =	simm.s32 $0x0;
	v6 =	vld.idx.msk [tilespmem:v10+s2+$0x0], $0xffff;
	s20 =	simm.s32 $0x40  }
.LBB2_18:
0x345: {  	s19 =	sadd.s32 $0x4, s19;
	v9 =	vld.idx.msk [tilespmem:v9+s2+$0x0], $0xffff;
	s16 =	sadd.s32 $0x100, s16;
	s18 =	sadd.s32 $0x800, s18  }
0x346: {  	p0 =	slt.u32 s19, $0x1FC;
	v8 =	vld.idx.msk [tilespmem:v8+s2+$0x0], $0xffff;
	_ =	sdelay $0x1  }
0x347: {  	s21 =	sadd.s32 $0xFFFFFA00, s18;
	s22 =	sadd.s32 $0xFFFFFE00, s18;
	s23 =	sand.u32 $0xC00, s18  }
0x348: {  	s24 =	sand.u32 $0x7000, s16;
	s21 =	sand.u32 $0x800, s21;
	s22 =	sand.u32 $0xC00, s22  }
0x349: {  	s25 =	sand.u32 $0x380, s20;
	s21 =	sor.u32 s21, s24;
	s22 =	sor.u32 s22, s24  }
0x34a: {  	s23 =	sor.u32 s23, s24;
	s21 =	sor.u32 s25, s21;
	s22 =	sor.u32 s25, s22;
	v7 =	vadd.f32 v9, v7  }
0x34b: {  	s23 =	sor.u32 s25, s23;
	v9 =	vor.u32 s21, v0;
	v10 =	vor.u32 s21, v2;
	s24 =	sor.u32 $0x40, s21;
	v6 =	vadd.f32 v6, v8  }
0x34c: {  	v11 =	vor.u32 s21, v4;
	v8 =	vand.u32 v1, v9;
	v9 =	vor.u32 s21, v3;
	s21 =	sor.u32 $0x40, s23  }
0x34d: {  	v12 =	vor.u32 s22, v0;
	v6 =	vadd.f32 v6, v7;
	_ =	sdelay $0x1  }
0x34e: {  	[tilespmem:s17+$0x10030] =	vst v6  }
0x34f: {  	v6 =	vld.idx.msk [tilespmem:v10+s2+$0x0], $0xffff  }
0x350: {  	v7 =	vld.idx.msk [tilespmem:v9+s2+$0x0], $0xffff  }
0x351: {  	v8 =	vld.idx.msk [tilespmem:v8+s2+$0x0], $0xffff  }
0x352: {  	v9 =	vld.idx.msk [tilespmem:v11+s2+$0x0], $0xffff;
	_ =	sdelay $0x4  }
0x353: {  	v6 =	vadd.f32 v6, v8  }
0x354: {  	v8 =	vor.u32 s24, v3;
	v7 =	vadd.f32 v9, v7  }
0x355: {  	v9 =	vor.u32 s24, v2  }
0x356: {  	v6 =	vadd.f32 v7, v6;
	v7 =	vor.u32 s24, v0  }
0x357: {  	s17 =	sshra.s32 s16, $0x2;
	v10 =	vor.u32 s24, v4  }
0x358: {  	[tilespmem:s17+$0x10000] =	vst v6  }
0x359: {  	v6 =	vld.idx.msk [tilespmem:v8+s2+$0x0], $0xffff  }
0x35a: {  	v8 =	vld.idx.msk [tilespmem:v9+s2+$0x0], $0xffff  }
0x35b: {  	v7 =	vld.idx.msk [tilespmem:v7+s2+$0x0], $0xffff  }
0x35c: {  	v9 =	vld.idx.msk [tilespmem:v10+s2+$0x0], $0xffff;
	_ =	sdelay $0x4  }
0x35d: {  	v7 =	vadd.f32 v8, v7  }
0x35e: {  	v8 =	vand.u32 v5, v12;
	v6 =	vadd.f32 v9, v6  }
0x35f: {  	v9 =	vor.u32 s22, v3  }
0x360: {  	v6 =	vadd.f32 v6, v7;
	v7 =	vor.u32 s22, v2  }
0x361: {  	v10 =	vor.u32 s22, v4  }
0x362: {  	[tilespmem:s17+$0x10010] =	vst v6  }
0x363: {  	v6 =	vld.idx.msk [tilespmem:v8+s2+$0x0], $0xffff  }
0x364: {  	v8 =	vld.idx.msk [tilespmem:v9+s2+$0x0], $0xffff  }
0x365: {  	v7 =	vld.idx.msk [tilespmem:v7+s2+$0x0], $0xffff  }
0x366: {  	v9 =	vld.idx.msk [tilespmem:v10+s2+$0x0], $0xffff;
	_ =	sdelay $0x4  }
0x367: {  	v6 =	vadd.f32 v7, v6  }
0x368: {  	v10 =	vor.u32 s21, v0;
	v7 =	vadd.f32 v9, v8  }
0x369: {  	v11 =	vor.u32 s21, v4  }
.Ltmp8:
0x36a: {  	v9 =	vor.u32 s21, v2;
	v8 =	vor.u32 s21, v3;
	v6 =	vadd.f32 v7, v6;
	(pc) =	sbr.rel @p0 .LBB2_18-.Ltmp8, $4  }
0x36b: {  	_ = 	snop  }
0x36c: {  	[tilespmem:s17+$0x10020] =	vst v6  }
0x36d: {  	v7 =	vld.idx.msk [tilespmem:v10+s2+$0x0], $0xffff  }
0x36e: {  	s20 =	sadd.s32 $0x40, s20;
	v6 =	vld.idx.msk [tilespmem:v11+s2+$0x0], $0xffff  }
0x36f: {  	_ =	sdelay $0x3  }
0x370: {  	v9 =	vld.idx.msk [tilespmem:v9+s2+$0x0], $0xffff  }
0x371: {  	v8 =	vld.idx.msk [tilespmem:v8+s2+$0x0], $0xffff;
	_ =	sdelay $0x4  }
0x372: {  	v7 =	vadd.f32 v9, v7;
	v6 =	vadd.f32 v6, v8;
	_ =	sdelay $0x1  }
0x373: {  	v6 =	vadd.f32 v6, v7  }
0x374: {  	s16 =	simm.s32 $0x0;
	s24 =	simm.s32 $0x0  }
0x375: {  	s22 =	rddreg [dreg:$0x13];
	s19 =	sand.u32 $0x7000, s16;
	[tilespmem:s17+$0x10030] =	vst v6;
	s17 =	sand.u32 $0x800, s24  }
0x376: {  	[hbm4b:s22+s16] =	stream.linear.scatter [tilespmem:s10], [sflag:$0x3], $0x2000, $0x38;
	[tilespmem:$0x14000] =	vst v63  }
0x377: {  	s23 =	rddreg [dreg:$0x14];
	s20 =	sand.u32 $0x380, s16;
	s17 =	sor.u32 s17, s19  }
0x378: {  	[tilespmem:s16], [sflag:$0x1] =	stream.linear.gather [hbm4b:s23+s16], $0x8000, $0x38;
	[tilespmem:$0x14000] =	vst v63  }
0x379: {  	s17 =	sor.u32 s20, s17;
	_ =	swait.ge [sflag:s11], $0x8000  }
0x37a: {  	v6 =	vor.u32 s17, v2;
	[sflag:s11] =	ssyncset.done $0x0  }
0x37b: {  	v7 =	vor.u32 s17, v0;
	v8 =	vor.u32 s17, v3;
	[sflag:s11] =	ssyncadd.s32 $0xFFFF8000  }
0x37c: {  	v7 =	vand.u32 v1, v7;
	_ =	swait.ge [sflag:s14], $0x2000  }
0x37d: {  	v9 =	vor.u32 s17, v4;
	[sflag:s14] =	ssyncset.done $0x0  }
0x37e: {  	[sflag:s14] =	ssyncadd.s32 $0xFFFFE000  }
0x37f: {  	v6 =	vld.idx.msk [tilespmem:v6+s8+$0x0], $0xffff  }
0x380: {  	v8 =	vld.idx.msk [tilespmem:v8+s8+$0x0], $0xffff  }
0x381: {  	v7 =	vld.idx.msk [tilespmem:v7+s8+$0x0], $0xffff  }
0x382: {  	v9 =	vld.idx.msk [tilespmem:v9+s8+$0x0], $0xffff;
	_ =	sdelay $0x3  }
0x383: {  	s18 =	sor.u32 $0x40, s17  }
0x384: {  	v6 =	vadd.f32 v6, v7;
	v7 =	vadd.f32 v9, v8;
	v8 =	vor.u32 s18, v3  }
0x385: {  	v9 =	vor.u32 s18, v2  }
0x386: {  	v10 =	vor.u32 s18, v4;
	v6 =	vadd.f32 v7, v6  }
0x387: {  	s17 =	simm.s32 $0x0;
	v7 =	vor.u32 s18, v0  }
0x388: {  	[tilespmem:s17+$0x12000] =	vst v6  }
0x389: {  	v6 =	vld.idx.msk [tilespmem:v8+s8+$0x0], $0xffff  }
0x38a: {  	v8 =	vld.idx.msk [tilespmem:v9+s8+$0x0], $0xffff  }
0x38b: {  	v9 =	vld.idx.msk [tilespmem:v10+s8+$0x0], $0xffff  }
0x38c: {  	s25 =	simm.s32 $0x400;
	v7 =	vld.idx.msk [tilespmem:v7+s8+$0x0], $0xffff  }
0x38d: {  	s18 =	sand.u32 $0xC00, s25  }
0x38e: {  	s18 =	sor.u32 s18, s19  }
0x38f: {  	s18 =	sor.u32 s20, s18  }
0x390: {  	v10 =	vor.u32 s18, v0  }
0x391: {  	v6 =	vadd.f32 v9, v6;
	v7 =	vadd.f32 v8, v7;
	v8 =	vand.u32 v5, v10  }
0x392: {  	v9 =	vor.u32 s18, v3  }
0x393: {  	v10 =	vor.u32 s18, v4;
	v6 =	vadd.f32 v6, v7  }
0x394: {  	v7 =	vor.u32 s18, v2  }
0x395: {  	[tilespmem:s17+$0x12010] =	vst v6  }
0x396: {  	v6 =	vld.idx.msk [tilespmem:v8+s8+$0x0], $0xffff  }
0x397: {  	v8 =	vld.idx.msk [tilespmem:v9+s8+$0x0], $0xffff  }
0x398: {  	v9 =	vld.idx.msk [tilespmem:v10+s8+$0x0], $0xffff  }
0x399: {  	s18 =	simm.s32 $0x600;
	v7 =	vld.idx.msk [tilespmem:v7+s8+$0x0], $0xffff  }
0x39a: {  	s21 =	sand.u32 $0xC00, s18  }
0x39b: {  	s19 =	sor.u32 s21, s19  }
0x39c: {  	s19 =	sor.u32 s20, s19  }
0x39d: {  	s20 =	sor.u32 $0x40, s19  }
0x39e: {  	v6 =	vadd.f32 v7, v6;
	v7 =	vadd.f32 v9, v8;
	v8 =	vor.u32 s20, v0;
	_ =	sdelay $0x1  }
0x39f: {  	v6 =	vadd.f32 v7, v6  }
0x3a0: {  	v10 =	vor.u32 s20, v4  }
0x3a1: {  	v9 =	vor.u32 s20, v2;
	[tilespmem:s17+$0x12020] =	vst v6  }
0x3a2: {  	v7 =	vld.idx.msk [tilespmem:v8+s8+$0x0], $0xffff;
	v8 =	vor.u32 s20, v3;
	_ =	sdelay $0x2  }
0x3a3: {  	s19 =	simm.s32 $0x0;
	v6 =	vld.idx.msk [tilespmem:v10+s8+$0x0], $0xffff;
	s20 =	simm.s32 $0x40  }
.LBB2_20:
0x3a4: {  	s19 =	sadd.s32 $0x4, s19;
	v9 =	vld.idx.msk [tilespmem:v9+s8+$0x0], $0xffff;
	s16 =	sadd.s32 $0x100, s16;
	s18 =	sadd.s32 $0x800, s18  }
0x3a5: {  	p0 =	slt.u32 s19, $0x1FC;
	v8 =	vld.idx.msk [tilespmem:v8+s8+$0x0], $0xffff;
	_ =	sdelay $0x1  }
0x3a6: {  	s21 =	sadd.s32 $0xFFFFFA00, s18;
	s22 =	sadd.s32 $0xFFFFFE00, s18;
	s23 =	sand.u32 $0xC00, s18  }
0x3a7: {  	s24 =	sand.u32 $0x7000, s16;
	s21 =	sand.u32 $0x800, s21;
	s22 =	sand.u32 $0xC00, s22  }
0x3a8: {  	s25 =	sand.u32 $0x380, s20;
	s21 =	sor.u32 s21, s24;
	s22 =	sor.u32 s22, s24  }
0x3a9: {  	s23 =	sor.u32 s23, s24;
	s21 =	sor.u32 s25, s21;
	s22 =	sor.u32 s25, s22;
	v7 =	vadd.f32 v9, v7  }
0x3aa: {  	s23 =	sor.u32 s25, s23;
	v9 =	vor.u32 s21, v0;
	v10 =	vor.u32 s21, v2;
	s24 =	sor.u32 $0x40, s21;
	v6 =	vadd.f32 v6, v8  }
0x3ab: {  	v11 =	vor.u32 s21, v4;
	v8 =	vand.u32 v1, v9;
	v9 =	vor.u32 s21, v3;
	s21 =	sor.u32 $0x40, s23  }
0x3ac: {  	v12 =	vor.u32 s22, v0;
	v6 =	vadd.f32 v6, v7;
	_ =	sdelay $0x1  }
0x3ad: {  	[tilespmem:s17+$0x12030] =	vst v6  }
0x3ae: {  	v6 =	vld.idx.msk [tilespmem:v10+s8+$0x0], $0xffff  }
0x3af: {  	v7 =	vld.idx.msk [tilespmem:v9+s8+$0x0], $0xffff  }
0x3b0: {  	v8 =	vld.idx.msk [tilespmem:v8+s8+$0x0], $0xffff  }
0x3b1: {  	v9 =	vld.idx.msk [tilespmem:v11+s8+$0x0], $0xffff;
	_ =	sdelay $0x4  }
0x3b2: {  	v6 =	vadd.f32 v6, v8  }
0x3b3: {  	v8 =	vor.u32 s24, v3;
	v7 =	vadd.f32 v9, v7  }
0x3b4: {  	v9 =	vor.u32 s24, v2  }
0x3b5: {  	v6 =	vadd.f32 v7, v6;
	v7 =	vor.u32 s24, v0  }
0x3b6: {  	s17 =	sshra.s32 s16, $0x2;
	v10 =	vor.u32 s24, v4  }
0x3b7: {  	[tilespmem:s17+$0x12000] =	vst v6  }
0x3b8: {  	v6 =	vld.idx.msk [tilespmem:v8+s8+$0x0], $0xffff  }
0x3b9: {  	v8 =	vld.idx.msk [tilespmem:v9+s8+$0x0], $0xffff  }
0x3ba: {  	v7 =	vld.idx.msk [tilespmem:v7+s8+$0x0], $0xffff  }
0x3bb: {  	v9 =	vld.idx.msk [tilespmem:v10+s8+$0x0], $0xffff;
	_ =	sdelay $0x4  }
0x3bc: {  	v7 =	vadd.f32 v8, v7  }
0x3bd: {  	v8 =	vand.u32 v5, v12;
	v6 =	vadd.f32 v9, v6  }
0x3be: {  	v9 =	vor.u32 s22, v3  }
0x3bf: {  	v6 =	vadd.f32 v6, v7;
	v7 =	vor.u32 s22, v2  }
0x3c0: {  	v10 =	vor.u32 s22, v4  }
0x3c1: {  	[tilespmem:s17+$0x12010] =	vst v6  }
0x3c2: {  	v6 =	vld.idx.msk [tilespmem:v8+s8+$0x0], $0xffff  }
0x3c3: {  	v8 =	vld.idx.msk [tilespmem:v9+s8+$0x0], $0xffff  }
0x3c4: {  	v7 =	vld.idx.msk [tilespmem:v7+s8+$0x0], $0xffff  }
0x3c5: {  	v9 =	vld.idx.msk [tilespmem:v10+s8+$0x0], $0xffff;
	_ =	sdelay $0x4  }
0x3c6: {  	v6 =	vadd.f32 v7, v6  }
0x3c7: {  	v10 =	vor.u32 s21, v0;
	v7 =	vadd.f32 v9, v8  }
0x3c8: {  	v11 =	vor.u32 s21, v4  }
.Ltmp9:
0x3c9: {  	v9 =	vor.u32 s21, v2;
	v8 =	vor.u32 s21, v3;
	v6 =	vadd.f32 v7, v6;
	(pc) =	sbr.rel @p0 .LBB2_20-.Ltmp9, $4  }
0x3ca: {  	_ = 	snop  }
0x3cb: {  	[tilespmem:s17+$0x12020] =	vst v6  }
0x3cc: {  	v7 =	vld.idx.msk [tilespmem:v10+s8+$0x0], $0xffff  }
0x3cd: {  	s20 =	sadd.s32 $0x40, s20;
	v6 =	vld.idx.msk [tilespmem:v11+s8+$0x0], $0xffff  }
0x3ce: {  	_ =	sdelay $0x3  }
0x3cf: {  	v9 =	vld.idx.msk [tilespmem:v9+s8+$0x0], $0xffff  }
0x3d0: {  	v8 =	vld.idx.msk [tilespmem:v8+s8+$0x0], $0xffff;
	_ =	sdelay $0x4  }
0x3d1: {  	v7 =	vadd.f32 v9, v7;
	v6 =	vadd.f32 v6, v8;
	_ =	sdelay $0x1  }
0x3d2: {  	v6 =	vadd.f32 v6, v7  }
0x3d3: {  	s16 =	simm.s32 $0x0;
	s24 =	simm.s32 $0x0  }
0x3d4: {  	s22 =	rddreg [dreg:$0x15];
	s19 =	sand.u32 $0x7000, s16;
	[tilespmem:s17+$0x12030] =	vst v6;
	s17 =	sand.u32 $0x800, s24  }
0x3d5: {  	[hbm4b:s22+s16] =	stream.linear.scatter [tilespmem:s12], [sflag:$0x4], $0x2000, $0x38;
	[tilespmem:$0x14000] =	vst v63  }
0x3d6: {  	s23 =	rddreg [dreg:$0x16];
	s20 =	sand.u32 $0x380, s16;
	s17 =	sor.u32 s17, s19  }
0x3d7: {  	[tilespmem:s8], [sflag:$0x2] =	stream.linear.gather [hbm4b:s23+s16], $0x8000, $0x38;
	[tilespmem:$0x14000] =	vst v63  }
0x3d8: {  	s17 =	sor.u32 s20, s17;
	_ =	swait.ge [sflag:s9], $0x8000  }
0x3d9: {  	v6 =	vor.u32 s17, v2;
	[sflag:s9] =	ssyncset.done $0x0  }
0x3da: {  	v7 =	vor.u32 s17, v0;
	v8 =	vor.u32 s17, v3;
	[sflag:s9] =	ssyncadd.s32 $0xFFFF8000  }
0x3db: {  	v7 =	vand.u32 v1, v7;
	_ =	swait.ge [sflag:s13], $0x2000  }
0x3dc: {  	v9 =	vor.u32 s17, v4;
	[sflag:s13] =	ssyncset.done $0x0  }
0x3dd: {  	[sflag:s13] =	ssyncadd.s32 $0xFFFFE000  }
0x3de: {  	v6 =	vld.idx.msk [tilespmem:v6+s2+$0x0], $0xffff  }
0x3df: {  	v8 =	vld.idx.msk [tilespmem:v8+s2+$0x0], $0xffff  }
0x3e0: {  	v7 =	vld.idx.msk [tilespmem:v7+s2+$0x0], $0xffff  }
0x3e1: {  	v9 =	vld.idx.msk [tilespmem:v9+s2+$0x0], $0xffff;
	_ =	sdelay $0x3  }
0x3e2: {  	s18 =	sor.u32 $0x40, s17  }
0x3e3: {  	v6 =	vadd.f32 v6, v7;
	v7 =	vadd.f32 v9, v8;
	v8 =	vor.u32 s18, v3  }
0x3e4: {  	v9 =	vor.u32 s18, v2  }
0x3e5: {  	v10 =	vor.u32 s18, v4;
	v6 =	vadd.f32 v7, v6  }
0x3e6: {  	s17 =	simm.s32 $0x0;
	v7 =	vor.u32 s18, v0  }
0x3e7: {  	[tilespmem:s17+$0x10000] =	vst v6  }
0x3e8: {  	v6 =	vld.idx.msk [tilespmem:v8+s2+$0x0], $0xffff  }
0x3e9: {  	v8 =	vld.idx.msk [tilespmem:v9+s2+$0x0], $0xffff  }
0x3ea: {  	v9 =	vld.idx.msk [tilespmem:v10+s2+$0x0], $0xffff  }
0x3eb: {  	s25 =	simm.s32 $0x400;
	v7 =	vld.idx.msk [tilespmem:v7+s2+$0x0], $0xffff  }
0x3ec: {  	s18 =	sand.u32 $0xC00, s25  }
0x3ed: {  	s18 =	sor.u32 s18, s19  }
0x3ee: {  	s18 =	sor.u32 s20, s18  }
0x3ef: {  	v10 =	vor.u32 s18, v0  }
0x3f0: {  	v6 =	vadd.f32 v9, v6;
	v7 =	vadd.f32 v8, v7;
	v8 =	vand.u32 v5, v10  }
0x3f1: {  	v9 =	vor.u32 s18, v3  }
0x3f2: {  	v10 =	vor.u32 s18, v4;
	v6 =	vadd.f32 v6, v7  }
0x3f3: {  	v7 =	vor.u32 s18, v2  }
0x3f4: {  	[tilespmem:s17+$0x10010] =	vst v6  }
0x3f5: {  	v6 =	vld.idx.msk [tilespmem:v8+s2+$0x0], $0xffff  }
0x3f6: {  	v8 =	vld.idx.msk [tilespmem:v9+s2+$0x0], $0xffff  }
0x3f7: {  	v9 =	vld.idx.msk [tilespmem:v10+s2+$0x0], $0xffff  }
0x3f8: {  	s18 =	simm.s32 $0x600;
	v7 =	vld.idx.msk [tilespmem:v7+s2+$0x0], $0xffff  }
0x3f9: {  	s21 =	sand.u32 $0xC00, s18  }
0x3fa: {  	s19 =	sor.u32 s21, s19  }
0x3fb: {  	s19 =	sor.u32 s20, s19  }
0x3fc: {  	s20 =	sor.u32 $0x40, s19  }
0x3fd: {  	v6 =	vadd.f32 v7, v6;
	v7 =	vadd.f32 v9, v8;
	v8 =	vor.u32 s20, v0;
	_ =	sdelay $0x1  }
0x3fe: {  	v6 =	vadd.f32 v7, v6  }
0x3ff: {  	v10 =	vor.u32 s20, v4  }
0x400: {  	v9 =	vor.u32 s20, v2;
	[tilespmem:s17+$0x10020] =	vst v6  }
0x401: {  	v7 =	vld.idx.msk [tilespmem:v8+s2+$0x0], $0xffff;
	v8 =	vor.u32 s20, v3;
	_ =	sdelay $0x2  }
0x402: {  	s19 =	simm.s32 $0x0;
	v6 =	vld.idx.msk [tilespmem:v10+s2+$0x0], $0xffff;
	s20 =	simm.s32 $0x40  }
.LBB2_22:
0x403: {  	s19 =	sadd.s32 $0x4, s19;
	v9 =	vld.idx.msk [tilespmem:v9+s2+$0x0], $0xffff;
	s16 =	sadd.s32 $0x100, s16;
	s18 =	sadd.s32 $0x800, s18  }
0x404: {  	p0 =	slt.u32 s19, $0x1FC;
	v8 =	vld.idx.msk [tilespmem:v8+s2+$0x0], $0xffff;
	_ =	sdelay $0x1  }
0x405: {  	s21 =	sadd.s32 $0xFFFFFA00, s18;
	s22 =	sadd.s32 $0xFFFFFE00, s18;
	s23 =	sand.u32 $0xC00, s18  }
0x406: {  	s24 =	sand.u32 $0x7000, s16;
	s21 =	sand.u32 $0x800, s21;
	s22 =	sand.u32 $0xC00, s22  }
0x407: {  	s25 =	sand.u32 $0x380, s20;
	s21 =	sor.u32 s21, s24;
	s22 =	sor.u32 s22, s24  }
0x408: {  	s23 =	sor.u32 s23, s24;
	s21 =	sor.u32 s25, s21;
	s22 =	sor.u32 s25, s22;
	v7 =	vadd.f32 v9, v7  }
0x409: {  	s23 =	sor.u32 s25, s23;
	v9 =	vor.u32 s21, v0;
	v10 =	vor.u32 s21, v2;
	s24 =	sor.u32 $0x40, s21;
	v6 =	vadd.f32 v6, v8  }
0x40a: {  	v11 =	vor.u32 s21, v4;
	v8 =	vand.u32 v1, v9;
	v9 =	vor.u32 s21, v3;
	s21 =	sor.u32 $0x40, s23  }
0x40b: {  	v12 =	vor.u32 s22, v0;
	v6 =	vadd.f32 v6, v7;
	_ =	sdelay $0x1  }
0x40c: {  	[tilespmem:s17+$0x10030] =	vst v6  }
0x40d: {  	v6 =	vld.idx.msk [tilespmem:v10+s2+$0x0], $0xffff  }
0x40e: {  	v7 =	vld.idx.msk [tilespmem:v9+s2+$0x0], $0xffff  }
0x40f: {  	v8 =	vld.idx.msk [tilespmem:v8+s2+$0x0], $0xffff  }
0x410: {  	v9 =	vld.idx.msk [tilespmem:v11+s2+$0x0], $0xffff;
	_ =	sdelay $0x4  }
0x411: {  	v6 =	vadd.f32 v6, v8  }
0x412: {  	v8 =	vor.u32 s24, v3;
	v7 =	vadd.f32 v9, v7  }
0x413: {  	v9 =	vor.u32 s24, v2  }
0x414: {  	v6 =	vadd.f32 v7, v6;
	v7 =	vor.u32 s24, v0  }
0x415: {  	s17 =	sshra.s32 s16, $0x2;
	v10 =	vor.u32 s24, v4  }
0x416: {  	[tilespmem:s17+$0x10000] =	vst v6  }
0x417: {  	v6 =	vld.idx.msk [tilespmem:v8+s2+$0x0], $0xffff  }
0x418: {  	v8 =	vld.idx.msk [tilespmem:v9+s2+$0x0], $0xffff  }
0x419: {  	v7 =	vld.idx.msk [tilespmem:v7+s2+$0x0], $0xffff  }
0x41a: {  	v9 =	vld.idx.msk [tilespmem:v10+s2+$0x0], $0xffff;
	_ =	sdelay $0x4  }
0x41b: {  	v7 =	vadd.f32 v8, v7  }
0x41c: {  	v8 =	vand.u32 v5, v12;
	v6 =	vadd.f32 v9, v6  }
0x41d: {  	v9 =	vor.u32 s22, v3  }
0x41e: {  	v6 =	vadd.f32 v6, v7;
	v7 =	vor.u32 s22, v2  }
0x41f: {  	v10 =	vor.u32 s22, v4  }
0x420: {  	[tilespmem:s17+$0x10010] =	vst v6  }
0x421: {  	v6 =	vld.idx.msk [tilespmem:v8+s2+$0x0], $0xffff  }
0x422: {  	v8 =	vld.idx.msk [tilespmem:v9+s2+$0x0], $0xffff  }
0x423: {  	v7 =	vld.idx.msk [tilespmem:v7+s2+$0x0], $0xffff  }
0x424: {  	v9 =	vld.idx.msk [tilespmem:v10+s2+$0x0], $0xffff;
	_ =	sdelay $0x4  }
0x425: {  	v6 =	vadd.f32 v7, v6  }
0x426: {  	v10 =	vor.u32 s21, v0;
	v7 =	vadd.f32 v9, v8  }
0x427: {  	v11 =	vor.u32 s21, v4  }
.Ltmp10:
0x428: {  	v9 =	vor.u32 s21, v2;
	v8 =	vor.u32 s21, v3;
	v6 =	vadd.f32 v7, v6;
	(pc) =	sbr.rel @p0 .LBB2_22-.Ltmp10, $4  }
0x429: {  	_ = 	snop  }
0x42a: {  	[tilespmem:s17+$0x10020] =	vst v6  }
0x42b: {  	v7 =	vld.idx.msk [tilespmem:v10+s2+$0x0], $0xffff  }
0x42c: {  	s20 =	sadd.s32 $0x40, s20;
	v6 =	vld.idx.msk [tilespmem:v11+s2+$0x0], $0xffff  }
0x42d: {  	_ =	sdelay $0x3  }
0x42e: {  	v9 =	vld.idx.msk [tilespmem:v9+s2+$0x0], $0xffff  }
0x42f: {  	v8 =	vld.idx.msk [tilespmem:v8+s2+$0x0], $0xffff;
	_ =	sdelay $0x4  }
0x430: {  	v7 =	vadd.f32 v9, v7;
	v6 =	vadd.f32 v6, v8;
	_ =	sdelay $0x1  }
0x431: {  	v6 =	vadd.f32 v6, v7  }
0x432: {  	s16 =	simm.s32 $0x0;
	s24 =	simm.s32 $0x0  }
0x433: {  	s19 =	sand.u32 $0x7000, s16;
	[tilespmem:s17+$0x10030] =	vst v6;
	s17 =	sand.u32 $0x800, s24  }
0x434: {  	[hbm4b:s26+s16] =	stream.linear.scatter [tilespmem:s10], [sflag:$0x3], $0x2000, $0x38;
	[tilespmem:$0x14000] =	vst v63  }
0x435: {  	s20 =	sand.u32 $0x380, s16;
	s17 =	sor.u32 s17, s19  }
0x436: {  	[tilespmem:s16], [sflag:$0x1] =	stream.linear.gather [hbm4b:s28+s16], $0x8000, $0x38;
	[tilespmem:$0x14000] =	vst v63  }
0x437: {  	s17 =	sor.u32 s20, s17;
	_ =	swait.ge [sflag:s11], $0x8000  }
0x438: {  	v6 =	vor.u32 s17, v2;
	[sflag:s11] =	ssyncset.done $0x0  }
0x439: {  	v7 =	vor.u32 s17, v0;
	v8 =	vor.u32 s17, v3;
	[sflag:s11] =	ssyncadd.s32 $0xFFFF8000  }
0x43a: {  	v7 =	vand.u32 v1, v7;
	_ =	swait.ge [sflag:s14], $0x2000  }
0x43b: {  	v9 =	vor.u32 s17, v4;
	[sflag:s14] =	ssyncset.done $0x0  }
0x43c: {  	[sflag:s14] =	ssyncadd.s32 $0xFFFFE000  }
0x43d: {  	v6 =	vld.idx.msk [tilespmem:v6+s8+$0x0], $0xffff  }
0x43e: {  	v8 =	vld.idx.msk [tilespmem:v8+s8+$0x0], $0xffff  }
0x43f: {  	v7 =	vld.idx.msk [tilespmem:v7+s8+$0x0], $0xffff  }
0x440: {  	v9 =	vld.idx.msk [tilespmem:v9+s8+$0x0], $0xffff;
	_ =	sdelay $0x3  }
0x441: {  	s18 =	sor.u32 $0x40, s17  }
0x442: {  	v6 =	vadd.f32 v6, v7;
	v7 =	vadd.f32 v9, v8;
	v8 =	vor.u32 s18, v3  }
0x443: {  	v9 =	vor.u32 s18, v2  }
0x444: {  	v10 =	vor.u32 s18, v4;
	v6 =	vadd.f32 v7, v6  }
0x445: {  	s17 =	simm.s32 $0x0;
	v7 =	vor.u32 s18, v0  }
0x446: {  	[tilespmem:s17+$0x12000] =	vst v6  }
0x447: {  	v6 =	vld.idx.msk [tilespmem:v8+s8+$0x0], $0xffff  }
0x448: {  	v8 =	vld.idx.msk [tilespmem:v9+s8+$0x0], $0xffff  }
0x449: {  	v9 =	vld.idx.msk [tilespmem:v10+s8+$0x0], $0xffff  }
0x44a: {  	s25 =	simm.s32 $0x400;
	v7 =	vld.idx.msk [tilespmem:v7+s8+$0x0], $0xffff  }
0x44b: {  	s18 =	sand.u32 $0xC00, s25  }
0x44c: {  	s18 =	sor.u32 s18, s19  }
0x44d: {  	s18 =	sor.u32 s20, s18  }
0x44e: {  	v10 =	vor.u32 s18, v0  }
0x44f: {  	v6 =	vadd.f32 v9, v6;
	v7 =	vadd.f32 v8, v7;
	v8 =	vand.u32 v5, v10  }
0x450: {  	v9 =	vor.u32 s18, v3  }
0x451: {  	v10 =	vor.u32 s18, v4;
	v6 =	vadd.f32 v6, v7  }
0x452: {  	v7 =	vor.u32 s18, v2  }
0x453: {  	[tilespmem:s17+$0x12010] =	vst v6  }
0x454: {  	v6 =	vld.idx.msk [tilespmem:v8+s8+$0x0], $0xffff  }
0x455: {  	v8 =	vld.idx.msk [tilespmem:v9+s8+$0x0], $0xffff  }
0x456: {  	v9 =	vld.idx.msk [tilespmem:v10+s8+$0x0], $0xffff  }
0x457: {  	s18 =	simm.s32 $0x600;
	v7 =	vld.idx.msk [tilespmem:v7+s8+$0x0], $0xffff  }
0x458: {  	s21 =	sand.u32 $0xC00, s18  }
0x459: {  	s19 =	sor.u32 s21, s19  }
0x45a: {  	s19 =	sor.u32 s20, s19  }
0x45b: {  	s20 =	sor.u32 $0x40, s19  }
0x45c: {  	v6 =	vadd.f32 v7, v6;
	v7 =	vadd.f32 v9, v8;
	v8 =	vor.u32 s20, v0;
	_ =	sdelay $0x1  }
0x45d: {  	v6 =	vadd.f32 v7, v6  }
0x45e: {  	v10 =	vor.u32 s20, v4  }
0x45f: {  	v9 =	vor.u32 s20, v2;
	[tilespmem:s17+$0x12020] =	vst v6  }
0x460: {  	v7 =	vld.idx.msk [tilespmem:v8+s8+$0x0], $0xffff;
	v8 =	vor.u32 s20, v3;
	_ =	sdelay $0x2  }
0x461: {  	s19 =	simm.s32 $0x0;
	v6 =	vld.idx.msk [tilespmem:v10+s8+$0x0], $0xffff;
	s20 =	simm.s32 $0x40  }
.LBB2_24:
0x462: {  	s19 =	sadd.s32 $0x4, s19;
	v9 =	vld.idx.msk [tilespmem:v9+s8+$0x0], $0xffff;
	s16 =	sadd.s32 $0x100, s16;
	s18 =	sadd.s32 $0x800, s18  }
0x463: {  	p0 =	slt.u32 s19, $0x1FC;
	v8 =	vld.idx.msk [tilespmem:v8+s8+$0x0], $0xffff;
	_ =	sdelay $0x1  }
0x464: {  	s21 =	sadd.s32 $0xFFFFFA00, s18;
	s22 =	sadd.s32 $0xFFFFFE00, s18;
	s23 =	sand.u32 $0xC00, s18  }
0x465: {  	s24 =	sand.u32 $0x7000, s16;
	s21 =	sand.u32 $0x800, s21;
	s22 =	sand.u32 $0xC00, s22  }
0x466: {  	s25 =	sand.u32 $0x380, s20;
	s21 =	sor.u32 s21, s24;
	s22 =	sor.u32 s22, s24  }
0x467: {  	s23 =	sor.u32 s23, s24;
	s21 =	sor.u32 s25, s21;
	s22 =	sor.u32 s25, s22;
	v7 =	vadd.f32 v9, v7  }
0x468: {  	s23 =	sor.u32 s25, s23;
	v9 =	vor.u32 s21, v0;
	v10 =	vor.u32 s21, v2;
	s24 =	sor.u32 $0x40, s21;
	v6 =	vadd.f32 v6, v8  }
0x469: {  	v11 =	vor.u32 s21, v4;
	v8 =	vand.u32 v1, v9;
	v9 =	vor.u32 s21, v3;
	s21 =	sor.u32 $0x40, s23  }
0x46a: {  	v12 =	vor.u32 s22, v0;
	v6 =	vadd.f32 v6, v7;
	_ =	sdelay $0x1  }
0x46b: {  	[tilespmem:s17+$0x12030] =	vst v6  }
0x46c: {  	v6 =	vld.idx.msk [tilespmem:v10+s8+$0x0], $0xffff  }
0x46d: {  	v7 =	vld.idx.msk [tilespmem:v9+s8+$0x0], $0xffff  }
0x46e: {  	v8 =	vld.idx.msk [tilespmem:v8+s8+$0x0], $0xffff  }
0x46f: {  	v9 =	vld.idx.msk [tilespmem:v11+s8+$0x0], $0xffff;
	_ =	sdelay $0x4  }
0x470: {  	v6 =	vadd.f32 v6, v8  }
0x471: {  	v8 =	vor.u32 s24, v3;
	v7 =	vadd.f32 v9, v7  }
0x472: {  	v9 =	vor.u32 s24, v2  }
0x473: {  	v6 =	vadd.f32 v7, v6;
	v7 =	vor.u32 s24, v0  }
0x474: {  	s17 =	sshra.s32 s16, $0x2;
	v10 =	vor.u32 s24, v4  }
0x475: {  	[tilespmem:s17+$0x12000] =	vst v6  }
0x476: {  	v6 =	vld.idx.msk [tilespmem:v8+s8+$0x0], $0xffff  }
0x477: {  	v8 =	vld.idx.msk [tilespmem:v9+s8+$0x0], $0xffff  }
0x478: {  	v7 =	vld.idx.msk [tilespmem:v7+s8+$0x0], $0xffff  }
0x479: {  	v9 =	vld.idx.msk [tilespmem:v10+s8+$0x0], $0xffff;
	_ =	sdelay $0x4  }
0x47a: {  	v7 =	vadd.f32 v8, v7  }
0x47b: {  	v8 =	vand.u32 v5, v12;
	v6 =	vadd.f32 v9, v6  }
0x47c: {  	v9 =	vor.u32 s22, v3  }
0x47d: {  	v6 =	vadd.f32 v6, v7;
	v7 =	vor.u32 s22, v2  }
0x47e: {  	v10 =	vor.u32 s22, v4  }
0x47f: {  	[tilespmem:s17+$0x12010] =	vst v6  }
0x480: {  	v6 =	vld.idx.msk [tilespmem:v8+s8+$0x0], $0xffff  }
0x481: {  	v8 =	vld.idx.msk [tilespmem:v9+s8+$0x0], $0xffff  }
0x482: {  	v7 =	vld.idx.msk [tilespmem:v7+s8+$0x0], $0xffff  }
0x483: {  	v9 =	vld.idx.msk [tilespmem:v10+s8+$0x0], $0xffff;
	_ =	sdelay $0x4  }
0x484: {  	v6 =	vadd.f32 v7, v6  }
0x485: {  	v10 =	vor.u32 s21, v0;
	v7 =	vadd.f32 v9, v8  }
0x486: {  	v11 =	vor.u32 s21, v4  }
.Ltmp11:
0x487: {  	v9 =	vor.u32 s21, v2;
	v8 =	vor.u32 s21, v3;
	v6 =	vadd.f32 v7, v6;
	(pc) =	sbr.rel @p0 .LBB2_24-.Ltmp11, $4  }
0x488: {  	_ = 	snop  }
0x489: {  	[tilespmem:s17+$0x12020] =	vst v6  }
0x48a: {  	v7 =	vld.idx.msk [tilespmem:v10+s8+$0x0], $0xffff  }
0x48b: {  	s20 =	sadd.s32 $0x40, s20;
	v6 =	vld.idx.msk [tilespmem:v11+s8+$0x0], $0xffff  }
0x48c: {  	_ =	sdelay $0x3  }
0x48d: {  	v9 =	vld.idx.msk [tilespmem:v9+s8+$0x0], $0xffff  }
0x48e: {  	v8 =	vld.idx.msk [tilespmem:v8+s8+$0x0], $0xffff;
	_ =	sdelay $0x4  }
0x48f: {  	v7 =	vadd.f32 v9, v7;
	v6 =	vadd.f32 v6, v8;
	_ =	sdelay $0x1  }
0x490: {  	v6 =	vadd.f32 v6, v7  }
0x491: {  	s16 =	simm.s32 $0x0;
	s24 =	simm.s32 $0x0  }
0x492: {  	s19 =	sand.u32 $0x7000, s16;
	[tilespmem:s17+$0x12030] =	vst v6;
	s17 =	sand.u32 $0x800, s24  }
0x493: {  	[hbm4b:s29+s16] =	stream.linear.scatter [tilespmem:s12], [sflag:$0x4], $0x2000, $0x38;
	[tilespmem:$0x14000] =	vst v63  }
0x494: {  	s20 =	sand.u32 $0x380, s16;
	s17 =	sor.u32 s17, s19  }
0x495: {  	[tilespmem:s8], [sflag:$0x2] =	stream.linear.gather [hbm4b:s30+s16], $0x8000, $0x38;
	[tilespmem:$0x14000] =	vst v63  }
0x496: {  	s17 =	sor.u32 s20, s17;
	_ =	swait.ge [sflag:s9], $0x8000  }
0x497: {  	v6 =	vor.u32 s17, v2;
	[sflag:s9] =	ssyncset.done $0x0  }
0x498: {  	v7 =	vor.u32 s17, v0;
	v8 =	vor.u32 s17, v3;
	[sflag:s9] =	ssyncadd.s32 $0xFFFF8000  }
0x499: {  	v7 =	vand.u32 v1, v7;
	_ =	swait.ge [sflag:s13], $0x2000  }
0x49a: {  	v9 =	vor.u32 s17, v4;
	[sflag:s13] =	ssyncset.done $0x0  }
0x49b: {  	[sflag:s13] =	ssyncadd.s32 $0xFFFFE000  }
0x49c: {  	v6 =	vld.idx.msk [tilespmem:v6+s2+$0x0], $0xffff  }
0x49d: {  	v8 =	vld.idx.msk [tilespmem:v8+s2+$0x0], $0xffff  }
0x49e: {  	v7 =	vld.idx.msk [tilespmem:v7+s2+$0x0], $0xffff  }
0x49f: {  	v9 =	vld.idx.msk [tilespmem:v9+s2+$0x0], $0xffff;
	_ =	sdelay $0x3  }
0x4a0: {  	s18 =	sor.u32 $0x40, s17  }
0x4a1: {  	v6 =	vadd.f32 v6, v7;
	v7 =	vadd.f32 v9, v8;
	v8 =	vor.u32 s18, v3  }
0x4a2: {  	v9 =	vor.u32 s18, v2  }
0x4a3: {  	v10 =	vor.u32 s18, v4;
	v6 =	vadd.f32 v7, v6  }
0x4a4: {  	s17 =	simm.s32 $0x0;
	v7 =	vor.u32 s18, v0  }
0x4a5: {  	[tilespmem:s17+$0x10000] =	vst v6  }
0x4a6: {  	v6 =	vld.idx.msk [tilespmem:v8+s2+$0x0], $0xffff  }
0x4a7: {  	v8 =	vld.idx.msk [tilespmem:v9+s2+$0x0], $0xffff  }
0x4a8: {  	v9 =	vld.idx.msk [tilespmem:v10+s2+$0x0], $0xffff  }
0x4a9: {  	s25 =	simm.s32 $0x400;
	v7 =	vld.idx.msk [tilespmem:v7+s2+$0x0], $0xffff  }
0x4aa: {  	s18 =	sand.u32 $0xC00, s25  }
0x4ab: {  	s18 =	sor.u32 s18, s19  }
0x4ac: {  	s18 =	sor.u32 s20, s18  }
0x4ad: {  	v10 =	vor.u32 s18, v0  }
0x4ae: {  	v6 =	vadd.f32 v9, v6;
	v7 =	vadd.f32 v8, v7;
	v8 =	vand.u32 v5, v10  }
0x4af: {  	v9 =	vor.u32 s18, v3  }
0x4b0: {  	v10 =	vor.u32 s18, v4;
	v6 =	vadd.f32 v6, v7  }
0x4b1: {  	v7 =	vor.u32 s18, v2  }
0x4b2: {  	[tilespmem:s17+$0x10010] =	vst v6  }
0x4b3: {  	v6 =	vld.idx.msk [tilespmem:v8+s2+$0x0], $0xffff  }
0x4b4: {  	v8 =	vld.idx.msk [tilespmem:v9+s2+$0x0], $0xffff  }
0x4b5: {  	v9 =	vld.idx.msk [tilespmem:v10+s2+$0x0], $0xffff  }
0x4b6: {  	s18 =	simm.s32 $0x600;
	v7 =	vld.idx.msk [tilespmem:v7+s2+$0x0], $0xffff  }
0x4b7: {  	s21 =	sand.u32 $0xC00, s18  }
0x4b8: {  	s19 =	sor.u32 s21, s19  }
0x4b9: {  	s19 =	sor.u32 s20, s19  }
0x4ba: {  	s20 =	sor.u32 $0x40, s19  }
0x4bb: {  	v6 =	vadd.f32 v7, v6;
	v7 =	vadd.f32 v9, v8;
	v8 =	vor.u32 s20, v0;
	_ =	sdelay $0x1  }
0x4bc: {  	v6 =	vadd.f32 v7, v6  }
0x4bd: {  	v10 =	vor.u32 s20, v4  }
0x4be: {  	v9 =	vor.u32 s20, v2;
	[tilespmem:s17+$0x10020] =	vst v6  }
0x4bf: {  	v7 =	vld.idx.msk [tilespmem:v8+s2+$0x0], $0xffff;
	v8 =	vor.u32 s20, v3;
	_ =	sdelay $0x2  }
0x4c0: {  	s19 =	simm.s32 $0x0;
	v6 =	vld.idx.msk [tilespmem:v10+s2+$0x0], $0xffff;
	s20 =	simm.s32 $0x40  }
.LBB2_26:
0x4c1: {  	s19 =	sadd.s32 $0x4, s19;
	v9 =	vld.idx.msk [tilespmem:v9+s2+$0x0], $0xffff;
	s16 =	sadd.s32 $0x100, s16;
	s18 =	sadd.s32 $0x800, s18  }
0x4c2: {  	p0 =	slt.u32 s19, $0x1FC;
	v8 =	vld.idx.msk [tilespmem:v8+s2+$0x0], $0xffff;
	_ =	sdelay $0x1  }
0x4c3: {  	s21 =	sadd.s32 $0xFFFFFA00, s18;
	s22 =	sadd.s32 $0xFFFFFE00, s18;
	s23 =	sand.u32 $0xC00, s18  }
0x4c4: {  	s24 =	sand.u32 $0x7000, s16;
	s21 =	sand.u32 $0x800, s21;
	s22 =	sand.u32 $0xC00, s22  }
0x4c5: {  	s25 =	sand.u32 $0x380, s20;
	s21 =	sor.u32 s21, s24;
	s22 =	sor.u32 s22, s24  }
0x4c6: {  	s23 =	sor.u32 s23, s24;
	s21 =	sor.u32 s25, s21;
	s22 =	sor.u32 s25, s22;
	v7 =	vadd.f32 v9, v7  }
0x4c7: {  	s23 =	sor.u32 s25, s23;
	v9 =	vor.u32 s21, v0;
	v10 =	vor.u32 s21, v2;
	s24 =	sor.u32 $0x40, s21;
	v6 =	vadd.f32 v6, v8  }
0x4c8: {  	v11 =	vor.u32 s21, v4;
	v8 =	vand.u32 v1, v9;
	v9 =	vor.u32 s21, v3;
	s21 =	sor.u32 $0x40, s23  }
0x4c9: {  	v12 =	vor.u32 s22, v0;
	v6 =	vadd.f32 v6, v7;
	_ =	sdelay $0x1  }
0x4ca: {  	[tilespmem:s17+$0x10030] =	vst v6  }
0x4cb: {  	v6 =	vld.idx.msk [tilespmem:v10+s2+$0x0], $0xffff  }
0x4cc: {  	v7 =	vld.idx.msk [tilespmem:v9+s2+$0x0], $0xffff  }
0x4cd: {  	v8 =	vld.idx.msk [tilespmem:v8+s2+$0x0], $0xffff  }
0x4ce: {  	v9 =	vld.idx.msk [tilespmem:v11+s2+$0x0], $0xffff;
	_ =	sdelay $0x4  }
0x4cf: {  	v6 =	vadd.f32 v6, v8  }
0x4d0: {  	v8 =	vor.u32 s24, v3;
	v7 =	vadd.f32 v9, v7  }
0x4d1: {  	v9 =	vor.u32 s24, v2  }
0x4d2: {  	v6 =	vadd.f32 v7, v6;
	v7 =	vor.u32 s24, v0  }
0x4d3: {  	s17 =	sshra.s32 s16, $0x2;
	v10 =	vor.u32 s24, v4  }
0x4d4: {  	[tilespmem:s17+$0x10000] =	vst v6  }
0x4d5: {  	v6 =	vld.idx.msk [tilespmem:v8+s2+$0x0], $0xffff  }
0x4d6: {  	v8 =	vld.idx.msk [tilespmem:v9+s2+$0x0], $0xffff  }
0x4d7: {  	v7 =	vld.idx.msk [tilespmem:v7+s2+$0x0], $0xffff  }
0x4d8: {  	v9 =	vld.idx.msk [tilespmem:v10+s2+$0x0], $0xffff;
	_ =	sdelay $0x4  }
0x4d9: {  	v7 =	vadd.f32 v8, v7  }
0x4da: {  	v8 =	vand.u32 v5, v12;
	v6 =	vadd.f32 v9, v6  }
0x4db: {  	v9 =	vor.u32 s22, v3  }
0x4dc: {  	v6 =	vadd.f32 v6, v7;
	v7 =	vor.u32 s22, v2  }
0x4dd: {  	v10 =	vor.u32 s22, v4  }
0x4de: {  	[tilespmem:s17+$0x10010] =	vst v6  }
0x4df: {  	v6 =	vld.idx.msk [tilespmem:v8+s2+$0x0], $0xffff  }
0x4e0: {  	v8 =	vld.idx.msk [tilespmem:v9+s2+$0x0], $0xffff  }
0x4e1: {  	v7 =	vld.idx.msk [tilespmem:v7+s2+$0x0], $0xffff  }
0x4e2: {  	v9 =	vld.idx.msk [tilespmem:v10+s2+$0x0], $0xffff;
	_ =	sdelay $0x4  }
0x4e3: {  	v6 =	vadd.f32 v7, v6  }
0x4e4: {  	v10 =	vor.u32 s21, v0;
	v7 =	vadd.f32 v9, v8  }
0x4e5: {  	v11 =	vor.u32 s21, v4  }
.Ltmp12:
0x4e6: {  	v9 =	vor.u32 s21, v2;
	v8 =	vor.u32 s21, v3;
	v6 =	vadd.f32 v7, v6;
	(pc) =	sbr.rel @p0 .LBB2_26-.Ltmp12, $4  }
0x4e7: {  	_ = 	snop  }
0x4e8: {  	[tilespmem:s17+$0x10020] =	vst v6  }
0x4e9: {  	v7 =	vld.idx.msk [tilespmem:v10+s2+$0x0], $0xffff  }
0x4ea: {  	s20 =	sadd.s32 $0x40, s20;
	v6 =	vld.idx.msk [tilespmem:v11+s2+$0x0], $0xffff  }
0x4eb: {  	_ =	sdelay $0x3  }
0x4ec: {  	v9 =	vld.idx.msk [tilespmem:v9+s2+$0x0], $0xffff  }
0x4ed: {  	v8 =	vld.idx.msk [tilespmem:v8+s2+$0x0], $0xffff;
	_ =	sdelay $0x4  }
0x4ee: {  	v7 =	vadd.f32 v9, v7;
	v6 =	vadd.f32 v6, v8;
	_ =	sdelay $0x1  }
0x4ef: {  	v6 =	vadd.f32 v6, v7  }
0x4f0: {  	s16 =	simm.s32 $0x0;
	s24 =	simm.s32 $0x0  }
0x4f1: {  	s19 =	sand.u32 $0x7000, s16;
	[tilespmem:s17+$0x10030] =	vst v6;
	s17 =	sand.u32 $0x800, s24  }
0x4f2: {  	[hbm4b:s31+s16] =	stream.linear.scatter [tilespmem:s10], [sflag:$0x3], $0x2000, $0x38;
	[tilespmem:$0x14000] =	vst v63  }
0x4f3: {  	s20 =	sand.u32 $0x380, s16;
	s17 =	sor.u32 s17, s19  }
0x4f4: {  	[tilespmem:s16], [sflag:$0x1] =	stream.linear.gather [hbm4b:s0+s16], $0x8000, $0x38;
	[tilespmem:$0x14000] =	vst v63  }
0x4f5: {  	s17 =	sor.u32 s20, s17;
	_ =	swait.ge [sflag:s11], $0x8000  }
0x4f6: {  	v6 =	vor.u32 s17, v2;
	[sflag:s11] =	ssyncset.done $0x0  }
0x4f7: {  	v7 =	vor.u32 s17, v0;
	v8 =	vor.u32 s17, v3;
	[sflag:s11] =	ssyncadd.s32 $0xFFFF8000  }
0x4f8: {  	v7 =	vand.u32 v1, v7;
	_ =	swait.ge [sflag:s14], $0x2000  }
0x4f9: {  	v9 =	vor.u32 s17, v4;
	[sflag:s14] =	ssyncset.done $0x0  }
0x4fa: {  	[sflag:s14] =	ssyncadd.s32 $0xFFFFE000  }
0x4fb: {  	v6 =	vld.idx.msk [tilespmem:v6+s8+$0x0], $0xffff  }
0x4fc: {  	v8 =	vld.idx.msk [tilespmem:v8+s8+$0x0], $0xffff  }
0x4fd: {  	v7 =	vld.idx.msk [tilespmem:v7+s8+$0x0], $0xffff  }
0x4fe: {  	v9 =	vld.idx.msk [tilespmem:v9+s8+$0x0], $0xffff;
	_ =	sdelay $0x3  }
0x4ff: {  	s18 =	sor.u32 $0x40, s17  }
0x500: {  	v6 =	vadd.f32 v6, v7;
	v7 =	vadd.f32 v9, v8;
	v8 =	vor.u32 s18, v3  }
0x501: {  	v9 =	vor.u32 s18, v2  }
0x502: {  	v10 =	vor.u32 s18, v4;
	v6 =	vadd.f32 v7, v6  }
0x503: {  	s17 =	simm.s32 $0x0;
	v7 =	vor.u32 s18, v0  }
0x504: {  	[tilespmem:s17+$0x12000] =	vst v6  }
0x505: {  	v6 =	vld.idx.msk [tilespmem:v8+s8+$0x0], $0xffff  }
0x506: {  	v8 =	vld.idx.msk [tilespmem:v9+s8+$0x0], $0xffff  }
0x507: {  	v9 =	vld.idx.msk [tilespmem:v10+s8+$0x0], $0xffff  }
0x508: {  	s25 =	simm.s32 $0x400;
	v7 =	vld.idx.msk [tilespmem:v7+s8+$0x0], $0xffff  }
0x509: {  	s18 =	sand.u32 $0xC00, s25  }
0x50a: {  	s18 =	sor.u32 s18, s19  }
0x50b: {  	s18 =	sor.u32 s20, s18  }
0x50c: {  	v10 =	vor.u32 s18, v0  }
0x50d: {  	v6 =	vadd.f32 v9, v6;
	v7 =	vadd.f32 v8, v7;
	v8 =	vand.u32 v5, v10  }
0x50e: {  	v9 =	vor.u32 s18, v3  }
0x50f: {  	v10 =	vor.u32 s18, v4;
	v6 =	vadd.f32 v6, v7  }
0x510: {  	v7 =	vor.u32 s18, v2  }
0x511: {  	[tilespmem:s17+$0x12010] =	vst v6  }
0x512: {  	v6 =	vld.idx.msk [tilespmem:v8+s8+$0x0], $0xffff  }
0x513: {  	v8 =	vld.idx.msk [tilespmem:v9+s8+$0x0], $0xffff  }
0x514: {  	v9 =	vld.idx.msk [tilespmem:v10+s8+$0x0], $0xffff  }
0x515: {  	s18 =	simm.s32 $0x600;
	v7 =	vld.idx.msk [tilespmem:v7+s8+$0x0], $0xffff  }
0x516: {  	s21 =	sand.u32 $0xC00, s18  }
0x517: {  	s19 =	sor.u32 s21, s19  }
0x518: {  	s19 =	sor.u32 s20, s19  }
0x519: {  	s20 =	sor.u32 $0x40, s19  }
0x51a: {  	v6 =	vadd.f32 v7, v6;
	v7 =	vadd.f32 v9, v8;
	v8 =	vor.u32 s20, v0;
	_ =	sdelay $0x1  }
0x51b: {  	v6 =	vadd.f32 v7, v6  }
0x51c: {  	v10 =	vor.u32 s20, v4  }
0x51d: {  	v9 =	vor.u32 s20, v2;
	[tilespmem:s17+$0x12020] =	vst v6  }
0x51e: {  	v7 =	vld.idx.msk [tilespmem:v8+s8+$0x0], $0xffff;
	v8 =	vor.u32 s20, v3;
	_ =	sdelay $0x2  }
0x51f: {  	s19 =	simm.s32 $0x0;
	v6 =	vld.idx.msk [tilespmem:v10+s8+$0x0], $0xffff;
	s20 =	simm.s32 $0x40  }
.LBB2_28:
0x520: {  	s19 =	sadd.s32 $0x4, s19;
	v9 =	vld.idx.msk [tilespmem:v9+s8+$0x0], $0xffff;
	s16 =	sadd.s32 $0x100, s16;
	s18 =	sadd.s32 $0x800, s18  }
0x521: {  	p0 =	slt.u32 s19, $0x1FC;
	v8 =	vld.idx.msk [tilespmem:v8+s8+$0x0], $0xffff;
	_ =	sdelay $0x1  }
0x522: {  	s21 =	sadd.s32 $0xFFFFFA00, s18;
	s22 =	sadd.s32 $0xFFFFFE00, s18;
	s23 =	sand.u32 $0xC00, s18  }
0x523: {  	s24 =	sand.u32 $0x7000, s16;
	s21 =	sand.u32 $0x800, s21;
	s22 =	sand.u32 $0xC00, s22  }
0x524: {  	s25 =	sand.u32 $0x380, s20;
	s21 =	sor.u32 s21, s24;
	s22 =	sor.u32 s22, s24  }
0x525: {  	s23 =	sor.u32 s23, s24;
	s21 =	sor.u32 s25, s21;
	s22 =	sor.u32 s25, s22;
	v7 =	vadd.f32 v9, v7  }
0x526: {  	s23 =	sor.u32 s25, s23;
	v9 =	vor.u32 s21, v0;
	v10 =	vor.u32 s21, v2;
	s24 =	sor.u32 $0x40, s21;
	v6 =	vadd.f32 v6, v8  }
0x527: {  	v11 =	vor.u32 s21, v4;
	v8 =	vand.u32 v1, v9;
	v9 =	vor.u32 s21, v3;
	s21 =	sor.u32 $0x40, s23  }
0x528: {  	v12 =	vor.u32 s22, v0;
	v6 =	vadd.f32 v6, v7;
	_ =	sdelay $0x1  }
0x529: {  	[tilespmem:s17+$0x12030] =	vst v6  }
0x52a: {  	v6 =	vld.idx.msk [tilespmem:v10+s8+$0x0], $0xffff  }
0x52b: {  	v7 =	vld.idx.msk [tilespmem:v9+s8+$0x0], $0xffff  }
0x52c: {  	v8 =	vld.idx.msk [tilespmem:v8+s8+$0x0], $0xffff  }
0x52d: {  	v9 =	vld.idx.msk [tilespmem:v11+s8+$0x0], $0xffff;
	_ =	sdelay $0x4  }
0x52e: {  	v6 =	vadd.f32 v6, v8  }
0x52f: {  	v8 =	vor.u32 s24, v3;
	v7 =	vadd.f32 v9, v7  }
0x530: {  	v9 =	vor.u32 s24, v2  }
0x531: {  	v6 =	vadd.f32 v7, v6;
	v7 =	vor.u32 s24, v0  }
0x532: {  	s17 =	sshra.s32 s16, $0x2;
	v10 =	vor.u32 s24, v4  }
0x533: {  	[tilespmem:s17+$0x12000] =	vst v6  }
0x534: {  	v6 =	vld.idx.msk [tilespmem:v8+s8+$0x0], $0xffff  }
0x535: {  	v8 =	vld.idx.msk [tilespmem:v9+s8+$0x0], $0xffff  }
0x536: {  	v7 =	vld.idx.msk [tilespmem:v7+s8+$0x0], $0xffff  }
0x537: {  	v9 =	vld.idx.msk [tilespmem:v10+s8+$0x0], $0xffff;
	_ =	sdelay $0x4  }
0x538: {  	v7 =	vadd.f32 v8, v7  }
0x539: {  	v8 =	vand.u32 v5, v12;
	v6 =	vadd.f32 v9, v6  }
0x53a: {  	v9 =	vor.u32 s22, v3  }
0x53b: {  	v6 =	vadd.f32 v6, v7;
	v7 =	vor.u32 s22, v2  }
0x53c: {  	v10 =	vor.u32 s22, v4  }
0x53d: {  	[tilespmem:s17+$0x12010] =	vst v6  }
0x53e: {  	v6 =	vld.idx.msk [tilespmem:v8+s8+$0x0], $0xffff  }
0x53f: {  	v8 =	vld.idx.msk [tilespmem:v9+s8+$0x0], $0xffff  }
0x540: {  	v7 =	vld.idx.msk [tilespmem:v7+s8+$0x0], $0xffff  }
0x541: {  	v9 =	vld.idx.msk [tilespmem:v10+s8+$0x0], $0xffff;
	_ =	sdelay $0x4  }
0x542: {  	v6 =	vadd.f32 v7, v6  }
0x543: {  	v10 =	vor.u32 s21, v0;
	v7 =	vadd.f32 v9, v8  }
0x544: {  	v11 =	vor.u32 s21, v4  }
.Ltmp13:
0x545: {  	v9 =	vor.u32 s21, v2;
	v8 =	vor.u32 s21, v3;
	v6 =	vadd.f32 v7, v6;
	(pc) =	sbr.rel @p0 .LBB2_28-.Ltmp13, $4  }
0x546: {  	_ = 	snop  }
0x547: {  	[tilespmem:s17+$0x12020] =	vst v6  }
0x548: {  	v7 =	vld.idx.msk [tilespmem:v10+s8+$0x0], $0xffff  }
0x549: {  	s20 =	sadd.s32 $0x40, s20;
	v6 =	vld.idx.msk [tilespmem:v11+s8+$0x0], $0xffff  }
0x54a: {  	_ =	sdelay $0x3  }
0x54b: {  	v9 =	vld.idx.msk [tilespmem:v9+s8+$0x0], $0xffff  }
0x54c: {  	v8 =	vld.idx.msk [tilespmem:v8+s8+$0x0], $0xffff;
	_ =	sdelay $0x4  }
0x54d: {  	v7 =	vadd.f32 v9, v7;
	v6 =	vadd.f32 v6, v8;
	_ =	sdelay $0x1  }
0x54e: {  	v6 =	vadd.f32 v6, v7  }
0x54f: {  	s16 =	simm.s32 $0x0;
	s24 =	simm.s32 $0x0  }
0x550: {  	s19 =	sand.u32 $0x7000, s16;
	[tilespmem:s17+$0x12030] =	vst v6;
	s17 =	sand.u32 $0x800, s24  }
0x551: {  	[hbm4b:s1+s16] =	stream.linear.scatter [tilespmem:s12], [sflag:$0x4], $0x2000, $0x38;
	[tilespmem:$0x14000] =	vst v63  }
0x552: {  	s20 =	sand.u32 $0x380, s16;
	s17 =	sor.u32 s17, s19  }
0x553: {  	[tilespmem:s8], [sflag:$0x2] =	stream.linear.gather [hbm4b:s5+s16], $0x8000, $0x38;
	[tilespmem:$0x14000] =	vst v63  }
0x554: {  	s17 =	sor.u32 s20, s17;
	_ =	swait.ge [sflag:s9], $0x8000  }
0x555: {  	v6 =	vor.u32 s17, v2;
	[sflag:s9] =	ssyncset.done $0x0  }
0x556: {  	v7 =	vor.u32 s17, v0;
	v8 =	vor.u32 s17, v3;
	[sflag:s9] =	ssyncadd.s32 $0xFFFF8000  }
0x557: {  	v7 =	vand.u32 v1, v7;
	_ =	swait.ge [sflag:s13], $0x2000  }
0x558: {  	v9 =	vor.u32 s17, v4;
	[sflag:s13] =	ssyncset.done $0x0  }
0x559: {  	[sflag:s13] =	ssyncadd.s32 $0xFFFFE000  }
0x55a: {  	v6 =	vld.idx.msk [tilespmem:v6+s2+$0x0], $0xffff  }
0x55b: {  	v8 =	vld.idx.msk [tilespmem:v8+s2+$0x0], $0xffff  }
0x55c: {  	v7 =	vld.idx.msk [tilespmem:v7+s2+$0x0], $0xffff  }
0x55d: {  	v9 =	vld.idx.msk [tilespmem:v9+s2+$0x0], $0xffff;
	_ =	sdelay $0x3  }
0x55e: {  	s18 =	sor.u32 $0x40, s17  }
0x55f: {  	v6 =	vadd.f32 v6, v7;
	v7 =	vadd.f32 v9, v8;
	v8 =	vor.u32 s18, v3  }
0x560: {  	v9 =	vor.u32 s18, v2  }
0x561: {  	v10 =	vor.u32 s18, v4;
	v6 =	vadd.f32 v7, v6  }
0x562: {  	s17 =	simm.s32 $0x0;
	v7 =	vor.u32 s18, v0  }
0x563: {  	[tilespmem:s17+$0x10000] =	vst v6  }
0x564: {  	v6 =	vld.idx.msk [tilespmem:v8+s2+$0x0], $0xffff  }
0x565: {  	v8 =	vld.idx.msk [tilespmem:v9+s2+$0x0], $0xffff  }
0x566: {  	v9 =	vld.idx.msk [tilespmem:v10+s2+$0x0], $0xffff  }
0x567: {  	s25 =	simm.s32 $0x400;
	v7 =	vld.idx.msk [tilespmem:v7+s2+$0x0], $0xffff  }
0x568: {  	s18 =	sand.u32 $0xC00, s25  }
0x569: {  	s18 =	sor.u32 s18, s19  }
0x56a: {  	s18 =	sor.u32 s20, s18  }
0x56b: {  	v10 =	vor.u32 s18, v0  }
0x56c: {  	v6 =	vadd.f32 v9, v6;
	v7 =	vadd.f32 v8, v7;
	v8 =	vand.u32 v5, v10  }
0x56d: {  	v9 =	vor.u32 s18, v3  }
0x56e: {  	v10 =	vor.u32 s18, v4;
	v6 =	vadd.f32 v6, v7  }
0x56f: {  	v7 =	vor.u32 s18, v2  }
0x570: {  	[tilespmem:s17+$0x10010] =	vst v6  }
0x571: {  	v6 =	vld.idx.msk [tilespmem:v8+s2+$0x0], $0xffff  }
0x572: {  	v8 =	vld.idx.msk [tilespmem:v9+s2+$0x0], $0xffff  }
0x573: {  	v9 =	vld.idx.msk [tilespmem:v10+s2+$0x0], $0xffff  }
0x574: {  	s18 =	simm.s32 $0x600;
	v7 =	vld.idx.msk [tilespmem:v7+s2+$0x0], $0xffff  }
0x575: {  	s21 =	sand.u32 $0xC00, s18  }
0x576: {  	s19 =	sor.u32 s21, s19  }
0x577: {  	s19 =	sor.u32 s20, s19  }
0x578: {  	s20 =	sor.u32 $0x40, s19  }
0x579: {  	v6 =	vadd.f32 v7, v6;
	v7 =	vadd.f32 v9, v8;
	v8 =	vor.u32 s20, v0;
	_ =	sdelay $0x1  }
0x57a: {  	v6 =	vadd.f32 v7, v6  }
0x57b: {  	v10 =	vor.u32 s20, v4  }
0x57c: {  	v9 =	vor.u32 s20, v2;
	[tilespmem:s17+$0x10020] =	vst v6  }
0x57d: {  	v7 =	vld.idx.msk [tilespmem:v8+s2+$0x0], $0xffff;
	v8 =	vor.u32 s20, v3;
	_ =	sdelay $0x2  }
0x57e: {  	s19 =	simm.s32 $0x0;
	v6 =	vld.idx.msk [tilespmem:v10+s2+$0x0], $0xffff;
	s20 =	simm.s32 $0x40  }
.LBB2_30:
0x57f: {  	s19 =	sadd.s32 $0x4, s19;
	v9 =	vld.idx.msk [tilespmem:v9+s2+$0x0], $0xffff;
	s16 =	sadd.s32 $0x100, s16;
	s18 =	sadd.s32 $0x800, s18  }
0x580: {  	p0 =	slt.u32 s19, $0x1FC;
	v8 =	vld.idx.msk [tilespmem:v8+s2+$0x0], $0xffff;
	_ =	sdelay $0x1  }
0x581: {  	s21 =	sadd.s32 $0xFFFFFA00, s18;
	s22 =	sadd.s32 $0xFFFFFE00, s18;
	s23 =	sand.u32 $0xC00, s18  }
0x582: {  	s24 =	sand.u32 $0x7000, s16;
	s21 =	sand.u32 $0x800, s21;
	s22 =	sand.u32 $0xC00, s22  }
0x583: {  	s25 =	sand.u32 $0x380, s20;
	s21 =	sor.u32 s21, s24;
	s22 =	sor.u32 s22, s24  }
0x584: {  	s23 =	sor.u32 s23, s24;
	s21 =	sor.u32 s25, s21;
	s22 =	sor.u32 s25, s22;
	v7 =	vadd.f32 v9, v7  }
0x585: {  	s23 =	sor.u32 s25, s23;
	v9 =	vor.u32 s21, v0;
	v10 =	vor.u32 s21, v2;
	s24 =	sor.u32 $0x40, s21;
	v6 =	vadd.f32 v6, v8  }
0x586: {  	v11 =	vor.u32 s21, v4;
	v8 =	vand.u32 v1, v9;
	v9 =	vor.u32 s21, v3;
	s21 =	sor.u32 $0x40, s23  }
0x587: {  	v12 =	vor.u32 s22, v0;
	v6 =	vadd.f32 v6, v7;
	_ =	sdelay $0x1  }
0x588: {  	[tilespmem:s17+$0x10030] =	vst v6  }
0x589: {  	v6 =	vld.idx.msk [tilespmem:v10+s2+$0x0], $0xffff  }
0x58a: {  	v7 =	vld.idx.msk [tilespmem:v9+s2+$0x0], $0xffff  }
0x58b: {  	v8 =	vld.idx.msk [tilespmem:v8+s2+$0x0], $0xffff  }
0x58c: {  	v9 =	vld.idx.msk [tilespmem:v11+s2+$0x0], $0xffff;
	_ =	sdelay $0x4  }
0x58d: {  	v6 =	vadd.f32 v6, v8  }
0x58e: {  	v8 =	vor.u32 s24, v3;
	v7 =	vadd.f32 v9, v7  }
0x58f: {  	v9 =	vor.u32 s24, v2  }
0x590: {  	v6 =	vadd.f32 v7, v6;
	v7 =	vor.u32 s24, v0  }
0x591: {  	s17 =	sshra.s32 s16, $0x2;
	v10 =	vor.u32 s24, v4  }
0x592: {  	[tilespmem:s17+$0x10000] =	vst v6  }
0x593: {  	v6 =	vld.idx.msk [tilespmem:v8+s2+$0x0], $0xffff  }
0x594: {  	v8 =	vld.idx.msk [tilespmem:v9+s2+$0x0], $0xffff  }
0x595: {  	v7 =	vld.idx.msk [tilespmem:v7+s2+$0x0], $0xffff  }
0x596: {  	v9 =	vld.idx.msk [tilespmem:v10+s2+$0x0], $0xffff;
	_ =	sdelay $0x4  }
0x597: {  	v7 =	vadd.f32 v8, v7  }
0x598: {  	v8 =	vand.u32 v5, v12;
	v6 =	vadd.f32 v9, v6  }
0x599: {  	v9 =	vor.u32 s22, v3  }
0x59a: {  	v6 =	vadd.f32 v6, v7;
	v7 =	vor.u32 s22, v2  }
0x59b: {  	v10 =	vor.u32 s22, v4  }
0x59c: {  	[tilespmem:s17+$0x10010] =	vst v6  }
0x59d: {  	v6 =	vld.idx.msk [tilespmem:v8+s2+$0x0], $0xffff  }
0x59e: {  	v8 =	vld.idx.msk [tilespmem:v9+s2+$0x0], $0xffff  }
0x59f: {  	v7 =	vld.idx.msk [tilespmem:v7+s2+$0x0], $0xffff  }
0x5a0: {  	v9 =	vld.idx.msk [tilespmem:v10+s2+$0x0], $0xffff;
	_ =	sdelay $0x4  }
0x5a1: {  	v6 =	vadd.f32 v7, v6  }
0x5a2: {  	v10 =	vor.u32 s21, v0;
	v7 =	vadd.f32 v9, v8  }
0x5a3: {  	v11 =	vor.u32 s21, v4  }
.Ltmp14:
0x5a4: {  	v9 =	vor.u32 s21, v2;
	v8 =	vor.u32 s21, v3;
	v6 =	vadd.f32 v7, v6;
	(pc) =	sbr.rel @p0 .LBB2_30-.Ltmp14, $4  }
0x5a5: {  	_ = 	snop  }
0x5a6: {  	[tilespmem:s17+$0x10020] =	vst v6  }
0x5a7: {  	v7 =	vld.idx.msk [tilespmem:v10+s2+$0x0], $0xffff  }
0x5a8: {  	s20 =	sadd.s32 $0x40, s20;
	v6 =	vld.idx.msk [tilespmem:v11+s2+$0x0], $0xffff  }
0x5a9: {  	_ =	sdelay $0x3  }
0x5aa: {  	v9 =	vld.idx.msk [tilespmem:v9+s2+$0x0], $0xffff  }
0x5ab: {  	v8 =	vld.idx.msk [tilespmem:v8+s2+$0x0], $0xffff;
	_ =	sdelay $0x4  }
0x5ac: {  	v7 =	vadd.f32 v9, v7;
	v6 =	vadd.f32 v6, v8;
	_ =	sdelay $0x1  }
0x5ad: {  	v6 =	vadd.f32 v6, v7  }
0x5ae: {  	s16 =	simm.s32 $0x0;
	s24 =	simm.s32 $0x0  }
0x5af: {  	s19 =	sand.u32 $0x7000, s16;
	[tilespmem:s17+$0x10030] =	vst v6;
	s17 =	sand.u32 $0x800, s24  }
0x5b0: {  	[hbm4b:s6+s16] =	stream.linear.scatter [tilespmem:s10], [sflag:$0x3], $0x2000, $0x38;
	[tilespmem:$0x14000] =	vst v63  }
0x5b1: {  	s20 =	sand.u32 $0x380, s16;
	s17 =	sor.u32 s17, s19  }
0x5b2: {  	_ =	swait.ge [sflag:s11], $0x8000;
	s17 =	sor.u32 s20, s17  }
0x5b3: {  	[sflag:s11] =	ssyncset.done $0x0;
	v6 =	vor.u32 s17, v2  }
0x5b4: {  	v8 =	vor.u32 s17, v3;
	[sflag:s11] =	ssyncadd.s32 $0xFFFF8000  }
0x5b5: {  	v7 =	vor.u32 s17, v0;
	v9 =	vor.u32 s17, v4;
	_ =	swait.ge [sflag:s14], $0x2000  }
0x5b6: {  	v7 =	vand.u32 v1, v7;
	[sflag:s14] =	ssyncset.done $0x0  }
0x5b7: {  	[sflag:s14] =	ssyncadd.s32 $0xFFFFE000  }
0x5b8: {  	v6 =	vld.idx.msk [tilespmem:v6+s8+$0x0], $0xffff  }
0x5b9: {  	v8 =	vld.idx.msk [tilespmem:v8+s8+$0x0], $0xffff  }
0x5ba: {  	v9 =	vld.idx.msk [tilespmem:v9+s8+$0x0], $0xffff  }
0x5bb: {  	v7 =	vld.idx.msk [tilespmem:v7+s8+$0x0], $0xffff;
	_ =	sdelay $0x3  }
0x5bc: {  	s18 =	sor.u32 $0x40, s17  }
0x5bd: {  	v6 =	vadd.f32 v6, v7;
	v7 =	vadd.f32 v9, v8;
	v8 =	vor.u32 s18, v3  }
0x5be: {  	v9 =	vor.u32 s18, v2  }
0x5bf: {  	v10 =	vor.u32 s18, v4;
	v6 =	vadd.f32 v7, v6  }
0x5c0: {  	s17 =	simm.s32 $0x0;
	v7 =	vor.u32 s18, v0  }
0x5c1: {  	[tilespmem:s17+$0x12000] =	vst v6  }
0x5c2: {  	v6 =	vld.idx.msk [tilespmem:v8+s8+$0x0], $0xffff  }
0x5c3: {  	v8 =	vld.idx.msk [tilespmem:v9+s8+$0x0], $0xffff  }
0x5c4: {  	v9 =	vld.idx.msk [tilespmem:v10+s8+$0x0], $0xffff  }
0x5c5: {  	s25 =	simm.s32 $0x400;
	v7 =	vld.idx.msk [tilespmem:v7+s8+$0x0], $0xffff  }
0x5c6: {  	s18 =	sand.u32 $0xC00, s25  }
0x5c7: {  	s18 =	sor.u32 s18, s19  }
0x5c8: {  	s18 =	sor.u32 s20, s18  }
0x5c9: {  	v10 =	vor.u32 s18, v0  }
0x5ca: {  	v6 =	vadd.f32 v9, v6;
	v7 =	vadd.f32 v8, v7;
	v8 =	vand.u32 v5, v10  }
0x5cb: {  	v9 =	vor.u32 s18, v3  }
0x5cc: {  	v10 =	vor.u32 s18, v4;
	v6 =	vadd.f32 v6, v7  }
0x5cd: {  	v7 =	vor.u32 s18, v2  }
0x5ce: {  	[tilespmem:s17+$0x12010] =	vst v6  }
0x5cf: {  	v6 =	vld.idx.msk [tilespmem:v8+s8+$0x0], $0xffff  }
0x5d0: {  	v8 =	vld.idx.msk [tilespmem:v9+s8+$0x0], $0xffff  }
0x5d1: {  	v9 =	vld.idx.msk [tilespmem:v10+s8+$0x0], $0xffff  }
0x5d2: {  	s18 =	simm.s32 $0x600;
	v7 =	vld.idx.msk [tilespmem:v7+s8+$0x0], $0xffff  }
0x5d3: {  	s21 =	sand.u32 $0xC00, s18  }
0x5d4: {  	s19 =	sor.u32 s21, s19  }
0x5d5: {  	s19 =	sor.u32 s20, s19  }
0x5d6: {  	s20 =	sor.u32 $0x40, s19  }
0x5d7: {  	v6 =	vadd.f32 v7, v6;
	v7 =	vadd.f32 v9, v8;
	v8 =	vor.u32 s20, v0;
	_ =	sdelay $0x1  }
0x5d8: {  	v6 =	vadd.f32 v7, v6  }
0x5d9: {  	v10 =	vor.u32 s20, v4  }
0x5da: {  	v9 =	vor.u32 s20, v2;
	[tilespmem:s17+$0x12020] =	vst v6  }
0x5db: {  	v7 =	vld.idx.msk [tilespmem:v8+s8+$0x0], $0xffff;
	v8 =	vor.u32 s20, v3;
	_ =	sdelay $0x2  }
0x5dc: {  	s19 =	simm.s32 $0x0;
	v6 =	vld.idx.msk [tilespmem:v10+s8+$0x0], $0xffff;
	s20 =	simm.s32 $0x40  }
.LBB2_32:
0x5dd: {  	s19 =	sadd.s32 $0x4, s19;
	v9 =	vld.idx.msk [tilespmem:v9+s8+$0x0], $0xffff;
	s16 =	sadd.s32 $0x100, s16;
	s18 =	sadd.s32 $0x800, s18  }
0x5de: {  	p0 =	slt.u32 s19, $0x1FC;
	v8 =	vld.idx.msk [tilespmem:v8+s8+$0x0], $0xffff;
	_ =	sdelay $0x1  }
0x5df: {  	s21 =	sadd.s32 $0xFFFFFA00, s18;
	s22 =	sadd.s32 $0xFFFFFE00, s18;
	s23 =	sand.u32 $0xC00, s18  }
0x5e0: {  	s24 =	sand.u32 $0x7000, s16;
	s21 =	sand.u32 $0x800, s21;
	s22 =	sand.u32 $0xC00, s22  }
0x5e1: {  	s25 =	sand.u32 $0x380, s20;
	s21 =	sor.u32 s21, s24;
	s22 =	sor.u32 s22, s24  }
0x5e2: {  	s23 =	sor.u32 s23, s24;
	s21 =	sor.u32 s25, s21;
	s22 =	sor.u32 s25, s22;
	v7 =	vadd.f32 v9, v7  }
0x5e3: {  	s23 =	sor.u32 s25, s23;
	v9 =	vor.u32 s21, v0;
	v10 =	vor.u32 s21, v2;
	s24 =	sor.u32 $0x40, s21;
	v6 =	vadd.f32 v6, v8  }
0x5e4: {  	v11 =	vor.u32 s21, v4;
	v8 =	vand.u32 v1, v9;
	v9 =	vor.u32 s21, v3;
	s21 =	sor.u32 $0x40, s23  }
0x5e5: {  	v12 =	vor.u32 s22, v0;
	v6 =	vadd.f32 v6, v7;
	_ =	sdelay $0x1  }
0x5e6: {  	[tilespmem:s17+$0x12030] =	vst v6  }
0x5e7: {  	v6 =	vld.idx.msk [tilespmem:v10+s8+$0x0], $0xffff  }
0x5e8: {  	v7 =	vld.idx.msk [tilespmem:v9+s8+$0x0], $0xffff  }
0x5e9: {  	v8 =	vld.idx.msk [tilespmem:v8+s8+$0x0], $0xffff  }
0x5ea: {  	v9 =	vld.idx.msk [tilespmem:v11+s8+$0x0], $0xffff;
	_ =	sdelay $0x4  }
0x5eb: {  	v6 =	vadd.f32 v6, v8  }
0x5ec: {  	v8 =	vor.u32 s24, v3;
	v7 =	vadd.f32 v9, v7  }
0x5ed: {  	v9 =	vor.u32 s24, v2  }
0x5ee: {  	v6 =	vadd.f32 v7, v6;
	v7 =	vor.u32 s24, v0  }
0x5ef: {  	s17 =	sshra.s32 s16, $0x2;
	v10 =	vor.u32 s24, v4  }
0x5f0: {  	[tilespmem:s17+$0x12000] =	vst v6  }
0x5f1: {  	v6 =	vld.idx.msk [tilespmem:v8+s8+$0x0], $0xffff  }
0x5f2: {  	v8 =	vld.idx.msk [tilespmem:v9+s8+$0x0], $0xffff  }
0x5f3: {  	v7 =	vld.idx.msk [tilespmem:v7+s8+$0x0], $0xffff  }
0x5f4: {  	v9 =	vld.idx.msk [tilespmem:v10+s8+$0x0], $0xffff;
	_ =	sdelay $0x4  }
0x5f5: {  	v7 =	vadd.f32 v8, v7  }
0x5f6: {  	v8 =	vand.u32 v5, v12;
	v6 =	vadd.f32 v9, v6  }
0x5f7: {  	v9 =	vor.u32 s22, v3  }
0x5f8: {  	v6 =	vadd.f32 v6, v7;
	v7 =	vor.u32 s22, v2  }
0x5f9: {  	v10 =	vor.u32 s22, v4  }
0x5fa: {  	[tilespmem:s17+$0x12010] =	vst v6  }
0x5fb: {  	v6 =	vld.idx.msk [tilespmem:v8+s8+$0x0], $0xffff  }
0x5fc: {  	v8 =	vld.idx.msk [tilespmem:v9+s8+$0x0], $0xffff  }
0x5fd: {  	v7 =	vld.idx.msk [tilespmem:v7+s8+$0x0], $0xffff  }
0x5fe: {  	v9 =	vld.idx.msk [tilespmem:v10+s8+$0x0], $0xffff;
	_ =	sdelay $0x4  }
0x5ff: {  	v6 =	vadd.f32 v7, v6  }
0x600: {  	v10 =	vor.u32 s21, v0;
	v7 =	vadd.f32 v9, v8  }
0x601: {  	v11 =	vor.u32 s21, v4  }
.Ltmp15:
0x602: {  	v9 =	vor.u32 s21, v2;
	v8 =	vor.u32 s21, v3;
	v6 =	vadd.f32 v7, v6;
	(pc) =	sbr.rel @p0 .LBB2_32-.Ltmp15, $4  }
0x603: {  	_ = 	snop  }
0x604: {  	[tilespmem:s17+$0x12020] =	vst v6  }
0x605: {  	v7 =	vld.idx.msk [tilespmem:v10+s8+$0x0], $0xffff  }
0x606: {  	s20 =	sadd.s32 $0x40, s20;
	v6 =	vld.idx.msk [tilespmem:v11+s8+$0x0], $0xffff  }
0x607: {  	_ =	sdelay $0x3  }
0x608: {  	v9 =	vld.idx.msk [tilespmem:v9+s8+$0x0], $0xffff  }
0x609: {  	v8 =	vld.idx.msk [tilespmem:v8+s8+$0x0], $0xffff;
	_ =	sdelay $0x4  }
0x60a: {  	v7 =	vadd.f32 v9, v7;
	v6 =	vadd.f32 v6, v8;
	_ =	sdelay $0x1  }
0x60b: {  	v6 =	vadd.f32 v6, v7;
	_ =	sdelay $0x1  }
0x60c: {  	[tilespmem:s17+$0x12030] =	vst v6  }
0x60d: {  	[hbm4b:s7+s2] =	stream.linear.scatter [tilespmem:s12], [sflag:$0x4], $0x2000, $0x38;
	[tilespmem:$0x14000] =	vst v63  }
0x60e: {  	_ =	swait.ge [sflag:s13], $0x2000  }
0x60f: {  	[sflag:s13] =	ssyncset.done $0x0  }
0x610: {  	[sflag:s13] =	ssyncadd.s32 $0xFFFFE000  }
0x611: {  	_ =	swait.ge [sflag:s14], $0x2000  }
0x612: {  	s15 =	sadd.s32 $0x1, s15;
	s16 =	rddreg [dreg:$0x17]  }
0x613: {  	p0 =	sne.s32 s15, s16  }
.Ltmp16:
0x614: {  	_ = 	snop;
	(pc) =	sbr.rel @p0 .LBB2_1-.Ltmp16, $3  }
0x615: {  	_ =	sdelay $0x1  }
0x616: {  	[sflag:s14] =	ssyncset.done $0x0  }
0x617: {  	[sflag:s14] =	ssyncadd.s32 $0xFFFFE000  }
0x618: {  	_ =	sfence.sel $0x180000  }
0x619: {  	[bflag:$0x0] =	sbarrier.arrive $0xFFFF  }
0x61a: {  	_ =	strace $0x90000047  }
0x61b: {  	s0 =	stileid.u32;
	[bflag:$0x2] =	sbarrier.arrive $0xFFFF  }
0x61c: {  	p0 =	sne.s32 s0, $0x0;
	s0 =	rddreg [dreg:$0x2]  }
0x61d: {  	s0 =	sadd.s32 @!p0 $0x100000, s0  }
0x61e: {  	[sflag:s0] =	ssyncadd.tile.s32 @!p0 $0x1;
	_ =	shalt  }
.Lfunc_end2:
_tile_overlayer_lowered:
.L_overlay_start_2:
0x61f: {  	(tag) =	ssettag $0x2  }
0x620: {  	s0 =	rddreg [dreg:$0x0];
	s2 =	stileid.u32  }
0x621: {  	s1 =	rddreg [dreg:$0x1];
	p0 =	sne.s32 s2, $0x0  }
0x622: {  	s3 =	rddreg [dreg:$0x2];
	[bflag:$0x3] =	sbarrier.arrive $0xFFFF;
	s2 =	simm.s32 @!p0 $0x1C05  }
0x623: {  	[timem:s3], [sflag:s2] =	dma.local @!p0 [hbm:s0], s1  }
0x624: {  	s0 =	simm.s32 @!p0 $0x5  }
0x625: {  	_ =	swait.ge @!p0 [sflag:s0], s1  }
0x626: {  	s1 =	ssub.s32 @!p0 $0x0, s1;
	[sflag:s0] =	ssyncset.done @!p0 $0x0  }
0x627: {  	[sflag:s0] =	ssyncadd.s32 @!p0 s1  }
0x628: {  	[bflag:$0x3] =	sbarrier.arrive $0xFFFF  }
0x629: {  	_ =	shalt  }

</sc_bundles>
